<compile_context>
chip_gen: v7x
topology: tpu7x:2x2x1
jax: 0.10.2.dev20260603
libtpu: 0.0.44.dev20260713+nightly
codegen_flags: <defaults>
</compile_context>

<pallas_src>
import functools

import jax
import jax.numpy as jnp
from jax import lax
from jax.experimental import pallas as pl
from jax.experimental.pallas import tpu as pltpu
from jax.experimental.pallas import tpu_sc as plsc

D32 = 32
NVK, NCK = 30000, 20000
NK = NVK + NCK
EK = 800000
NPAD = 50176
NR = NPAD // 4
BR = 256
G2 = NR // BR
NW = 32
NPS = NPAD // 16
EPW = 25088
ECH = 196
CW = 128
EPAD = NW * EPW

_MESH = dict(core_axis_name="c", subcore_axis_name="s")



def _sc_gather(T, D, K, C):
    @functools.partial(
        pl.kernel,
        out_type=jax.ShapeDtypeStruct((NW * K * C, D), jnp.float32),
        mesh=plsc.VectorSubcoreMesh(**_MESH),
        compiler_params=pltpu.CompilerParams(use_tc_tiling_on_sc=False),
        scratch_types=[pltpu.VMEM((K, C), jnp.int32),
                       pltpu.VMEM((C, D), jnp.float32),
                       pltpu.SemaphoreType.DMA],
    )
    def k(tab, idx, out, idx_v, row_v, sem):
        w = lax.axis_index("c") * 16 + lax.axis_index("s")
        pltpu.sync_copy(idx.at[w], idx_v)

        def body(j, carry):
            pltpu.async_copy(tab.at[idx_v.at[j]], row_v, sem).wait()
            pltpu.sync_copy(row_v, out.at[pl.ds(w * K * C + j * C, C)])
            return carry

        lax.fori_loop(0, K, body, 0)
    return k


def _sc_counts():
    @functools.partial(
        pl.kernel,
        out_type=jax.ShapeDtypeStruct((2, NPAD, D32), jnp.float32),
        mesh=plsc.VectorSubcoreMesh(**_MESH),
        compiler_params=pltpu.CompilerParams(use_tc_tiling_on_sc=False),
        scratch_types=[pltpu.VMEM((28, CW), jnp.int32),
                       pltpu.VMEM((CW, D32), jnp.float32),
                       pltpu.VMEM_SHARED((NPAD, D32), jnp.float32)],
    )
    def k(dst, ones_h, zz, out, dst_v, ones_v, c_sh):
        c = lax.axis_index("c")
        s = lax.axis_index("s")
        w = c * 16 + s
        pltpu.sync_copy(zz.at[pl.ds(s * NPS, NPS)], c_sh.at[pl.ds(s * NPS, NPS)])
        pltpu.sync_copy(ones_h, ones_v)
        plsc.subcore_barrier()

        def outer(g, carry):
            pltpu.sync_copy(dst.at[w, pl.ds(g * 28, 28)], dst_v)

            def body(j, carry2):
                pltpu.sync_copy(ones_v, c_sh.at[dst_v.at[j]], add=True)
                return carry2

            lax.fori_loop(0, 28, body, 0)
            return carry

        lax.fori_loop(0, ECH // 28, outer, 0)
        plsc.subcore_barrier()
        pltpu.sync_copy(c_sh.at[pl.ds(s * NPS, NPS)],
                        out.at[c, pl.ds(s * NPS, NPS)])
    return k


def _sc_edge():
    @functools.partial(
        pl.kernel,
        out_type=jax.ShapeDtypeStruct((2, NPAD, D32), jnp.float32),
        mesh=plsc.VectorSubcoreMesh(**_MESH),
        compiler_params=pltpu.CompilerParams(use_tc_tiling_on_sc=False),
        scratch_types=[pltpu.VMEM((28, CW), jnp.int32),
                       pltpu.VMEM((28, CW), jnp.int32),
                       pltpu.VMEM((4, CW, D32), jnp.float32),
                       pltpu.VMEM_SHARED((NPAD, D32), jnp.float32),
                       pltpu.SemaphoreType.DMA((4,))],
    )
    def k(M, ptr, dst, zz, out, ptr_v, dst_v, rbuf, s_sh, sems):
        c = lax.axis_index("c")
        s = lax.axis_index("s")
        w = c * 16 + s
        pltpu.sync_copy(zz.at[pl.ds(s * NPS, NPS)], s_sh.at[pl.ds(s * NPS, NPS)])
        plsc.subcore_barrier()

        def outer(g, carry):
            pltpu.sync_copy(ptr.at[w, pl.ds(g * 28, 28)], ptr_v)
            pltpu.sync_copy(dst.at[w, pl.ds(g * 28, 28)], dst_v)

            def body(j4, carry2):
                descs = []
                for b in range(4):
                    j = j4 * 4 + b
                    descs.append(
                        pltpu.async_copy(M.at[ptr_v.at[j]], rbuf.at[b],
                                         sems.at[b]))
                for b in range(4):
                    j = j4 * 4 + b
                    descs[b].wait()
                    pltpu.sync_copy(rbuf.at[b], s_sh.at[dst_v.at[j]], add=True)
                return carry2

            lax.fori_loop(0, 7, body, 0)
            return carry

        lax.fori_loop(0, ECH // 28, outer, 0)
        plsc.subcore_barrier()
        pltpu.sync_copy(s_sh.at[pl.ds(s * NPS, NPS)],
                        out.at[c, pl.ds(s * NPS, NPS)])
    return k



def _rspec():
    return pl.BlockSpec((BR, 128), lambda i: (i, 0))


def _sspec():
    return pl.BlockSpec((2, BR, 128), lambda i: (0, i, 0))


def _wspec():
    return pl.BlockSpec((128, 128), lambda i: (0, 0))


def _bspec():
    return pl.BlockSpec((8, 128), lambda i: (0, 0))


def _lane31(shape):
    return (lax.broadcasted_iota(jnp.int32, shape, 1) % D32) == D32 - 1


def _ne_body(nf, vW1, vW2, cW1, cW2, SH, o):
    i = pl.program_id(0)
    x = nf[...]
    hv = jnp.maximum(x @ vW1[...], 0.0) @ vW2[...]
    hc = jnp.maximum(x @ cW1[...], 0.0) @ cW2[...]
    vrow = lax.broadcasted_iota(jnp.int32, (BR, 128), 0) + i * BR
    h = jnp.where(vrow < NVK // 4, hv, hc)
    lane = lax.broadcasted_iota(jnp.int32, (BR, 128), 1) % D32
    o[...] = jnp.where(lane < D32 - 3, h, 0.0) + x @ SH[...]


def _mtabs(x, ef, W1, W2c, wc, wv, B31, b1):
    h = jax.nn.sigmoid(x @ W1[...] + b1[0:1, :])
    q = h @ W2c[...]
    m0 = x @ wc[...] + q * ef
    viol = (x @ B31[...]) * ef
    m1 = x @ wv[...] + jnp.where(_lane31(viol.shape), viol, 0.0)
    return m0, m1


def _p1_body(x_r, ef_r, W1, W2c, wc, wv, B31, b1, oM):
    m0, m1 = _mtabs(x_r[...], ef_r[...], W1, W2c, wc, wv, B31, b1)
    oM[0] = m0
    oM[1] = m1


def _qp_body(s2, krinv, sub, ef_r, W1, W2c, wc, wv, B31, b1, bk, ox, oM):
    x = jnp.maximum((s2[0] + s2[1]) * krinv[...] + bk[0:1, :] - sub[...], 0.0)
    m0, m1 = _mtabs(x, ef_r[...], W1, W2c, wc, wv, B31, b1)
    ox[...] = x
    oM[0] = m0
    oM[1] = m1


def _ri_body(c2, keep, o):
    o[...] = keep[...] / jnp.maximum(c2[0] + c2[1], 1.0)


def _f_body(s2, krinv, sub, x0, x1, x2, x3,
            Wa, Wb, Wc, Wd, We, bk, b1, W2, b2, W3, b3, W4, b4, o):
    x4 = jnp.maximum((s2[0] + s2[1]) * krinv[...] + bk[0:1, :] - sub[...], 0.0)
    h = (x0[...] @ Wa[...] + x1[...] @ Wb[...] + x2[...] @ Wc[...] +
         x3[...] @ Wd[...] + x4 @ We[...])
    h = jnp.maximum(h + b1[0:1, :], 0.0)
    h = jnp.maximum(h @ W2[...] + b2[0:1, :], 0.0)
    h = jnp.maximum(h @ W3[...] + b3[0:1, :], 0.0)
    o[...] = h @ W4[...] + b4[0:1, :]


def _tc(body, out_specs, out_shape, in_specs, args):
    return pl.pallas_call(
        body, grid=(G2,), in_specs=in_specs, out_specs=out_specs,
        out_shape=out_shape)(*args)



_EYE4 = None


def _bd(W):
    return jnp.kron(jnp.eye(4, dtype=jnp.float32), W)


def _pad_w(W, r=D32, c=D32):
    out = jnp.zeros((r, c), jnp.float32)
    return out.at[:W.shape[0], :W.shape[1]].set(W)


def _btile(b):
    v = jnp.zeros((D32,), jnp.float32).at[:b.shape[0]].set(b)
    return jnp.broadcast_to(jnp.tile(v, 4)[None, :], (8, 128))



def kernel(var_node_features, con_node_features, node_types, assoc_var,
           assoc_con, edge_index, edge_types, edge_features, rhs, params):
    f32 = jnp.float32
    av = assoc_var.astype(jnp.int32)
    ac = assoc_con.astype(jnp.int32)
    src = edge_index[0].astype(jnp.int32)
    dst = edge_index[1].astype(jnp.int32)
    typ = edge_types.astype(jnp.int32)
    ef = edge_features[:, 0].astype(f32)

    nf = jnp.zeros((NPAD, D32), f32)
    nf = nf.at[:NVK, 0:2].set(var_node_features)
    nf = nf.at[NVK:NK, 0:2].set(con_node_features)
    nf = nf.at[:NK, 2].set(1.0)
    nf4 = nf.reshape(NR, 128)

    npad_e = EPAD - EK
    fill = jnp.arange(npad_e, dtype=jnp.int32)
    ptr = jnp.concatenate([src + typ * NPAD, fill % 4096]).reshape(NW, ECH, CW)
    dste = jnp.concatenate([dst, NK + (fill % 128)]).reshape(NW, ECH, CW)

    z32 = jnp.zeros((NPAD, D32), f32)
    ones32 = jnp.ones((CW, D32), f32)
    cnt2 = _sc_counts()(dste, ones32, z32)

    anchor = (dste[0, 0, 0] + ptr[0, 0, 0]).astype(f32) * 0.0
    va_upd = jnp.stack([jnp.arange(NVK, dtype=f32), jnp.ones((NVK,), f32)], -1)
    ca_upd = jnp.stack([NVK + jnp.arange(NCK, dtype=f32),
                        jnp.ones((NCK,), f32), rhs.astype(f32)], -1)
    tva = (jnp.zeros((NK, 2), f32) + anchor).at[av].set(va_upd)
    tca = (jnp.zeros((NK, 3), f32) + anchor).at[ac].set(ca_upd)
    in_var = tva[:, 1] > 0.5
    in_con = tca[:, 1] > 0.5
    src_sel = jnp.where(in_con, tca[:, 0], jnp.where(in_var, tva[:, 0], NK))
    src_sel = jnp.concatenate([src_sel.astype(jnp.int32),
                               jnp.full((NPAD - NK,), NK, jnp.int32)])
    keep = (in_var | in_con).astype(f32)
    sub = tca[:, 2] * (in_con & ~in_var).astype(f32)
    keep_mat = jnp.zeros((NPAD, D32), f32).at[:NK, :].set(
        jnp.broadcast_to(keep[:, None], (NK, D32)))
    e31 = (jnp.arange(D32) == D32 - 1).astype(f32)
    ef_mat = jnp.zeros((NPAD, D32), f32).at[:NK, :].set(
        jnp.broadcast_to(ef[:NK, None], (NK, D32)))
    keep4 = keep_mat.reshape(NR, 128)
    ef4 = ef_mat.reshape(NR, 128)
    sub_mat = jnp.zeros((NPAD, D32), f32).at[:NK, :].set(
        sub[:, None] * e31[None, :])
    sub4 = sub_mat.reshape(NR, 128)
    pad_mat = jnp.zeros((NPAD, D32), f32).at[:NK, :].set(1.0)
    pad4 = pad_mat.reshape(NR, 128)


    def aug2(p):
        W1a = jnp.zeros((D32, D32), f32)
        W1a = W1a.at[0:2, :D32 - 3].set(p['W1'])
        W1a = W1a.at[2, :D32 - 3].set(p['b1'])
        W1a = W1a.at[2, D32 - 1].set(1.0)
        W2a = jnp.zeros((D32, D32), f32)
        W2a = W2a.at[:D32 - 3, :D32 - 3].set(p['W2'])
        W2a = W2a.at[D32 - 1, :D32 - 3].set(p['b2'])
        return _bd(W1a), _bd(W2a)

    vW1, vW2 = aug2(params['var_mlp'])
    cW1, cW2 = aug2(params['con_mlp'])
    SH = jnp.zeros((D32, D32), f32)
    SH = SH.at[0, D32 - 3].set(1.0).at[1, D32 - 2].set(1.0).at[2, D32 - 1].set(1.0)
    SHb = _bd(SH)
    B31b = _bd(jnp.zeros((D32, D32), f32).at[D32 - 1, :].set(1.0))

    ne4 = _tc(_ne_body, _rspec(), jax.ShapeDtypeStruct((NR, 128), f32),
              [_rspec()] + [_wspec()] * 5,
              (nf4, vW1, vW2, cW1, cW2, SHb))
    ne = ne4.reshape(NPAD, D32)

    x0 = _sc_gather(NPAD, D32, 14, 112)(ne, src_sel.reshape(NW, 14, 112))

    krinv = _tc(_ri_body, _rspec(), jax.ShapeDtypeStruct((NR, 128), f32),
                [_sspec(), _rspec()],
                (cnt2.reshape(2, NR, 128), keep4))

    def conv_w(p):
        W2c = jnp.zeros((D32, D32), f32)
        W2c = W2c.at[:D32 - 1, D32 - 1].set(p['h2v_W2'][:, 0])
        W2c = W2c.at[D32 - 1, D32 - 1].set(2.0 * p['h2v_b2'][0])
        return (_bd(_pad_w(p['h2v_W1'])), _bd(W2c), _bd(_pad_w(p['w_cons'])),
                _bd(_pad_w(p['w_vars'])), _btile(p['h2v_b1']),
                _btile(p['bias']))

    edge_k = _sc_edge()
    wsp = [_wspec()] * 4 + [pl.BlockSpec((128, 128), lambda i: (0, 0))]
    m_struct = jax.ShapeDtypeStruct((2, NR, 128), f32)
    x_struct = jax.ShapeDtypeStruct((NR, 128), f32)

    p1 = conv_w(params['conv1'])
    M = _tc(_p1_body, _sspec(), m_struct,
            [_rspec(), _rspec(), _wspec(), _wspec(), _wspec(), _wspec(),
             _wspec(), _bspec()],
            (x0.reshape(NR, 128), ef4, p1[0], p1[1], p1[2], p1[3],
             _bd(jnp.zeros((D32, D32), f32).at[D32 - 1, :].set(1.0)), p1[4]))
    s2 = edge_k(M.reshape(2 * NPAD, D32), ptr, dste, z32)

    xs4 = [x0.reshape(NR, 128)]
    for name in ('conv2', 'conv3', 'conv4'):
        p = conv_w(params[name])
        bias_prev = conv_w(params[{'conv2': 'conv1', 'conv3': 'conv2',
                                   'conv4': 'conv3'}[name]])[5]
        x, M = _tc(_qp_body, [_rspec(), _sspec()], (x_struct, m_struct),
                   [_sspec(), _rspec(), _rspec(), _rspec(), _wspec(),
                    _wspec(), _wspec(), _wspec(), _wspec(), _bspec(),
                    _bspec()],
                   (s2.reshape(2, NR, 128), krinv, sub4, ef4,
                    p[0], p[1], p[2], p[3], B31b, p[4], bias_prev))
        xs4.append(x)
        s2 = edge_k(M.reshape(2 * NPAD, D32), ptr, dste, z32)

    bias4 = conv_w(params['conv4'])[5]
    fW1, fb1 = params['fc1']
    fW2, fb2 = params['fc2']
    fW3, fb3 = params['fc3']
    fW4, fb4 = params['fc4']
    Wk = [_bd(fW1[32 * k:32 * (k + 1), :]) for k in range(5)]
    W4b = _bd(jnp.broadcast_to(fW4, (D32, D32)))
    b4t = jnp.full((8, 128), fb4[0], f32)

    y4 = _tc(_f_body, _rspec(), x_struct,
             [_sspec()] + [_rspec()] * 6 + [_wspec()] * 5 +
             [_bspec(), _bspec(), _wspec(), _bspec(), _wspec(), _bspec(),
              _wspec(), _bspec()],
             (s2.reshape(2, NR, 128), krinv, sub4, xs4[0], xs4[1], xs4[2],
              xs4[3], Wk[0], Wk[1], Wk[2], Wk[3], Wk[4], bias4, _btile(fb1),
              _bd(_pad_w(fW2)), _btile(fb2), _bd(_pad_w(fW3)), _btile(fb3),
              W4b, b4t))

    gpad = 30720 - NVK
    gidx = jnp.concatenate([av, jnp.arange(gpad, dtype=jnp.int32) % 8192])
    yg = _sc_gather(NPAD, D32, 10, 96)(y4.reshape(NPAD, D32),
                                       gidx.reshape(NW, 10, 96))
    return yg[:NVK, 0]

# --- scband reference (transcript-rebuilt; emitter-appended) ---
"""Pipeline reference for scband-net-72438918414797 (READ-ONLY COPY).

The authoritative reference and input builder live on the scoring server;
editing this copy changes nothing except your own understanding.
"""

import jax, jax.numpy as jnp
import numpy as np

DIM = 32
NV = 30000
NC = 20000
N = NV + NC
E = 800000


def _lin(key, fin, fout):
    k1, k2 = jax.random.split(key)
    b = 1.0 / np.sqrt(fin)
    W = jax.random.uniform(k1, (fin, fout), minval=-b, maxval=b, dtype=jnp.float32)
    bb = jax.random.uniform(k2, (fout,), minval=-b, maxval=b, dtype=jnp.float32)
    return W, bb


def _conv_params(key):
    ks = jax.random.split(key, 6)
    b = 1.0 / np.sqrt(DIM)
    bm1 = 1.0 / np.sqrt(DIM - 1)
    W1, b1 = _lin(ks[0], DIM, DIM - 1)
    W2, b2 = _lin(ks[1], DIM - 1, 1)
    return {'h2v_W1': W1, 'h2v_b1': b1, 'h2v_W2': W2, 'h2v_b2': b2,
            'w_cons': jax.random.uniform(ks[2], (DIM - 1, DIM - 1), minval=-bm1, maxval=bm1, dtype=jnp.float32),
            'w_vars': jax.random.uniform(ks[3], (DIM - 1, DIM - 1), minval=-b, maxval=b, dtype=jnp.float32),
            'root_vars': jax.random.uniform(ks[4], (DIM, DIM - 1), minval=-b, maxval=b, dtype=jnp.float32),
            'bias': jax.random.uniform(ks[5], (DIM,), minval=-b, maxval=b, dtype=jnp.float32)}


def _make_params(key):
    ks = jax.random.split(key, 12)
    p = {}
    W1, b1 = _lin(ks[0], 2, DIM - 3)
    W2, b2 = _lin(ks[1], DIM - 3, DIM - 3)
    p['var_mlp'] = {'W1': W1, 'b1': b1, 'W2': W2, 'b2': b2}
    W1, b1 = _lin(ks[2], 2, DIM - 3)
    W2, b2 = _lin(ks[3], DIM - 3, DIM - 3)
    p['con_mlp'] = {'W1': W1, 'b1': b1, 'W2': W2, 'b2': b2}
    p['conv1'] = _conv_params(ks[4])
    p['conv2'] = _conv_params(ks[5])
    p['conv3'] = _conv_params(ks[6])
    p['conv4'] = _conv_params(ks[7])
    p['fc1'] = _lin(ks[8], 5 * DIM, DIM)
    p['fc2'] = _lin(ks[9], DIM, DIM)
    p['fc3'] = _lin(ks[10], DIM, DIM)
    p['fc4'] = _lin(ks[11], DIM, 1)
    return p


def _mlp2(p, x):
    h = jax.nn.relu(x @ p['W1'] + p['b1'])
    return h @ p['W2'] + p['b2']


def _mipgnn(p, x, edge_index, edge_type, edge_feature, assoc_con, assoc_var, rhs):
    src = edge_index[0]
    dst = edge_index[1]
    x_j = x[src]
    c = edge_feature[src]
    h = jax.nn.sigmoid(x_j @ p['h2v_W1'] + p['h2v_b1'])
    var_assign = (h @ p['h2v_W2'] + p['h2v_b2']) * c
    out0 = jnp.concatenate([x_j[:, :-1] @ p['w_cons'], var_assign], axis=-1)
    violation = c[:, 0] * x_j[:, -1]
    out1 = jnp.concatenate([x_j[:, :-1] @ p['w_vars'], violation[:, None]], axis=-1)
    msg = jnp.where((edge_type == 0)[:, None], out0, out1)
    s = jax.ops.segment_sum(msg, dst, num_segments=x.shape[0])
    cnt = jax.ops.segment_sum(jnp.ones((msg.shape[0],), msg.dtype), dst, num_segments=x.shape[0])
    aggr = s / jnp.maximum(cnt, 1.0)[:, None]
    new_out = jnp.zeros_like(aggr)
    new_out = new_out.at[assoc_con, -1].set(aggr[assoc_con, -1] - rhs)
    new_out = new_out.at[assoc_con, :-1].set(aggr[assoc_con, :-1])
    new_out = new_out.at[assoc_var].set(aggr[assoc_var])
    new_out = new_out + p['bias']
    return new_out


def _forward(params, var_nf, con_nf, node_types, assoc_var, assoc_con, edge_index, edge_types, edge_features, rhs):
    ones_var = jnp.ones((var_nf.shape[0], 1), jnp.float32)
    ones_con = jnp.ones((con_nf.shape[0], 1), jnp.float32)
    n = jnp.concatenate([_mlp2(params['var_mlp'], var_nf), var_nf, ones_var], axis=-1)
    e = jnp.concatenate([_mlp2(params['con_mlp'], con_nf), con_nf, ones_con], axis=-1)
    x = jnp.zeros((node_types.shape[0], n.shape[-1]), jnp.float32)
    x = x.at[assoc_var].set(n)
    x = x.at[assoc_con].set(e)
    xs = [x]
    for name in ['conv1', 'conv2', 'conv3', 'conv4']:
        xs.append(jax.nn.relu(_mipgnn(params[name], xs[-1], edge_index, edge_types, edge_features, assoc_con, assoc_var, rhs)))
    xc = jnp.concatenate(xs, axis=-1)[assoc_var]
    W, b = params['fc1']
    xc = jax.nn.relu(xc @ W + b)
    W, b = params['fc2']
    xc = jax.nn.relu(xc @ W + b)
    W, b = params['fc3']
    xc = jax.nn.relu(xc @ W + b)
    W, b = params['fc4']
    xc = xc @ W + b
    return jnp.squeeze(xc, -1)


def setup_inputs(seed: int = 0):
    key = jax.random.key(seed)
    ks = jax.random.split(key, 10)
    return {
        'var_node_features': jax.random.normal(ks[0], (NV, 2), dtype=jnp.float32),
        'con_node_features': jax.random.normal(ks[1], (NC, 2), dtype=jnp.float32),
        'node_types': jax.random.randint(ks[2], (N,), 0, 2),
        'assoc_var': jax.random.randint(ks[3], (NV,), 0, N),
        'assoc_con': jax.random.randint(ks[4], (NC,), 0, N),
        'edge_index': jax.random.randint(ks[5], (2, E), 0, N),
        'edge_types': jax.random.randint(ks[6], (E,), 0, 2),
        'edge_features': jax.random.normal(ks[7], (N, 1), dtype=jnp.float32),
        'rhs': jax.random.normal(ks[8], (NC,), dtype=jnp.float32),
        'params': _make_params(ks[9]),
    }


def reference(var_node_features, con_node_features, node_types, assoc_var, assoc_con, edge_index, edge_types, edge_features, rhs, params):
    return _forward(params, var_node_features, con_node_features, node_types, assoc_var, assoc_con, edge_index, edge_types, edge_features, rhs)

if __name__ == "__main__":
    import jax
    _d = setup_inputs()
    print(jax.jit(kernel)(*tuple(_d.values())))

</pallas_src>

<mosaic_0001>
#map = affine_map<(d0, d1) -> (0, 0, 0)>
#map1 = affine_map<(d0, d1) -> (0, 0)>
module attributes {stable_mosaic.version = 14 : i64} {
  func.func @k(%arg0: i32, %arg1: i32, %arg2: memref<32x196x128xi32, #tpu.memory_space<hbm>>, %arg3: memref<128x32xf32, #tpu.memory_space<hbm>>, %arg4: memref<50176x32xf32, #tpu.memory_space<hbm>>, %arg5: memref<2x50176x32xf32, #tpu.memory_space<hbm>>, %arg6: memref<28x128xi32, #tpu.memory_space<vmem>>, %arg7: memref<128x32xf32, #tpu.memory_space<vmem>>, %arg8: memref<50176x32xf32, #tpu.memory_space<vmem_shared>>) attributes {dimension_semantics = [#tpu.dimension_semantics<core_parallel>, #tpu.dimension_semantics<subcore_parallel>], iteration_bounds = array<i64: 2, 16>, scalar_prefetch = 0 : i64, scratch_operands = 3 : i64, tpu.core_type = #tpu.core_type<sc_vector_subcore>, window_params = [{transform_indices = #map}, {transform_indices = #map1}, {transform_indices = #map1}, {transform_indices = #map}]} {
    %mul3A = arith.constant 16 : i32
    %mul3A_0 = arith.muli %arg0, %mul3A : i32
    %add3A = arith.addi %mul3A_0, %arg1 : i32
    %mul3A_1 = arith.constant 3136 : i32
    %mul3A_2 = arith.muli %arg1, %mul3A_1 : i32
    %mul3A_3 = arith.constant 3136 : i32
    %mul3A_4 = arith.muli %arg1, %mul3A_3 : i32
    "tpu.region"() ({
      %run_scoped3A = tpu.sem_alloc : memref<!tpu.dma_semaphore, #tpu.memory_space<semaphore_mem>>
      %dma_start3A = arith.constant 0 : i32
      %dma_start3A_15 = tpu.memref_slice %arg8[%mul3A_4, %dma_start3A] : memref<50176x32xf32, #tpu.memory_space<vmem_shared>> -> memref<3136x32xf32, #tpu.memory_space<vmem_shared>>
      %dma_start3A_16 = arith.constant 0 : i32
      %dma_start3A_17 = tpu.memref_slice %arg4[%mul3A_2, %dma_start3A_16] : memref<50176x32xf32, #tpu.memory_space<hbm>> -> memref<3136x32xf32, #tpu.memory_space<hbm>>
      tpu.enqueue_dma source(%dma_start3A_17 : memref<3136x32xf32, #tpu.memory_space<hbm>>) target(%dma_start3A_15 : memref<3136x32xf32, #tpu.memory_space<vmem_shared>>) target_semaphore(%run_scoped3A : memref<!tpu.dma_semaphore, #tpu.memory_space<semaphore_mem>>)
      %dma_wait3A = arith.constant 0 : i32
      %dma_wait3A_18 = tpu.memref_slice %arg8[%mul3A_4, %dma_wait3A] : memref<50176x32xf32, #tpu.memory_space<vmem_shared>> -> memref<3136x32xf32, #tpu.memory_space<vmem_shared>>
      %dma_wait3A_19 = arith.constant 0 : i32
      %dma_wait3A_20 = tpu.memref_slice %arg4[%mul3A_2, %dma_wait3A_19] : memref<50176x32xf32, #tpu.memory_space<hbm>> -> memref<3136x32xf32, #tpu.memory_space<hbm>>
      tpu.wait_dma2 semaphore(%run_scoped3A : memref<!tpu.dma_semaphore, #tpu.memory_space<semaphore_mem>>) src(%dma_wait3A_20 : memref<3136x32xf32, #tpu.memory_space<hbm>>) dst(%dma_wait3A_18 : memref<3136x32xf32, #tpu.memory_space<vmem_shared>>)
      tpu.yield
    }) : () -> ()
    "tpu.region"() ({
      %run_scoped3A = tpu.sem_alloc : memref<!tpu.dma_semaphore, #tpu.memory_space<semaphore_mem>>
      tpu.enqueue_dma source(%arg3 : memref<128x32xf32, #tpu.memory_space<hbm>>) target(%arg7 : memref<128x32xf32, #tpu.memory_space<vmem>>) target_semaphore(%run_scoped3A : memref<!tpu.dma_semaphore, #tpu.memory_space<semaphore_mem>>)
      tpu.wait_dma2 semaphore(%run_scoped3A : memref<!tpu.dma_semaphore, #tpu.memory_space<semaphore_mem>>) src(%arg3 : memref<128x32xf32, #tpu.memory_space<hbm>>) dst(%arg7 : memref<128x32xf32, #tpu.memory_space<vmem>>)
      tpu.yield
    }) : () -> ()
    %barrier3A = arith.constant 0 : index
    tpu.barrier barrier_id(%barrier3A)
    %scan3A = arith.constant 0 : i32
    %scan3A_5 = arith.constant 0 : i32
    %scan3A_6 = arith.constant 7 : i32
    %scan3A_7 = arith.addi %scan3A_5, %scan3A_6 : i32
    %scan3A_8 = arith.constant 1 : i32
    scf.for %scan3A_15 = %scan3A_5 to %scan3A_7 step %scan3A_8  : i32 {
      %mul3A_16 = arith.constant 28 : i32
      %mul3A_17 = arith.muli %scan3A_15, %mul3A_16 : i32
      "tpu.region"() ({
        %run_scoped3A = tpu.sem_alloc : memref<!tpu.dma_semaphore, #tpu.memory_space<semaphore_mem>>
        %dma_start3A = arith.constant 0 : i32
        %dma_start3A_24 = tpu.memref_slice %arg2[%add3A, %mul3A_17, %dma_start3A] : memref<32x196x128xi32, #tpu.memory_space<hbm>> -> memref<1x28x128xi32, #tpu.memory_space<hbm>>
        %dma_start3A_25 = tpu.memref_squeeze %dma_start3A_24 : memref<1x28x128xi32, #tpu.memory_space<hbm>> -> memref<28x128xi32, #tpu.memory_space<hbm>>
        %dma_start3A_26 = arith.constant 0 : i32
        %dma_start3A_27 = tpu.memref_slice %arg2[%add3A, %mul3A_17, %dma_start3A_26] : memref<32x196x128xi32, #tpu.memory_space<hbm>> -> memref<1x28x128xi32, #tpu.memory_space<hbm>>
        %dma_start3A_28 = tpu.memref_squeeze %dma_start3A_27 : memref<1x28x128xi32, #tpu.memory_space<hbm>> -> memref<28x128xi32, #tpu.memory_space<hbm>>
        tpu.enqueue_dma source(%dma_start3A_28 : memref<28x128xi32, #tpu.memory_space<hbm>>) target(%arg6 : memref<28x128xi32, #tpu.memory_space<vmem>>) target_semaphore(%run_scoped3A : memref<!tpu.dma_semaphore, #tpu.memory_space<semaphore_mem>>)
        %dma_wait3A = arith.constant 0 : i32
        %dma_wait3A_29 = tpu.memref_slice %arg2[%add3A, %mul3A_17, %dma_wait3A] : memref<32x196x128xi32, #tpu.memory_space<hbm>> -> memref<1x28x128xi32, #tpu.memory_space<hbm>>
        %dma_wait3A_30 = tpu.memref_squeeze %dma_wait3A_29 : memref<1x28x128xi32, #tpu.memory_space<hbm>> -> memref<28x128xi32, #tpu.memory_space<hbm>>
        %dma_wait3A_31 = arith.constant 0 : i32
        %dma_wait3A_32 = tpu.memref_slice %arg2[%add3A, %mul3A_17, %dma_wait3A_31] : memref<32x196x128xi32, #tpu.memory_space<hbm>> -> memref<1x28x128xi32, #tpu.memory_space<hbm>>
        %dma_wait3A_33 = tpu.memref_squeeze %dma_wait3A_32 : memref<1x28x128xi32, #tpu.memory_space<hbm>> -> memref<28x128xi32, #tpu.memory_space<hbm>>
        tpu.wait_dma2 semaphore(%run_scoped3A : memref<!tpu.dma_semaphore, #tpu.memory_space<semaphore_mem>>) src(%dma_wait3A_33 : memref<28x128xi32, #tpu.memory_space<hbm>>) dst(%arg6 : memref<28x128xi32, #tpu.memory_space<vmem>>)
        tpu.yield
      }) : () -> ()
      %scan3A_18 = arith.constant 0 : i32
      %scan3A_19 = arith.constant 0 : i32
      %scan3A_20 = arith.constant 28 : i32
      %scan3A_21 = arith.addi %scan3A_19, %scan3A_20 : i32
      %scan3A_22 = arith.constant 1 : i32
      scf.for %scan3A_24 = %scan3A_19 to %scan3A_21 step %scan3A_22  : i32 {
        "tpu.region"() ({
          %run_scoped3A = tpu.sem_alloc : memref<!tpu.dma_semaphore, #tpu.memory_space<semaphore_mem>>
          %dma_start3A = arith.constant 0 : i32
          %dma_start3A_25 = tpu.memref_slice %arg6[%scan3A_24, %dma_start3A] : memref<28x128xi32, #tpu.memory_space<vmem>> -> memref<1x128xi32, #tpu.memory_space<vmem>>
          %dma_start3A_26 = tpu.memref_squeeze %dma_start3A_25 : memref<1x128xi32, #tpu.memory_space<vmem>> -> memref<128xi32, #tpu.memory_space<vmem>>
          %dma_start3A_27 = arith.constant 0 : i32
          %dma_start3A_28 = arith.constant 0 : i32
          %dma_start3A_29 = tpu.memref_slice %arg8[%dma_start3A_27, %dma_start3A_28] : memref<50176x32xf32, #tpu.memory_space<vmem_shared>> -> memref<50176x32xf32, #tpu.memory_space<vmem_shared>>
          tpu.enqueue_indirect_dma source(%arg7 : memref<128x32xf32, #tpu.memory_space<vmem>>) target(%dma_start3A_29 : memref<50176x32xf32, #tpu.memory_space<vmem_shared>>) offsets(%dma_start3A_26 : memref<128xi32, #tpu.memory_space<vmem>>) semaphore(%run_scoped3A : memref<!tpu.dma_semaphore, #tpu.memory_space<semaphore_mem>>) {add = true}
          %dma_wait3A = arith.constant 0 : i32
          %dma_wait3A_30 = tpu.memref_slice %arg6[%scan3A_24, %dma_wait3A] : memref<28x128xi32, #tpu.memory_space<vmem>> -> memref<1x128xi32, #tpu.memory_space<vmem>>
          %dma_wait3A_31 = tpu.memref_squeeze %dma_wait3A_30 : memref<1x128xi32, #tpu.memory_space<vmem>> -> memref<128xi32, #tpu.memory_space<vmem>>
          %dma_wait3A_32 = arith.constant 0 : i32
          %dma_wait3A_33 = arith.constant 0 : i32
          %dma_wait3A_34 = tpu.memref_slice %arg8[%dma_wait3A_32, %dma_wait3A_33] : memref<50176x32xf32, #tpu.memory_space<vmem_shared>> -> memref<50176x32xf32, #tpu.memory_space<vmem_shared>>
          tpu.wait_indirect_dma semaphore(%run_scoped3A : memref<!tpu.dma_semaphore, #tpu.memory_space<semaphore_mem>>) src(%arg7 : memref<128x32xf32, #tpu.memory_space<vmem>>) dst(%dma_wait3A_34 : memref<50176x32xf32, #tpu.memory_space<vmem_shared>>)
          tpu.yield
        }) : () -> ()
      }
      %scan3A_23 = arith.constant 28 : i32
    }
    %scan3A_9 = arith.constant 7 : i32
    %barrier3A_10 = arith.constant 0 : index
    tpu.barrier barrier_id(%barrier3A_10)
    %mul3A_11 = arith.constant 3136 : i32
    %mul3A_12 = arith.muli %arg1, %mul3A_11 : i32
    %mul3A_13 = arith.constant 3136 : i32
    %mul3A_14 = arith.muli %arg1, %mul3A_13 : i32
    "tpu.region"() ({
      %run_scoped3A = tpu.sem_alloc : memref<!tpu.dma_semaphore, #tpu.memory_space<semaphore_mem>>
      %dma_start3A = arith.constant 0 : i32
      %dma_start3A_15 = tpu.memref_slice %arg5[%arg0, %mul3A_14, %dma_start3A] : memref<2x50176x32xf32, #tpu.memory_space<hbm>> -> memref<1x3136x32xf32, #tpu.memory_space<hbm>>
      %dma_start3A_16 = tpu.memref_squeeze %dma_start3A_15 : memref<1x3136x32xf32, #tpu.memory_space<hbm>> -> memref<3136x32xf32, #tpu.memory_space<hbm>>
      %dma_start3A_17 = arith.constant 0 : i32
      %dma_start3A_18 = tpu.memref_slice %arg8[%mul3A_12, %dma_start3A_17] : memref<50176x32xf32, #tpu.memory_space<vmem_shared>> -> memref<3136x32xf32, #tpu.memory_space<vmem_shared>>
      tpu.enqueue_dma source(%dma_start3A_18 : memref<3136x32xf32, #tpu.memory_space<vmem_shared>>) target(%dma_start3A_16 : memref<3136x32xf32, #tpu.memory_space<hbm>>) target_semaphore(%run_scoped3A : memref<!tpu.dma_semaphore, #tpu.memory_space<semaphore_mem>>)
      %dma_wait3A = arith.constant 0 : i32
      %dma_wait3A_19 = tpu.memref_slice %arg5[%arg0, %mul3A_14, %dma_wait3A] : memref<2x50176x32xf32, #tpu.memory_space<hbm>> -> memref<1x3136x32xf32, #tpu.memory_space<hbm>>
      %dma_wait3A_20 = tpu.memref_squeeze %dma_wait3A_19 : memref<1x3136x32xf32, #tpu.memory_space<hbm>> -> memref<3136x32xf32, #tpu.memory_space<hbm>>
      %dma_wait3A_21 = arith.constant 0 : i32
      %dma_wait3A_22 = tpu.memref_slice %arg8[%mul3A_12, %dma_wait3A_21] : memref<50176x32xf32, #tpu.memory_space<vmem_shared>> -> memref<3136x32xf32, #tpu.memory_space<vmem_shared>>
      tpu.wait_dma2 semaphore(%run_scoped3A : memref<!tpu.dma_semaphore, #tpu.memory_space<semaphore_mem>>) src(%dma_wait3A_22 : memref<3136x32xf32, #tpu.memory_space<vmem_shared>>) dst(%dma_wait3A_20 : memref<3136x32xf32, #tpu.memory_space<hbm>>)
      tpu.yield
    }) : () -> ()
    return
  }
}

#map = affine_map<(d0, d1) -> (0, 0)>
#map1 = affine_map<(d0, d1) -> (0, 0, 0)>
module attributes {stable_mosaic.version = 14 : i64} {
  func.func @k(%arg0: i32, %arg1: i32, %arg2: memref<100352x32xf32, #tpu.memory_space<hbm>>, %arg3: memref<32x196x128xi32, #tpu.memory_space<hbm>>, %arg4: memref<32x196x128xi32, #tpu.memory_space<hbm>>, %arg5: memref<50176x32xf32, #tpu.memory_space<hbm>>, %arg6: memref<2x50176x32xf32, #tpu.memory_space<hbm>>, %arg7: memref<28x128xi32, #tpu.memory_space<vmem>>, %arg8: memref<28x128xi32, #tpu.memory_space<vmem>>, %arg9: memref<4x128x32xf32, #tpu.memory_space<vmem>>, %arg10: memref<50176x32xf32, #tpu.memory_space<vmem_shared>>, %arg11: memref<4x!tpu.dma_semaphore, #tpu.memory_space<semaphore_mem>>) attributes {dimension_semantics = [#tpu.dimension_semantics<core_parallel>, #tpu.dimension_semantics<subcore_parallel>], iteration_bounds = array<i64: 2, 16>, scalar_prefetch = 0 : i64, scratch_operands = 5 : i64, tpu.core_type = #tpu.core_type<sc_vector_subcore>, window_params = [{transform_indices = #map}, {transform_indices = #map1}, {transform_indices = #map1}, {transform_indices = #map}, {transform_indices = #map1}]} {
    %mul3A = arith.constant 16 : i32
    %mul3A_0 = arith.muli %arg0, %mul3A : i32
    %add3A = arith.addi %mul3A_0, %arg1 : i32
    %mul3A_1 = arith.constant 3136 : i32
    %mul3A_2 = arith.muli %arg1, %mul3A_1 : i32
    %mul3A_3 = arith.constant 3136 : i32
    %mul3A_4 = arith.muli %arg1, %mul3A_3 : i32
    "tpu.region"() ({
      %run_scoped3A = tpu.sem_alloc : memref<!tpu.dma_semaphore, #tpu.memory_space<semaphore_mem>>
      %dma_start3A = arith.constant 0 : i32
      %dma_start3A_15 = tpu.memref_slice %arg10[%mul3A_4, %dma_start3A] : memref<50176x32xf32, #tpu.memory_space<vmem_shared>> -> memref<3136x32xf32, #tpu.memory_space<vmem_shared>>
      %dma_start3A_16 = arith.constant 0 : i32
      %dma_start3A_17 = tpu.memref_slice %arg5[%mul3A_2, %dma_start3A_16] : memref<50176x32xf32, #tpu.memory_space<hbm>> -> memref<3136x32xf32, #tpu.memory_space<hbm>>
      tpu.enqueue_dma source(%dma_start3A_17 : memref<3136x32xf32, #tpu.memory_space<hbm>>) target(%dma_start3A_15 : memref<3136x32xf32, #tpu.memory_space<vmem_shared>>) target_semaphore(%run_scoped3A : memref<!tpu.dma_semaphore, #tpu.memory_space<semaphore_mem>>)
      %dma_wait3A = arith.constant 0 : i32
      %dma_wait3A_18 = tpu.memref_slice %arg10[%mul3A_4, %dma_wait3A] : memref<50176x32xf32, #tpu.memory_space<vmem_shared>> -> memref<3136x32xf32, #tpu.memory_space<vmem_shared>>
      %dma_wait3A_19 = arith.constant 0 : i32
      %dma_wait3A_20 = tpu.memref_slice %arg5[%mul3A_2, %dma_wait3A_19] : memref<50176x32xf32, #tpu.memory_space<hbm>> -> memref<3136x32xf32, #tpu.memory_space<hbm>>
      tpu.wait_dma2 semaphore(%run_scoped3A : memref<!tpu.dma_semaphore, #tpu.memory_space<semaphore_mem>>) src(%dma_wait3A_20 : memref<3136x32xf32, #tpu.memory_space<hbm>>) dst(%dma_wait3A_18 : memref<3136x32xf32, #tpu.memory_space<vmem_shared>>)
      tpu.yield
    }) : () -> ()
    %barrier3A = arith.constant 0 : index
    tpu.barrier barrier_id(%barrier3A)
    %scan3A = arith.constant 0 : i32
    %scan3A_5 = arith.constant 0 : i32
    %scan3A_6 = arith.constant 7 : i32
    %scan3A_7 = arith.addi %scan3A_5, %scan3A_6 : i32
    %scan3A_8 = arith.constant 1 : i32
    scf.for %scan3A_15 = %scan3A_5 to %scan3A_7 step %scan3A_8  : i32 {
      %mul3A_16 = arith.constant 28 : i32
      %mul3A_17 = arith.muli %scan3A_15, %mul3A_16 : i32
      "tpu.region"() ({
        %run_scoped3A = tpu.sem_alloc : memref<!tpu.dma_semaphore, #tpu.memory_space<semaphore_mem>>
        %dma_start3A = arith.constant 0 : i32
        %dma_start3A_26 = tpu.memref_slice %arg3[%add3A, %mul3A_17, %dma_start3A] : memref<32x196x128xi32, #tpu.memory_space<hbm>> -> memref<1x28x128xi32, #tpu.memory_space<hbm>>
        %dma_start3A_27 = tpu.memref_squeeze %dma_start3A_26 : memref<1x28x128xi32, #tpu.memory_space<hbm>> -> memref<28x128xi32, #tpu.memory_space<hbm>>
        %dma_start3A_28 = arith.constant 0 : i32
        %dma_start3A_29 = tpu.memref_slice %arg3[%add3A, %mul3A_17, %dma_start3A_28] : memref<32x196x128xi32, #tpu.memory_space<hbm>> -> memref<1x28x128xi32, #tpu.memory_space<hbm>>
        %dma_start3A_30 = tpu.memref_squeeze %dma_start3A_29 : memref<1x28x128xi32, #tpu.memory_space<hbm>> -> memref<28x128xi32, #tpu.memory_space<hbm>>
        tpu.enqueue_dma source(%dma_start3A_30 : memref<28x128xi32, #tpu.memory_space<hbm>>) target(%arg7 : memref<28x128xi32, #tpu.memory_space<vmem>>) target_semaphore(%run_scoped3A : memref<!tpu.dma_semaphore, #tpu.memory_space<semaphore_mem>>)
        %dma_wait3A = arith.constant 0 : i32
        %dma_wait3A_31 = tpu.memref_slice %arg3[%add3A, %mul3A_17, %dma_wait3A] : memref<32x196x128xi32, #tpu.memory_space<hbm>> -> memref<1x28x128xi32, #tpu.memory_space<hbm>>
        %dma_wait3A_32 = tpu.memref_squeeze %dma_wait3A_31 : memref<1x28x128xi32, #tpu.memory_space<hbm>> -> memref<28x128xi32, #tpu.memory_space<hbm>>
        %dma_wait3A_33 = arith.constant 0 : i32
        %dma_wait3A_34 = tpu.memref_slice %arg3[%add3A, %mul3A_17, %dma_wait3A_33] : memref<32x196x128xi32, #tpu.memory_space<hbm>> -> memref<1x28x128xi32, #tpu.memory_space<hbm>>
        %dma_wait3A_35 = tpu.memref_squeeze %dma_wait3A_34 : memref<1x28x128xi32, #tpu.memory_space<hbm>> -> memref<28x128xi32, #tpu.memory_space<hbm>>
        tpu.wait_dma2 semaphore(%run_scoped3A : memref<!tpu.dma_semaphore, #tpu.memory_space<semaphore_mem>>) src(%dma_wait3A_35 : memref<28x128xi32, #tpu.memory_space<hbm>>) dst(%arg7 : memref<28x128xi32, #tpu.memory_space<vmem>>)
        tpu.yield
      }) : () -> ()
      %mul3A_18 = arith.constant 28 : i32
      %mul3A_19 = arith.muli %scan3A_15, %mul3A_18 : i32
      "tpu.region"() ({
        %run_scoped3A = tpu.sem_alloc : memref<!tpu.dma_semaphore, #tpu.memory_space<semaphore_mem>>
        %dma_start3A = arith.constant 0 : i32
        %dma_start3A_26 = tpu.memref_slice %arg4[%add3A, %mul3A_19, %dma_start3A] : memref<32x196x128xi32, #tpu.memory_space<hbm>> -> memref<1x28x128xi32, #tpu.memory_space<hbm>>
        %dma_start3A_27 = tpu.memref_squeeze %dma_start3A_26 : memref<1x28x128xi32, #tpu.memory_space<hbm>> -> memref<28x128xi32, #tpu.memory_space<hbm>>
        %dma_start3A_28 = arith.constant 0 : i32
        %dma_start3A_29 = tpu.memref_slice %arg4[%add3A, %mul3A_19, %dma_start3A_28] : memref<32x196x128xi32, #tpu.memory_space<hbm>> -> memref<1x28x128xi32, #tpu.memory_space<hbm>>
        %dma_start3A_30 = tpu.memref_squeeze %dma_start3A_29 : memref<1x28x128xi32, #tpu.memory_space<hbm>> -> memref<28x128xi32, #tpu.memory_space<hbm>>
        tpu.enqueue_dma source(%dma_start3A_30 : memref<28x128xi32, #tpu.memory_space<hbm>>) target(%arg8 : memref<28x128xi32, #tpu.memory_space<vmem>>) target_semaphore(%run_scoped3A : memref<!tpu.dma_semaphore, #tpu.memory_space<semaphore_mem>>)
        %dma_wait3A = arith.constant 0 : i32
        %dma_wait3A_31 = tpu.memref_slice %arg4[%add3A, %mul3A_19, %dma_wait3A] : memref<32x196x128xi32, #tpu.memory_space<hbm>> -> memref<1x28x128xi32, #tpu.memory_space<hbm>>
        %dma_wait3A_32 = tpu.memref_squeeze %dma_wait3A_31 : memref<1x28x128xi32, #tpu.memory_space<hbm>> -> memref<28x128xi32, #tpu.memory_space<hbm>>
        %dma_wait3A_33 = arith.constant 0 : i32
        %dma_wait3A_34 = tpu.memref_slice %arg4[%add3A, %mul3A_19, %dma_wait3A_33] : memref<32x196x128xi32, #tpu.memory_space<hbm>> -> memref<1x28x128xi32, #tpu.memory_space<hbm>>
        %dma_wait3A_35 = tpu.memref_squeeze %dma_wait3A_34 : memref<1x28x128xi32, #tpu.memory_space<hbm>> -> memref<28x128xi32, #tpu.memory_space<hbm>>
        tpu.wait_dma2 semaphore(%run_scoped3A : memref<!tpu.dma_semaphore, #tpu.memory_space<semaphore_mem>>) src(%dma_wait3A_35 : memref<28x128xi32, #tpu.memory_space<hbm>>) dst(%arg8 : memref<28x128xi32, #tpu.memory_space<vmem>>)
        tpu.yield
      }) : () -> ()
      %scan3A_20 = arith.constant 0 : i32
      %scan3A_21 = arith.constant 0 : i32
      %scan3A_22 = arith.constant 7 : i32
      %scan3A_23 = arith.addi %scan3A_21, %scan3A_22 : i32
      %scan3A_24 = arith.constant 1 : i32
      scf.for %scan3A_26 = %scan3A_21 to %scan3A_23 step %scan3A_24  : i32 {
        %mul3A_27 = arith.constant 4 : i32
        %mul3A_28 = arith.muli %scan3A_26, %mul3A_27 : i32
        %add3A_29 = arith.constant 0 : i32
        %add3A_30 = arith.addi %mul3A_28, %add3A_29 : i32
        %dma_start3A = arith.constant 0 : i32
        %dma_start3A_31 = arith.constant 0 : i32
        %dma_start3A_32 = arith.constant 0 : i32
        %dma_start3A_33 = arith.constant 0 : i32
        %dma_start3A_34 = tpu.memref_slice %arg9[%dma_start3A, %dma_start3A_32, %dma_start3A_33] : memref<4x128x32xf32, #tpu.memory_space<vmem>> -> memref<1x128x32xf32, #tpu.memory_space<vmem>>
        %dma_start3A_35 = tpu.memref_squeeze %dma_start3A_34 : memref<1x128x32xf32, #tpu.memory_space<vmem>> -> memref<128x32xf32, #tpu.memory_space<vmem>>
        %dma_start3A_36 = arith.constant 0 : i32
        %dma_start3A_37 = tpu.memref_slice %arg7[%add3A_30, %dma_start3A_36] : memref<28x128xi32, #tpu.memory_space<vmem>> -> memref<1x128xi32, #tpu.memory_space<vmem>>
        %dma_start3A_38 = tpu.memref_squeeze %dma_start3A_37 : memref<1x128xi32, #tpu.memory_space<vmem>> -> memref<128xi32, #tpu.memory_space<vmem>>
        %dma_start3A_39 = arith.constant 0 : i32
        %dma_start3A_40 = arith.constant 0 : i32
        %dma_start3A_41 = tpu.memref_slice %arg2[%dma_start3A_39, %dma_start3A_40] : memref<100352x32xf32, #tpu.memory_space<hbm>> -> memref<100352x32xf32, #tpu.memory_space<hbm>>
        %dma_start3A_42 = tpu.memref_slice %arg11[%dma_start3A_31] : memref<4x!tpu.dma_semaphore, #tpu.memory_space<semaphore_mem>> -> memref<1x!tpu.dma_semaphore, #tpu.memory_space<semaphore_mem>>
        %dma_start3A_43 = tpu.memref_squeeze %dma_start3A_42 : memref<1x!tpu.dma_semaphore, #tpu.memory_space<semaphore_mem>> -> memref<!tpu.dma_semaphore, #tpu.memory_space<semaphore_mem>>
        tpu.enqueue_indirect_dma source(%dma_start3A_41 : memref<100352x32xf32, #tpu.memory_space<hbm>>) target(%dma_start3A_35 : memref<128x32xf32, #tpu.memory_space<vmem>>) offsets(%dma_start3A_38 : memref<128xi32, #tpu.memory_space<vmem>>) semaphore(%dma_start3A_43 : memref<!tpu.dma_semaphore, #tpu.memory_space<semaphore_mem>>)
        %mul3A_44 = arith.constant 4 : i32
        %mul3A_45 = arith.muli %scan3A_26, %mul3A_44 : i32
        %add3A_46 = arith.constant 1 : i32
        %add3A_47 = arith.addi %mul3A_45, %add3A_46 : i32
        %dma_start3A_48 = arith.constant 1 : i32
        %dma_start3A_49 = arith.constant 1 : i32
        %dma_start3A_50 = arith.constant 0 : i32
        %dma_start3A_51 = arith.constant 0 : i32
        %dma_start3A_52 = tpu.memref_slice %arg9[%dma_start3A_48, %dma_start3A_50, %dma_start3A_51] : memref<4x128x32xf32, #tpu.memory_space<vmem>> -> memref<1x128x32xf32, #tpu.memory_space<vmem>>
        %dma_start3A_53 = tpu.memref_squeeze %dma_start3A_52 : memref<1x128x32xf32, #tpu.memory_space<vmem>> -> memref<128x32xf32, #tpu.memory_space<vmem>>
        %dma_start3A_54 = arith.constant 0 : i32
        %dma_start3A_55 = tpu.memref_slice %arg7[%add3A_47, %dma_start3A_54] : memref<28x128xi32, #tpu.memory_space<vmem>> -> memref<1x128xi32, #tpu.memory_space<vmem>>
        %dma_start3A_56 = tpu.memref_squeeze %dma_start3A_55 : memref<1x128xi32, #tpu.memory_space<vmem>> -> memref<128xi32, #tpu.memory_space<vmem>>
        %dma_start3A_57 = arith.constant 0 : i32
        %dma_start3A_58 = arith.constant 0 : i32
        %dma_start3A_59 = tpu.memref_slice %arg2[%dma_start3A_57, %dma_start3A_58] : memref<100352x32xf32, #tpu.memory_space<hbm>> -> memref<100352x32xf32, #tpu.memory_space<hbm>>
        %dma_start3A_60 = tpu.memref_slice %arg11[%dma_start3A_49] : memref<4x!tpu.dma_semaphore, #tpu.memory_space<semaphore_mem>> -> memref<1x!tpu.dma_semaphore, #tpu.memory_space<semaphore_mem>>
        %dma_start3A_61 = tpu.memref_squeeze %dma_start3A_60 : memref<1x!tpu.dma_semaphore, #tpu.memory_space<semaphore_mem>> -> memref<!tpu.dma_semaphore, #tpu.memory_space<semaphore_mem>>
        tpu.enqueue_indirect_dma source(%dma_start3A_59 : memref<100352x32xf32, #tpu.memory_space<hbm>>) target(%dma_start3A_53 : memref<128x32xf32, #tpu.memory_space<vmem>>) offsets(%dma_start3A_56 : memref<128xi32, #tpu.memory_space<vmem>>) semaphore(%dma_start3A_61 : memref<!tpu.dma_semaphore, #tpu.memory_space<semaphore_mem>>)
        %mul3A_62 = arith.constant 4 : i32
        %mul3A_63 = arith.muli %scan3A_26, %mul3A_62 : i32
        %add3A_64 = arith.constant 2 : i32
        %add3A_65 = arith.addi %mul3A_63, %add3A_64 : i32
        %dma_start3A_66 = arith.constant 2 : i32
        %dma_start3A_67 = arith.constant 2 : i32
        %dma_start3A_68 = arith.constant 0 : i32
        %dma_start3A_69 = arith.constant 0 : i32
        %dma_start3A_70 = tpu.memref_slice %arg9[%dma_start3A_66, %dma_start3A_68, %dma_start3A_69] : memref<4x128x32xf32, #tpu.memory_space<vmem>> -> memref<1x128x32xf32, #tpu.memory_space<vmem>>
        %dma_start3A_71 = tpu.memref_squeeze %dma_start3A_70 : memref<1x128x32xf32, #tpu.memory_space<vmem>> -> memref<128x32xf32, #tpu.memory_space<vmem>>
        %dma_start3A_72 = arith.constant 0 : i32
        %dma_start3A_73 = tpu.memref_slice %arg7[%add3A_65, %dma_start3A_72] : memref<28x128xi32, #tpu.memory_space<vmem>> -> memref<1x128xi32, #tpu.memory_space<vmem>>
        %dma_start3A_74 = tpu.memref_squeeze %dma_start3A_73 : memref<1x128xi32, #tpu.memory_space<vmem>> -> memref<128xi32, #tpu.memory_space<vmem>>
        %dma_start3A_75 = arith.constant 0 : i32
        %dma_start3A_76 = arith.constant 0 : i32
        %dma_start3A_77 = tpu.memref_slice %arg2[%dma_start3A_75, %dma_start3A_76] : memref<100352x32xf32, #tpu.memory_space<hbm>> -> memref<100352x32xf32, #tpu.memory_space<hbm>>
        %dma_start3A_78 = tpu.memref_slice %arg11[%dma_start3A_67] : memref<4x!tpu.dma_semaphore, #tpu.memory_space<semaphore_mem>> -> memref<1x!tpu.dma_semaphore, #tpu.memory_space<semaphore_mem>>
        %dma_start3A_79 = tpu.memref_squeeze %dma_start3A_78 : memref<1x!tpu.dma_semaphore, #tpu.memory_space<semaphore_mem>> -> memref<!tpu.dma_semaphore, #tpu.memory_space<semaphore_mem>>
        tpu.enqueue_indirect_dma source(%dma_start3A_77 : memref<100352x32xf32, #tpu.memory_space<hbm>>) target(%dma_start3A_71 : memref<128x32xf32, #tpu.memory_space<vmem>>) offsets(%dma_start3A_74 : memref<128xi32, #tpu.memory_space<vmem>>) semaphore(%dma_start3A_79 : memref<!tpu.dma_semaphore, #tpu.memory_space<semaphore_mem>>)
        %mul3A_80 = arith.constant 4 : i32
        %mul3A_81 = arith.muli %scan3A_26, %mul3A_80 : i32
        %add3A_82 = arith.constant 3 : i32
        %add3A_83 = arith.addi %mul3A_81, %add3A_82 : i32
        %dma_start3A_84 = arith.constant 3 : i32
        %dma_start3A_85 = arith.constant 3 : i32
        %dma_start3A_86 = arith.constant 0 : i32
        %dma_start3A_87 = arith.constant 0 : i32
        %dma_start3A_88 = tpu.memref_slice %arg9[%dma_start3A_84, %dma_start3A_86, %dma_start3A_87] : memref<4x128x32xf32, #tpu.memory_space<vmem>> -> memref<1x128x32xf32, #tpu.memory_space<vmem>>
        %dma_start3A_89 = tpu.memref_squeeze %dma_start3A_88 : memref<1x128x32xf32, #tpu.memory_space<vmem>> -> memref<128x32xf32, #tpu.memory_space<vmem>>
        %dma_start3A_90 = arith.constant 0 : i32
        %dma_start3A_91 = tpu.memref_slice %arg7[%add3A_83, %dma_start3A_90] : memref<28x128xi32, #tpu.memory_space<vmem>> -> memref<1x128xi32, #tpu.memory_space<vmem>>
        %dma_start3A_92 = tpu.memref_squeeze %dma_start3A_91 : memref<1x128xi32, #tpu.memory_space<vmem>> -> memref<128xi32, #tpu.memory_space<vmem>>
        %dma_start3A_93 = arith.constant 0 : i32
        %dma_start3A_94 = arith.constant 0 : i32
        %dma_start3A_95 = tpu.memref_slice %arg2[%dma_start3A_93, %dma_start3A_94] : memref<100352x32xf32, #tpu.memory_space<hbm>> -> memref<100352x32xf32, #tpu.memory_space<hbm>>
        %dma_start3A_96 = tpu.memref_slice %arg11[%dma_start3A_85] : memref<4x!tpu.dma_semaphore, #tpu.memory_space<semaphore_mem>> -> memref<1x!tpu.dma_semaphore, #tpu.memory_space<semaphore_mem>>
        %dma_start3A_97 = tpu.memref_squeeze %dma_start3A_96 : memref<1x!tpu.dma_semaphore, #tpu.memory_space<semaphore_mem>> -> memref<!tpu.dma_semaphore, #tpu.memory_space<semaphore_mem>>
        tpu.enqueue_indirect_dma source(%dma_start3A_95 : memref<100352x32xf32, #tpu.memory_space<hbm>>) target(%dma_start3A_89 : memref<128x32xf32, #tpu.memory_space<vmem>>) offsets(%dma_start3A_92 : memref<128xi32, #tpu.memory_space<vmem>>) semaphore(%dma_start3A_97 : memref<!tpu.dma_semaphore, #tpu.memory_space<semaphore_mem>>)
        %mul3A_98 = arith.constant 4 : i32
        %mul3A_99 = arith.muli %scan3A_26, %mul3A_98 : i32
        %add3A_100 = arith.constant 0 : i32
        %add3A_101 = arith.addi %mul3A_99, %add3A_100 : i32
        %dma_wait3A = arith.constant 0 : i32
        %dma_wait3A_102 = arith.constant 0 : i32
        %dma_wait3A_103 = arith.constant 0 : i32
        %dma_wait3A_104 = arith.constant 0 : i32
        %dma_wait3A_105 = tpu.memref_slice %arg9[%dma_wait3A, %dma_wait3A_103, %dma_wait3A_104] : memref<4x128x32xf32, #tpu.memory_space<vmem>> -> memref<1x128x32xf32, #tpu.memory_space<vmem>>
        %dma_wait3A_106 = tpu.memref_squeeze %dma_wait3A_105 : memref<1x128x32xf32, #tpu.memory_space<vmem>> -> memref<128x32xf32, #tpu.memory_space<vmem>>
        %dma_wait3A_107 = arith.constant 0 : i32
        %dma_wait3A_108 = tpu.memref_slice %arg7[%add3A_30, %dma_wait3A_107] : memref<28x128xi32, #tpu.memory_space<vmem>> -> memref<1x128xi32, #tpu.memory_space<vmem>>
        %dma_wait3A_109 = tpu.memref_squeeze %dma_wait3A_108 : memref<1x128xi32, #tpu.memory_space<vmem>> -> memref<128xi32, #tpu.memory_space<vmem>>
        %dma_wait3A_110 = arith.constant 0 : i32
        %dma_wait3A_111 = arith.constant 0 : i32
        %dma_wait3A_112 = tpu.memref_slice %arg2[%dma_wait3A_110, %dma_wait3A_111] : memref<100352x32xf32, #tpu.memory_space<hbm>> -> memref<100352x32xf32, #tpu.memory_space<hbm>>
        %dma_wait3A_113 = tpu.memref_slice %arg11[%dma_wait3A_102] : memref<4x!tpu.dma_semaphore, #tpu.memory_space<semaphore_mem>> -> memref<1x!tpu.dma_semaphore, #tpu.memory_space<semaphore_mem>>
        %dma_wait3A_114 = tpu.memref_squeeze %dma_wait3A_113 : memref<1x!tpu.dma_semaphore, #tpu.memory_space<semaphore_mem>> -> memref<!tpu.dma_semaphore, #tpu.memory_space<semaphore_mem>>
        tpu.wait_indirect_dma semaphore(%dma_wait3A_114 : memref<!tpu.dma_semaphore, #tpu.memory_space<semaphore_mem>>) src(%dma_wait3A_112 : memref<100352x32xf32, #tpu.memory_space<hbm>>) dst(%dma_wait3A_106 : memref<128x32xf32, #tpu.memory_space<vmem>>)
        %run_scoped3A = arith.constant 0 : i32
        "tpu.region"() ({
          %run_scoped3A_172 = tpu.sem_alloc : memref<!tpu.dma_semaphore, #tpu.memory_space<semaphore_mem>>
          %dma_start3A_173 = arith.constant 0 : i32
          %dma_start3A_174 = arith.constant 0 : i32
          %dma_start3A_175 = tpu.memref_slice %arg9[%run_scoped3A, %dma_start3A_173, %dma_start3A_174] : memref<4x128x32xf32, #tpu.memory_space<vmem>> -> memref<1x128x32xf32, #tpu.memory_space<vmem>>
          %dma_start3A_176 = tpu.memref_squeeze %dma_start3A_175 : memref<1x128x32xf32, #tpu.memory_space<vmem>> -> memref<128x32xf32, #tpu.memory_space<vmem>>
          %dma_start3A_177 = arith.constant 0 : i32
          %dma_start3A_178 = tpu.memref_slice %arg8[%add3A_101, %dma_start3A_177] : memref<28x128xi32, #tpu.memory_space<vmem>> -> memref<1x128xi32, #tpu.memory_space<vmem>>
          %dma_start3A_179 = tpu.memref_squeeze %dma_start3A_178 : memref<1x128xi32, #tpu.memory_space<vmem>> -> memref<128xi32, #tpu.memory_space<vmem>>
          %dma_start3A_180 = arith.constant 0 : i32
          %dma_start3A_181 = arith.constant 0 : i32
          %dma_start3A_182 = tpu.memref_slice %arg10[%dma_start3A_180, %dma_start3A_181] : memref<50176x32xf32, #tpu.memory_space<vmem_shared>> -> memref<50176x32xf32, #tpu.memory_space<vmem_shared>>
          tpu.enqueue_indirect_dma source(%dma_start3A_176 : memref<128x32xf32, #tpu.memory_space<vmem>>) target(%dma_start3A_182 : memref<50176x32xf32, #tpu.memory_space<vmem_shared>>) offsets(%dma_start3A_179 : memref<128xi32, #tpu.memory_space<vmem>>) semaphore(%run_scoped3A_172 : memref<!tpu.dma_semaphore, #tpu.memory_space<semaphore_mem>>) {add = true}
          %dma_wait3A_183 = arith.constant 0 : i32
          %dma_wait3A_184 = arith.constant 0 : i32
          %dma_wait3A_185 = tpu.memref_slice %arg9[%run_scoped3A, %dma_wait3A_183, %dma_wait3A_184] : memref<4x128x32xf32, #tpu.memory_space<vmem>> -> memref<1x128x32xf32, #tpu.memory_space<vmem>>
          %dma_wait3A_186 = tpu.memref_squeeze %dma_wait3A_185 : memref<1x128x32xf32, #tpu.memory_space<vmem>> -> memref<128x32xf32, #tpu.memory_space<vmem>>
          %dma_wait3A_187 = arith.constant 0 : i32
          %dma_wait3A_188 = tpu.memref_slice %arg8[%add3A_101, %dma_wait3A_187] : memref<28x128xi32, #tpu.memory_space<vmem>> -> memref<1x128xi32, #tpu.memory_space<vmem>>
          %dma_wait3A_189 = tpu.memref_squeeze %dma_wait3A_188 : memref<1x128xi32, #tpu.memory_space<vmem>> -> memref<128xi32, #tpu.memory_space<vmem>>
          %dma_wait3A_190 = arith.constant 0 : i32
          %dma_wait3A_191 = arith.constant 0 : i32
          %dma_wait3A_192 = tpu.memref_slice %arg10[%dma_wait3A_190, %dma_wait3A_191] : memref<50176x32xf32, #tpu.memory_space<vmem_shared>> -> memref<50176x32xf32, #tpu.memory_space<vmem_shared>>
          tpu.wait_indirect_dma semaphore(%run_scoped3A_172 : memref<!tpu.dma_semaphore, #tpu.memory_space<semaphore_mem>>) src(%dma_wait3A_186 : memref<128x32xf32, #tpu.memory_space<vmem>>) dst(%dma_wait3A_192 : memref<50176x32xf32, #tpu.memory_space<vmem_shared>>)
          tpu.yield
        }) : () -> ()
        %mul3A_115 = arith.constant 4 : i32
        %mul3A_116 = arith.muli %scan3A_26, %mul3A_115 : i32
        %add3A_117 = arith.constant 1 : i32
        %add3A_118 = arith.addi %mul3A_116, %add3A_117 : i32
        %dma_wait3A_119 = arith.constant 1 : i32
        %dma_wait3A_120 = arith.constant 1 : i32
        %dma_wait3A_121 = arith.constant 0 : i32
        %dma_wait3A_122 = arith.constant 0 : i32
        %dma_wait3A_123 = tpu.memref_slice %arg9[%dma_wait3A_119, %dma_wait3A_121, %dma_wait3A_122] : memref<4x128x32xf32, #tpu.memory_space<vmem>> -> memref<1x128x32xf32, #tpu.memory_space<vmem>>
        %dma_wait3A_124 = tpu.memref_squeeze %dma_wait3A_123 : memref<1x128x32xf32, #tpu.memory_space<vmem>> -> memref<128x32xf32, #tpu.memory_space<vmem>>
        %dma_wait3A_125 = arith.constant 0 : i32
        %dma_wait3A_126 = tpu.memref_slice %arg7[%add3A_47, %dma_wait3A_125] : memref<28x128xi32, #tpu.memory_space<vmem>> -> memref<1x128xi32, #tpu.memory_space<vmem>>
        %dma_wait3A_127 = tpu.memref_squeeze %dma_wait3A_126 : memref<1x128xi32, #tpu.memory_space<vmem>> -> memref<128xi32, #tpu.memory_space<vmem>>
        %dma_wait3A_128 = arith.constant 0 : i32
        %dma_wait3A_129 = arith.constant 0 : i32
        %dma_wait3A_130 = tpu.memref_slice %arg2[%dma_wait3A_128, %dma_wait3A_129] : memref<100352x32xf32, #tpu.memory_space<hbm>> -> memref<100352x32xf32, #tpu.memory_space<hbm>>
        %dma_wait3A_131 = tpu.memref_slice %arg11[%dma_wait3A_120] : memref<4x!tpu.dma_semaphore, #tpu.memory_space<semaphore_mem>> -> memref<1x!tpu.dma_semaphore, #tpu.memory_space<semaphore_mem>>
        %dma_wait3A_132 = tpu.memref_squeeze %dma_wait3A_131 : memref<1x!tpu.dma_semaphore, #tpu.memory_space<semaphore_mem>> -> memref<!tpu.dma_semaphore, #tpu.memory_space<semaphore_mem>>
        tpu.wait_indirect_dma semaphore(%dma_wait3A_132 : memref<!tpu.dma_semaphore, #tpu.memory_space<semaphore_mem>>) src(%dma_wait3A_130 : memref<100352x32xf32, #tpu.memory_space<hbm>>) dst(%dma_wait3A_124 : memref<128x32xf32, #tpu.memory_space<vmem>>)
        %run_scoped3A_133 = arith.constant 1 : i32
        "tpu.region"() ({
          %run_scoped3A_172 = tpu.sem_alloc : memref<!tpu.dma_semaphore, #tpu.memory_space<semaphore_mem>>
          %dma_start3A_173 = arith.constant 0 : i32
          %dma_start3A_174 = arith.constant 0 : i32
          %dma_start3A_175 = tpu.memref_slice %arg9[%run_scoped3A_133, %dma_start3A_173, %dma_start3A_174] : memref<4x128x32xf32, #tpu.memory_space<vmem>> -> memref<1x128x32xf32, #tpu.memory_space<vmem>>
          %dma_start3A_176 = tpu.memref_squeeze %dma_start3A_175 : memref<1x128x32xf32, #tpu.memory_space<vmem>> -> memref<128x32xf32, #tpu.memory_space<vmem>>
          %dma_start3A_177 = arith.constant 0 : i32
          %dma_start3A_178 = tpu.memref_slice %arg8[%add3A_118, %dma_start3A_177] : memref<28x128xi32, #tpu.memory_space<vmem>> -> memref<1x128xi32, #tpu.memory_space<vmem>>
          %dma_start3A_179 = tpu.memref_squeeze %dma_start3A_178 : memref<1x128xi32, #tpu.memory_space<vmem>> -> memref<128xi32, #tpu.memory_space<vmem>>
          %dma_start3A_180 = arith.constant 0 : i32
          %dma_start3A_181 = arith.constant 0 : i32
          %dma_start3A_182 = tpu.memref_slice %arg10[%dma_start3A_180, %dma_start3A_181] : memref<50176x32xf32, #tpu.memory_space<vmem_shared>> -> memref<50176x32xf32, #tpu.memory_space<vmem_shared>>
          tpu.enqueue_indirect_dma source(%dma_start3A_176 : memref<128x32xf32, #tpu.memory_space<vmem>>) target(%dma_start3A_182 : memref<50176x32xf32, #tpu.memory_space<vmem_shared>>) offsets(%dma_start3A_179 : memref<128xi32, #tpu.memory_space<vmem>>) semaphore(%run_scoped3A_172 : memref<!tpu.dma_semaphore, #tpu.memory_space<semaphore_mem>>) {add = true}
          %dma_wait3A_183 = arith.constant 0 : i32
          %dma_wait3A_184 = arith.constant 0 : i32
          %dma_wait3A_185 = tpu.memref_slice %arg9[%run_scoped3A_133, %dma_wait3A_183, %dma_wait3A_184] : memref<4x128x32xf32, #tpu.memory_space<vmem>> -> memref<1x128x32xf32, #tpu.memory_space<vmem>>
          %dma_wait3A_186 = tpu.memref_squeeze %dma_wait3A_185 : memref<1x128x32xf32, #tpu.memory_space<vmem>> -> memref<128x32xf32, #tpu.memory_space<vmem>>
          %dma_wait3A_187 = arith.constant 0 : i32
          %dma_wait3A_188 = tpu.memref_slice %arg8[%add3A_118, %dma_wait3A_187] : memref<28x128xi32, #tpu.memory_space<vmem>> -> memref<1x128xi32, #tpu.memory_space<vmem>>
          %dma_wait3A_189 = tpu.memref_squeeze %dma_wait3A_188 : memref<1x128xi32, #tpu.memory_space<vmem>> -> memref<128xi32, #tpu.memory_space<vmem>>
          %dma_wait3A_190 = arith.constant 0 : i32
          %dma_wait3A_191 = arith.constant 0 : i32
          %dma_wait3A_192 = tpu.memref_slice %arg10[%dma_wait3A_190, %dma_wait3A_191] : memref<50176x32xf32, #tpu.memory_space<vmem_shared>> -> memref<50176x32xf32, #tpu.memory_space<vmem_shared>>
          tpu.wait_indirect_dma semaphore(%run_scoped3A_172 : memref<!tpu.dma_semaphore, #tpu.memory_space<semaphore_mem>>) src(%dma_wait3A_186 : memref<128x32xf32, #tpu.memory_space<vmem>>) dst(%dma_wait3A_192 : memref<50176x32xf32, #tpu.memory_space<vmem_shared>>)
          tpu.yield
        }) : () -> ()
        %mul3A_134 = arith.constant 4 : i32
        %mul3A_135 = arith.muli %scan3A_26, %mul3A_134 : i32
        %add3A_136 = arith.constant 2 : i32
        %add3A_137 = arith.addi %mul3A_135, %add3A_136 : i32
        %dma_wait3A_138 = arith.constant 2 : i32
        %dma_wait3A_139 = arith.constant 2 : i32
        %dma_wait3A_140 = arith.constant 0 : i32
        %dma_wait3A_141 = arith.constant 0 : i32
        %dma_wait3A_142 = tpu.memref_slice %arg9[%dma_wait3A_138, %dma_wait3A_140, %dma_wait3A_141] : memref<4x128x32xf32, #tpu.memory_space<vmem>> -> memref<1x128x32xf32, #tpu.memory_space<vmem>>
        %dma_wait3A_143 = tpu.memref_squeeze %dma_wait3A_142 : memref<1x128x32xf32, #tpu.memory_space<vmem>> -> memref<128x32xf32, #tpu.memory_space<vmem>>
        %dma_wait3A_144 = arith.constant 0 : i32
        %dma_wait3A_145 = tpu.memref_slice %arg7[%add3A_65, %dma_wait3A_144] : memref<28x128xi32, #tpu.memory_space<vmem>> -> memref<1x128xi32, #tpu.memory_space<vmem>>
        %dma_wait3A_146 = tpu.memref_squeeze %dma_wait3A_145 : memref<1x128xi32, #tpu.memory_space<vmem>> -> memref<128xi32, #tpu.memory_space<vmem>>
        %dma_wait3A_147 = arith.constant 0 : i32
        %dma_wait3A_148 = arith.constant 0 : i32
        %dma_wait3A_149 = tpu.memref_slice %arg2[%dma_wait3A_147, %dma_wait3A_148] : memref<100352x32xf32, #tpu.memory_space<hbm>> -> memref<100352x32xf32, #tpu.memory_space<hbm>>
        %dma_wait3A_150 = tpu.memref_slice %arg11[%dma_wait3A_139] : memref<4x!tpu.dma_semaphore, #tpu.memory_space<semaphore_mem>> -> memref<1x!tpu.dma_semaphore, #tpu.memory_space<semaphore_mem>>
        %dma_wait3A_151 = tpu.memref_squeeze %dma_wait3A_150 : memref<1x!tpu.dma_semaphore, #tpu.memory_space<semaphore_mem>> -> memref<!tpu.dma_semaphore, #tpu.memory_space<semaphore_mem>>
        tpu.wait_indirect_dma semaphore(%dma_wait3A_151 : memref<!tpu.dma_semaphore, #tpu.memory_space<semaphore_mem>>) src(%dma_wait3A_149 : memref<100352x32xf32, #tpu.memory_space<hbm>>) dst(%dma_wait3A_143 : memref<128x32xf32, #tpu.memory_space<vmem>>)
        %run_scoped3A_152 = arith.constant 2 : i32
        "tpu.region"() ({
          %run_scoped3A_172 = tpu.sem_alloc : memref<!tpu.dma_semaphore, #tpu.memory_space<semaphore_mem>>
          %dma_start3A_173 = arith.constant 0 : i32
          %dma_start3A_174 = arith.constant 0 : i32
          %dma_start3A_175 = tpu.memref_slice %arg9[%run_scoped3A_152, %dma_start3A_173, %dma_start3A_174] : memref<4x128x32xf32, #tpu.memory_space<vmem>> -> memref<1x128x32xf32, #tpu.memory_space<vmem>>
          %dma_start3A_176 = tpu.memref_squeeze %dma_start3A_175 : memref<1x128x32xf32, #tpu.memory_space<vmem>> -> memref<128x32xf32, #tpu.memory_space<vmem>>
          %dma_start3A_177 = arith.constant 0 : i32
          %dma_start3A_178 = tpu.memref_slice %arg8[%add3A_137, %dma_start3A_177] : memref<28x128xi32, #tpu.memory_space<vmem>> -> memref<1x128xi32, #tpu.memory_space<vmem>>
          %dma_start3A_179 = tpu.memref_squeeze %dma_start3A_178 : memref<1x128xi32, #tpu.memory_space<vmem>> -> memref<128xi32, #tpu.memory_space<vmem>>
          %dma_start3A_180 = arith.constant 0 : i32
          %dma_start3A_181 = arith.constant 0 : i32
          %dma_start3A_182 = tpu.memref_slice %arg10[%dma_start3A_180, %dma_start3A_181] : memref<50176x32xf32, #tpu.memory_space<vmem_shared>> -> memref<50176x32xf32, #tpu.memory_space<vmem_shared>>
          tpu.enqueue_indirect_dma source(%dma_start3A_176 : memref<128x32xf32, #tpu.memory_space<vmem>>) target(%dma_start3A_182 : memref<50176x32xf32, #tpu.memory_space<vmem_shared>>) offsets(%dma_start3A_179 : memref<128xi32, #tpu.memory_space<vmem>>) semaphore(%run_scoped3A_172 : memref<!tpu.dma_semaphore, #tpu.memory_space<semaphore_mem>>) {add = true}
          %dma_wait3A_183 = arith.constant 0 : i32
          %dma_wait3A_184 = arith.constant 0 : i32
          %dma_wait3A_185 = tpu.memref_slice %arg9[%run_scoped3A_152, %dma_wait3A_183, %dma_wait3A_184] : memref<4x128x32xf32, #tpu.memory_space<vmem>> -> memref<1x128x32xf32, #tpu.memory_space<vmem>>
          %dma_wait3A_186 = tpu.memref_squeeze %dma_wait3A_185 : memref<1x128x32xf32, #tpu.memory_space<vmem>> -> memref<128x32xf32, #tpu.memory_space<vmem>>
          %dma_wait3A_187 = arith.constant 0 : i32
          %dma_wait3A_188 = tpu.memref_slice %arg8[%add3A_137, %dma_wait3A_187] : memref<28x128xi32, #tpu.memory_space<vmem>> -> memref<1x128xi32, #tpu.memory_space<vmem>>
          %dma_wait3A_189 = tpu.memref_squeeze %dma_wait3A_188 : memref<1x128xi32, #tpu.memory_space<vmem>> -> memref<128xi32, #tpu.memory_space<vmem>>
          %dma_wait3A_190 = arith.constant 0 : i32
          %dma_wait3A_191 = arith.constant 0 : i32
          %dma_wait3A_192 = tpu.memref_slice %arg10[%dma_wait3A_190, %dma_wait3A_191] : memref<50176x32xf32, #tpu.memory_space<vmem_shared>> -> memref<50176x32xf32, #tpu.memory_space<vmem_shared>>
          tpu.wait_indirect_dma semaphore(%run_scoped3A_172 : memref<!tpu.dma_semaphore, #tpu.memory_space<semaphore_mem>>) src(%dma_wait3A_186 : memref<128x32xf32, #tpu.memory_space<vmem>>) dst(%dma_wait3A_192 : memref<50176x32xf32, #tpu.memory_space<vmem_shared>>)
          tpu.yield
        }) : () -> ()
        %mul3A_153 = arith.constant 4 : i32
        %mul3A_154 = arith.muli %scan3A_26, %mul3A_153 : i32
        %add3A_155 = arith.constant 3 : i32
        %add3A_156 = arith.addi %mul3A_154, %add3A_155 : i32
        %dma_wait3A_157 = arith.constant 3 : i32
        %dma_wait3A_158 = arith.constant 3 : i32
        %dma_wait3A_159 = arith.constant 0 : i32
        %dma_wait3A_160 = arith.constant 0 : i32
        %dma_wait3A_161 = tpu.memref_slice %arg9[%dma_wait3A_157, %dma_wait3A_159, %dma_wait3A_160] : memref<4x128x32xf32, #tpu.memory_space<vmem>> -> memref<1x128x32xf32, #tpu.memory_space<vmem>>
        %dma_wait3A_162 = tpu.memref_squeeze %dma_wait3A_161 : memref<1x128x32xf32, #tpu.memory_space<vmem>> -> memref<128x32xf32, #tpu.memory_space<vmem>>
        %dma_wait3A_163 = arith.constant 0 : i32
        %dma_wait3A_164 = tpu.memref_slice %arg7[%add3A_83, %dma_wait3A_163] : memref<28x128xi32, #tpu.memory_space<vmem>> -> memref<1x128xi32, #tpu.memory_space<vmem>>
        %dma_wait3A_165 = tpu.memref_squeeze %dma_wait3A_164 : memref<1x128xi32, #tpu.memory_space<vmem>> -> memref<128xi32, #tpu.memory_space<vmem>>
        %dma_wait3A_166 = arith.constant 0 : i32
        %dma_wait3A_167 = arith.constant 0 : i32
        %dma_wait3A_168 = tpu.memref_slice %arg2[%dma_wait3A_166, %dma_wait3A_167] : memref<100352x32xf32, #tpu.memory_space<hbm>> -> memref<100352x32xf32, #tpu.memory_space<hbm>>
        %dma_wait3A_169 = tpu.memref_slice %arg11[%dma_wait3A_158] : memref<4x!tpu.dma_semaphore, #tpu.memory_space<semaphore_mem>> -> memref<1x!tpu.dma_semaphore, #tpu.memory_space<semaphore_mem>>
        %dma_wait3A_170 = tpu.memref_squeeze %dma_wait3A_169 : memref<1x!tpu.dma_semaphore, #tpu.memory_space<semaphore_mem>> -> memref<!tpu.dma_semaphore, #tpu.memory_space<semaphore_mem>>
        tpu.wait_indirect_dma semaphore(%dma_wait3A_170 : memref<!tpu.dma_semaphore, #tpu.memory_space<semaphore_mem>>) src(%dma_wait3A_168 : memref<100352x32xf32, #tpu.memory_space<hbm>>) dst(%dma_wait3A_162 : memref<128x32xf32, #tpu.memory_space<vmem>>)
        %run_scoped3A_171 = arith.constant 3 : i32
        "tpu.region"() ({
          %run_scoped3A_172 = tpu.sem_alloc : memref<!tpu.dma_semaphore, #tpu.memory_space<semaphore_mem>>
          %dma_start3A_173 = arith.constant 0 : i32
          %dma_start3A_174 = arith.constant 0 : i32
          %dma_start3A_175 = tpu.memref_slice %arg9[%run_scoped3A_171, %dma_start3A_173, %dma_start3A_174] : memref<4x128x32xf32, #tpu.memory_space<vmem>> -> memref<1x128x32xf32, #tpu.memory_space<vmem>>
          %dma_start3A_176 = tpu.memref_squeeze %dma_start3A_175 : memref<1x128x32xf32, #tpu.memory_space<vmem>> -> memref<128x32xf32, #tpu.memory_space<vmem>>
          %dma_start3A_177 = arith.constant 0 : i32
          %dma_start3A_178 = tpu.memref_slice %arg8[%add3A_156, %dma_start3A_177] : memref<28x128xi32, #tpu.memory_space<vmem>> -> memref<1x128xi32, #tpu.memory_space<vmem>>
          %dma_start3A_179 = tpu.memref_squeeze %dma_start3A_178 : memref<1x128xi32, #tpu.memory_space<vmem>> -> memref<128xi32, #tpu.memory_space<vmem>>
          %dma_start3A_180 = arith.constant 0 : i32
          %dma_start3A_181 = arith.constant 0 : i32
          %dma_start3A_182 = tpu.memref_slice %arg10[%dma_start3A_180, %dma_start3A_181] : memref<50176x32xf32, #tpu.memory_space<vmem_shared>> -> memref<50176x32xf32, #tpu.memory_space<vmem_shared>>
          tpu.enqueue_indirect_dma source(%dma_start3A_176 : memref<128x32xf32, #tpu.memory_space<vmem>>) target(%dma_start3A_182 : memref<50176x32xf32, #tpu.memory_space<vmem_shared>>) offsets(%dma_start3A_179 : memref<128xi32, #tpu.memory_space<vmem>>) semaphore(%run_scoped3A_172 : memref<!tpu.dma_semaphore, #tpu.memory_space<semaphore_mem>>) {add = true}
          %dma_wait3A_183 = arith.constant 0 : i32
          %dma_wait3A_184 = arith.constant 0 : i32
          %dma_wait3A_185 = tpu.memref_slice %arg9[%run_scoped3A_171, %dma_wait3A_183, %dma_wait3A_184] : memref<4x128x32xf32, #tpu.memory_space<vmem>> -> memref<1x128x32xf32, #tpu.memory_space<vmem>>
          %dma_wait3A_186 = tpu.memref_squeeze %dma_wait3A_185 : memref<1x128x32xf32, #tpu.memory_space<vmem>> -> memref<128x32xf32, #tpu.memory_space<vmem>>
          %dma_wait3A_187 = arith.constant 0 : i32
          %dma_wait3A_188 = tpu.memref_slice %arg8[%add3A_156, %dma_wait3A_187] : memref<28x128xi32, #tpu.memory_space<vmem>> -> memref<1x128xi32, #tpu.memory_space<vmem>>
          %dma_wait3A_189 = tpu.memref_squeeze %dma_wait3A_188 : memref<1x128xi32, #tpu.memory_space<vmem>> -> memref<128xi32, #tpu.memory_space<vmem>>
          %dma_wait3A_190 = arith.constant 0 : i32
          %dma_wait3A_191 = arith.constant 0 : i32
          %dma_wait3A_192 = tpu.memref_slice %arg10[%dma_wait3A_190, %dma_wait3A_191] : memref<50176x32xf32, #tpu.memory_space<vmem_shared>> -> memref<50176x32xf32, #tpu.memory_space<vmem_shared>>
          tpu.wait_indirect_dma semaphore(%run_scoped3A_172 : memref<!tpu.dma_semaphore, #tpu.memory_space<semaphore_mem>>) src(%dma_wait3A_186 : memref<128x32xf32, #tpu.memory_space<vmem>>) dst(%dma_wait3A_192 : memref<50176x32xf32, #tpu.memory_space<vmem_shared>>)
          tpu.yield
        }) : () -> ()
      }
      %scan3A_25 = arith.constant 7 : i32
    }
    %scan3A_9 = arith.constant 7 : i32
    %barrier3A_10 = arith.constant 0 : index
    tpu.barrier barrier_id(%barrier3A_10)
    %mul3A_11 = arith.constant 3136 : i32
    %mul3A_12 = arith.muli %arg1, %mul3A_11 : i32
    %mul3A_13 = arith.constant 3136 : i32
    %mul3A_14 = arith.muli %arg1, %mul3A_13 : i32
    "tpu.region"() ({
      %run_scoped3A = tpu.sem_alloc : memref<!tpu.dma_semaphore, #tpu.memory_space<semaphore_mem>>
      %dma_start3A = arith.constant 0 : i32
      %dma_start3A_15 = tpu.memref_slice %arg6[%arg0, %mul3A_14, %dma_start3A] : memref<2x50176x32xf32, #tpu.memory_space<hbm>> -> memref<1x3136x32xf32, #tpu.memory_space<hbm>>
      %dma_start3A_16 = tpu.memref_squeeze %dma_start3A_15 : memref<1x3136x32xf32, #tpu.memory_space<hbm>> -> memref<3136x32xf32, #tpu.memory_space<hbm>>
      %dma_start3A_17 = arith.constant 0 : i32
      %dma_start3A_18 = tpu.memref_slice %arg10[%mul3A_12, %dma_start3A_17] : memref<50176x32xf32, #tpu.memory_space<vmem_shared>> -> memref<3136x32xf32, #tpu.memory_space<vmem_shared>>
      tpu.enqueue_dma source(%dma_start3A_18 : memref<3136x32xf32, #tpu.memory_space<vmem_shared>>) target(%dma_start3A_16 : memref<3136x32xf32, #tpu.memory_space<hbm>>) target_semaphore(%run_scoped3A : memref<!tpu.dma_semaphore, #tpu.memory_space<semaphore_mem>>)
      %dma_wait3A = arith.constant 0 : i32
      %dma_wait3A_19 = tpu.memref_slice %arg6[%arg0, %mul3A_14, %dma_wait3A] : memref<2x50176x32xf32, #tpu.memory_space<hbm>> -> memref<1x3136x32xf32, #tpu.memory_space<hbm>>
      %dma_wait3A_20 = tpu.memref_squeeze %dma_wait3A_19 : memref<1x3136x32xf32, #tpu.memory_space<hbm>> -> memref<3136x32xf32, #tpu.memory_space<hbm>>
      %dma_wait3A_21 = arith.constant 0 : i32
      %dma_wait3A_22 = tpu.memref_slice %arg10[%mul3A_12, %dma_wait3A_21] : memref<50176x32xf32, #tpu.memory_space<vmem_shared>> -> memref<3136x32xf32, #tpu.memory_space<vmem_shared>>
      tpu.wait_dma2 semaphore(%run_scoped3A : memref<!tpu.dma_semaphore, #tpu.memory_space<semaphore_mem>>) src(%dma_wait3A_22 : memref<3136x32xf32, #tpu.memory_space<vmem_shared>>) dst(%dma_wait3A_20 : memref<3136x32xf32, #tpu.memory_space<hbm>>)
      tpu.yield
    }) : () -> ()
    return
  }
}

#map = affine_map<(d0, d1) -> (0, 0)>
#map1 = affine_map<(d0, d1) -> (0, 0, 0)>
module attributes {stable_mosaic.version = 14 : i64} {
  func.func @k(%arg0: i32, %arg1: i32, %arg2: memref<50176x32xf32, #tpu.memory_space<hbm>>, %arg3: memref<32x14x112xi32, #tpu.memory_space<hbm>>, %arg4: memref<50176x32xf32, #tpu.memory_space<hbm>>, %arg5: memref<14x112xi32, #tpu.memory_space<vmem>>, %arg6: memref<112x32xf32, #tpu.memory_space<vmem>>, %arg7: memref<!tpu.dma_semaphore, #tpu.memory_space<semaphore_mem>>) attributes {dimension_semantics = [#tpu.dimension_semantics<core_parallel>, #tpu.dimension_semantics<subcore_parallel>], iteration_bounds = array<i64: 2, 16>, scalar_prefetch = 0 : i64, scratch_operands = 3 : i64, tpu.core_type = #tpu.core_type<sc_vector_subcore>, window_params = [{transform_indices = #map}, {transform_indices = #map1}, {transform_indices = #map}]} {
    %mul3A = arith.constant 16 : i32
    %mul3A_0 = arith.muli %arg0, %mul3A : i32
    %add3A = arith.addi %mul3A_0, %arg1 : i32
    "tpu.region"() ({
      %run_scoped3A = tpu.sem_alloc : memref<!tpu.dma_semaphore, #tpu.memory_space<semaphore_mem>>
      %dma_start3A = arith.constant 0 : i32
      %dma_start3A_6 = arith.constant 0 : i32
      %dma_start3A_7 = tpu.memref_slice %arg3[%add3A, %dma_start3A, %dma_start3A_6] : memref<32x14x112xi32, #tpu.memory_space<hbm>> -> memref<1x14x112xi32, #tpu.memory_space<hbm>>
      %dma_start3A_8 = tpu.memref_squeeze %dma_start3A_7 : memref<1x14x112xi32, #tpu.memory_space<hbm>> -> memref<14x112xi32, #tpu.memory_space<hbm>>
      %dma_start3A_9 = arith.constant 0 : i32
      %dma_start3A_10 = arith.constant 0 : i32
      %dma_start3A_11 = tpu.memref_slice %arg3[%add3A, %dma_start3A_9, %dma_start3A_10] : memref<32x14x112xi32, #tpu.memory_space<hbm>> -> memref<1x14x112xi32, #tpu.memory_space<hbm>>
      %dma_start3A_12 = tpu.memref_squeeze %dma_start3A_11 : memref<1x14x112xi32, #tpu.memory_space<hbm>> -> memref<14x112xi32, #tpu.memory_space<hbm>>
      tpu.enqueue_dma source(%dma_start3A_12 : memref<14x112xi32, #tpu.memory_space<hbm>>) target(%arg5 : memref<14x112xi32, #tpu.memory_space<vmem>>) target_semaphore(%run_scoped3A : memref<!tpu.dma_semaphore, #tpu.memory_space<semaphore_mem>>)
      %dma_wait3A = arith.constant 0 : i32
      %dma_wait3A_13 = arith.constant 0 : i32
      %dma_wait3A_14 = tpu.memref_slice %arg3[%add3A, %dma_wait3A, %dma_wait3A_13] : memref<32x14x112xi32, #tpu.memory_space<hbm>> -> memref<1x14x112xi32, #tpu.memory_space<hbm>>
      %dma_wait3A_15 = tpu.memref_squeeze %dma_wait3A_14 : memref<1x14x112xi32, #tpu.memory_space<hbm>> -> memref<14x112xi32, #tpu.memory_space<hbm>>
      %dma_wait3A_16 = arith.constant 0 : i32
      %dma_wait3A_17 = arith.constant 0 : i32
      %dma_wait3A_18 = tpu.memref_slice %arg3[%add3A, %dma_wait3A_16, %dma_wait3A_17] : memref<32x14x112xi32, #tpu.memory_space<hbm>> -> memref<1x14x112xi32, #tpu.memory_space<hbm>>
      %dma_wait3A_19 = tpu.memref_squeeze %dma_wait3A_18 : memref<1x14x112xi32, #tpu.memory_space<hbm>> -> memref<14x112xi32, #tpu.memory_space<hbm>>
      tpu.wait_dma2 semaphore(%run_scoped3A : memref<!tpu.dma_semaphore, #tpu.memory_space<semaphore_mem>>) src(%dma_wait3A_19 : memref<14x112xi32, #tpu.memory_space<hbm>>) dst(%arg5 : memref<14x112xi32, #tpu.memory_space<vmem>>)
      tpu.yield
    }) : () -> ()
    %scan3A = arith.constant 0 : i32
    %scan3A_1 = arith.constant 0 : i32
    %scan3A_2 = arith.constant 14 : i32
    %scan3A_3 = arith.addi %scan3A_1, %scan3A_2 : i32
    %scan3A_4 = arith.constant 1 : i32
    scf.for %scan3A_6 = %scan3A_1 to %scan3A_3 step %scan3A_4  : i32 {
      %dma_start3A = arith.constant 0 : i32
      %dma_start3A_7 = tpu.memref_slice %arg5[%scan3A_6, %dma_start3A] : memref<14x112xi32, #tpu.memory_space<vmem>> -> memref<1x112xi32, #tpu.memory_space<vmem>>
      %dma_start3A_8 = tpu.memref_squeeze %dma_start3A_7 : memref<1x112xi32, #tpu.memory_space<vmem>> -> memref<112xi32, #tpu.memory_space<vmem>>
      %dma_start3A_9 = arith.constant 0 : i32
      %dma_start3A_10 = arith.constant 0 : i32
      %dma_start3A_11 = tpu.memref_slice %arg2[%dma_start3A_9, %dma_start3A_10] : memref<50176x32xf32, #tpu.memory_space<hbm>> -> memref<50176x32xf32, #tpu.memory_space<hbm>>
      tpu.enqueue_indirect_dma source(%dma_start3A_11 : memref<50176x32xf32, #tpu.memory_space<hbm>>) target(%arg6 : memref<112x32xf32, #tpu.memory_space<vmem>>) offsets(%dma_start3A_8 : memref<112xi32, #tpu.memory_space<vmem>>) semaphore(%arg7 : memref<!tpu.dma_semaphore, #tpu.memory_space<semaphore_mem>>)
      %dma_wait3A = arith.constant 0 : i32
      %dma_wait3A_12 = tpu.memref_slice %arg5[%scan3A_6, %dma_wait3A] : memref<14x112xi32, #tpu.memory_space<vmem>> -> memref<1x112xi32, #tpu.memory_space<vmem>>
      %dma_wait3A_13 = tpu.memref_squeeze %dma_wait3A_12 : memref<1x112xi32, #tpu.memory_space<vmem>> -> memref<112xi32, #tpu.memory_space<vmem>>
      %dma_wait3A_14 = arith.constant 0 : i32
      %dma_wait3A_15 = arith.constant 0 : i32
      %dma_wait3A_16 = tpu.memref_slice %arg2[%dma_wait3A_14, %dma_wait3A_15] : memref<50176x32xf32, #tpu.memory_space<hbm>> -> memref<50176x32xf32, #tpu.memory_space<hbm>>
      tpu.wait_indirect_dma semaphore(%arg7 : memref<!tpu.dma_semaphore, #tpu.memory_space<semaphore_mem>>) src(%dma_wait3A_16 : memref<50176x32xf32, #tpu.memory_space<hbm>>) dst(%arg6 : memref<112x32xf32, #tpu.memory_space<vmem>>)
      %mul3A_17 = arith.constant 14 : i32
      %mul3A_18 = arith.muli %add3A, %mul3A_17 : i32
      %mul3A_19 = arith.constant 112 : i32
      %mul3A_20 = arith.muli %mul3A_18, %mul3A_19 : i32
      %mul3A_21 = arith.constant 112 : i32
      %mul3A_22 = arith.muli %scan3A_6, %mul3A_21 : i32
      %add3A_23 = arith.addi %mul3A_20, %mul3A_22 : i32
      "tpu.region"() ({
        %run_scoped3A = tpu.sem_alloc : memref<!tpu.dma_semaphore, #tpu.memory_space<semaphore_mem>>
        %dma_start3A_24 = arith.constant 0 : i32
        %dma_start3A_25 = tpu.memref_slice %arg4[%add3A_23, %dma_start3A_24] : memref<50176x32xf32, #tpu.memory_space<hbm>> -> memref<112x32xf32, #tpu.memory_space<hbm>>
        %dma_start3A_26 = arith.constant 0 : i32
        %dma_start3A_27 = tpu.memref_slice %arg4[%add3A_23, %dma_start3A_26] : memref<50176x32xf32, #tpu.memory_space<hbm>> -> memref<112x32xf32, #tpu.memory_space<hbm>>
        tpu.enqueue_dma source(%arg6 : memref<112x32xf32, #tpu.memory_space<vmem>>) target(%dma_start3A_27 : memref<112x32xf32, #tpu.memory_space<hbm>>) target_semaphore(%run_scoped3A : memref<!tpu.dma_semaphore, #tpu.memory_space<semaphore_mem>>)
        %dma_wait3A_28 = arith.constant 0 : i32
        %dma_wait3A_29 = tpu.memref_slice %arg4[%add3A_23, %dma_wait3A_28] : memref<50176x32xf32, #tpu.memory_space<hbm>> -> memref<112x32xf32, #tpu.memory_space<hbm>>
        %dma_wait3A_30 = arith.constant 0 : i32
        %dma_wait3A_31 = tpu.memref_slice %arg4[%add3A_23, %dma_wait3A_30] : memref<50176x32xf32, #tpu.memory_space<hbm>> -> memref<112x32xf32, #tpu.memory_space<hbm>>
        tpu.wait_dma2 semaphore(%run_scoped3A : memref<!tpu.dma_semaphore, #tpu.memory_space<semaphore_mem>>) src(%arg6 : memref<112x32xf32, #tpu.memory_space<vmem>>) dst(%dma_wait3A_31 : memref<112x32xf32, #tpu.memory_space<hbm>>)
        tpu.yield
      }) : () -> ()
    }
    %scan3A_5 = arith.constant 14 : i32
    return
  }
}

#map = affine_map<(d0, d1) -> (0, 0)>
#map1 = affine_map<(d0, d1) -> (0, 0, 0)>
module attributes {stable_mosaic.version = 14 : i64} {
  func.func @k(%arg0: i32, %arg1: i32, %arg2: memref<100352x32xf32, #tpu.memory_space<hbm>>, %arg3: memref<32x196x128xi32, #tpu.memory_space<hbm>>, %arg4: memref<32x196x128xi32, #tpu.memory_space<hbm>>, %arg5: memref<50176x32xf32, #tpu.memory_space<hbm>>, %arg6: memref<2x50176x32xf32, #tpu.memory_space<hbm>>, %arg7: memref<28x128xi32, #tpu.memory_space<vmem>>, %arg8: memref<28x128xi32, #tpu.memory_space<vmem>>, %arg9: memref<4x128x32xf32, #tpu.memory_space<vmem>>, %arg10: memref<50176x32xf32, #tpu.memory_space<vmem_shared>>, %arg11: memref<4x!tpu.dma_semaphore, #tpu.memory_space<semaphore_mem>>) attributes {dimension_semantics = [#tpu.dimension_semantics<core_parallel>, #tpu.dimension_semantics<subcore_parallel>], iteration_bounds = array<i64: 2, 16>, scalar_prefetch = 0 : i64, scratch_operands = 5 : i64, tpu.core_type = #tpu.core_type<sc_vector_subcore>, window_params = [{transform_indices = #map}, {transform_indices = #map1}, {transform_indices = #map1}, {transform_indices = #map}, {transform_indices = #map1}]} {
    %mul3A = arith.constant 16 : i32
    %mul3A_0 = arith.muli %arg0, %mul3A : i32
    %add3A = arith.addi %mul3A_0, %arg1 : i32
    %mul3A_1 = arith.constant 3136 : i32
    %mul3A_2 = arith.muli %arg1, %mul3A_1 : i32
    %mul3A_3 = arith.constant 3136 : i32
    %mul3A_4 = arith.muli %arg1, %mul3A_3 : i32
    "tpu.region"() ({
      %run_scoped3A = tpu.sem_alloc : memref<!tpu.dma_semaphore, #tpu.memory_space<semaphore_mem>>
      %dma_start3A = arith.constant 0 : i32
      %dma_start3A_15 = tpu.memref_slice %arg10[%mul3A_4, %dma_start3A] : memref<50176x32xf32, #tpu.memory_space<vmem_shared>> -> memref<3136x32xf32, #tpu.memory_space<vmem_shared>>
      %dma_start3A_16 = arith.constant 0 : i32
      %dma_start3A_17 = tpu.memref_slice %arg5[%mul3A_2, %dma_start3A_16] : memref<50176x32xf32, #tpu.memory_space<hbm>> -> memref<3136x32xf32, #tpu.memory_space<hbm>>
      tpu.enqueue_dma source(%dma_start3A_17 : memref<3136x32xf32, #tpu.memory_space<hbm>>) target(%dma_start3A_15 : memref<3136x32xf32, #tpu.memory_space<vmem_shared>>) target_semaphore(%run_scoped3A : memref<!tpu.dma_semaphore, #tpu.memory_space<semaphore_mem>>)
      %dma_wait3A = arith.constant 0 : i32
      %dma_wait3A_18 = tpu.memref_slice %arg10[%mul3A_4, %dma_wait3A] : memref<50176x32xf32, #tpu.memory_space<vmem_shared>> -> memref<3136x32xf32, #tpu.memory_space<vmem_shared>>
      %dma_wait3A_19 = arith.constant 0 : i32
      %dma_wait3A_20 = tpu.memref_slice %arg5[%mul3A_2, %dma_wait3A_19] : memref<50176x32xf32, #tpu.memory_space<hbm>> -> memref<3136x32xf32, #tpu.memory_space<hbm>>
      tpu.wait_dma2 semaphore(%run_scoped3A : memref<!tpu.dma_semaphore, #tpu.memory_space<semaphore_mem>>) src(%dma_wait3A_20 : memref<3136x32xf32, #tpu.memory_space<hbm>>) dst(%dma_wait3A_18 : memref<3136x32xf32, #tpu.memory_space<vmem_shared>>)
      tpu.yield
    }) : () -> ()
    %barrier3A = arith.constant 0 : index
    tpu.barrier barrier_id(%barrier3A)
    %scan3A = arith.constant 0 : i32
    %scan3A_5 = arith.constant 0 : i32
    %scan3A_6 = arith.constant 7 : i32
    %scan3A_7 = arith.addi %scan3A_5, %scan3A_6 : i32
    %scan3A_8 = arith.constant 1 : i32
    scf.for %scan3A_15 = %scan3A_5 to %scan3A_7 step %scan3A_8  : i32 {
      %mul3A_16 = arith.constant 28 : i32
      %mul3A_17 = arith.muli %scan3A_15, %mul3A_16 : i32
      "tpu.region"() ({
        %run_scoped3A = tpu.sem_alloc : memref<!tpu.dma_semaphore, #tpu.memory_space<semaphore_mem>>
        %dma_start3A = arith.constant 0 : i32
        %dma_start3A_26 = tpu.memref_slice %arg3[%add3A, %mul3A_17, %dma_start3A] : memref<32x196x128xi32, #tpu.memory_space<hbm>> -> memref<1x28x128xi32, #tpu.memory_space<hbm>>
        %dma_start3A_27 = tpu.memref_squeeze %dma_start3A_26 : memref<1x28x128xi32, #tpu.memory_space<hbm>> -> memref<28x128xi32, #tpu.memory_space<hbm>>
        %dma_start3A_28 = arith.constant 0 : i32
        %dma_start3A_29 = tpu.memref_slice %arg3[%add3A, %mul3A_17, %dma_start3A_28] : memref<32x196x128xi32, #tpu.memory_space<hbm>> -> memref<1x28x128xi32, #tpu.memory_space<hbm>>
        %dma_start3A_30 = tpu.memref_squeeze %dma_start3A_29 : memref<1x28x128xi32, #tpu.memory_space<hbm>> -> memref<28x128xi32, #tpu.memory_space<hbm>>
        tpu.enqueue_dma source(%dma_start3A_30 : memref<28x128xi32, #tpu.memory_space<hbm>>) target(%arg7 : memref<28x128xi32, #tpu.memory_space<vmem>>) target_semaphore(%run_scoped3A : memref<!tpu.dma_semaphore, #tpu.memory_space<semaphore_mem>>)
        %dma_wait3A = arith.constant 0 : i32
        %dma_wait3A_31 = tpu.memref_slice %arg3[%add3A, %mul3A_17, %dma_wait3A] : memref<32x196x128xi32, #tpu.memory_space<hbm>> -> memref<1x28x128xi32, #tpu.memory_space<hbm>>
        %dma_wait3A_32 = tpu.memref_squeeze %dma_wait3A_31 : memref<1x28x128xi32, #tpu.memory_space<hbm>> -> memref<28x128xi32, #tpu.memory_space<hbm>>
        %dma_wait3A_33 = arith.constant 0 : i32
        %dma_wait3A_34 = tpu.memref_slice %arg3[%add3A, %mul3A_17, %dma_wait3A_33] : memref<32x196x128xi32, #tpu.memory_space<hbm>> -> memref<1x28x128xi32, #tpu.memory_space<hbm>>
        %dma_wait3A_35 = tpu.memref_squeeze %dma_wait3A_34 : memref<1x28x128xi32, #tpu.memory_space<hbm>> -> memref<28x128xi32, #tpu.memory_space<hbm>>
        tpu.wait_dma2 semaphore(%run_scoped3A : memref<!tpu.dma_semaphore, #tpu.memory_space<semaphore_mem>>) src(%dma_wait3A_35 : memref<28x128xi32, #tpu.memory_space<hbm>>) dst(%arg7 : memref<28x128xi32, #tpu.memory_space<vmem>>)
        tpu.yield
      }) : () -> ()
      %mul3A_18 = arith.constant 28 : i32
      %mul3A_19 = arith.muli %scan3A_15, %mul3A_18 : i32
      "tpu.region"() ({
        %run_scoped3A = tpu.sem_alloc : memref<!tpu.dma_semaphore, #tpu.memory_space<semaphore_mem>>
        %dma_start3A = arith.constant 0 : i32
        %dma_start3A_26 = tpu.memref_slice %arg4[%add3A, %mul3A_19, %dma_start3A] : memref<32x196x128xi32, #tpu.memory_space<hbm>> -> memref<1x28x128xi32, #tpu.memory_space<hbm>>
        %dma_start3A_27 = tpu.memref_squeeze %dma_start3A_26 : memref<1x28x128xi32, #tpu.memory_space<hbm>> -> memref<28x128xi32, #tpu.memory_space<hbm>>
        %dma_start3A_28 = arith.constant 0 : i32
        %dma_start3A_29 = tpu.memref_slice %arg4[%add3A, %mul3A_19, %dma_start3A_28] : memref<32x196x128xi32, #tpu.memory_space<hbm>> -> memref<1x28x128xi32, #tpu.memory_space<hbm>>
        %dma_start3A_30 = tpu.memref_squeeze %dma_start3A_29 : memref<1x28x128xi32, #tpu.memory_space<hbm>> -> memref<28x128xi32, #tpu.memory_space<hbm>>
        tpu.enqueue_dma source(%dma_start3A_30 : memref<28x128xi32, #tpu.memory_space<hbm>>) target(%arg8 : memref<28x128xi32, #tpu.memory_space<vmem>>) target_semaphore(%run_scoped3A : memref<!tpu.dma_semaphore, #tpu.memory_space<semaphore_mem>>)
        %dma_wait3A = arith.constant 0 : i32
        %dma_wait3A_31 = tpu.memref_slice %arg4[%add3A, %mul3A_19, %dma_wait3A] : memref<32x196x128xi32, #tpu.memory_space<hbm>> -> memref<1x28x128xi32, #tpu.memory_space<hbm>>
        %dma_wait3A_32 = tpu.memref_squeeze %dma_wait3A_31 : memref<1x28x128xi32, #tpu.memory_space<hbm>> -> memref<28x128xi32, #tpu.memory_space<hbm>>
        %dma_wait3A_33 = arith.constant 0 : i32
        %dma_wait3A_34 = tpu.memref_slice %arg4[%add3A, %mul3A_19, %dma_wait3A_33] : memref<32x196x128xi32, #tpu.memory_space<hbm>> -> memref<1x28x128xi32, #tpu.memory_space<hbm>>
        %dma_wait3A_35 = tpu.memref_squeeze %dma_wait3A_34 : memref<1x28x128xi32, #tpu.memory_space<hbm>> -> memref<28x128xi32, #tpu.memory_space<hbm>>
        tpu.wait_dma2 semaphore(%run_scoped3A : memref<!tpu.dma_semaphore, #tpu.memory_space<semaphore_mem>>) src(%dma_wait3A_35 : memref<28x128xi32, #tpu.memory_space<hbm>>) dst(%arg8 : memref<28x128xi32, #tpu.memory_space<vmem>>)
        tpu.yield
      }) : () -> ()
      %scan3A_20 = arith.constant 0 : i32
      %scan3A_21 = arith.constant 0 : i32
      %scan3A_22 = arith.constant 7 : i32
      %scan3A_23 = arith.addi %scan3A_21, %scan3A_22 : i32
      %scan3A_24 = arith.constant 1 : i32
      scf.for %scan3A_26 = %scan3A_21 to %scan3A_23 step %scan3A_24  : i32 {
        %mul3A_27 = arith.constant 4 : i32
        %mul3A_28 = arith.muli %scan3A_26, %mul3A_27 : i32
        %add3A_29 = arith.constant 0 : i32
        %add3A_30 = arith.addi %mul3A_28, %add3A_29 : i32
        %dma_start3A = arith.constant 0 : i32
        %dma_start3A_31 = arith.constant 0 : i32
        %dma_start3A_32 = arith.constant 0 : i32
        %dma_start3A_33 = arith.constant 0 : i32
        %dma_start3A_34 = tpu.memref_slice %arg9[%dma_start3A, %dma_start3A_32, %dma_start3A_33] : memref<4x128x32xf32, #tpu.memory_space<vmem>> -> memref<1x128x32xf32, #tpu.memory_space<vmem>>
        %dma_start3A_35 = tpu.memref_squeeze %dma_start3A_34 : memref<1x128x32xf32, #tpu.memory_space<vmem>> -> memref<128x32xf32, #tpu.memory_space<vmem>>
        %dma_start3A_36 = arith.constant 0 : i32
        %dma_start3A_37 = tpu.memref_slice %arg7[%add3A_30, %dma_start3A_36] : memref<28x128xi32, #tpu.memory_space<vmem>> -> memref<1x128xi32, #tpu.memory_space<vmem>>
        %dma_start3A_38 = tpu.memref_squeeze %dma_start3A_37 : memref<1x128xi32, #tpu.memory_space<vmem>> -> memref<128xi32, #tpu.memory_space<vmem>>
        %dma_start3A_39 = arith.constant 0 : i32
        %dma_start3A_40 = arith.constant 0 : i32
        %dma_start3A_41 = tpu.memref_slice %arg2[%dma_start3A_39, %dma_start3A_40] : memref<100352x32xf32, #tpu.memory_space<hbm>> -> memref<100352x32xf32, #tpu.memory_space<hbm>>
        %dma_start3A_42 = tpu.memref_slice %arg11[%dma_start3A_31] : memref<4x!tpu.dma_semaphore, #tpu.memory_space<semaphore_mem>> -> memref<1x!tpu.dma_semaphore, #tpu.memory_space<semaphore_mem>>
        %dma_start3A_43 = tpu.memref_squeeze %dma_start3A_42 : memref<1x!tpu.dma_semaphore, #tpu.memory_space<semaphore_mem>> -> memref<!tpu.dma_semaphore, #tpu.memory_space<semaphore_mem>>
        tpu.enqueue_indirect_dma source(%dma_start3A_41 : memref<100352x32xf32, #tpu.memory_space<hbm>>) target(%dma_start3A_35 : memref<128x32xf32, #tpu.memory_space<vmem>>) offsets(%dma_start3A_38 : memref<128xi32, #tpu.memory_space<vmem>>) semaphore(%dma_start3A_43 : memref<!tpu.dma_semaphore, #tpu.memory_space<semaphore_mem>>)
        %mul3A_44 = arith.constant 4 : i32
        %mul3A_45 = arith.muli %scan3A_26, %mul3A_44 : i32
        %add3A_46 = arith.constant 1 : i32
        %add3A_47 = arith.addi %mul3A_45, %add3A_46 : i32
        %dma_start3A_48 = arith.constant 1 : i32
        %dma_start3A_49 = arith.constant 1 : i32
        %dma_start3A_50 = arith.constant 0 : i32
        %dma_start3A_51 = arith.constant 0 : i32
        %dma_start3A_52 = tpu.memref_slice %arg9[%dma_start3A_48, %dma_start3A_50, %dma_start3A_51] : memref<4x128x32xf32, #tpu.memory_space<vmem>> -> memref<1x128x32xf32, #tpu.memory_space<vmem>>
        %dma_start3A_53 = tpu.memref_squeeze %dma_start3A_52 : memref<1x128x32xf32, #tpu.memory_space<vmem>> -> memref<128x32xf32, #tpu.memory_space<vmem>>
        %dma_start3A_54 = arith.constant 0 : i32
        %dma_start3A_55 = tpu.memref_slice %arg7[%add3A_47, %dma_start3A_54] : memref<28x128xi32, #tpu.memory_space<vmem>> -> memref<1x128xi32, #tpu.memory_space<vmem>>
        %dma_start3A_56 = tpu.memref_squeeze %dma_start3A_55 : memref<1x128xi32, #tpu.memory_space<vmem>> -> memref<128xi32, #tpu.memory_space<vmem>>
        %dma_start3A_57 = arith.constant 0 : i32
        %dma_start3A_58 = arith.constant 0 : i32
        %dma_start3A_59 = tpu.memref_slice %arg2[%dma_start3A_57, %dma_start3A_58] : memref<100352x32xf32, #tpu.memory_space<hbm>> -> memref<100352x32xf32, #tpu.memory_space<hbm>>
        %dma_start3A_60 = tpu.memref_slice %arg11[%dma_start3A_49] : memref<4x!tpu.dma_semaphore, #tpu.memory_space<semaphore_mem>> -> memref<1x!tpu.dma_semaphore, #tpu.memory_space<semaphore_mem>>
        %dma_start3A_61 = tpu.memref_squeeze %dma_start3A_60 : memref<1x!tpu.dma_semaphore, #tpu.memory_space<semaphore_mem>> -> memref<!tpu.dma_semaphore, #tpu.memory_space<semaphore_mem>>
        tpu.enqueue_indirect_dma source(%dma_start3A_59 : memref<100352x32xf32, #tpu.memory_space<hbm>>) target(%dma_start3A_53 : memref<128x32xf32, #tpu.memory_space<vmem>>) offsets(%dma_start3A_56 : memref<128xi32, #tpu.memory_space<vmem>>) semaphore(%dma_start3A_61 : memref<!tpu.dma_semaphore, #tpu.memory_space<semaphore_mem>>)
        %mul3A_62 = arith.constant 4 : i32
        %mul3A_63 = arith.muli %scan3A_26, %mul3A_62 : i32
        %add3A_64 = arith.constant 2 : i32
        %add3A_65 = arith.addi %mul3A_63, %add3A_64 : i32
        %dma_start3A_66 = arith.constant 2 : i32
        %dma_start3A_67 = arith.constant 2 : i32
        %dma_start3A_68 = arith.constant 0 : i32
        %dma_start3A_69 = arith.constant 0 : i32
        %dma_start3A_70 = tpu.memref_slice %arg9[%dma_start3A_66, %dma_start3A_68, %dma_start3A_69] : memref<4x128x32xf32, #tpu.memory_space<vmem>> -> memref<1x128x32xf32, #tpu.memory_space<vmem>>
        %dma_start3A_71 = tpu.memref_squeeze %dma_start3A_70 : memref<1x128x32xf32, #tpu.memory_space<vmem>> -> memref<128x32xf32, #tpu.memory_space<vmem>>
        %dma_start3A_72 = arith.constant 0 : i32
        %dma_start3A_73 = tpu.memref_slice %arg7[%add3A_65, %dma_start3A_72] : memref<28x128xi32, #tpu.memory_space<vmem>> -> memref<1x128xi32, #tpu.memory_space<vmem>>
        %dma_start3A_74 = tpu.memref_squeeze %dma_start3A_73 : memref<1x128xi32, #tpu.memory_space<vmem>> -> memref<128xi32, #tpu.memory_space<vmem>>
        %dma_start3A_75 = arith.constant 0 : i32
        %dma_start3A_76 = arith.constant 0 : i32
        %dma_start3A_77 = tpu.memref_slice %arg2[%dma_start3A_75, %dma_start3A_76] : memref<100352x32xf32, #tpu.memory_space<hbm>> -> memref<100352x32xf32, #tpu.memory_space<hbm>>
        %dma_start3A_78 = tpu.memref_slice %arg11[%dma_start3A_67] : memref<4x!tpu.dma_semaphore, #tpu.memory_space<semaphore_mem>> -> memref<1x!tpu.dma_semaphore, #tpu.memory_space<semaphore_mem>>
        %dma_start3A_79 = tpu.memref_squeeze %dma_start3A_78 : memref<1x!tpu.dma_semaphore, #tpu.memory_space<semaphore_mem>> -> memref<!tpu.dma_semaphore, #tpu.memory_space<semaphore_mem>>
        tpu.enqueue_indirect_dma source(%dma_start3A_77 : memref<100352x32xf32, #tpu.memory_space<hbm>>) target(%dma_start3A_71 : memref<128x32xf32, #tpu.memory_space<vmem>>) offsets(%dma_start3A_74 : memref<128xi32, #tpu.memory_space<vmem>>) semaphore(%dma_start3A_79 : memref<!tpu.dma_semaphore, #tpu.memory_space<semaphore_mem>>)
        %mul3A_80 = arith.constant 4 : i32
        %mul3A_81 = arith.muli %scan3A_26, %mul3A_80 : i32
        %add3A_82 = arith.constant 3 : i32
        %add3A_83 = arith.addi %mul3A_81, %add3A_82 : i32
        %dma_start3A_84 = arith.constant 3 : i32
        %dma_start3A_85 = arith.constant 3 : i32
        %dma_start3A_86 = arith.constant 0 : i32
        %dma_start3A_87 = arith.constant 0 : i32
        %dma_start3A_88 = tpu.memref_slice %arg9[%dma_start3A_84, %dma_start3A_86, %dma_start3A_87] : memref<4x128x32xf32, #tpu.memory_space<vmem>> -> memref<1x128x32xf32, #tpu.memory_space<vmem>>
        %dma_start3A_89 = tpu.memref_squeeze %dma_start3A_88 : memref<1x128x32xf32, #tpu.memory_space<vmem>> -> memref<128x32xf32, #tpu.memory_space<vmem>>
        %dma_start3A_90 = arith.constant 0 : i32
        %dma_start3A_91 = tpu.memref_slice %arg7[%add3A_83, %dma_start3A_90] : memref<28x128xi32, #tpu.memory_space<vmem>> -> memref<1x128xi32, #tpu.memory_space<vmem>>
        %dma_start3A_92 = tpu.memref_squeeze %dma_start3A_91 : memref<1x128xi32, #tpu.memory_space<vmem>> -> memref<128xi32, #tpu.memory_space<vmem>>
        %dma_start3A_93 = arith.constant 0 : i32
        %dma_start3A_94 = arith.constant 0 : i32
        %dma_start3A_95 = tpu.memref_slice %arg2[%dma_start3A_93, %dma_start3A_94] : memref<100352x32xf32, #tpu.memory_space<hbm>> -> memref<100352x32xf32, #tpu.memory_space<hbm>>
        %dma_start3A_96 = tpu.memref_slice %arg11[%dma_start3A_85] : memref<4x!tpu.dma_semaphore, #tpu.memory_space<semaphore_mem>> -> memref<1x!tpu.dma_semaphore, #tpu.memory_space<semaphore_mem>>
        %dma_start3A_97 = tpu.memref_squeeze %dma_start3A_96 : memref<1x!tpu.dma_semaphore, #tpu.memory_space<semaphore_mem>> -> memref<!tpu.dma_semaphore, #tpu.memory_space<semaphore_mem>>
        tpu.enqueue_indirect_dma source(%dma_start3A_95 : memref<100352x32xf32, #tpu.memory_space<hbm>>) target(%dma_start3A_89 : memref<128x32xf32, #tpu.memory_space<vmem>>) offsets(%dma_start3A_92 : memref<128xi32, #tpu.memory_space<vmem>>) semaphore(%dma_start3A_97 : memref<!tpu.dma_semaphore, #tpu.memory_space<semaphore_mem>>)
        %mul3A_98 = arith.constant 4 : i32
        %mul3A_99 = arith.muli %scan3A_26, %mul3A_98 : i32
        %add3A_100 = arith.constant 0 : i32
        %add3A_101 = arith.addi %mul3A_99, %add3A_100 : i32
        %dma_wait3A = arith.constant 0 : i32
        %dma_wait3A_102 = arith.constant 0 : i32
        %dma_wait3A_103 = arith.constant 0 : i32
        %dma_wait3A_104 = arith.constant 0 : i32
        %dma_wait3A_105 = tpu.memref_slice %arg9[%dma_wait3A, %dma_wait3A_103, %dma_wait3A_104] : memref<4x128x32xf32, #tpu.memory_space<vmem>> -> memref<1x128x32xf32, #tpu.memory_space<vmem>>
        %dma_wait3A_106 = tpu.memref_squeeze %dma_wait3A_105 : memref<1x128x32xf32, #tpu.memory_space<vmem>> -> memref<128x32xf32, #tpu.memory_space<vmem>>
        %dma_wait3A_107 = arith.constant 0 : i32
        %dma_wait3A_108 = tpu.memref_slice %arg7[%add3A_30, %dma_wait3A_107] : memref<28x128xi32, #tpu.memory_space<vmem>> -> memref<1x128xi32, #tpu.memory_space<vmem>>
        %dma_wait3A_109 = tpu.memref_squeeze %dma_wait3A_108 : memref<1x128xi32, #tpu.memory_space<vmem>> -> memref<128xi32, #tpu.memory_space<vmem>>
        %dma_wait3A_110 = arith.constant 0 : i32
        %dma_wait3A_111 = arith.constant 0 : i32
        %dma_wait3A_112 = tpu.memref_slice %arg2[%dma_wait3A_110, %dma_wait3A_111] : memref<100352x32xf32, #tpu.memory_space<hbm>> -> memref<100352x32xf32, #tpu.memory_space<hbm>>
        %dma_wait3A_113 = tpu.memref_slice %arg11[%dma_wait3A_102] : memref<4x!tpu.dma_semaphore, #tpu.memory_space<semaphore_mem>> -> memref<1x!tpu.dma_semaphore, #tpu.memory_space<semaphore_mem>>
        %dma_wait3A_114 = tpu.memref_squeeze %dma_wait3A_113 : memref<1x!tpu.dma_semaphore, #tpu.memory_space<semaphore_mem>> -> memref<!tpu.dma_semaphore, #tpu.memory_space<semaphore_mem>>
        tpu.wait_indirect_dma semaphore(%dma_wait3A_114 : memref<!tpu.dma_semaphore, #tpu.memory_space<semaphore_mem>>) src(%dma_wait3A_112 : memref<100352x32xf32, #tpu.memory_space<hbm>>) dst(%dma_wait3A_106 : memref<128x32xf32, #tpu.memory_space<vmem>>)
        %run_scoped3A = arith.constant 0 : i32
        "tpu.region"() ({
          %run_scoped3A_172 = tpu.sem_alloc : memref<!tpu.dma_semaphore, #tpu.memory_space<semaphore_mem>>
          %dma_start3A_173 = arith.constant 0 : i32
          %dma_start3A_174 = arith.constant 0 : i32
          %dma_start3A_175 = tpu.memref_slice %arg9[%run_scoped3A, %dma_start3A_173, %dma_start3A_174] : memref<4x128x32xf32, #tpu.memory_space<vmem>> -> memref<1x128x32xf32, #tpu.memory_space<vmem>>
          %dma_start3A_176 = tpu.memref_squeeze %dma_start3A_175 : memref<1x128x32xf32, #tpu.memory_space<vmem>> -> memref<128x32xf32, #tpu.memory_space<vmem>>
          %dma_start3A_177 = arith.constant 0 : i32
          %dma_start3A_178 = tpu.memref_slice %arg8[%add3A_101, %dma_start3A_177] : memref<28x128xi32, #tpu.memory_space<vmem>> -> memref<1x128xi32, #tpu.memory_space<vmem>>
          %dma_start3A_179 = tpu.memref_squeeze %dma_start3A_178 : memref<1x128xi32, #tpu.memory_space<vmem>> -> memref<128xi32, #tpu.memory_space<vmem>>
          %dma_start3A_180 = arith.constant 0 : i32
          %dma_start3A_181 = arith.constant 0 : i32
          %dma_start3A_182 = tpu.memref_slice %arg10[%dma_start3A_180, %dma_start3A_181] : memref<50176x32xf32, #tpu.memory_space<vmem_shared>> -> memref<50176x32xf32, #tpu.memory_space<vmem_shared>>
          tpu.enqueue_indirect_dma source(%dma_start3A_176 : memref<128x32xf32, #tpu.memory_space<vmem>>) target(%dma_start3A_182 : memref<50176x32xf32, #tpu.memory_space<vmem_shared>>) offsets(%dma_start3A_179 : memref<128xi32, #tpu.memory_space<vmem>>) semaphore(%run_scoped3A_172 : memref<!tpu.dma_semaphore, #tpu.memory_space<semaphore_mem>>) {add = true}
          %dma_wait3A_183 = arith.constant 0 : i32
          %dma_wait3A_184 = arith.constant 0 : i32
          %dma_wait3A_185 = tpu.memref_slice %arg9[%run_scoped3A, %dma_wait3A_183, %dma_wait3A_184] : memref<4x128x32xf32, #tpu.memory_space<vmem>> -> memref<1x128x32xf32, #tpu.memory_space<vmem>>
          %dma_wait3A_186 = tpu.memref_squeeze %dma_wait3A_185 : memref<1x128x32xf32, #tpu.memory_space<vmem>> -> memref<128x32xf32, #tpu.memory_space<vmem>>
          %dma_wait3A_187 = arith.constant 0 : i32
          %dma_wait3A_188 = tpu.memref_slice %arg8[%add3A_101, %dma_wait3A_187] : memref<28x128xi32, #tpu.memory_space<vmem>> -> memref<1x128xi32, #tpu.memory_space<vmem>>
          %dma_wait3A_189 = tpu.memref_squeeze %dma_wait3A_188 : memref<1x128xi32, #tpu.memory_space<vmem>> -> memref<128xi32, #tpu.memory_space<vmem>>
          %dma_wait3A_190 = arith.constant 0 : i32
          %dma_wait3A_191 = arith.constant 0 : i32
          %dma_wait3A_192 = tpu.memref_slice %arg10[%dma_wait3A_190, %dma_wait3A_191] : memref<50176x32xf32, #tpu.memory_space<vmem_shared>> -> memref<50176x32xf32, #tpu.memory_space<vmem_shared>>
          tpu.wait_indirect_dma semaphore(%run_scoped3A_172 : memref<!tpu.dma_semaphore, #tpu.memory_space<semaphore_mem>>) src(%dma_wait3A_186 : memref<128x32xf32, #tpu.memory_space<vmem>>) dst(%dma_wait3A_192 : memref<50176x32xf32, #tpu.memory_space<vmem_shared>>)
          tpu.yield
        }) : () -> ()
        %mul3A_115 = arith.constant 4 : i32
        %mul3A_116 = arith.muli %scan3A_26, %mul3A_115 : i32
        %add3A_117 = arith.constant 1 : i32
        %add3A_118 = arith.addi %mul3A_116, %add3A_117 : i32
        %dma_wait3A_119 = arith.constant 1 : i32
        %dma_wait3A_120 = arith.constant 1 : i32
        %dma_wait3A_121 = arith.constant 0 : i32
        %dma_wait3A_122 = arith.constant 0 : i32
        %dma_wait3A_123 = tpu.memref_slice %arg9[%dma_wait3A_119, %dma_wait3A_121, %dma_wait3A_122] : memref<4x128x32xf32, #tpu.memory_space<vmem>> -> memref<1x128x32xf32, #tpu.memory_space<vmem>>
        %dma_wait3A_124 = tpu.memref_squeeze %dma_wait3A_123 : memref<1x128x32xf32, #tpu.memory_space<vmem>> -> memref<128x32xf32, #tpu.memory_space<vmem>>
        %dma_wait3A_125 = arith.constant 0 : i32
        %dma_wait3A_126 = tpu.memref_slice %arg7[%add3A_47, %dma_wait3A_125] : memref<28x128xi32, #tpu.memory_space<vmem>> -> memref<1x128xi32, #tpu.memory_space<vmem>>
        %dma_wait3A_127 = tpu.memref_squeeze %dma_wait3A_126 : memref<1x128xi32, #tpu.memory_space<vmem>> -> memref<128xi32, #tpu.memory_space<vmem>>
        %dma_wait3A_128 = arith.constant 0 : i32
        %dma_wait3A_129 = arith.constant 0 : i32
        %dma_wait3A_130 = tpu.memref_slice %arg2[%dma_wait3A_128, %dma_wait3A_129] : memref<100352x32xf32, #tpu.memory_space<hbm>> -> memref<100352x32xf32, #tpu.memory_space<hbm>>
        %dma_wait3A_131 = tpu.memref_slice %arg11[%dma_wait3A_120] : memref<4x!tpu.dma_semaphore, #tpu.memory_space<semaphore_mem>> -> memref<1x!tpu.dma_semaphore, #tpu.memory_space<semaphore_mem>>
        %dma_wait3A_132 = tpu.memref_squeeze %dma_wait3A_131 : memref<1x!tpu.dma_semaphore, #tpu.memory_space<semaphore_mem>> -> memref<!tpu.dma_semaphore, #tpu.memory_space<semaphore_mem>>
        tpu.wait_indirect_dma semaphore(%dma_wait3A_132 : memref<!tpu.dma_semaphore, #tpu.memory_space<semaphore_mem>>) src(%dma_wait3A_130 : memref<100352x32xf32, #tpu.memory_space<hbm>>) dst(%dma_wait3A_124 : memref<128x32xf32, #tpu.memory_space<vmem>>)
        %run_scoped3A_133 = arith.constant 1 : i32
        "tpu.region"() ({
          %run_scoped3A_172 = tpu.sem_alloc : memref<!tpu.dma_semaphore, #tpu.memory_space<semaphore_mem>>
          %dma_start3A_173 = arith.constant 0 : i32
          %dma_start3A_174 = arith.constant 0 : i32
          %dma_start3A_175 = tpu.memref_slice %arg9[%run_scoped3A_133, %dma_start3A_173, %dma_start3A_174] : memref<4x128x32xf32, #tpu.memory_space<vmem>> -> memref<1x128x32xf32, #tpu.memory_space<vmem>>
          %dma_start3A_176 = tpu.memref_squeeze %dma_start3A_175 : memref<1x128x32xf32, #tpu.memory_space<vmem>> -> memref<128x32xf32, #tpu.memory_space<vmem>>
          %dma_start3A_177 = arith.constant 0 : i32
          %dma_start3A_178 = tpu.memref_slice %arg8[%add3A_118, %dma_start3A_177] : memref<28x128xi32, #tpu.memory_space<vmem>> -> memref<1x128xi32, #tpu.memory_space<vmem>>
          %dma_start3A_179 = tpu.memref_squeeze %dma_start3A_178 : memref<1x128xi32, #tpu.memory_space<vmem>> -> memref<128xi32, #tpu.memory_space<vmem>>
          %dma_start3A_180 = arith.constant 0 : i32
          %dma_start3A_181 = arith.constant 0 : i32
          %dma_start3A_182 = tpu.memref_slice %arg10[%dma_start3A_180, %dma_start3A_181] : memref<50176x32xf32, #tpu.memory_space<vmem_shared>> -> memref<50176x32xf32, #tpu.memory_space<vmem_shared>>
          tpu.enqueue_indirect_dma source(%dma_start3A_176 : memref<128x32xf32, #tpu.memory_space<vmem>>) target(%dma_start3A_182 : memref<50176x32xf32, #tpu.memory_space<vmem_shared>>) offsets(%dma_start3A_179 : memref<128xi32, #tpu.memory_space<vmem>>) semaphore(%run_scoped3A_172 : memref<!tpu.dma_semaphore, #tpu.memory_space<semaphore_mem>>) {add = true}
          %dma_wait3A_183 = arith.constant 0 : i32
          %dma_wait3A_184 = arith.constant 0 : i32
          %dma_wait3A_185 = tpu.memref_slice %arg9[%run_scoped3A_133, %dma_wait3A_183, %dma_wait3A_184] : memref<4x128x32xf32, #tpu.memory_space<vmem>> -> memref<1x128x32xf32, #tpu.memory_space<vmem>>
          %dma_wait3A_186 = tpu.memref_squeeze %dma_wait3A_185 : memref<1x128x32xf32, #tpu.memory_space<vmem>> -> memref<128x32xf32, #tpu.memory_space<vmem>>
          %dma_wait3A_187 = arith.constant 0 : i32
          %dma_wait3A_188 = tpu.memref_slice %arg8[%add3A_118, %dma_wait3A_187] : memref<28x128xi32, #tpu.memory_space<vmem>> -> memref<1x128xi32, #tpu.memory_space<vmem>>
          %dma_wait3A_189 = tpu.memref_squeeze %dma_wait3A_188 : memref<1x128xi32, #tpu.memory_space<vmem>> -> memref<128xi32, #tpu.memory_space<vmem>>
          %dma_wait3A_190 = arith.constant 0 : i32
          %dma_wait3A_191 = arith.constant 0 : i32
          %dma_wait3A_192 = tpu.memref_slice %arg10[%dma_wait3A_190, %dma_wait3A_191] : memref<50176x32xf32, #tpu.memory_space<vmem_shared>> -> memref<50176x32xf32, #tpu.memory_space<vmem_shared>>
          tpu.wait_indirect_dma semaphore(%run_scoped3A_172 : memref<!tpu.dma_semaphore, #tpu.memory_space<semaphore_mem>>) src(%dma_wait3A_186 : memref<128x32xf32, #tpu.memory_space<vmem>>) dst(%dma_wait3A_192 : memref<50176x32xf32, #tpu.memory_space<vmem_shared>>)
          tpu.yield
        }) : () -> ()
        %mul3A_134 = arith.constant 4 : i32
        %mul3A_135 = arith.muli %scan3A_26, %mul3A_134 : i32
        %add3A_136 = arith.constant 2 : i32
        %add3A_137 = arith.addi %mul3A_135, %add3A_136 : i32
        %dma_wait3A_138 = arith.constant 2 : i32
        %dma_wait3A_139 = arith.constant 2 : i32
        %dma_wait3A_140 = arith.constant 0 : i32
        %dma_wait3A_141 = arith.constant 0 : i32
        %dma_wait3A_142 = tpu.memref_slice %arg9[%dma_wait3A_138, %dma_wait3A_140, %dma_wait3A_141] : memref<4x128x32xf32, #tpu.memory_space<vmem>> -> memref<1x128x32xf32, #tpu.memory_space<vmem>>
        %dma_wait3A_143 = tpu.memref_squeeze %dma_wait3A_142 : memref<1x128x32xf32, #tpu.memory_space<vmem>> -> memref<128x32xf32, #tpu.memory_space<vmem>>
        %dma_wait3A_144 = arith.constant 0 : i32
        %dma_wait3A_145 = tpu.memref_slice %arg7[%add3A_65, %dma_wait3A_144] : memref<28x128xi32, #tpu.memory_space<vmem>> -> memref<1x128xi32, #tpu.memory_space<vmem>>
        %dma_wait3A_146 = tpu.memref_squeeze %dma_wait3A_145 : memref<1x128xi32, #tpu.memory_space<vmem>> -> memref<128xi32, #tpu.memory_space<vmem>>
        %dma_wait3A_147 = arith.constant 0 : i32
        %dma_wait3A_148 = arith.constant 0 : i32
        %dma_wait3A_149 = tpu.memref_slice %arg2[%dma_wait3A_147, %dma_wait3A_148] : memref<100352x32xf32, #tpu.memory_space<hbm>> -> memref<100352x32xf32, #tpu.memory_space<hbm>>
        %dma_wait3A_150 = tpu.memref_slice %arg11[%dma_wait3A_139] : memref<4x!tpu.dma_semaphore, #tpu.memory_space<semaphore_mem>> -> memref<1x!tpu.dma_semaphore, #tpu.memory_space<semaphore_mem>>
        %dma_wait3A_151 = tpu.memref_squeeze %dma_wait3A_150 : memref<1x!tpu.dma_semaphore, #tpu.memory_space<semaphore_mem>> -> memref<!tpu.dma_semaphore, #tpu.memory_space<semaphore_mem>>
        tpu.wait_indirect_dma semaphore(%dma_wait3A_151 : memref<!tpu.dma_semaphore, #tpu.memory_space<semaphore_mem>>) src(%dma_wait3A_149 : memref<100352x32xf32, #tpu.memory_space<hbm>>) dst(%dma_wait3A_143 : memref<128x32xf32, #tpu.memory_space<vmem>>)
        %run_scoped3A_152 = arith.constant 2 : i32
        "tpu.region"() ({
          %run_scoped3A_172 = tpu.sem_alloc : memref<!tpu.dma_semaphore, #tpu.memory_space<semaphore_mem>>
          %dma_start3A_173 = arith.constant 0 : i32
          %dma_start3A_174 = arith.constant 0 : i32
          %dma_start3A_175 = tpu.memref_slice %arg9[%run_scoped3A_152, %dma_start3A_173, %dma_start3A_174] : memref<4x128x32xf32, #tpu.memory_space<vmem>> -> memref<1x128x32xf32, #tpu.memory_space<vmem>>
          %dma_start3A_176 = tpu.memref_squeeze %dma_start3A_175 : memref<1x128x32xf32, #tpu.memory_space<vmem>> -> memref<128x32xf32, #tpu.memory_space<vmem>>
          %dma_start3A_177 = arith.constant 0 : i32
          %dma_start3A_178 = tpu.memref_slice %arg8[%add3A_137, %dma_start3A_177] : memref<28x128xi32, #tpu.memory_space<vmem>> -> memref<1x128xi32, #tpu.memory_space<vmem>>
          %dma_start3A_179 = tpu.memref_squeeze %dma_start3A_178 : memref<1x128xi32, #tpu.memory_space<vmem>> -> memref<128xi32, #tpu.memory_space<vmem>>
          %dma_start3A_180 = arith.constant 0 : i32
          %dma_start3A_181 = arith.constant 0 : i32
          %dma_start3A_182 = tpu.memref_slice %arg10[%dma_start3A_180, %dma_start3A_181] : memref<50176x32xf32, #tpu.memory_space<vmem_shared>> -> memref<50176x32xf32, #tpu.memory_space<vmem_shared>>
          tpu.enqueue_indirect_dma source(%dma_start3A_176 : memref<128x32xf32, #tpu.memory_space<vmem>>) target(%dma_start3A_182 : memref<50176x32xf32, #tpu.memory_space<vmem_shared>>) offsets(%dma_start3A_179 : memref<128xi32, #tpu.memory_space<vmem>>) semaphore(%run_scoped3A_172 : memref<!tpu.dma_semaphore, #tpu.memory_space<semaphore_mem>>) {add = true}
          %dma_wait3A_183 = arith.constant 0 : i32
          %dma_wait3A_184 = arith.constant 0 : i32
          %dma_wait3A_185 = tpu.memref_slice %arg9[%run_scoped3A_152, %dma_wait3A_183, %dma_wait3A_184] : memref<4x128x32xf32, #tpu.memory_space<vmem>> -> memref<1x128x32xf32, #tpu.memory_space<vmem>>
          %dma_wait3A_186 = tpu.memref_squeeze %dma_wait3A_185 : memref<1x128x32xf32, #tpu.memory_space<vmem>> -> memref<128x32xf32, #tpu.memory_space<vmem>>
          %dma_wait3A_187 = arith.constant 0 : i32
          %dma_wait3A_188 = tpu.memref_slice %arg8[%add3A_137, %dma_wait3A_187] : memref<28x128xi32, #tpu.memory_space<vmem>> -> memref<1x128xi32, #tpu.memory_space<vmem>>
          %dma_wait3A_189 = tpu.memref_squeeze %dma_wait3A_188 : memref<1x128xi32, #tpu.memory_space<vmem>> -> memref<128xi32, #tpu.memory_space<vmem>>
          %dma_wait3A_190 = arith.constant 0 : i32
          %dma_wait3A_191 = arith.constant 0 : i32
          %dma_wait3A_192 = tpu.memref_slice %arg10[%dma_wait3A_190, %dma_wait3A_191] : memref<50176x32xf32, #tpu.memory_space<vmem_shared>> -> memref<50176x32xf32, #tpu.memory_space<vmem_shared>>
          tpu.wait_indirect_dma semaphore(%run_scoped3A_172 : memref<!tpu.dma_semaphore, #tpu.memory_space<semaphore_mem>>) src(%dma_wait3A_186 : memref<128x32xf32, #tpu.memory_space<vmem>>) dst(%dma_wait3A_192 : memref<50176x32xf32, #tpu.memory_space<vmem_shared>>)
          tpu.yield
        }) : () -> ()
        %mul3A_153 = arith.constant 4 : i32
        %mul3A_154 = arith.muli %scan3A_26, %mul3A_153 : i32
        %add3A_155 = arith.constant 3 : i32
        %add3A_156 = arith.addi %mul3A_154, %add3A_155 : i32
        %dma_wait3A_157 = arith.constant 3 : i32
        %dma_wait3A_158 = arith.constant 3 : i32
        %dma_wait3A_159 = arith.constant 0 : i32
        %dma_wait3A_160 = arith.constant 0 : i32
        %dma_wait3A_161 = tpu.memref_slice %arg9[%dma_wait3A_157, %dma_wait3A_159, %dma_wait3A_160] : memref<4x128x32xf32, #tpu.memory_space<vmem>> -> memref<1x128x32xf32, #tpu.memory_space<vmem>>
        %dma_wait3A_162 = tpu.memref_squeeze %dma_wait3A_161 : memref<1x128x32xf32, #tpu.memory_space<vmem>> -> memref<128x32xf32, #tpu.memory_space<vmem>>
        %dma_wait3A_163 = arith.constant 0 : i32
        %dma_wait3A_164 = tpu.memref_slice %arg7[%add3A_83, %dma_wait3A_163] : memref<28x128xi32, #tpu.memory_space<vmem>> -> memref<1x128xi32, #tpu.memory_space<vmem>>
        %dma_wait3A_165 = tpu.memref_squeeze %dma_wait3A_164 : memref<1x128xi32, #tpu.memory_space<vmem>> -> memref<128xi32, #tpu.memory_space<vmem>>
        %dma_wait3A_166 = arith.constant 0 : i32
        %dma_wait3A_167 = arith.constant 0 : i32
        %dma_wait3A_168 = tpu.memref_slice %arg2[%dma_wait3A_166, %dma_wait3A_167] : memref<100352x32xf32, #tpu.memory_space<hbm>> -> memref<100352x32xf32, #tpu.memory_space<hbm>>
        %dma_wait3A_169 = tpu.memref_slice %arg11[%dma_wait3A_158] : memref<4x!tpu.dma_semaphore, #tpu.memory_space<semaphore_mem>> -> memref<1x!tpu.dma_semaphore, #tpu.memory_space<semaphore_mem>>
        %dma_wait3A_170 = tpu.memref_squeeze %dma_wait3A_169 : memref<1x!tpu.dma_semaphore, #tpu.memory_space<semaphore_mem>> -> memref<!tpu.dma_semaphore, #tpu.memory_space<semaphore_mem>>
        tpu.wait_indirect_dma semaphore(%dma_wait3A_170 : memref<!tpu.dma_semaphore, #tpu.memory_space<semaphore_mem>>) src(%dma_wait3A_168 : memref<100352x32xf32, #tpu.memory_space<hbm>>) dst(%dma_wait3A_162 : memref<128x32xf32, #tpu.memory_space<vmem>>)
        %run_scoped3A_171 = arith.constant 3 : i32
        "tpu.region"() ({
          %run_scoped3A_172 = tpu.sem_alloc : memref<!tpu.dma_semaphore, #tpu.memory_space<semaphore_mem>>
          %dma_start3A_173 = arith.constant 0 : i32
          %dma_start3A_174 = arith.constant 0 : i32
          %dma_start3A_175 = tpu.memref_slice %arg9[%run_scoped3A_171, %dma_start3A_173, %dma_start3A_174] : memref<4x128x32xf32, #tpu.memory_space<vmem>> -> memref<1x128x32xf32, #tpu.memory_space<vmem>>
          %dma_start3A_176 = tpu.memref_squeeze %dma_start3A_175 : memref<1x128x32xf32, #tpu.memory_space<vmem>> -> memref<128x32xf32, #tpu.memory_space<vmem>>
          %dma_start3A_177 = arith.constant 0 : i32
          %dma_start3A_178 = tpu.memref_slice %arg8[%add3A_156, %dma_start3A_177] : memref<28x128xi32, #tpu.memory_space<vmem>> -> memref<1x128xi32, #tpu.memory_space<vmem>>
          %dma_start3A_179 = tpu.memref_squeeze %dma_start3A_178 : memref<1x128xi32, #tpu.memory_space<vmem>> -> memref<128xi32, #tpu.memory_space<vmem>>
          %dma_start3A_180 = arith.constant 0 : i32
          %dma_start3A_181 = arith.constant 0 : i32
          %dma_start3A_182 = tpu.memref_slice %arg10[%dma_start3A_180, %dma_start3A_181] : memref<50176x32xf32, #tpu.memory_space<vmem_shared>> -> memref<50176x32xf32, #tpu.memory_space<vmem_shared>>
          tpu.enqueue_indirect_dma source(%dma_start3A_176 : memref<128x32xf32, #tpu.memory_space<vmem>>) target(%dma_start3A_182 : memref<50176x32xf32, #tpu.memory_space<vmem_shared>>) offsets(%dma_start3A_179 : memref<128xi32, #tpu.memory_space<vmem>>) semaphore(%run_scoped3A_172 : memref<!tpu.dma_semaphore, #tpu.memory_space<semaphore_mem>>) {add = true}
          %dma_wait3A_183 = arith.constant 0 : i32
          %dma_wait3A_184 = arith.constant 0 : i32
          %dma_wait3A_185 = tpu.memref_slice %arg9[%run_scoped3A_171, %dma_wait3A_183, %dma_wait3A_184] : memref<4x128x32xf32, #tpu.memory_space<vmem>> -> memref<1x128x32xf32, #tpu.memory_space<vmem>>
          %dma_wait3A_186 = tpu.memref_squeeze %dma_wait3A_185 : memref<1x128x32xf32, #tpu.memory_space<vmem>> -> memref<128x32xf32, #tpu.memory_space<vmem>>
          %dma_wait3A_187 = arith.constant 0 : i32
          %dma_wait3A_188 = tpu.memref_slice %arg8[%add3A_156, %dma_wait3A_187] : memref<28x128xi32, #tpu.memory_space<vmem>> -> memref<1x128xi32, #tpu.memory_space<vmem>>
          %dma_wait3A_189 = tpu.memref_squeeze %dma_wait3A_188 : memref<1x128xi32, #tpu.memory_space<vmem>> -> memref<128xi32, #tpu.memory_space<vmem>>
          %dma_wait3A_190 = arith.constant 0 : i32
          %dma_wait3A_191 = arith.constant 0 : i32
          %dma_wait3A_192 = tpu.memref_slice %arg10[%dma_wait3A_190, %dma_wait3A_191] : memref<50176x32xf32, #tpu.memory_space<vmem_shared>> -> memref<50176x32xf32, #tpu.memory_space<vmem_shared>>
          tpu.wait_indirect_dma semaphore(%run_scoped3A_172 : memref<!tpu.dma_semaphore, #tpu.memory_space<semaphore_mem>>) src(%dma_wait3A_186 : memref<128x32xf32, #tpu.memory_space<vmem>>) dst(%dma_wait3A_192 : memref<50176x32xf32, #tpu.memory_space<vmem_shared>>)
          tpu.yield
        }) : () -> ()
      }
      %scan3A_25 = arith.constant 7 : i32
    }
    %scan3A_9 = arith.constant 7 : i32
    %barrier3A_10 = arith.constant 0 : index
    tpu.barrier barrier_id(%barrier3A_10)
    %mul3A_11 = arith.constant 3136 : i32
    %mul3A_12 = arith.muli %arg1, %mul3A_11 : i32
    %mul3A_13 = arith.constant 3136 : i32
    %mul3A_14 = arith.muli %arg1, %mul3A_13 : i32
    "tpu.region"() ({
      %run_scoped3A = tpu.sem_alloc : memref<!tpu.dma_semaphore, #tpu.memory_space<semaphore_mem>>
      %dma_start3A = arith.constant 0 : i32
      %dma_start3A_15 = tpu.memref_slice %arg6[%arg0, %mul3A_14, %dma_start3A] : memref<2x50176x32xf32, #tpu.memory_space<hbm>> -> memref<1x3136x32xf32, #tpu.memory_space<hbm>>
      %dma_start3A_16 = tpu.memref_squeeze %dma_start3A_15 : memref<1x3136x32xf32, #tpu.memory_space<hbm>> -> memref<3136x32xf32, #tpu.memory_space<hbm>>
      %dma_start3A_17 = arith.constant 0 : i32
      %dma_start3A_18 = tpu.memref_slice %arg10[%mul3A_12, %dma_start3A_17] : memref<50176x32xf32, #tpu.memory_space<vmem_shared>> -> memref<3136x32xf32, #tpu.memory_space<vmem_shared>>
      tpu.enqueue_dma source(%dma_start3A_18 : memref<3136x32xf32, #tpu.memory_space<vmem_shared>>) target(%dma_start3A_16 : memref<3136x32xf32, #tpu.memory_space<hbm>>) target_semaphore(%run_scoped3A : memref<!tpu.dma_semaphore, #tpu.memory_space<semaphore_mem>>)
      %dma_wait3A = arith.constant 0 : i32
      %dma_wait3A_19 = tpu.memref_slice %arg6[%arg0, %mul3A_14, %dma_wait3A] : memref<2x50176x32xf32, #tpu.memory_space<hbm>> -> memref<1x3136x32xf32, #tpu.memory_space<hbm>>
      %dma_wait3A_20 = tpu.memref_squeeze %dma_wait3A_19 : memref<1x3136x32xf32, #tpu.memory_space<hbm>> -> memref<3136x32xf32, #tpu.memory_space<hbm>>
      %dma_wait3A_21 = arith.constant 0 : i32
      %dma_wait3A_22 = tpu.memref_slice %arg10[%mul3A_12, %dma_wait3A_21] : memref<50176x32xf32, #tpu.memory_space<vmem_shared>> -> memref<3136x32xf32, #tpu.memory_space<vmem_shared>>
      tpu.wait_dma2 semaphore(%run_scoped3A : memref<!tpu.dma_semaphore, #tpu.memory_space<semaphore_mem>>) src(%dma_wait3A_22 : memref<3136x32xf32, #tpu.memory_space<vmem_shared>>) dst(%dma_wait3A_20 : memref<3136x32xf32, #tpu.memory_space<hbm>>)
      tpu.yield
    }) : () -> ()
    return
  }
}

#map = affine_map<(d0, d1) -> (0, 0)>
#map1 = affine_map<(d0, d1) -> (0, 0, 0)>
module attributes {stable_mosaic.version = 14 : i64} {
  func.func @k(%arg0: i32, %arg1: i32, %arg2: memref<100352x32xf32, #tpu.memory_space<hbm>>, %arg3: memref<32x196x128xi32, #tpu.memory_space<hbm>>, %arg4: memref<32x196x128xi32, #tpu.memory_space<hbm>>, %arg5: memref<50176x32xf32, #tpu.memory_space<hbm>>, %arg6: memref<2x50176x32xf32, #tpu.memory_space<hbm>>, %arg7: memref<28x128xi32, #tpu.memory_space<vmem>>, %arg8: memref<28x128xi32, #tpu.memory_space<vmem>>, %arg9: memref<4x128x32xf32, #tpu.memory_space<vmem>>, %arg10: memref<50176x32xf32, #tpu.memory_space<vmem_shared>>, %arg11: memref<4x!tpu.dma_semaphore, #tpu.memory_space<semaphore_mem>>) attributes {dimension_semantics = [#tpu.dimension_semantics<core_parallel>, #tpu.dimension_semantics<subcore_parallel>], iteration_bounds = array<i64: 2, 16>, scalar_prefetch = 0 : i64, scratch_operands = 5 : i64, tpu.core_type = #tpu.core_type<sc_vector_subcore>, window_params = [{transform_indices = #map}, {transform_indices = #map1}, {transform_indices = #map1}, {transform_indices = #map}, {transform_indices = #map1}]} {
    %mul3A = arith.constant 16 : i32
    %mul3A_0 = arith.muli %arg0, %mul3A : i32
    %add3A = arith.addi %mul3A_0, %arg1 : i32
    %mul3A_1 = arith.constant 3136 : i32
    %mul3A_2 = arith.muli %arg1, %mul3A_1 : i32
    %mul3A_3 = arith.constant 3136 : i32
    %mul3A_4 = arith.muli %arg1, %mul3A_3 : i32
    "tpu.region"() ({
      %run_scoped3A = tpu.sem_alloc : memref<!tpu.dma_semaphore, #tpu.memory_space<semaphore_mem>>
      %dma_start3A = arith.constant 0 : i32
      %dma_start3A_15 = tpu.memref_slice %arg10[%mul3A_4, %dma_start3A] : memref<50176x32xf32, #tpu.memory_space<vmem_shared>> -> memref<3136x32xf32, #tpu.memory_space<vmem_shared>>
      %dma_start3A_16 = arith.constant 0 : i32
      %dma_start3A_17 = tpu.memref_slice %arg5[%mul3A_2, %dma_start3A_16] : memref<50176x32xf32, #tpu.memory_space<hbm>> -> memref<3136x32xf32, #tpu.memory_space<hbm>>
      tpu.enqueue_dma source(%dma_start3A_17 : memref<3136x32xf32, #tpu.memory_space<hbm>>) target(%dma_start3A_15 : memref<3136x32xf32, #tpu.memory_space<vmem_shared>>) target_semaphore(%run_scoped3A : memref<!tpu.dma_semaphore, #tpu.memory_space<semaphore_mem>>)
      %dma_wait3A = arith.constant 0 : i32
      %dma_wait3A_18 = tpu.memref_slice %arg10[%mul3A_4, %dma_wait3A] : memref<50176x32xf32, #tpu.memory_space<vmem_shared>> -> memref<3136x32xf32, #tpu.memory_space<vmem_shared>>
      %dma_wait3A_19 = arith.constant 0 : i32
      %dma_wait3A_20 = tpu.memref_slice %arg5[%mul3A_2, %dma_wait3A_19] : memref<50176x32xf32, #tpu.memory_space<hbm>> -> memref<3136x32xf32, #tpu.memory_space<hbm>>
      tpu.wait_dma2 semaphore(%run_scoped3A : memref<!tpu.dma_semaphore, #tpu.memory_space<semaphore_mem>>) src(%dma_wait3A_20 : memref<3136x32xf32, #tpu.memory_space<hbm>>) dst(%dma_wait3A_18 : memref<3136x32xf32, #tpu.memory_space<vmem_shared>>)
      tpu.yield
    }) : () -> ()
    %barrier3A = arith.constant 0 : index
    tpu.barrier barrier_id(%barrier3A)
    %scan3A = arith.constant 0 : i32
    %scan3A_5 = arith.constant 0 : i32
    %scan3A_6 = arith.constant 7 : i32
    %scan3A_7 = arith.addi %scan3A_5, %scan3A_6 : i32
    %scan3A_8 = arith.constant 1 : i32
    scf.for %scan3A_15 = %scan3A_5 to %scan3A_7 step %scan3A_8  : i32 {
      %mul3A_16 = arith.constant 28 : i32
      %mul3A_17 = arith.muli %scan3A_15, %mul3A_16 : i32
      "tpu.region"() ({
        %run_scoped3A = tpu.sem_alloc : memref<!tpu.dma_semaphore, #tpu.memory_space<semaphore_mem>>
        %dma_start3A = arith.constant 0 : i32
        %dma_start3A_26 = tpu.memref_slice %arg3[%add3A, %mul3A_17, %dma_start3A] : memref<32x196x128xi32, #tpu.memory_space<hbm>> -> memref<1x28x128xi32, #tpu.memory_space<hbm>>
        %dma_start3A_27 = tpu.memref_squeeze %dma_start3A_26 : memref<1x28x128xi32, #tpu.memory_space<hbm>> -> memref<28x128xi32, #tpu.memory_space<hbm>>
        %dma_start3A_28 = arith.constant 0 : i32
        %dma_start3A_29 = tpu.memref_slice %arg3[%add3A, %mul3A_17, %dma_start3A_28] : memref<32x196x128xi32, #tpu.memory_space<hbm>> -> memref<1x28x128xi32, #tpu.memory_space<hbm>>
        %dma_start3A_30 = tpu.memref_squeeze %dma_start3A_29 : memref<1x28x128xi32, #tpu.memory_space<hbm>> -> memref<28x128xi32, #tpu.memory_space<hbm>>
        tpu.enqueue_dma source(%dma_start3A_30 : memref<28x128xi32, #tpu.memory_space<hbm>>) target(%arg7 : memref<28x128xi32, #tpu.memory_space<vmem>>) target_semaphore(%run_scoped3A : memref<!tpu.dma_semaphore, #tpu.memory_space<semaphore_mem>>)
        %dma_wait3A = arith.constant 0 : i32
        %dma_wait3A_31 = tpu.memref_slice %arg3[%add3A, %mul3A_17, %dma_wait3A] : memref<32x196x128xi32, #tpu.memory_space<hbm>> -> memref<1x28x128xi32, #tpu.memory_space<hbm>>
        %dma_wait3A_32 = tpu.memref_squeeze %dma_wait3A_31 : memref<1x28x128xi32, #tpu.memory_space<hbm>> -> memref<28x128xi32, #tpu.memory_space<hbm>>
        %dma_wait3A_33 = arith.constant 0 : i32
        %dma_wait3A_34 = tpu.memref_slice %arg3[%add3A, %mul3A_17, %dma_wait3A_33] : memref<32x196x128xi32, #tpu.memory_space<hbm>> -> memref<1x28x128xi32, #tpu.memory_space<hbm>>
        %dma_wait3A_35 = tpu.memref_squeeze %dma_wait3A_34 : memref<1x28x128xi32, #tpu.memory_space<hbm>> -> memref<28x128xi32, #tpu.memory_space<hbm>>
        tpu.wait_dma2 semaphore(%run_scoped3A : memref<!tpu.dma_semaphore, #tpu.memory_space<semaphore_mem>>) src(%dma_wait3A_35 : memref<28x128xi32, #tpu.memory_space<hbm>>) dst(%arg7 : memref<28x128xi32, #tpu.memory_space<vmem>>)
        tpu.yield
      }) : () -> ()
      %mul3A_18 = arith.constant 28 : i32
      %mul3A_19 = arith.muli %scan3A_15, %mul3A_18 : i32
      "tpu.region"() ({
        %run_scoped3A = tpu.sem_alloc : memref<!tpu.dma_semaphore, #tpu.memory_space<semaphore_mem>>
        %dma_start3A = arith.constant 0 : i32
        %dma_start3A_26 = tpu.memref_slice %arg4[%add3A, %mul3A_19, %dma_start3A] : memref<32x196x128xi32, #tpu.memory_space<hbm>> -> memref<1x28x128xi32, #tpu.memory_space<hbm>>
        %dma_start3A_27 = tpu.memref_squeeze %dma_start3A_26 : memref<1x28x128xi32, #tpu.memory_space<hbm>> -> memref<28x128xi32, #tpu.memory_space<hbm>>
        %dma_start3A_28 = arith.constant 0 : i32
        %dma_start3A_29 = tpu.memref_slice %arg4[%add3A, %mul3A_19, %dma_start3A_28] : memref<32x196x128xi32, #tpu.memory_space<hbm>> -> memref<1x28x128xi32, #tpu.memory_space<hbm>>
        %dma_start3A_30 = tpu.memref_squeeze %dma_start3A_29 : memref<1x28x128xi32, #tpu.memory_space<hbm>> -> memref<28x128xi32, #tpu.memory_space<hbm>>
        tpu.enqueue_dma source(%dma_start3A_30 : memref<28x128xi32, #tpu.memory_space<hbm>>) target(%arg8 : memref<28x128xi32, #tpu.memory_space<vmem>>) target_semaphore(%run_scoped3A : memref<!tpu.dma_semaphore, #tpu.memory_space<semaphore_mem>>)
        %dma_wait3A = arith.constant 0 : i32
        %dma_wait3A_31 = tpu.memref_slice %arg4[%add3A, %mul3A_19, %dma_wait3A] : memref<32x196x128xi32, #tpu.memory_space<hbm>> -> memref<1x28x128xi32, #tpu.memory_space<hbm>>
        %dma_wait3A_32 = tpu.memref_squeeze %dma_wait3A_31 : memref<1x28x128xi32, #tpu.memory_space<hbm>> -> memref<28x128xi32, #tpu.memory_space<hbm>>
        %dma_wait3A_33 = arith.constant 0 : i32
        %dma_wait3A_34 = tpu.memref_slice %arg4[%add3A, %mul3A_19, %dma_wait3A_33] : memref<32x196x128xi32, #tpu.memory_space<hbm>> -> memref<1x28x128xi32, #tpu.memory_space<hbm>>
        %dma_wait3A_35 = tpu.memref_squeeze %dma_wait3A_34 : memref<1x28x128xi32, #tpu.memory_space<hbm>> -> memref<28x128xi32, #tpu.memory_space<hbm>>
        tpu.wait_dma2 semaphore(%run_scoped3A : memref<!tpu.dma_semaphore, #tpu.memory_space<semaphore_mem>>) src(%dma_wait3A_35 : memref<28x128xi32, #tpu.memory_space<hbm>>) dst(%arg8 : memref<28x128xi32, #tpu.memory_space<vmem>>)
        tpu.yield
      }) : () -> ()
      %scan3A_20 = arith.constant 0 : i32
      %scan3A_21 = arith.constant 0 : i32
      %scan3A_22 = arith.constant 7 : i32
      %scan3A_23 = arith.addi %scan3A_21, %scan3A_22 : i32
      %scan3A_24 = arith.constant 1 : i32
      scf.for %scan3A_26 = %scan3A_21 to %scan3A_23 step %scan3A_24  : i32 {
        %mul3A_27 = arith.constant 4 : i32
        %mul3A_28 = arith.muli %scan3A_26, %mul3A_27 : i32
        %add3A_29 = arith.constant 0 : i32
        %add3A_30 = arith.addi %mul3A_28, %add3A_29 : i32
        %dma_start3A = arith.constant 0 : i32
        %dma_start3A_31 = arith.constant 0 : i32
        %dma_start3A_32 = arith.constant 0 : i32
        %dma_start3A_33 = arith.constant 0 : i32
        %dma_start3A_34 = tpu.memref_slice %arg9[%dma_start3A, %dma_start3A_32, %dma_start3A_33] : memref<4x128x32xf32, #tpu.memory_space<vmem>> -> memref<1x128x32xf32, #tpu.memory_space<vmem>>
        %dma_start3A_35 = tpu.memref_squeeze %dma_start3A_34 : memref<1x128x32xf32, #tpu.memory_space<vmem>> -> memref<128x32xf32, #tpu.memory_space<vmem>>
        %dma_start3A_36 = arith.constant 0 : i32
        %dma_start3A_37 = tpu.memref_slice %arg7[%add3A_30, %dma_start3A_36] : memref<28x128xi32, #tpu.memory_space<vmem>> -> memref<1x128xi32, #tpu.memory_space<vmem>>
        %dma_start3A_38 = tpu.memref_squeeze %dma_start3A_37 : memref<1x128xi32, #tpu.memory_space<vmem>> -> memref<128xi32, #tpu.memory_space<vmem>>
        %dma_start3A_39 = arith.constant 0 : i32
        %dma_start3A_40 = arith.constant 0 : i32
        %dma_start3A_41 = tpu.memref_slice %arg2[%dma_start3A_39, %dma_start3A_40] : memref<100352x32xf32, #tpu.memory_space<hbm>> -> memref<100352x32xf32, #tpu.memory_space<hbm>>
        %dma_start3A_42 = tpu.memref_slice %arg11[%dma_start3A_31] : memref<4x!tpu.dma_semaphore, #tpu.memory_space<semaphore_mem>> -> memref<1x!tpu.dma_semaphore, #tpu.memory_space<semaphore_mem>>
        %dma_start3A_43 = tpu.memref_squeeze %dma_start3A_42 : memref<1x!tpu.dma_semaphore, #tpu.memory_space<semaphore_mem>> -> memref<!tpu.dma_semaphore, #tpu.memory_space<semaphore_mem>>
        tpu.enqueue_indirect_dma source(%dma_start3A_41 : memref<100352x32xf32, #tpu.memory_space<hbm>>) target(%dma_start3A_35 : memref<128x32xf32, #tpu.memory_space<vmem>>) offsets(%dma_start3A_38 : memref<128xi32, #tpu.memory_space<vmem>>) semaphore(%dma_start3A_43 : memref<!tpu.dma_semaphore, #tpu.memory_space<semaphore_mem>>)
        %mul3A_44 = arith.constant 4 : i32
        %mul3A_45 = arith.muli %scan3A_26, %mul3A_44 : i32
        %add3A_46 = arith.constant 1 : i32
        %add3A_47 = arith.addi %mul3A_45, %add3A_46 : i32
        %dma_start3A_48 = arith.constant 1 : i32
        %dma_start3A_49 = arith.constant 1 : i32
        %dma_start3A_50 = arith.constant 0 : i32
        %dma_start3A_51 = arith.constant 0 : i32
        %dma_start3A_52 = tpu.memref_slice %arg9[%dma_start3A_48, %dma_start3A_50, %dma_start3A_51] : memref<4x128x32xf32, #tpu.memory_space<vmem>> -> memref<1x128x32xf32, #tpu.memory_space<vmem>>
        %dma_start3A_53 = tpu.memref_squeeze %dma_start3A_52 : memref<1x128x32xf32, #tpu.memory_space<vmem>> -> memref<128x32xf32, #tpu.memory_space<vmem>>
        %dma_start3A_54 = arith.constant 0 : i32
        %dma_start3A_55 = tpu.memref_slice %arg7[%add3A_47, %dma_start3A_54] : memref<28x128xi32, #tpu.memory_space<vmem>> -> memref<1x128xi32, #tpu.memory_space<vmem>>
        %dma_start3A_56 = tpu.memref_squeeze %dma_start3A_55 : memref<1x128xi32, #tpu.memory_space<vmem>> -> memref<128xi32, #tpu.memory_space<vmem>>
        %dma_start3A_57 = arith.constant 0 : i32
        %dma_start3A_58 = arith.constant 0 : i32
        %dma_start3A_59 = tpu.memref_slice %arg2[%dma_start3A_57, %dma_start3A_58] : memref<100352x32xf32, #tpu.memory_space<hbm>> -> memref<100352x32xf32, #tpu.memory_space<hbm>>
        %dma_start3A_60 = tpu.memref_slice %arg11[%dma_start3A_49] : memref<4x!tpu.dma_semaphore, #tpu.memory_space<semaphore_mem>> -> memref<1x!tpu.dma_semaphore, #tpu.memory_space<semaphore_mem>>
        %dma_start3A_61 = tpu.memref_squeeze %dma_start3A_60 : memref<1x!tpu.dma_semaphore, #tpu.memory_space<semaphore_mem>> -> memref<!tpu.dma_semaphore, #tpu.memory_space<semaphore_mem>>
        tpu.enqueue_indirect_dma source(%dma_start3A_59 : memref<100352x32xf32, #tpu.memory_space<hbm>>) target(%dma_start3A_53 : memref<128x32xf32, #tpu.memory_space<vmem>>) offsets(%dma_start3A_56 : memref<128xi32, #tpu.memory_space<vmem>>) semaphore(%dma_start3A_61 : memref<!tpu.dma_semaphore, #tpu.memory_space<semaphore_mem>>)
        %mul3A_62 = arith.constant 4 : i32
        %mul3A_63 = arith.muli %scan3A_26, %mul3A_62 : i32
        %add3A_64 = arith.constant 2 : i32
        %add3A_65 = arith.addi %mul3A_63, %add3A_64 : i32
        %dma_start3A_66 = arith.constant 2 : i32
        %dma_start3A_67 = arith.constant 2 : i32
        %dma_start3A_68 = arith.constant 0 : i32
        %dma_start3A_69 = arith.constant 0 : i32
        %dma_start3A_70 = tpu.memref_slice %arg9[%dma_start3A_66, %dma_start3A_68, %dma_start3A_69] : memref<4x128x32xf32, #tpu.memory_space<vmem>> -> memref<1x128x32xf32, #tpu.memory_space<vmem>>
        %dma_start3A_71 = tpu.memref_squeeze %dma_start3A_70 : memref<1x128x32xf32, #tpu.memory_space<vmem>> -> memref<128x32xf32, #tpu.memory_space<vmem>>
        %dma_start3A_72 = arith.constant 0 : i32
        %dma_start3A_73 = tpu.memref_slice %arg7[%add3A_65, %dma_start3A_72] : memref<28x128xi32, #tpu.memory_space<vmem>> -> memref<1x128xi32, #tpu.memory_space<vmem>>
        %dma_start3A_74 = tpu.memref_squeeze %dma_start3A_73 : memref<1x128xi32, #tpu.memory_space<vmem>> -> memref<128xi32, #tpu.memory_space<vmem>>
        %dma_start3A_75 = arith.constant 0 : i32
        %dma_start3A_76 = arith.constant 0 : i32
        %dma_start3A_77 = tpu.memref_slice %arg2[%dma_start3A_75, %dma_start3A_76] : memref<100352x32xf32, #tpu.memory_space<hbm>> -> memref<100352x32xf32, #tpu.memory_space<hbm>>
        %dma_start3A_78 = tpu.memref_slice %arg11[%dma_start3A_67] : memref<4x!tpu.dma_semaphore, #tpu.memory_space<semaphore_mem>> -> memref<1x!tpu.dma_semaphore, #tpu.memory_space<semaphore_mem>>
        %dma_start3A_79 = tpu.memref_squeeze %dma_start3A_78 : memref<1x!tpu.dma_semaphore, #tpu.memory_space<semaphore_mem>> -> memref<!tpu.dma_semaphore, #tpu.memory_space<semaphore_mem>>
        tpu.enqueue_indirect_dma source(%dma_start3A_77 : memref<100352x32xf32, #tpu.memory_space<hbm>>) target(%dma_start3A_71 : memref<128x32xf32, #tpu.memory_space<vmem>>) offsets(%dma_start3A_74 : memref<128xi32, #tpu.memory_space<vmem>>) semaphore(%dma_start3A_79 : memref<!tpu.dma_semaphore, #tpu.memory_space<semaphore_mem>>)
        %mul3A_80 = arith.constant 4 : i32
        %mul3A_81 = arith.muli %scan3A_26, %mul3A_80 : i32
        %add3A_82 = arith.constant 3 : i32
        %add3A_83 = arith.addi %mul3A_81, %add3A_82 : i32
        %dma_start3A_84 = arith.constant 3 : i32
        %dma_start3A_85 = arith.constant 3 : i32
        %dma_start3A_86 = arith.constant 0 : i32
        %dma_start3A_87 = arith.constant 0 : i32
        %dma_start3A_88 = tpu.memref_slice %arg9[%dma_start3A_84, %dma_start3A_86, %dma_start3A_87] : memref<4x128x32xf32, #tpu.memory_space<vmem>> -> memref<1x128x32xf32, #tpu.memory_space<vmem>>
        %dma_start3A_89 = tpu.memref_squeeze %dma_start3A_88 : memref<1x128x32xf32, #tpu.memory_space<vmem>> -> memref<128x32xf32, #tpu.memory_space<vmem>>
        %dma_start3A_90 = arith.constant 0 : i32
        %dma_start3A_91 = tpu.memref_slice %arg7[%add3A_83, %dma_start3A_90] : memref<28x128xi32, #tpu.memory_space<vmem>> -> memref<1x128xi32, #tpu.memory_space<vmem>>
        %dma_start3A_92 = tpu.memref_squeeze %dma_start3A_91 : memref<1x128xi32, #tpu.memory_space<vmem>> -> memref<128xi32, #tpu.memory_space<vmem>>
        %dma_start3A_93 = arith.constant 0 : i32
        %dma_start3A_94 = arith.constant 0 : i32
        %dma_start3A_95 = tpu.memref_slice %arg2[%dma_start3A_93, %dma_start3A_94] : memref<100352x32xf32, #tpu.memory_space<hbm>> -> memref<100352x32xf32, #tpu.memory_space<hbm>>
        %dma_start3A_96 = tpu.memref_slice %arg11[%dma_start3A_85] : memref<4x!tpu.dma_semaphore, #tpu.memory_space<semaphore_mem>> -> memref<1x!tpu.dma_semaphore, #tpu.memory_space<semaphore_mem>>
        %dma_start3A_97 = tpu.memref_squeeze %dma_start3A_96 : memref<1x!tpu.dma_semaphore, #tpu.memory_space<semaphore_mem>> -> memref<!tpu.dma_semaphore, #tpu.memory_space<semaphore_mem>>
        tpu.enqueue_indirect_dma source(%dma_start3A_95 : memref<100352x32xf32, #tpu.memory_space<hbm>>) target(%dma_start3A_89 : memref<128x32xf32, #tpu.memory_space<vmem>>) offsets(%dma_start3A_92 : memref<128xi32, #tpu.memory_space<vmem>>) semaphore(%dma_start3A_97 : memref<!tpu.dma_semaphore, #tpu.memory_space<semaphore_mem>>)
        %mul3A_98 = arith.constant 4 : i32
        %mul3A_99 = arith.muli %scan3A_26, %mul3A_98 : i32
        %add3A_100 = arith.constant 0 : i32
        %add3A_101 = arith.addi %mul3A_99, %add3A_100 : i32
        %dma_wait3A = arith.constant 0 : i32
        %dma_wait3A_102 = arith.constant 0 : i32
        %dma_wait3A_103 = arith.constant 0 : i32
        %dma_wait3A_104 = arith.constant 0 : i32
        %dma_wait3A_105 = tpu.memref_slice %arg9[%dma_wait3A, %dma_wait3A_103, %dma_wait3A_104] : memref<4x128x32xf32, #tpu.memory_space<vmem>> -> memref<1x128x32xf32, #tpu.memory_space<vmem>>
        %dma_wait3A_106 = tpu.memref_squeeze %dma_wait3A_105 : memref<1x128x32xf32, #tpu.memory_space<vmem>> -> memref<128x32xf32, #tpu.memory_space<vmem>>
        %dma_wait3A_107 = arith.constant 0 : i32
        %dma_wait3A_108 = tpu.memref_slice %arg7[%add3A_30, %dma_wait3A_107] : memref<28x128xi32, #tpu.memory_space<vmem>> -> memref<1x128xi32, #tpu.memory_space<vmem>>
        %dma_wait3A_109 = tpu.memref_squeeze %dma_wait3A_108 : memref<1x128xi32, #tpu.memory_space<vmem>> -> memref<128xi32, #tpu.memory_space<vmem>>
        %dma_wait3A_110 = arith.constant 0 : i32
        %dma_wait3A_111 = arith.constant 0 : i32
        %dma_wait3A_112 = tpu.memref_slice %arg2[%dma_wait3A_110, %dma_wait3A_111] : memref<100352x32xf32, #tpu.memory_space<hbm>> -> memref<100352x32xf32, #tpu.memory_space<hbm>>
        %dma_wait3A_113 = tpu.memref_slice %arg11[%dma_wait3A_102] : memref<4x!tpu.dma_semaphore, #tpu.memory_space<semaphore_mem>> -> memref<1x!tpu.dma_semaphore, #tpu.memory_space<semaphore_mem>>
        %dma_wait3A_114 = tpu.memref_squeeze %dma_wait3A_113 : memref<1x!tpu.dma_semaphore, #tpu.memory_space<semaphore_mem>> -> memref<!tpu.dma_semaphore, #tpu.memory_space<semaphore_mem>>
        tpu.wait_indirect_dma semaphore(%dma_wait3A_114 : memref<!tpu.dma_semaphore, #tpu.memory_space<semaphore_mem>>) src(%dma_wait3A_112 : memref<100352x32xf32, #tpu.memory_space<hbm>>) dst(%dma_wait3A_106 : memref<128x32xf32, #tpu.memory_space<vmem>>)
        %run_scoped3A = arith.constant 0 : i32
        "tpu.region"() ({
          %run_scoped3A_172 = tpu.sem_alloc : memref<!tpu.dma_semaphore, #tpu.memory_space<semaphore_mem>>
          %dma_start3A_173 = arith.constant 0 : i32
          %dma_start3A_174 = arith.constant 0 : i32
          %dma_start3A_175 = tpu.memref_slice %arg9[%run_scoped3A, %dma_start3A_173, %dma_start3A_174] : memref<4x128x32xf32, #tpu.memory_space<vmem>> -> memref<1x128x32xf32, #tpu.memory_space<vmem>>
          %dma_start3A_176 = tpu.memref_squeeze %dma_start3A_175 : memref<1x128x32xf32, #tpu.memory_space<vmem>> -> memref<128x32xf32, #tpu.memory_space<vmem>>
          %dma_start3A_177 = arith.constant 0 : i32
          %dma_start3A_178 = tpu.memref_slice %arg8[%add3A_101, %dma_start3A_177] : memref<28x128xi32, #tpu.memory_space<vmem>> -> memref<1x128xi32, #tpu.memory_space<vmem>>
          %dma_start3A_179 = tpu.memref_squeeze %dma_start3A_178 : memref<1x128xi32, #tpu.memory_space<vmem>> -> memref<128xi32, #tpu.memory_space<vmem>>
          %dma_start3A_180 = arith.constant 0 : i32
          %dma_start3A_181 = arith.constant 0 : i32
          %dma_start3A_182 = tpu.memref_slice %arg10[%dma_start3A_180, %dma_start3A_181] : memref<50176x32xf32, #tpu.memory_space<vmem_shared>> -> memref<50176x32xf32, #tpu.memory_space<vmem_shared>>
          tpu.enqueue_indirect_dma source(%dma_start3A_176 : memref<128x32xf32, #tpu.memory_space<vmem>>) target(%dma_start3A_182 : memref<50176x32xf32, #tpu.memory_space<vmem_shared>>) offsets(%dma_start3A_179 : memref<128xi32, #tpu.memory_space<vmem>>) semaphore(%run_scoped3A_172 : memref<!tpu.dma_semaphore, #tpu.memory_space<semaphore_mem>>) {add = true}
          %dma_wait3A_183 = arith.constant 0 : i32
          %dma_wait3A_184 = arith.constant 0 : i32
          %dma_wait3A_185 = tpu.memref_slice %arg9[%run_scoped3A, %dma_wait3A_183, %dma_wait3A_184] : memref<4x128x32xf32, #tpu.memory_space<vmem>> -> memref<1x128x32xf32, #tpu.memory_space<vmem>>
          %dma_wait3A_186 = tpu.memref_squeeze %dma_wait3A_185 : memref<1x128x32xf32, #tpu.memory_space<vmem>> -> memref<128x32xf32, #tpu.memory_space<vmem>>
          %dma_wait3A_187 = arith.constant 0 : i32
          %dma_wait3A_188 = tpu.memref_slice %arg8[%add3A_101, %dma_wait3A_187] : memref<28x128xi32, #tpu.memory_space<vmem>> -> memref<1x128xi32, #tpu.memory_space<vmem>>
          %dma_wait3A_189 = tpu.memref_squeeze %dma_wait3A_188 : memref<1x128xi32, #tpu.memory_space<vmem>> -> memref<128xi32, #tpu.memory_space<vmem>>
          %dma_wait3A_190 = arith.constant 0 : i32
          %dma_wait3A_191 = arith.constant 0 : i32
          %dma_wait3A_192 = tpu.memref_slice %arg10[%dma_wait3A_190, %dma_wait3A_191] : memref<50176x32xf32, #tpu.memory_space<vmem_shared>> -> memref<50176x32xf32, #tpu.memory_space<vmem_shared>>
          tpu.wait_indirect_dma semaphore(%run_scoped3A_172 : memref<!tpu.dma_semaphore, #tpu.memory_space<semaphore_mem>>) src(%dma_wait3A_186 : memref<128x32xf32, #tpu.memory_space<vmem>>) dst(%dma_wait3A_192 : memref<50176x32xf32, #tpu.memory_space<vmem_shared>>)
          tpu.yield
        }) : () -> ()
        %mul3A_115 = arith.constant 4 : i32
        %mul3A_116 = arith.muli %scan3A_26, %mul3A_115 : i32
        %add3A_117 = arith.constant 1 : i32
        %add3A_118 = arith.addi %mul3A_116, %add3A_117 : i32
        %dma_wait3A_119 = arith.constant 1 : i32
        %dma_wait3A_120 = arith.constant 1 : i32
        %dma_wait3A_121 = arith.constant 0 : i32
        %dma_wait3A_122 = arith.constant 0 : i32
        %dma_wait3A_123 = tpu.memref_slice %arg9[%dma_wait3A_119, %dma_wait3A_121, %dma_wait3A_122] : memref<4x128x32xf32, #tpu.memory_space<vmem>> -> memref<1x128x32xf32, #tpu.memory_space<vmem>>
        %dma_wait3A_124 = tpu.memref_squeeze %dma_wait3A_123 : memref<1x128x32xf32, #tpu.memory_space<vmem>> -> memref<128x32xf32, #tpu.memory_space<vmem>>
        %dma_wait3A_125 = arith.constant 0 : i32
        %dma_wait3A_126 = tpu.memref_slice %arg7[%add3A_47, %dma_wait3A_125] : memref<28x128xi32, #tpu.memory_space<vmem>> -> memref<1x128xi32, #tpu.memory_space<vmem>>
        %dma_wait3A_127 = tpu.memref_squeeze %dma_wait3A_126 : memref<1x128xi32, #tpu.memory_space<vmem>> -> memref<128xi32, #tpu.memory_space<vmem>>
        %dma_wait3A_128 = arith.constant 0 : i32
        %dma_wait3A_129 = arith.constant 0 : i32
        %dma_wait3A_130 = tpu.memref_slice %arg2[%dma_wait3A_128, %dma_wait3A_129] : memref<100352x32xf32, #tpu.memory_space<hbm>> -> memref<100352x32xf32, #tpu.memory_space<hbm>>
        %dma_wait3A_131 = tpu.memref_slice %arg11[%dma_wait3A_120] : memref<4x!tpu.dma_semaphore, #tpu.memory_space<semaphore_mem>> -> memref<1x!tpu.dma_semaphore, #tpu.memory_space<semaphore_mem>>
        %dma_wait3A_132 = tpu.memref_squeeze %dma_wait3A_131 : memref<1x!tpu.dma_semaphore, #tpu.memory_space<semaphore_mem>> -> memref<!tpu.dma_semaphore, #tpu.memory_space<semaphore_mem>>
        tpu.wait_indirect_dma semaphore(%dma_wait3A_132 : memref<!tpu.dma_semaphore, #tpu.memory_space<semaphore_mem>>) src(%dma_wait3A_130 : memref<100352x32xf32, #tpu.memory_space<hbm>>) dst(%dma_wait3A_124 : memref<128x32xf32, #tpu.memory_space<vmem>>)
        %run_scoped3A_133 = arith.constant 1 : i32
        "tpu.region"() ({
          %run_scoped3A_172 = tpu.sem_alloc : memref<!tpu.dma_semaphore, #tpu.memory_space<semaphore_mem>>
          %dma_start3A_173 = arith.constant 0 : i32
          %dma_start3A_174 = arith.constant 0 : i32
          %dma_start3A_175 = tpu.memref_slice %arg9[%run_scoped3A_133, %dma_start3A_173, %dma_start3A_174] : memref<4x128x32xf32, #tpu.memory_space<vmem>> -> memref<1x128x32xf32, #tpu.memory_space<vmem>>
          %dma_start3A_176 = tpu.memref_squeeze %dma_start3A_175 : memref<1x128x32xf32, #tpu.memory_space<vmem>> -> memref<128x32xf32, #tpu.memory_space<vmem>>
          %dma_start3A_177 = arith.constant 0 : i32
          %dma_start3A_178 = tpu.memref_slice %arg8[%add3A_118, %dma_start3A_177] : memref<28x128xi32, #tpu.memory_space<vmem>> -> memref<1x128xi32, #tpu.memory_space<vmem>>
          %dma_start3A_179 = tpu.memref_squeeze %dma_start3A_178 : memref<1x128xi32, #tpu.memory_space<vmem>> -> memref<128xi32, #tpu.memory_space<vmem>>
          %dma_start3A_180 = arith.constant 0 : i32
          %dma_start3A_181 = arith.constant 0 : i32
          %dma_start3A_182 = tpu.memref_slice %arg10[%dma_start3A_180, %dma_start3A_181] : memref<50176x32xf32, #tpu.memory_space<vmem_shared>> -> memref<50176x32xf32, #tpu.memory_space<vmem_shared>>
          tpu.enqueue_indirect_dma source(%dma_start3A_176 : memref<128x32xf32, #tpu.memory_space<vmem>>) target(%dma_start3A_182 : memref<50176x32xf32, #tpu.memory_space<vmem_shared>>) offsets(%dma_start3A_179 : memref<128xi32, #tpu.memory_space<vmem>>) semaphore(%run_scoped3A_172 : memref<!tpu.dma_semaphore, #tpu.memory_space<semaphore_mem>>) {add = true}
          %dma_wait3A_183 = arith.constant 0 : i32
          %dma_wait3A_184 = arith.constant 0 : i32
          %dma_wait3A_185 = tpu.memref_slice %arg9[%run_scoped3A_133, %dma_wait3A_183, %dma_wait3A_184] : memref<4x128x32xf32, #tpu.memory_space<vmem>> -> memref<1x128x32xf32, #tpu.memory_space<vmem>>
          %dma_wait3A_186 = tpu.memref_squeeze %dma_wait3A_185 : memref<1x128x32xf32, #tpu.memory_space<vmem>> -> memref<128x32xf32, #tpu.memory_space<vmem>>
          %dma_wait3A_187 = arith.constant 0 : i32
          %dma_wait3A_188 = tpu.memref_slice %arg8[%add3A_118, %dma_wait3A_187] : memref<28x128xi32, #tpu.memory_space<vmem>> -> memref<1x128xi32, #tpu.memory_space<vmem>>
          %dma_wait3A_189 = tpu.memref_squeeze %dma_wait3A_188 : memref<1x128xi32, #tpu.memory_space<vmem>> -> memref<128xi32, #tpu.memory_space<vmem>>
          %dma_wait3A_190 = arith.constant 0 : i32
          %dma_wait3A_191 = arith.constant 0 : i32
          %dma_wait3A_192 = tpu.memref_slice %arg10[%dma_wait3A_190, %dma_wait3A_191] : memref<50176x32xf32, #tpu.memory_space<vmem_shared>> -> memref<50176x32xf32, #tpu.memory_space<vmem_shared>>
          tpu.wait_indirect_dma semaphore(%run_scoped3A_172 : memref<!tpu.dma_semaphore, #tpu.memory_space<semaphore_mem>>) src(%dma_wait3A_186 : memref<128x32xf32, #tpu.memory_space<vmem>>) dst(%dma_wait3A_192 : memref<50176x32xf32, #tpu.memory_space<vmem_shared>>)
          tpu.yield
        }) : () -> ()
        %mul3A_134 = arith.constant 4 : i32
        %mul3A_135 = arith.muli %scan3A_26, %mul3A_134 : i32
        %add3A_136 = arith.constant 2 : i32
        %add3A_137 = arith.addi %mul3A_135, %add3A_136 : i32
        %dma_wait3A_138 = arith.constant 2 : i32
        %dma_wait3A_139 = arith.constant 2 : i32
        %dma_wait3A_140 = arith.constant 0 : i32
        %dma_wait3A_141 = arith.constant 0 : i32
        %dma_wait3A_142 = tpu.memref_slice %arg9[%dma_wait3A_138, %dma_wait3A_140, %dma_wait3A_141] : memref<4x128x32xf32, #tpu.memory_space<vmem>> -> memref<1x128x32xf32, #tpu.memory_space<vmem>>
        %dma_wait3A_143 = tpu.memref_squeeze %dma_wait3A_142 : memref<1x128x32xf32, #tpu.memory_space<vmem>> -> memref<128x32xf32, #tpu.memory_space<vmem>>
        %dma_wait3A_144 = arith.constant 0 : i32
        %dma_wait3A_145 = tpu.memref_slice %arg7[%add3A_65, %dma_wait3A_144] : memref<28x128xi32, #tpu.memory_space<vmem>> -> memref<1x128xi32, #tpu.memory_space<vmem>>
        %dma_wait3A_146 = tpu.memref_squeeze %dma_wait3A_145 : memref<1x128xi32, #tpu.memory_space<vmem>> -> memref<128xi32, #tpu.memory_space<vmem>>
        %dma_wait3A_147 = arith.constant 0 : i32
        %dma_wait3A_148 = arith.constant 0 : i32
        %dma_wait3A_149 = tpu.memref_slice %arg2[%dma_wait3A_147, %dma_wait3A_148] : memref<100352x32xf32, #tpu.memory_space<hbm>> -> memref<100352x32xf32, #tpu.memory_space<hbm>>
        %dma_wait3A_150 = tpu.memref_slice %arg11[%dma_wait3A_139] : memref<4x!tpu.dma_semaphore, #tpu.memory_space<semaphore_mem>> -> memref<1x!tpu.dma_semaphore, #tpu.memory_space<semaphore_mem>>
        %dma_wait3A_151 = tpu.memref_squeeze %dma_wait3A_150 : memref<1x!tpu.dma_semaphore, #tpu.memory_space<semaphore_mem>> -> memref<!tpu.dma_semaphore, #tpu.memory_space<semaphore_mem>>
        tpu.wait_indirect_dma semaphore(%dma_wait3A_151 : memref<!tpu.dma_semaphore, #tpu.memory_space<semaphore_mem>>) src(%dma_wait3A_149 : memref<100352x32xf32, #tpu.memory_space<hbm>>) dst(%dma_wait3A_143 : memref<128x32xf32, #tpu.memory_space<vmem>>)
        %run_scoped3A_152 = arith.constant 2 : i32
        "tpu.region"() ({
          %run_scoped3A_172 = tpu.sem_alloc : memref<!tpu.dma_semaphore, #tpu.memory_space<semaphore_mem>>
          %dma_start3A_173 = arith.constant 0 : i32
          %dma_start3A_174 = arith.constant 0 : i32
          %dma_start3A_175 = tpu.memref_slice %arg9[%run_scoped3A_152, %dma_start3A_173, %dma_start3A_174] : memref<4x128x32xf32, #tpu.memory_space<vmem>> -> memref<1x128x32xf32, #tpu.memory_space<vmem>>
          %dma_start3A_176 = tpu.memref_squeeze %dma_start3A_175 : memref<1x128x32xf32, #tpu.memory_space<vmem>> -> memref<128x32xf32, #tpu.memory_space<vmem>>
          %dma_start3A_177 = arith.constant 0 : i32
          %dma_start3A_178 = tpu.memref_slice %arg8[%add3A_137, %dma_start3A_177] : memref<28x128xi32, #tpu.memory_space<vmem>> -> memref<1x128xi32, #tpu.memory_space<vmem>>
          %dma_start3A_179 = tpu.memref_squeeze %dma_start3A_178 : memref<1x128xi32, #tpu.memory_space<vmem>> -> memref<128xi32, #tpu.memory_space<vmem>>
          %dma_start3A_180 = arith.constant 0 : i32
          %dma_start3A_181 = arith.constant 0 : i32
          %dma_start3A_182 = tpu.memref_slice %arg10[%dma_start3A_180, %dma_start3A_181] : memref<50176x32xf32, #tpu.memory_space<vmem_shared>> -> memref<50176x32xf32, #tpu.memory_space<vmem_shared>>
          tpu.enqueue_indirect_dma source(%dma_start3A_176 : memref<128x32xf32, #tpu.memory_space<vmem>>) target(%dma_start3A_182 : memref<50176x32xf32, #tpu.memory_space<vmem_shared>>) offsets(%dma_start3A_179 : memref<128xi32, #tpu.memory_space<vmem>>) semaphore(%run_scoped3A_172 : memref<!tpu.dma_semaphore, #tpu.memory_space<semaphore_mem>>) {add = true}
          %dma_wait3A_183 = arith.constant 0 : i32
          %dma_wait3A_184 = arith.constant 0 : i32
          %dma_wait3A_185 = tpu.memref_slice %arg9[%run_scoped3A_152, %dma_wait3A_183, %dma_wait3A_184] : memref<4x128x32xf32, #tpu.memory_space<vmem>> -> memref<1x128x32xf32, #tpu.memory_space<vmem>>
          %dma_wait3A_186 = tpu.memref_squeeze %dma_wait3A_185 : memref<1x128x32xf32, #tpu.memory_space<vmem>> -> memref<128x32xf32, #tpu.memory_space<vmem>>
          %dma_wait3A_187 = arith.constant 0 : i32
          %dma_wait3A_188 = tpu.memref_slice %arg8[%add3A_137, %dma_wait3A_187] : memref<28x128xi32, #tpu.memory_space<vmem>> -> memref<1x128xi32, #tpu.memory_space<vmem>>
          %dma_wait3A_189 = tpu.memref_squeeze %dma_wait3A_188 : memref<1x128xi32, #tpu.memory_space<vmem>> -> memref<128xi32, #tpu.memory_space<vmem>>
          %dma_wait3A_190 = arith.constant 0 : i32
          %dma_wait3A_191 = arith.constant 0 : i32
          %dma_wait3A_192 = tpu.memref_slice %arg10[%dma_wait3A_190, %dma_wait3A_191] : memref<50176x32xf32, #tpu.memory_space<vmem_shared>> -> memref<50176x32xf32, #tpu.memory_space<vmem_shared>>
          tpu.wait_indirect_dma semaphore(%run_scoped3A_172 : memref<!tpu.dma_semaphore, #tpu.memory_space<semaphore_mem>>) src(%dma_wait3A_186 : memref<128x32xf32, #tpu.memory_space<vmem>>) dst(%dma_wait3A_192 : memref<50176x32xf32, #tpu.memory_space<vmem_shared>>)
          tpu.yield
        }) : () -> ()
        %mul3A_153 = arith.constant 4 : i32
        %mul3A_154 = arith.muli %scan3A_26, %mul3A_153 : i32
        %add3A_155 = arith.constant 3 : i32
        %add3A_156 = arith.addi %mul3A_154, %add3A_155 : i32
        %dma_wait3A_157 = arith.constant 3 : i32
        %dma_wait3A_158 = arith.constant 3 : i32
        %dma_wait3A_159 = arith.constant 0 : i32
        %dma_wait3A_160 = arith.constant 0 : i32
        %dma_wait3A_161 = tpu.memref_slice %arg9[%dma_wait3A_157, %dma_wait3A_159, %dma_wait3A_160] : memref<4x128x32xf32, #tpu.memory_space<vmem>> -> memref<1x128x32xf32, #tpu.memory_space<vmem>>
        %dma_wait3A_162 = tpu.memref_squeeze %dma_wait3A_161 : memref<1x128x32xf32, #tpu.memory_space<vmem>> -> memref<128x32xf32, #tpu.memory_space<vmem>>
        %dma_wait3A_163 = arith.constant 0 : i32
        %dma_wait3A_164 = tpu.memref_slice %arg7[%add3A_83, %dma_wait3A_163] : memref<28x128xi32, #tpu.memory_space<vmem>> -> memref<1x128xi32, #tpu.memory_space<vmem>>
        %dma_wait3A_165 = tpu.memref_squeeze %dma_wait3A_164 : memref<1x128xi32, #tpu.memory_space<vmem>> -> memref<128xi32, #tpu.memory_space<vmem>>
        %dma_wait3A_166 = arith.constant 0 : i32
        %dma_wait3A_167 = arith.constant 0 : i32
        %dma_wait3A_168 = tpu.memref_slice %arg2[%dma_wait3A_166, %dma_wait3A_167] : memref<100352x32xf32, #tpu.memory_space<hbm>> -> memref<100352x32xf32, #tpu.memory_space<hbm>>
        %dma_wait3A_169 = tpu.memref_slice %arg11[%dma_wait3A_158] : memref<4x!tpu.dma_semaphore, #tpu.memory_space<semaphore_mem>> -> memref<1x!tpu.dma_semaphore, #tpu.memory_space<semaphore_mem>>
        %dma_wait3A_170 = tpu.memref_squeeze %dma_wait3A_169 : memref<1x!tpu.dma_semaphore, #tpu.memory_space<semaphore_mem>> -> memref<!tpu.dma_semaphore, #tpu.memory_space<semaphore_mem>>
        tpu.wait_indirect_dma semaphore(%dma_wait3A_170 : memref<!tpu.dma_semaphore, #tpu.memory_space<semaphore_mem>>) src(%dma_wait3A_168 : memref<100352x32xf32, #tpu.memory_space<hbm>>) dst(%dma_wait3A_162 : memref<128x32xf32, #tpu.memory_space<vmem>>)
        %run_scoped3A_171 = arith.constant 3 : i32
        "tpu.region"() ({
          %run_scoped3A_172 = tpu.sem_alloc : memref<!tpu.dma_semaphore, #tpu.memory_space<semaphore_mem>>
          %dma_start3A_173 = arith.constant 0 : i32
          %dma_start3A_174 = arith.constant 0 : i32
          %dma_start3A_175 = tpu.memref_slice %arg9[%run_scoped3A_171, %dma_start3A_173, %dma_start3A_174] : memref<4x128x32xf32, #tpu.memory_space<vmem>> -> memref<1x128x32xf32, #tpu.memory_space<vmem>>
          %dma_start3A_176 = tpu.memref_squeeze %dma_start3A_175 : memref<1x128x32xf32, #tpu.memory_space<vmem>> -> memref<128x32xf32, #tpu.memory_space<vmem>>
          %dma_start3A_177 = arith.constant 0 : i32
          %dma_start3A_178 = tpu.memref_slice %arg8[%add3A_156, %dma_start3A_177] : memref<28x128xi32, #tpu.memory_space<vmem>> -> memref<1x128xi32, #tpu.memory_space<vmem>>
          %dma_start3A_179 = tpu.memref_squeeze %dma_start3A_178 : memref<1x128xi32, #tpu.memory_space<vmem>> -> memref<128xi32, #tpu.memory_space<vmem>>
          %dma_start3A_180 = arith.constant 0 : i32
          %dma_start3A_181 = arith.constant 0 : i32
          %dma_start3A_182 = tpu.memref_slice %arg10[%dma_start3A_180, %dma_start3A_181] : memref<50176x32xf32, #tpu.memory_space<vmem_shared>> -> memref<50176x32xf32, #tpu.memory_space<vmem_shared>>
          tpu.enqueue_indirect_dma source(%dma_start3A_176 : memref<128x32xf32, #tpu.memory_space<vmem>>) target(%dma_start3A_182 : memref<50176x32xf32, #tpu.memory_space<vmem_shared>>) offsets(%dma_start3A_179 : memref<128xi32, #tpu.memory_space<vmem>>) semaphore(%run_scoped3A_172 : memref<!tpu.dma_semaphore, #tpu.memory_space<semaphore_mem>>) {add = true}
          %dma_wait3A_183 = arith.constant 0 : i32
          %dma_wait3A_184 = arith.constant 0 : i32
          %dma_wait3A_185 = tpu.memref_slice %arg9[%run_scoped3A_171, %dma_wait3A_183, %dma_wait3A_184] : memref<4x128x32xf32, #tpu.memory_space<vmem>> -> memref<1x128x32xf32, #tpu.memory_space<vmem>>
          %dma_wait3A_186 = tpu.memref_squeeze %dma_wait3A_185 : memref<1x128x32xf32, #tpu.memory_space<vmem>> -> memref<128x32xf32, #tpu.memory_space<vmem>>
          %dma_wait3A_187 = arith.constant 0 : i32
          %dma_wait3A_188 = tpu.memref_slice %arg8[%add3A_156, %dma_wait3A_187] : memref<28x128xi32, #tpu.memory_space<vmem>> -> memref<1x128xi32, #tpu.memory_space<vmem>>
          %dma_wait3A_189 = tpu.memref_squeeze %dma_wait3A_188 : memref<1x128xi32, #tpu.memory_space<vmem>> -> memref<128xi32, #tpu.memory_space<vmem>>
          %dma_wait3A_190 = arith.constant 0 : i32
          %dma_wait3A_191 = arith.constant 0 : i32
          %dma_wait3A_192 = tpu.memref_slice %arg10[%dma_wait3A_190, %dma_wait3A_191] : memref<50176x32xf32, #tpu.memory_space<vmem_shared>> -> memref<50176x32xf32, #tpu.memory_space<vmem_shared>>
          tpu.wait_indirect_dma semaphore(%run_scoped3A_172 : memref<!tpu.dma_semaphore, #tpu.memory_space<semaphore_mem>>) src(%dma_wait3A_186 : memref<128x32xf32, #tpu.memory_space<vmem>>) dst(%dma_wait3A_192 : memref<50176x32xf32, #tpu.memory_space<vmem_shared>>)
          tpu.yield
        }) : () -> ()
      }
      %scan3A_25 = arith.constant 7 : i32
    }
    %scan3A_9 = arith.constant 7 : i32
    %barrier3A_10 = arith.constant 0 : index
    tpu.barrier barrier_id(%barrier3A_10)
    %mul3A_11 = arith.constant 3136 : i32
    %mul3A_12 = arith.muli %arg1, %mul3A_11 : i32
    %mul3A_13 = arith.constant 3136 : i32
    %mul3A_14 = arith.muli %arg1, %mul3A_13 : i32
    "tpu.region"() ({
      %run_scoped3A = tpu.sem_alloc : memref<!tpu.dma_semaphore, #tpu.memory_space<semaphore_mem>>
      %dma_start3A = arith.constant 0 : i32
      %dma_start3A_15 = tpu.memref_slice %arg6[%arg0, %mul3A_14, %dma_start3A] : memref<2x50176x32xf32, #tpu.memory_space<hbm>> -> memref<1x3136x32xf32, #tpu.memory_space<hbm>>
      %dma_start3A_16 = tpu.memref_squeeze %dma_start3A_15 : memref<1x3136x32xf32, #tpu.memory_space<hbm>> -> memref<3136x32xf32, #tpu.memory_space<hbm>>
      %dma_start3A_17 = arith.constant 0 : i32
      %dma_start3A_18 = tpu.memref_slice %arg10[%mul3A_12, %dma_start3A_17] : memref<50176x32xf32, #tpu.memory_space<vmem_shared>> -> memref<3136x32xf32, #tpu.memory_space<vmem_shared>>
      tpu.enqueue_dma source(%dma_start3A_18 : memref<3136x32xf32, #tpu.memory_space<vmem_shared>>) target(%dma_start3A_16 : memref<3136x32xf32, #tpu.memory_space<hbm>>) target_semaphore(%run_scoped3A : memref<!tpu.dma_semaphore, #tpu.memory_space<semaphore_mem>>)
      %dma_wait3A = arith.constant 0 : i32
      %dma_wait3A_19 = tpu.memref_slice %arg6[%arg0, %mul3A_14, %dma_wait3A] : memref<2x50176x32xf32, #tpu.memory_space<hbm>> -> memref<1x3136x32xf32, #tpu.memory_space<hbm>>
      %dma_wait3A_20 = tpu.memref_squeeze %dma_wait3A_19 : memref<1x3136x32xf32, #tpu.memory_space<hbm>> -> memref<3136x32xf32, #tpu.memory_space<hbm>>
      %dma_wait3A_21 = arith.constant 0 : i32
      %dma_wait3A_22 = tpu.memref_slice %arg10[%mul3A_12, %dma_wait3A_21] : memref<50176x32xf32, #tpu.memory_space<vmem_shared>> -> memref<3136x32xf32, #tpu.memory_space<vmem_shared>>
      tpu.wait_dma2 semaphore(%run_scoped3A : memref<!tpu.dma_semaphore, #tpu.memory_space<semaphore_mem>>) src(%dma_wait3A_22 : memref<3136x32xf32, #tpu.memory_space<vmem_shared>>) dst(%dma_wait3A_20 : memref<3136x32xf32, #tpu.memory_space<hbm>>)
      tpu.yield
    }) : () -> ()
    return
  }
}

#map = affine_map<(d0, d1) -> (0, 0)>
#map1 = affine_map<(d0, d1) -> (0, 0, 0)>
module attributes {stable_mosaic.version = 14 : i64} {
  func.func @k(%arg0: i32, %arg1: i32, %arg2: memref<100352x32xf32, #tpu.memory_space<hbm>>, %arg3: memref<32x196x128xi32, #tpu.memory_space<hbm>>, %arg4: memref<32x196x128xi32, #tpu.memory_space<hbm>>, %arg5: memref<50176x32xf32, #tpu.memory_space<hbm>>, %arg6: memref<2x50176x32xf32, #tpu.memory_space<hbm>>, %arg7: memref<28x128xi32, #tpu.memory_space<vmem>>, %arg8: memref<28x128xi32, #tpu.memory_space<vmem>>, %arg9: memref<4x128x32xf32, #tpu.memory_space<vmem>>, %arg10: memref<50176x32xf32, #tpu.memory_space<vmem_shared>>, %arg11: memref<4x!tpu.dma_semaphore, #tpu.memory_space<semaphore_mem>>) attributes {dimension_semantics = [#tpu.dimension_semantics<core_parallel>, #tpu.dimension_semantics<subcore_parallel>], iteration_bounds = array<i64: 2, 16>, scalar_prefetch = 0 : i64, scratch_operands = 5 : i64, tpu.core_type = #tpu.core_type<sc_vector_subcore>, window_params = [{transform_indices = #map}, {transform_indices = #map1}, {transform_indices = #map1}, {transform_indices = #map}, {transform_indices = #map1}]} {
    %mul3A = arith.constant 16 : i32
    %mul3A_0 = arith.muli %arg0, %mul3A : i32
    %add3A = arith.addi %mul3A_0, %arg1 : i32
    %mul3A_1 = arith.constant 3136 : i32
    %mul3A_2 = arith.muli %arg1, %mul3A_1 : i32
    %mul3A_3 = arith.constant 3136 : i32
    %mul3A_4 = arith.muli %arg1, %mul3A_3 : i32
    "tpu.region"() ({
      %run_scoped3A = tpu.sem_alloc : memref<!tpu.dma_semaphore, #tpu.memory_space<semaphore_mem>>
      %dma_start3A = arith.constant 0 : i32
      %dma_start3A_15 = tpu.memref_slice %arg10[%mul3A_4, %dma_start3A] : memref<50176x32xf32, #tpu.memory_space<vmem_shared>> -> memref<3136x32xf32, #tpu.memory_space<vmem_shared>>
      %dma_start3A_16 = arith.constant 0 : i32
      %dma_start3A_17 = tpu.memref_slice %arg5[%mul3A_2, %dma_start3A_16] : memref<50176x32xf32, #tpu.memory_space<hbm>> -> memref<3136x32xf32, #tpu.memory_space<hbm>>
      tpu.enqueue_dma source(%dma_start3A_17 : memref<3136x32xf32, #tpu.memory_space<hbm>>) target(%dma_start3A_15 : memref<3136x32xf32, #tpu.memory_space<vmem_shared>>) target_semaphore(%run_scoped3A : memref<!tpu.dma_semaphore, #tpu.memory_space<semaphore_mem>>)
      %dma_wait3A = arith.constant 0 : i32
      %dma_wait3A_18 = tpu.memref_slice %arg10[%mul3A_4, %dma_wait3A] : memref<50176x32xf32, #tpu.memory_space<vmem_shared>> -> memref<3136x32xf32, #tpu.memory_space<vmem_shared>>
      %dma_wait3A_19 = arith.constant 0 : i32
      %dma_wait3A_20 = tpu.memref_slice %arg5[%mul3A_2, %dma_wait3A_19] : memref<50176x32xf32, #tpu.memory_space<hbm>> -> memref<3136x32xf32, #tpu.memory_space<hbm>>
      tpu.wait_dma2 semaphore(%run_scoped3A : memref<!tpu.dma_semaphore, #tpu.memory_space<semaphore_mem>>) src(%dma_wait3A_20 : memref<3136x32xf32, #tpu.memory_space<hbm>>) dst(%dma_wait3A_18 : memref<3136x32xf32, #tpu.memory_space<vmem_shared>>)
      tpu.yield
    }) : () -> ()
    %barrier3A = arith.constant 0 : index
    tpu.barrier barrier_id(%barrier3A)
    %scan3A = arith.constant 0 : i32
    %scan3A_5 = arith.constant 0 : i32
    %scan3A_6 = arith.constant 7 : i32
    %scan3A_7 = arith.addi %scan3A_5, %scan3A_6 : i32
    %scan3A_8 = arith.constant 1 : i32
    scf.for %scan3A_15 = %scan3A_5 to %scan3A_7 step %scan3A_8  : i32 {
      %mul3A_16 = arith.constant 28 : i32
      %mul3A_17 = arith.muli %scan3A_15, %mul3A_16 : i32
      "tpu.region"() ({
        %run_scoped3A = tpu.sem_alloc : memref<!tpu.dma_semaphore, #tpu.memory_space<semaphore_mem>>
        %dma_start3A = arith.constant 0 : i32
        %dma_start3A_26 = tpu.memref_slice %arg3[%add3A, %mul3A_17, %dma_start3A] : memref<32x196x128xi32, #tpu.memory_space<hbm>> -> memref<1x28x128xi32, #tpu.memory_space<hbm>>
        %dma_start3A_27 = tpu.memref_squeeze %dma_start3A_26 : memref<1x28x128xi32, #tpu.memory_space<hbm>> -> memref<28x128xi32, #tpu.memory_space<hbm>>
        %dma_start3A_28 = arith.constant 0 : i32
        %dma_start3A_29 = tpu.memref_slice %arg3[%add3A, %mul3A_17, %dma_start3A_28] : memref<32x196x128xi32, #tpu.memory_space<hbm>> -> memref<1x28x128xi32, #tpu.memory_space<hbm>>
        %dma_start3A_30 = tpu.memref_squeeze %dma_start3A_29 : memref<1x28x128xi32, #tpu.memory_space<hbm>> -> memref<28x128xi32, #tpu.memory_space<hbm>>
        tpu.enqueue_dma source(%dma_start3A_30 : memref<28x128xi32, #tpu.memory_space<hbm>>) target(%arg7 : memref<28x128xi32, #tpu.memory_space<vmem>>) target_semaphore(%run_scoped3A : memref<!tpu.dma_semaphore, #tpu.memory_space<semaphore_mem>>)
        %dma_wait3A = arith.constant 0 : i32
        %dma_wait3A_31 = tpu.memref_slice %arg3[%add3A, %mul3A_17, %dma_wait3A] : memref<32x196x128xi32, #tpu.memory_space<hbm>> -> memref<1x28x128xi32, #tpu.memory_space<hbm>>
        %dma_wait3A_32 = tpu.memref_squeeze %dma_wait3A_31 : memref<1x28x128xi32, #tpu.memory_space<hbm>> -> memref<28x128xi32, #tpu.memory_space<hbm>>
        %dma_wait3A_33 = arith.constant 0 : i32
        %dma_wait3A_34 = tpu.memref_slice %arg3[%add3A, %mul3A_17, %dma_wait3A_33] : memref<32x196x128xi32, #tpu.memory_space<hbm>> -> memref<1x28x128xi32, #tpu.memory_space<hbm>>
        %dma_wait3A_35 = tpu.memref_squeeze %dma_wait3A_34 : memref<1x28x128xi32, #tpu.memory_space<hbm>> -> memref<28x128xi32, #tpu.memory_space<hbm>>
        tpu.wait_dma2 semaphore(%run_scoped3A : memref<!tpu.dma_semaphore, #tpu.memory_space<semaphore_mem>>) src(%dma_wait3A_35 : memref<28x128xi32, #tpu.memory_space<hbm>>) dst(%arg7 : memref<28x128xi32, #tpu.memory_space<vmem>>)
        tpu.yield
      }) : () -> ()
      %mul3A_18 = arith.constant 28 : i32
      %mul3A_19 = arith.muli %scan3A_15, %mul3A_18 : i32
      "tpu.region"() ({
        %run_scoped3A = tpu.sem_alloc : memref<!tpu.dma_semaphore, #tpu.memory_space<semaphore_mem>>
        %dma_start3A = arith.constant 0 : i32
        %dma_start3A_26 = tpu.memref_slice %arg4[%add3A, %mul3A_19, %dma_start3A] : memref<32x196x128xi32, #tpu.memory_space<hbm>> -> memref<1x28x128xi32, #tpu.memory_space<hbm>>
        %dma_start3A_27 = tpu.memref_squeeze %dma_start3A_26 : memref<1x28x128xi32, #tpu.memory_space<hbm>> -> memref<28x128xi32, #tpu.memory_space<hbm>>
        %dma_start3A_28 = arith.constant 0 : i32
        %dma_start3A_29 = tpu.memref_slice %arg4[%add3A, %mul3A_19, %dma_start3A_28] : memref<32x196x128xi32, #tpu.memory_space<hbm>> -> memref<1x28x128xi32, #tpu.memory_space<hbm>>
        %dma_start3A_30 = tpu.memref_squeeze %dma_start3A_29 : memref<1x28x128xi32, #tpu.memory_space<hbm>> -> memref<28x128xi32, #tpu.memory_space<hbm>>
        tpu.enqueue_dma source(%dma_start3A_30 : memref<28x128xi32, #tpu.memory_space<hbm>>) target(%arg8 : memref<28x128xi32, #tpu.memory_space<vmem>>) target_semaphore(%run_scoped3A : memref<!tpu.dma_semaphore, #tpu.memory_space<semaphore_mem>>)
        %dma_wait3A = arith.constant 0 : i32
        %dma_wait3A_31 = tpu.memref_slice %arg4[%add3A, %mul3A_19, %dma_wait3A] : memref<32x196x128xi32, #tpu.memory_space<hbm>> -> memref<1x28x128xi32, #tpu.memory_space<hbm>>
        %dma_wait3A_32 = tpu.memref_squeeze %dma_wait3A_31 : memref<1x28x128xi32, #tpu.memory_space<hbm>> -> memref<28x128xi32, #tpu.memory_space<hbm>>
        %dma_wait3A_33 = arith.constant 0 : i32
        %dma_wait3A_34 = tpu.memref_slice %arg4[%add3A, %mul3A_19, %dma_wait3A_33] : memref<32x196x128xi32, #tpu.memory_space<hbm>> -> memref<1x28x128xi32, #tpu.memory_space<hbm>>
        %dma_wait3A_35 = tpu.memref_squeeze %dma_wait3A_34 : memref<1x28x128xi32, #tpu.memory_space<hbm>> -> memref<28x128xi32, #tpu.memory_space<hbm>>
        tpu.wait_dma2 semaphore(%run_scoped3A : memref<!tpu.dma_semaphore, #tpu.memory_space<semaphore_mem>>) src(%dma_wait3A_35 : memref<28x128xi32, #tpu.memory_space<hbm>>) dst(%arg8 : memref<28x128xi32, #tpu.memory_space<vmem>>)
        tpu.yield
      }) : () -> ()
      %scan3A_20 = arith.constant 0 : i32
      %scan3A_21 = arith.constant 0 : i32
      %scan3A_22 = arith.constant 7 : i32
      %scan3A_23 = arith.addi %scan3A_21, %scan3A_22 : i32
      %scan3A_24 = arith.constant 1 : i32
      scf.for %scan3A_26 = %scan3A_21 to %scan3A_23 step %scan3A_24  : i32 {
        %mul3A_27 = arith.constant 4 : i32
        %mul3A_28 = arith.muli %scan3A_26, %mul3A_27 : i32
        %add3A_29 = arith.constant 0 : i32
        %add3A_30 = arith.addi %mul3A_28, %add3A_29 : i32
        %dma_start3A = arith.constant 0 : i32
        %dma_start3A_31 = arith.constant 0 : i32
        %dma_start3A_32 = arith.constant 0 : i32
        %dma_start3A_33 = arith.constant 0 : i32
        %dma_start3A_34 = tpu.memref_slice %arg9[%dma_start3A, %dma_start3A_32, %dma_start3A_33] : memref<4x128x32xf32, #tpu.memory_space<vmem>> -> memref<1x128x32xf32, #tpu.memory_space<vmem>>
        %dma_start3A_35 = tpu.memref_squeeze %dma_start3A_34 : memref<1x128x32xf32, #tpu.memory_space<vmem>> -> memref<128x32xf32, #tpu.memory_space<vmem>>
        %dma_start3A_36 = arith.constant 0 : i32
        %dma_start3A_37 = tpu.memref_slice %arg7[%add3A_30, %dma_start3A_36] : memref<28x128xi32, #tpu.memory_space<vmem>> -> memref<1x128xi32, #tpu.memory_space<vmem>>
        %dma_start3A_38 = tpu.memref_squeeze %dma_start3A_37 : memref<1x128xi32, #tpu.memory_space<vmem>> -> memref<128xi32, #tpu.memory_space<vmem>>
        %dma_start3A_39 = arith.constant 0 : i32
        %dma_start3A_40 = arith.constant 0 : i32
        %dma_start3A_41 = tpu.memref_slice %arg2[%dma_start3A_39, %dma_start3A_40] : memref<100352x32xf32, #tpu.memory_space<hbm>> -> memref<100352x32xf32, #tpu.memory_space<hbm>>
        %dma_start3A_42 = tpu.memref_slice %arg11[%dma_start3A_31] : memref<4x!tpu.dma_semaphore, #tpu.memory_space<semaphore_mem>> -> memref<1x!tpu.dma_semaphore, #tpu.memory_space<semaphore_mem>>
        %dma_start3A_43 = tpu.memref_squeeze %dma_start3A_42 : memref<1x!tpu.dma_semaphore, #tpu.memory_space<semaphore_mem>> -> memref<!tpu.dma_semaphore, #tpu.memory_space<semaphore_mem>>
        tpu.enqueue_indirect_dma source(%dma_start3A_41 : memref<100352x32xf32, #tpu.memory_space<hbm>>) target(%dma_start3A_35 : memref<128x32xf32, #tpu.memory_space<vmem>>) offsets(%dma_start3A_38 : memref<128xi32, #tpu.memory_space<vmem>>) semaphore(%dma_start3A_43 : memref<!tpu.dma_semaphore, #tpu.memory_space<semaphore_mem>>)
        %mul3A_44 = arith.constant 4 : i32
        %mul3A_45 = arith.muli %scan3A_26, %mul3A_44 : i32
        %add3A_46 = arith.constant 1 : i32
        %add3A_47 = arith.addi %mul3A_45, %add3A_46 : i32
        %dma_start3A_48 = arith.constant 1 : i32
        %dma_start3A_49 = arith.constant 1 : i32
        %dma_start3A_50 = arith.constant 0 : i32
        %dma_start3A_51 = arith.constant 0 : i32
        %dma_start3A_52 = tpu.memref_slice %arg9[%dma_start3A_48, %dma_start3A_50, %dma_start3A_51] : memref<4x128x32xf32, #tpu.memory_space<vmem>> -> memref<1x128x32xf32, #tpu.memory_space<vmem>>
        %dma_start3A_53 = tpu.memref_squeeze %dma_start3A_52 : memref<1x128x32xf32, #tpu.memory_space<vmem>> -> memref<128x32xf32, #tpu.memory_space<vmem>>
        %dma_start3A_54 = arith.constant 0 : i32
        %dma_start3A_55 = tpu.memref_slice %arg7[%add3A_47, %dma_start3A_54] : memref<28x128xi32, #tpu.memory_space<vmem>> -> memref<1x128xi32, #tpu.memory_space<vmem>>
        %dma_start3A_56 = tpu.memref_squeeze %dma_start3A_55 : memref<1x128xi32, #tpu.memory_space<vmem>> -> memref<128xi32, #tpu.memory_space<vmem>>
        %dma_start3A_57 = arith.constant 0 : i32
        %dma_start3A_58 = arith.constant 0 : i32
        %dma_start3A_59 = tpu.memref_slice %arg2[%dma_start3A_57, %dma_start3A_58] : memref<100352x32xf32, #tpu.memory_space<hbm>> -> memref<100352x32xf32, #tpu.memory_space<hbm>>
        %dma_start3A_60 = tpu.memref_slice %arg11[%dma_start3A_49] : memref<4x!tpu.dma_semaphore, #tpu.memory_space<semaphore_mem>> -> memref<1x!tpu.dma_semaphore, #tpu.memory_space<semaphore_mem>>
        %dma_start3A_61 = tpu.memref_squeeze %dma_start3A_60 : memref<1x!tpu.dma_semaphore, #tpu.memory_space<semaphore_mem>> -> memref<!tpu.dma_semaphore, #tpu.memory_space<semaphore_mem>>
        tpu.enqueue_indirect_dma source(%dma_start3A_59 : memref<100352x32xf32, #tpu.memory_space<hbm>>) target(%dma_start3A_53 : memref<128x32xf32, #tpu.memory_space<vmem>>) offsets(%dma_start3A_56 : memref<128xi32, #tpu.memory_space<vmem>>) semaphore(%dma_start3A_61 : memref<!tpu.dma_semaphore, #tpu.memory_space<semaphore_mem>>)
        %mul3A_62 = arith.constant 4 : i32
        %mul3A_63 = arith.muli %scan3A_26, %mul3A_62 : i32
        %add3A_64 = arith.constant 2 : i32
        %add3A_65 = arith.addi %mul3A_63, %add3A_64 : i32
        %dma_start3A_66 = arith.constant 2 : i32
        %dma_start3A_67 = arith.constant 2 : i32
        %dma_start3A_68 = arith.constant 0 : i32
        %dma_start3A_69 = arith.constant 0 : i32
        %dma_start3A_70 = tpu.memref_slice %arg9[%dma_start3A_66, %dma_start3A_68, %dma_start3A_69] : memref<4x128x32xf32, #tpu.memory_space<vmem>> -> memref<1x128x32xf32, #tpu.memory_space<vmem>>
        %dma_start3A_71 = tpu.memref_squeeze %dma_start3A_70 : memref<1x128x32xf32, #tpu.memory_space<vmem>> -> memref<128x32xf32, #tpu.memory_space<vmem>>
        %dma_start3A_72 = arith.constant 0 : i32
        %dma_start3A_73 = tpu.memref_slice %arg7[%add3A_65, %dma_start3A_72] : memref<28x128xi32, #tpu.memory_space<vmem>> -> memref<1x128xi32, #tpu.memory_space<vmem>>
        %dma_start3A_74 = tpu.memref_squeeze %dma_start3A_73 : memref<1x128xi32, #tpu.memory_space<vmem>> -> memref<128xi32, #tpu.memory_space<vmem>>
        %dma_start3A_75 = arith.constant 0 : i32
        %dma_start3A_76 = arith.constant 0 : i32
        %dma_start3A_77 = tpu.memref_slice %arg2[%dma_start3A_75, %dma_start3A_76] : memref<100352x32xf32, #tpu.memory_space<hbm>> -> memref<100352x32xf32, #tpu.memory_space<hbm>>
        %dma_start3A_78 = tpu.memref_slice %arg11[%dma_start3A_67] : memref<4x!tpu.dma_semaphore, #tpu.memory_space<semaphore_mem>> -> memref<1x!tpu.dma_semaphore, #tpu.memory_space<semaphore_mem>>
        %dma_start3A_79 = tpu.memref_squeeze %dma_start3A_78 : memref<1x!tpu.dma_semaphore, #tpu.memory_space<semaphore_mem>> -> memref<!tpu.dma_semaphore, #tpu.memory_space<semaphore_mem>>
        tpu.enqueue_indirect_dma source(%dma_start3A_77 : memref<100352x32xf32, #tpu.memory_space<hbm>>) target(%dma_start3A_71 : memref<128x32xf32, #tpu.memory_space<vmem>>) offsets(%dma_start3A_74 : memref<128xi32, #tpu.memory_space<vmem>>) semaphore(%dma_start3A_79 : memref<!tpu.dma_semaphore, #tpu.memory_space<semaphore_mem>>)
        %mul3A_80 = arith.constant 4 : i32
        %mul3A_81 = arith.muli %scan3A_26, %mul3A_80 : i32
        %add3A_82 = arith.constant 3 : i32
        %add3A_83 = arith.addi %mul3A_81, %add3A_82 : i32
        %dma_start3A_84 = arith.constant 3 : i32
        %dma_start3A_85 = arith.constant 3 : i32
        %dma_start3A_86 = arith.constant 0 : i32
        %dma_start3A_87 = arith.constant 0 : i32
        %dma_start3A_88 = tpu.memref_slice %arg9[%dma_start3A_84, %dma_start3A_86, %dma_start3A_87] : memref<4x128x32xf32, #tpu.memory_space<vmem>> -> memref<1x128x32xf32, #tpu.memory_space<vmem>>
        %dma_start3A_89 = tpu.memref_squeeze %dma_start3A_88 : memref<1x128x32xf32, #tpu.memory_space<vmem>> -> memref<128x32xf32, #tpu.memory_space<vmem>>
        %dma_start3A_90 = arith.constant 0 : i32
        %dma_start3A_91 = tpu.memref_slice %arg7[%add3A_83, %dma_start3A_90] : memref<28x128xi32, #tpu.memory_space<vmem>> -> memref<1x128xi32, #tpu.memory_space<vmem>>
        %dma_start3A_92 = tpu.memref_squeeze %dma_start3A_91 : memref<1x128xi32, #tpu.memory_space<vmem>> -> memref<128xi32, #tpu.memory_space<vmem>>
        %dma_start3A_93 = arith.constant 0 : i32
        %dma_start3A_94 = arith.constant 0 : i32
        %dma_start3A_95 = tpu.memref_slice %arg2[%dma_start3A_93, %dma_start3A_94] : memref<100352x32xf32, #tpu.memory_space<hbm>> -> memref<100352x32xf32, #tpu.memory_space<hbm>>
        %dma_start3A_96 = tpu.memref_slice %arg11[%dma_start3A_85] : memref<4x!tpu.dma_semaphore, #tpu.memory_space<semaphore_mem>> -> memref<1x!tpu.dma_semaphore, #tpu.memory_space<semaphore_mem>>
        %dma_start3A_97 = tpu.memref_squeeze %dma_start3A_96 : memref<1x!tpu.dma_semaphore, #tpu.memory_space<semaphore_mem>> -> memref<!tpu.dma_semaphore, #tpu.memory_space<semaphore_mem>>
        tpu.enqueue_indirect_dma source(%dma_start3A_95 : memref<100352x32xf32, #tpu.memory_space<hbm>>) target(%dma_start3A_89 : memref<128x32xf32, #tpu.memory_space<vmem>>) offsets(%dma_start3A_92 : memref<128xi32, #tpu.memory_space<vmem>>) semaphore(%dma_start3A_97 : memref<!tpu.dma_semaphore, #tpu.memory_space<semaphore_mem>>)
        %mul3A_98 = arith.constant 4 : i32
        %mul3A_99 = arith.muli %scan3A_26, %mul3A_98 : i32
        %add3A_100 = arith.constant 0 : i32
        %add3A_101 = arith.addi %mul3A_99, %add3A_100 : i32
        %dma_wait3A = arith.constant 0 : i32
        %dma_wait3A_102 = arith.constant 0 : i32
        %dma_wait3A_103 = arith.constant 0 : i32
        %dma_wait3A_104 = arith.constant 0 : i32
        %dma_wait3A_105 = tpu.memref_slice %arg9[%dma_wait3A, %dma_wait3A_103, %dma_wait3A_104] : memref<4x128x32xf32, #tpu.memory_space<vmem>> -> memref<1x128x32xf32, #tpu.memory_space<vmem>>
        %dma_wait3A_106 = tpu.memref_squeeze %dma_wait3A_105 : memref<1x128x32xf32, #tpu.memory_space<vmem>> -> memref<128x32xf32, #tpu.memory_space<vmem>>
        %dma_wait3A_107 = arith.constant 0 : i32
        %dma_wait3A_108 = tpu.memref_slice %arg7[%add3A_30, %dma_wait3A_107] : memref<28x128xi32, #tpu.memory_space<vmem>> -> memref<1x128xi32, #tpu.memory_space<vmem>>
        %dma_wait3A_109 = tpu.memref_squeeze %dma_wait3A_108 : memref<1x128xi32, #tpu.memory_space<vmem>> -> memref<128xi32, #tpu.memory_space<vmem>>
        %dma_wait3A_110 = arith.constant 0 : i32
        %dma_wait3A_111 = arith.constant 0 : i32
        %dma_wait3A_112 = tpu.memref_slice %arg2[%dma_wait3A_110, %dma_wait3A_111] : memref<100352x32xf32, #tpu.memory_space<hbm>> -> memref<100352x32xf32, #tpu.memory_space<hbm>>
        %dma_wait3A_113 = tpu.memref_slice %arg11[%dma_wait3A_102] : memref<4x!tpu.dma_semaphore, #tpu.memory_space<semaphore_mem>> -> memref<1x!tpu.dma_semaphore, #tpu.memory_space<semaphore_mem>>
        %dma_wait3A_114 = tpu.memref_squeeze %dma_wait3A_113 : memref<1x!tpu.dma_semaphore, #tpu.memory_space<semaphore_mem>> -> memref<!tpu.dma_semaphore, #tpu.memory_space<semaphore_mem>>
        tpu.wait_indirect_dma semaphore(%dma_wait3A_114 : memref<!tpu.dma_semaphore, #tpu.memory_space<semaphore_mem>>) src(%dma_wait3A_112 : memref<100352x32xf32, #tpu.memory_space<hbm>>) dst(%dma_wait3A_106 : memref<128x32xf32, #tpu.memory_space<vmem>>)
        %run_scoped3A = arith.constant 0 : i32
        "tpu.region"() ({
          %run_scoped3A_172 = tpu.sem_alloc : memref<!tpu.dma_semaphore, #tpu.memory_space<semaphore_mem>>
          %dma_start3A_173 = arith.constant 0 : i32
          %dma_start3A_174 = arith.constant 0 : i32
          %dma_start3A_175 = tpu.memref_slice %arg9[%run_scoped3A, %dma_start3A_173, %dma_start3A_174] : memref<4x128x32xf32, #tpu.memory_space<vmem>> -> memref<1x128x32xf32, #tpu.memory_space<vmem>>
          %dma_start3A_176 = tpu.memref_squeeze %dma_start3A_175 : memref<1x128x32xf32, #tpu.memory_space<vmem>> -> memref<128x32xf32, #tpu.memory_space<vmem>>
          %dma_start3A_177 = arith.constant 0 : i32
          %dma_start3A_178 = tpu.memref_slice %arg8[%add3A_101, %dma_start3A_177] : memref<28x128xi32, #tpu.memory_space<vmem>> -> memref<1x128xi32, #tpu.memory_space<vmem>>
          %dma_start3A_179 = tpu.memref_squeeze %dma_start3A_178 : memref<1x128xi32, #tpu.memory_space<vmem>> -> memref<128xi32, #tpu.memory_space<vmem>>
          %dma_start3A_180 = arith.constant 0 : i32
          %dma_start3A_181 = arith.constant 0 : i32
          %dma_start3A_182 = tpu.memref_slice %arg10[%dma_start3A_180, %dma_start3A_181] : memref<50176x32xf32, #tpu.memory_space<vmem_shared>> -> memref<50176x32xf32, #tpu.memory_space<vmem_shared>>
          tpu.enqueue_indirect_dma source(%dma_start3A_176 : memref<128x32xf32, #tpu.memory_space<vmem>>) target(%dma_start3A_182 : memref<50176x32xf32, #tpu.memory_space<vmem_shared>>) offsets(%dma_start3A_179 : memref<128xi32, #tpu.memory_space<vmem>>) semaphore(%run_scoped3A_172 : memref<!tpu.dma_semaphore, #tpu.memory_space<semaphore_mem>>) {add = true}
          %dma_wait3A_183 = arith.constant 0 : i32
          %dma_wait3A_184 = arith.constant 0 : i32
          %dma_wait3A_185 = tpu.memref_slice %arg9[%run_scoped3A, %dma_wait3A_183, %dma_wait3A_184] : memref<4x128x32xf32, #tpu.memory_space<vmem>> -> memref<1x128x32xf32, #tpu.memory_space<vmem>>
          %dma_wait3A_186 = tpu.memref_squeeze %dma_wait3A_185 : memref<1x128x32xf32, #tpu.memory_space<vmem>> -> memref<128x32xf32, #tpu.memory_space<vmem>>
          %dma_wait3A_187 = arith.constant 0 : i32
          %dma_wait3A_188 = tpu.memref_slice %arg8[%add3A_101, %dma_wait3A_187] : memref<28x128xi32, #tpu.memory_space<vmem>> -> memref<1x128xi32, #tpu.memory_space<vmem>>
          %dma_wait3A_189 = tpu.memref_squeeze %dma_wait3A_188 : memref<1x128xi32, #tpu.memory_space<vmem>> -> memref<128xi32, #tpu.memory_space<vmem>>
          %dma_wait3A_190 = arith.constant 0 : i32
          %dma_wait3A_191 = arith.constant 0 : i32
          %dma_wait3A_192 = tpu.memref_slice %arg10[%dma_wait3A_190, %dma_wait3A_191] : memref<50176x32xf32, #tpu.memory_space<vmem_shared>> -> memref<50176x32xf32, #tpu.memory_space<vmem_shared>>
          tpu.wait_indirect_dma semaphore(%run_scoped3A_172 : memref<!tpu.dma_semaphore, #tpu.memory_space<semaphore_mem>>) src(%dma_wait3A_186 : memref<128x32xf32, #tpu.memory_space<vmem>>) dst(%dma_wait3A_192 : memref<50176x32xf32, #tpu.memory_space<vmem_shared>>)
          tpu.yield
        }) : () -> ()
        %mul3A_115 = arith.constant 4 : i32
        %mul3A_116 = arith.muli %scan3A_26, %mul3A_115 : i32
        %add3A_117 = arith.constant 1 : i32
        %add3A_118 = arith.addi %mul3A_116, %add3A_117 : i32
        %dma_wait3A_119 = arith.constant 1 : i32
        %dma_wait3A_120 = arith.constant 1 : i32
        %dma_wait3A_121 = arith.constant 0 : i32
        %dma_wait3A_122 = arith.constant 0 : i32
        %dma_wait3A_123 = tpu.memref_slice %arg9[%dma_wait3A_119, %dma_wait3A_121, %dma_wait3A_122] : memref<4x128x32xf32, #tpu.memory_space<vmem>> -> memref<1x128x32xf32, #tpu.memory_space<vmem>>
        %dma_wait3A_124 = tpu.memref_squeeze %dma_wait3A_123 : memref<1x128x32xf32, #tpu.memory_space<vmem>> -> memref<128x32xf32, #tpu.memory_space<vmem>>
        %dma_wait3A_125 = arith.constant 0 : i32
        %dma_wait3A_126 = tpu.memref_slice %arg7[%add3A_47, %dma_wait3A_125] : memref<28x128xi32, #tpu.memory_space<vmem>> -> memref<1x128xi32, #tpu.memory_space<vmem>>
        %dma_wait3A_127 = tpu.memref_squeeze %dma_wait3A_126 : memref<1x128xi32, #tpu.memory_space<vmem>> -> memref<128xi32, #tpu.memory_space<vmem>>
        %dma_wait3A_128 = arith.constant 0 : i32
        %dma_wait3A_129 = arith.constant 0 : i32
        %dma_wait3A_130 = tpu.memref_slice %arg2[%dma_wait3A_128, %dma_wait3A_129] : memref<100352x32xf32, #tpu.memory_space<hbm>> -> memref<100352x32xf32, #tpu.memory_space<hbm>>
        %dma_wait3A_131 = tpu.memref_slice %arg11[%dma_wait3A_120] : memref<4x!tpu.dma_semaphore, #tpu.memory_space<semaphore_mem>> -> memref<1x!tpu.dma_semaphore, #tpu.memory_space<semaphore_mem>>
        %dma_wait3A_132 = tpu.memref_squeeze %dma_wait3A_131 : memref<1x!tpu.dma_semaphore, #tpu.memory_space<semaphore_mem>> -> memref<!tpu.dma_semaphore, #tpu.memory_space<semaphore_mem>>
        tpu.wait_indirect_dma semaphore(%dma_wait3A_132 : memref<!tpu.dma_semaphore, #tpu.memory_space<semaphore_mem>>) src(%dma_wait3A_130 : memref<100352x32xf32, #tpu.memory_space<hbm>>) dst(%dma_wait3A_124 : memref<128x32xf32, #tpu.memory_space<vmem>>)
        %run_scoped3A_133 = arith.constant 1 : i32
        "tpu.region"() ({
          %run_scoped3A_172 = tpu.sem_alloc : memref<!tpu.dma_semaphore, #tpu.memory_space<semaphore_mem>>
          %dma_start3A_173 = arith.constant 0 : i32
          %dma_start3A_174 = arith.constant 0 : i32
          %dma_start3A_175 = tpu.memref_slice %arg9[%run_scoped3A_133, %dma_start3A_173, %dma_start3A_174] : memref<4x128x32xf32, #tpu.memory_space<vmem>> -> memref<1x128x32xf32, #tpu.memory_space<vmem>>
          %dma_start3A_176 = tpu.memref_squeeze %dma_start3A_175 : memref<1x128x32xf32, #tpu.memory_space<vmem>> -> memref<128x32xf32, #tpu.memory_space<vmem>>
          %dma_start3A_177 = arith.constant 0 : i32
          %dma_start3A_178 = tpu.memref_slice %arg8[%add3A_118, %dma_start3A_177] : memref<28x128xi32, #tpu.memory_space<vmem>> -> memref<1x128xi32, #tpu.memory_space<vmem>>
          %dma_start3A_179 = tpu.memref_squeeze %dma_start3A_178 : memref<1x128xi32, #tpu.memory_space<vmem>> -> memref<128xi32, #tpu.memory_space<vmem>>
          %dma_start3A_180 = arith.constant 0 : i32
          %dma_start3A_181 = arith.constant 0 : i32
          %dma_start3A_182 = tpu.memref_slice %arg10[%dma_start3A_180, %dma_start3A_181] : memref<50176x32xf32, #tpu.memory_space<vmem_shared>> -> memref<50176x32xf32, #tpu.memory_space<vmem_shared>>
          tpu.enqueue_indirect_dma source(%dma_start3A_176 : memref<128x32xf32, #tpu.memory_space<vmem>>) target(%dma_start3A_182 : memref<50176x32xf32, #tpu.memory_space<vmem_shared>>) offsets(%dma_start3A_179 : memref<128xi32, #tpu.memory_space<vmem>>) semaphore(%run_scoped3A_172 : memref<!tpu.dma_semaphore, #tpu.memory_space<semaphore_mem>>) {add = true}
          %dma_wait3A_183 = arith.constant 0 : i32
          %dma_wait3A_184 = arith.constant 0 : i32
          %dma_wait3A_185 = tpu.memref_slice %arg9[%run_scoped3A_133, %dma_wait3A_183, %dma_wait3A_184] : memref<4x128x32xf32, #tpu.memory_space<vmem>> -> memref<1x128x32xf32, #tpu.memory_space<vmem>>
          %dma_wait3A_186 = tpu.memref_squeeze %dma_wait3A_185 : memref<1x128x32xf32, #tpu.memory_space<vmem>> -> memref<128x32xf32, #tpu.memory_space<vmem>>
          %dma_wait3A_187 = arith.constant 0 : i32
          %dma_wait3A_188 = tpu.memref_slice %arg8[%add3A_118, %dma_wait3A_187] : memref<28x128xi32, #tpu.memory_space<vmem>> -> memref<1x128xi32, #tpu.memory_space<vmem>>
          %dma_wait3A_189 = tpu.memref_squeeze %dma_wait3A_188 : memref<1x128xi32, #tpu.memory_space<vmem>> -> memref<128xi32, #tpu.memory_space<vmem>>
          %dma_wait3A_190 = arith.constant 0 : i32
          %dma_wait3A_191 = arith.constant 0 : i32
          %dma_wait3A_192 = tpu.memref_slice %arg10[%dma_wait3A_190, %dma_wait3A_191] : memref<50176x32xf32, #tpu.memory_space<vmem_shared>> -> memref<50176x32xf32, #tpu.memory_space<vmem_shared>>
          tpu.wait_indirect_dma semaphore(%run_scoped3A_172 : memref<!tpu.dma_semaphore, #tpu.memory_space<semaphore_mem>>) src(%dma_wait3A_186 : memref<128x32xf32, #tpu.memory_space<vmem>>) dst(%dma_wait3A_192 : memref<50176x32xf32, #tpu.memory_space<vmem_shared>>)
          tpu.yield
        }) : () -> ()
        %mul3A_134 = arith.constant 4 : i32
        %mul3A_135 = arith.muli %scan3A_26, %mul3A_134 : i32
        %add3A_136 = arith.constant 2 : i32
        %add3A_137 = arith.addi %mul3A_135, %add3A_136 : i32
        %dma_wait3A_138 = arith.constant 2 : i32
        %dma_wait3A_139 = arith.constant 2 : i32
        %dma_wait3A_140 = arith.constant 0 : i32
        %dma_wait3A_141 = arith.constant 0 : i32
        %dma_wait3A_142 = tpu.memref_slice %arg9[%dma_wait3A_138, %dma_wait3A_140, %dma_wait3A_141] : memref<4x128x32xf32, #tpu.memory_space<vmem>> -> memref<1x128x32xf32, #tpu.memory_space<vmem>>
        %dma_wait3A_143 = tpu.memref_squeeze %dma_wait3A_142 : memref<1x128x32xf32, #tpu.memory_space<vmem>> -> memref<128x32xf32, #tpu.memory_space<vmem>>
        %dma_wait3A_144 = arith.constant 0 : i32
        %dma_wait3A_145 = tpu.memref_slice %arg7[%add3A_65, %dma_wait3A_144] : memref<28x128xi32, #tpu.memory_space<vmem>> -> memref<1x128xi32, #tpu.memory_space<vmem>>
        %dma_wait3A_146 = tpu.memref_squeeze %dma_wait3A_145 : memref<1x128xi32, #tpu.memory_space<vmem>> -> memref<128xi32, #tpu.memory_space<vmem>>
        %dma_wait3A_147 = arith.constant 0 : i32
        %dma_wait3A_148 = arith.constant 0 : i32
        %dma_wait3A_149 = tpu.memref_slice %arg2[%dma_wait3A_147, %dma_wait3A_148] : memref<100352x32xf32, #tpu.memory_space<hbm>> -> memref<100352x32xf32, #tpu.memory_space<hbm>>
        %dma_wait3A_150 = tpu.memref_slice %arg11[%dma_wait3A_139] : memref<4x!tpu.dma_semaphore, #tpu.memory_space<semaphore_mem>> -> memref<1x!tpu.dma_semaphore, #tpu.memory_space<semaphore_mem>>
        %dma_wait3A_151 = tpu.memref_squeeze %dma_wait3A_150 : memref<1x!tpu.dma_semaphore, #tpu.memory_space<semaphore_mem>> -> memref<!tpu.dma_semaphore, #tpu.memory_space<semaphore_mem>>
        tpu.wait_indirect_dma semaphore(%dma_wait3A_151 : memref<!tpu.dma_semaphore, #tpu.memory_space<semaphore_mem>>) src(%dma_wait3A_149 : memref<100352x32xf32, #tpu.memory_space<hbm>>) dst(%dma_wait3A_143 : memref<128x32xf32, #tpu.memory_space<vmem>>)
        %run_scoped3A_152 = arith.constant 2 : i32
        "tpu.region"() ({
          %run_scoped3A_172 = tpu.sem_alloc : memref<!tpu.dma_semaphore, #tpu.memory_space<semaphore_mem>>
          %dma_start3A_173 = arith.constant 0 : i32
          %dma_start3A_174 = arith.constant 0 : i32
          %dma_start3A_175 = tpu.memref_slice %arg9[%run_scoped3A_152, %dma_start3A_173, %dma_start3A_174] : memref<4x128x32xf32, #tpu.memory_space<vmem>> -> memref<1x128x32xf32, #tpu.memory_space<vmem>>
          %dma_start3A_176 = tpu.memref_squeeze %dma_start3A_175 : memref<1x128x32xf32, #tpu.memory_space<vmem>> -> memref<128x32xf32, #tpu.memory_space<vmem>>
          %dma_start3A_177 = arith.constant 0 : i32
          %dma_start3A_178 = tpu.memref_slice %arg8[%add3A_137, %dma_start3A_177] : memref<28x128xi32, #tpu.memory_space<vmem>> -> memref<1x128xi32, #tpu.memory_space<vmem>>
          %dma_start3A_179 = tpu.memref_squeeze %dma_start3A_178 : memref<1x128xi32, #tpu.memory_space<vmem>> -> memref<128xi32, #tpu.memory_space<vmem>>
          %dma_start3A_180 = arith.constant 0 : i32
          %dma_start3A_181 = arith.constant 0 : i32
          %dma_start3A_182 = tpu.memref_slice %arg10[%dma_start3A_180, %dma_start3A_181] : memref<50176x32xf32, #tpu.memory_space<vmem_shared>> -> memref<50176x32xf32, #tpu.memory_space<vmem_shared>>
          tpu.enqueue_indirect_dma source(%dma_start3A_176 : memref<128x32xf32, #tpu.memory_space<vmem>>) target(%dma_start3A_182 : memref<50176x32xf32, #tpu.memory_space<vmem_shared>>) offsets(%dma_start3A_179 : memref<128xi32, #tpu.memory_space<vmem>>) semaphore(%run_scoped3A_172 : memref<!tpu.dma_semaphore, #tpu.memory_space<semaphore_mem>>) {add = true}
          %dma_wait3A_183 = arith.constant 0 : i32
          %dma_wait3A_184 = arith.constant 0 : i32
          %dma_wait3A_185 = tpu.memref_slice %arg9[%run_scoped3A_152, %dma_wait3A_183, %dma_wait3A_184] : memref<4x128x32xf32, #tpu.memory_space<vmem>> -> memref<1x128x32xf32, #tpu.memory_space<vmem>>
          %dma_wait3A_186 = tpu.memref_squeeze %dma_wait3A_185 : memref<1x128x32xf32, #tpu.memory_space<vmem>> -> memref<128x32xf32, #tpu.memory_space<vmem>>
          %dma_wait3A_187 = arith.constant 0 : i32
          %dma_wait3A_188 = tpu.memref_slice %arg8[%add3A_137, %dma_wait3A_187] : memref<28x128xi32, #tpu.memory_space<vmem>> -> memref<1x128xi32, #tpu.memory_space<vmem>>
          %dma_wait3A_189 = tpu.memref_squeeze %dma_wait3A_188 : memref<1x128xi32, #tpu.memory_space<vmem>> -> memref<128xi32, #tpu.memory_space<vmem>>
          %dma_wait3A_190 = arith.constant 0 : i32
          %dma_wait3A_191 = arith.constant 0 : i32
          %dma_wait3A_192 = tpu.memref_slice %arg10[%dma_wait3A_190, %dma_wait3A_191] : memref<50176x32xf32, #tpu.memory_space<vmem_shared>> -> memref<50176x32xf32, #tpu.memory_space<vmem_shared>>
          tpu.wait_indirect_dma semaphore(%run_scoped3A_172 : memref<!tpu.dma_semaphore, #tpu.memory_space<semaphore_mem>>) src(%dma_wait3A_186 : memref<128x32xf32, #tpu.memory_space<vmem>>) dst(%dma_wait3A_192 : memref<50176x32xf32, #tpu.memory_space<vmem_shared>>)
          tpu.yield
        }) : () -> ()
        %mul3A_153 = arith.constant 4 : i32
        %mul3A_154 = arith.muli %scan3A_26, %mul3A_153 : i32
        %add3A_155 = arith.constant 3 : i32
        %add3A_156 = arith.addi %mul3A_154, %add3A_155 : i32
        %dma_wait3A_157 = arith.constant 3 : i32
        %dma_wait3A_158 = arith.constant 3 : i32
        %dma_wait3A_159 = arith.constant 0 : i32
        %dma_wait3A_160 = arith.constant 0 : i32
        %dma_wait3A_161 = tpu.memref_slice %arg9[%dma_wait3A_157, %dma_wait3A_159, %dma_wait3A_160] : memref<4x128x32xf32, #tpu.memory_space<vmem>> -> memref<1x128x32xf32, #tpu.memory_space<vmem>>
        %dma_wait3A_162 = tpu.memref_squeeze %dma_wait3A_161 : memref<1x128x32xf32, #tpu.memory_space<vmem>> -> memref<128x32xf32, #tpu.memory_space<vmem>>
        %dma_wait3A_163 = arith.constant 0 : i32
        %dma_wait3A_164 = tpu.memref_slice %arg7[%add3A_83, %dma_wait3A_163] : memref<28x128xi32, #tpu.memory_space<vmem>> -> memref<1x128xi32, #tpu.memory_space<vmem>>
        %dma_wait3A_165 = tpu.memref_squeeze %dma_wait3A_164 : memref<1x128xi32, #tpu.memory_space<vmem>> -> memref<128xi32, #tpu.memory_space<vmem>>
        %dma_wait3A_166 = arith.constant 0 : i32
        %dma_wait3A_167 = arith.constant 0 : i32
        %dma_wait3A_168 = tpu.memref_slice %arg2[%dma_wait3A_166, %dma_wait3A_167] : memref<100352x32xf32, #tpu.memory_space<hbm>> -> memref<100352x32xf32, #tpu.memory_space<hbm>>
        %dma_wait3A_169 = tpu.memref_slice %arg11[%dma_wait3A_158] : memref<4x!tpu.dma_semaphore, #tpu.memory_space<semaphore_mem>> -> memref<1x!tpu.dma_semaphore, #tpu.memory_space<semaphore_mem>>
        %dma_wait3A_170 = tpu.memref_squeeze %dma_wait3A_169 : memref<1x!tpu.dma_semaphore, #tpu.memory_space<semaphore_mem>> -> memref<!tpu.dma_semaphore, #tpu.memory_space<semaphore_mem>>
        tpu.wait_indirect_dma semaphore(%dma_wait3A_170 : memref<!tpu.dma_semaphore, #tpu.memory_space<semaphore_mem>>) src(%dma_wait3A_168 : memref<100352x32xf32, #tpu.memory_space<hbm>>) dst(%dma_wait3A_162 : memref<128x32xf32, #tpu.memory_space<vmem>>)
        %run_scoped3A_171 = arith.constant 3 : i32
        "tpu.region"() ({
          %run_scoped3A_172 = tpu.sem_alloc : memref<!tpu.dma_semaphore, #tpu.memory_space<semaphore_mem>>
          %dma_start3A_173 = arith.constant 0 : i32
          %dma_start3A_174 = arith.constant 0 : i32
          %dma_start3A_175 = tpu.memref_slice %arg9[%run_scoped3A_171, %dma_start3A_173, %dma_start3A_174] : memref<4x128x32xf32, #tpu.memory_space<vmem>> -> memref<1x128x32xf32, #tpu.memory_space<vmem>>
          %dma_start3A_176 = tpu.memref_squeeze %dma_start3A_175 : memref<1x128x32xf32, #tpu.memory_space<vmem>> -> memref<128x32xf32, #tpu.memory_space<vmem>>
          %dma_start3A_177 = arith.constant 0 : i32
          %dma_start3A_178 = tpu.memref_slice %arg8[%add3A_156, %dma_start3A_177] : memref<28x128xi32, #tpu.memory_space<vmem>> -> memref<1x128xi32, #tpu.memory_space<vmem>>
          %dma_start3A_179 = tpu.memref_squeeze %dma_start3A_178 : memref<1x128xi32, #tpu.memory_space<vmem>> -> memref<128xi32, #tpu.memory_space<vmem>>
          %dma_start3A_180 = arith.constant 0 : i32
          %dma_start3A_181 = arith.constant 0 : i32
          %dma_start3A_182 = tpu.memref_slice %arg10[%dma_start3A_180, %dma_start3A_181] : memref<50176x32xf32, #tpu.memory_space<vmem_shared>> -> memref<50176x32xf32, #tpu.memory_space<vmem_shared>>
          tpu.enqueue_indirect_dma source(%dma_start3A_176 : memref<128x32xf32, #tpu.memory_space<vmem>>) target(%dma_start3A_182 : memref<50176x32xf32, #tpu.memory_space<vmem_shared>>) offsets(%dma_start3A_179 : memref<128xi32, #tpu.memory_space<vmem>>) semaphore(%run_scoped3A_172 : memref<!tpu.dma_semaphore, #tpu.memory_space<semaphore_mem>>) {add = true}
          %dma_wait3A_183 = arith.constant 0 : i32
          %dma_wait3A_184 = arith.constant 0 : i32
          %dma_wait3A_185 = tpu.memref_slice %arg9[%run_scoped3A_171, %dma_wait3A_183, %dma_wait3A_184] : memref<4x128x32xf32, #tpu.memory_space<vmem>> -> memref<1x128x32xf32, #tpu.memory_space<vmem>>
          %dma_wait3A_186 = tpu.memref_squeeze %dma_wait3A_185 : memref<1x128x32xf32, #tpu.memory_space<vmem>> -> memref<128x32xf32, #tpu.memory_space<vmem>>
          %dma_wait3A_187 = arith.constant 0 : i32
          %dma_wait3A_188 = tpu.memref_slice %arg8[%add3A_156, %dma_wait3A_187] : memref<28x128xi32, #tpu.memory_space<vmem>> -> memref<1x128xi32, #tpu.memory_space<vmem>>
          %dma_wait3A_189 = tpu.memref_squeeze %dma_wait3A_188 : memref<1x128xi32, #tpu.memory_space<vmem>> -> memref<128xi32, #tpu.memory_space<vmem>>
          %dma_wait3A_190 = arith.constant 0 : i32
          %dma_wait3A_191 = arith.constant 0 : i32
          %dma_wait3A_192 = tpu.memref_slice %arg10[%dma_wait3A_190, %dma_wait3A_191] : memref<50176x32xf32, #tpu.memory_space<vmem_shared>> -> memref<50176x32xf32, #tpu.memory_space<vmem_shared>>
          tpu.wait_indirect_dma semaphore(%run_scoped3A_172 : memref<!tpu.dma_semaphore, #tpu.memory_space<semaphore_mem>>) src(%dma_wait3A_186 : memref<128x32xf32, #tpu.memory_space<vmem>>) dst(%dma_wait3A_192 : memref<50176x32xf32, #tpu.memory_space<vmem_shared>>)
          tpu.yield
        }) : () -> ()
      }
      %scan3A_25 = arith.constant 7 : i32
    }
    %scan3A_9 = arith.constant 7 : i32
    %barrier3A_10 = arith.constant 0 : index
    tpu.barrier barrier_id(%barrier3A_10)
    %mul3A_11 = arith.constant 3136 : i32
    %mul3A_12 = arith.muli %arg1, %mul3A_11 : i32
    %mul3A_13 = arith.constant 3136 : i32
    %mul3A_14 = arith.muli %arg1, %mul3A_13 : i32
    "tpu.region"() ({
      %run_scoped3A = tpu.sem_alloc : memref<!tpu.dma_semaphore, #tpu.memory_space<semaphore_mem>>
      %dma_start3A = arith.constant 0 : i32
      %dma_start3A_15 = tpu.memref_slice %arg6[%arg0, %mul3A_14, %dma_start3A] : memref<2x50176x32xf32, #tpu.memory_space<hbm>> -> memref<1x3136x32xf32, #tpu.memory_space<hbm>>
      %dma_start3A_16 = tpu.memref_squeeze %dma_start3A_15 : memref<1x3136x32xf32, #tpu.memory_space<hbm>> -> memref<3136x32xf32, #tpu.memory_space<hbm>>
      %dma_start3A_17 = arith.constant 0 : i32
      %dma_start3A_18 = tpu.memref_slice %arg10[%mul3A_12, %dma_start3A_17] : memref<50176x32xf32, #tpu.memory_space<vmem_shared>> -> memref<3136x32xf32, #tpu.memory_space<vmem_shared>>
      tpu.enqueue_dma source(%dma_start3A_18 : memref<3136x32xf32, #tpu.memory_space<vmem_shared>>) target(%dma_start3A_16 : memref<3136x32xf32, #tpu.memory_space<hbm>>) target_semaphore(%run_scoped3A : memref<!tpu.dma_semaphore, #tpu.memory_space<semaphore_mem>>)
      %dma_wait3A = arith.constant 0 : i32
      %dma_wait3A_19 = tpu.memref_slice %arg6[%arg0, %mul3A_14, %dma_wait3A] : memref<2x50176x32xf32, #tpu.memory_space<hbm>> -> memref<1x3136x32xf32, #tpu.memory_space<hbm>>
      %dma_wait3A_20 = tpu.memref_squeeze %dma_wait3A_19 : memref<1x3136x32xf32, #tpu.memory_space<hbm>> -> memref<3136x32xf32, #tpu.memory_space<hbm>>
      %dma_wait3A_21 = arith.constant 0 : i32
      %dma_wait3A_22 = tpu.memref_slice %arg10[%mul3A_12, %dma_wait3A_21] : memref<50176x32xf32, #tpu.memory_space<vmem_shared>> -> memref<3136x32xf32, #tpu.memory_space<vmem_shared>>
      tpu.wait_dma2 semaphore(%run_scoped3A : memref<!tpu.dma_semaphore, #tpu.memory_space<semaphore_mem>>) src(%dma_wait3A_22 : memref<3136x32xf32, #tpu.memory_space<vmem_shared>>) dst(%dma_wait3A_20 : memref<3136x32xf32, #tpu.memory_space<hbm>>)
      tpu.yield
    }) : () -> ()
    return
  }
}

#map = affine_map<(d0, d1) -> (0, 0)>
#map1 = affine_map<(d0, d1) -> (0, 0, 0)>
module attributes {stable_mosaic.version = 14 : i64} {
  func.func @k(%arg0: i32, %arg1: i32, %arg2: memref<50176x32xf32, #tpu.memory_space<hbm>>, %arg3: memref<32x10x96xi32, #tpu.memory_space<hbm>>, %arg4: memref<30720x32xf32, #tpu.memory_space<hbm>>, %arg5: memref<10x96xi32, #tpu.memory_space<vmem>>, %arg6: memref<96x32xf32, #tpu.memory_space<vmem>>, %arg7: memref<!tpu.dma_semaphore, #tpu.memory_space<semaphore_mem>>) attributes {dimension_semantics = [#tpu.dimension_semantics<core_parallel>, #tpu.dimension_semantics<subcore_parallel>], iteration_bounds = array<i64: 2, 16>, scalar_prefetch = 0 : i64, scratch_operands = 3 : i64, tpu.core_type = #tpu.core_type<sc_vector_subcore>, window_params = [{transform_indices = #map}, {transform_indices = #map1}, {transform_indices = #map}]} {
    %mul3A = arith.constant 16 : i32
    %mul3A_0 = arith.muli %arg0, %mul3A : i32
    %add3A = arith.addi %mul3A_0, %arg1 : i32
    "tpu.region"() ({
      %run_scoped3A = tpu.sem_alloc : memref<!tpu.dma_semaphore, #tpu.memory_space<semaphore_mem>>
      %dma_start3A = arith.constant 0 : i32
      %dma_start3A_6 = arith.constant 0 : i32
      %dma_start3A_7 = tpu.memref_slice %arg3[%add3A, %dma_start3A, %dma_start3A_6] : memref<32x10x96xi32, #tpu.memory_space<hbm>> -> memref<1x10x96xi32, #tpu.memory_space<hbm>>
      %dma_start3A_8 = tpu.memref_squeeze %dma_start3A_7 : memref<1x10x96xi32, #tpu.memory_space<hbm>> -> memref<10x96xi32, #tpu.memory_space<hbm>>
      %dma_start3A_9 = arith.constant 0 : i32
      %dma_start3A_10 = arith.constant 0 : i32
      %dma_start3A_11 = tpu.memref_slice %arg3[%add3A, %dma_start3A_9, %dma_start3A_10] : memref<32x10x96xi32, #tpu.memory_space<hbm>> -> memref<1x10x96xi32, #tpu.memory_space<hbm>>
      %dma_start3A_12 = tpu.memref_squeeze %dma_start3A_11 : memref<1x10x96xi32, #tpu.memory_space<hbm>> -> memref<10x96xi32, #tpu.memory_space<hbm>>
      tpu.enqueue_dma source(%dma_start3A_12 : memref<10x96xi32, #tpu.memory_space<hbm>>) target(%arg5 : memref<10x96xi32, #tpu.memory_space<vmem>>) target_semaphore(%run_scoped3A : memref<!tpu.dma_semaphore, #tpu.memory_space<semaphore_mem>>)
      %dma_wait3A = arith.constant 0 : i32
      %dma_wait3A_13 = arith.constant 0 : i32
      %dma_wait3A_14 = tpu.memref_slice %arg3[%add3A, %dma_wait3A, %dma_wait3A_13] : memref<32x10x96xi32, #tpu.memory_space<hbm>> -> memref<1x10x96xi32, #tpu.memory_space<hbm>>
      %dma_wait3A_15 = tpu.memref_squeeze %dma_wait3A_14 : memref<1x10x96xi32, #tpu.memory_space<hbm>> -> memref<10x96xi32, #tpu.memory_space<hbm>>
      %dma_wait3A_16 = arith.constant 0 : i32
      %dma_wait3A_17 = arith.constant 0 : i32
      %dma_wait3A_18 = tpu.memref_slice %arg3[%add3A, %dma_wait3A_16, %dma_wait3A_17] : memref<32x10x96xi32, #tpu.memory_space<hbm>> -> memref<1x10x96xi32, #tpu.memory_space<hbm>>
      %dma_wait3A_19 = tpu.memref_squeeze %dma_wait3A_18 : memref<1x10x96xi32, #tpu.memory_space<hbm>> -> memref<10x96xi32, #tpu.memory_space<hbm>>
      tpu.wait_dma2 semaphore(%run_scoped3A : memref<!tpu.dma_semaphore, #tpu.memory_space<semaphore_mem>>) src(%dma_wait3A_19 : memref<10x96xi32, #tpu.memory_space<hbm>>) dst(%arg5 : memref<10x96xi32, #tpu.memory_space<vmem>>)
      tpu.yield
    }) : () -> ()
    %scan3A = arith.constant 0 : i32
    %scan3A_1 = arith.constant 0 : i32
    %scan3A_2 = arith.constant 10 : i32
    %scan3A_3 = arith.addi %scan3A_1, %scan3A_2 : i32
    %scan3A_4 = arith.constant 1 : i32
    scf.for %scan3A_6 = %scan3A_1 to %scan3A_3 step %scan3A_4  : i32 {
      %dma_start3A = arith.constant 0 : i32
      %dma_start3A_7 = tpu.memref_slice %arg5[%scan3A_6, %dma_start3A] : memref<10x96xi32, #tpu.memory_space<vmem>> -> memref<1x96xi32, #tpu.memory_space<vmem>>
      %dma_start3A_8 = tpu.memref_squeeze %dma_start3A_7 : memref<1x96xi32, #tpu.memory_space<vmem>> -> memref<96xi32, #tpu.memory_space<vmem>>
      %dma_start3A_9 = arith.constant 0 : i32
      %dma_start3A_10 = arith.constant 0 : i32
      %dma_start3A_11 = tpu.memref_slice %arg2[%dma_start3A_9, %dma_start3A_10] : memref<50176x32xf32, #tpu.memory_space<hbm>> -> memref<50176x32xf32, #tpu.memory_space<hbm>>
      tpu.enqueue_indirect_dma source(%dma_start3A_11 : memref<50176x32xf32, #tpu.memory_space<hbm>>) target(%arg6 : memref<96x32xf32, #tpu.memory_space<vmem>>) offsets(%dma_start3A_8 : memref<96xi32, #tpu.memory_space<vmem>>) semaphore(%arg7 : memref<!tpu.dma_semaphore, #tpu.memory_space<semaphore_mem>>)
      %dma_wait3A = arith.constant 0 : i32
      %dma_wait3A_12 = tpu.memref_slice %arg5[%scan3A_6, %dma_wait3A] : memref<10x96xi32, #tpu.memory_space<vmem>> -> memref<1x96xi32, #tpu.memory_space<vmem>>
      %dma_wait3A_13 = tpu.memref_squeeze %dma_wait3A_12 : memref<1x96xi32, #tpu.memory_space<vmem>> -> memref<96xi32, #tpu.memory_space<vmem>>
      %dma_wait3A_14 = arith.constant 0 : i32
      %dma_wait3A_15 = arith.constant 0 : i32
      %dma_wait3A_16 = tpu.memref_slice %arg2[%dma_wait3A_14, %dma_wait3A_15] : memref<50176x32xf32, #tpu.memory_space<hbm>> -> memref<50176x32xf32, #tpu.memory_space<hbm>>
      tpu.wait_indirect_dma semaphore(%arg7 : memref<!tpu.dma_semaphore, #tpu.memory_space<semaphore_mem>>) src(%dma_wait3A_16 : memref<50176x32xf32, #tpu.memory_space<hbm>>) dst(%arg6 : memref<96x32xf32, #tpu.memory_space<vmem>>)
      %mul3A_17 = arith.constant 10 : i32
      %mul3A_18 = arith.muli %add3A, %mul3A_17 : i32
      %mul3A_19 = arith.constant 96 : i32
      %mul3A_20 = arith.muli %mul3A_18, %mul3A_19 : i32
      %mul3A_21 = arith.constant 96 : i32
      %mul3A_22 = arith.muli %scan3A_6, %mul3A_21 : i32
      %add3A_23 = arith.addi %mul3A_20, %mul3A_22 : i32
      "tpu.region"() ({
        %run_scoped3A = tpu.sem_alloc : memref<!tpu.dma_semaphore, #tpu.memory_space<semaphore_mem>>
        %dma_start3A_24 = arith.constant 0 : i32
        %dma_start3A_25 = tpu.memref_slice %arg4[%add3A_23, %dma_start3A_24] : memref<30720x32xf32, #tpu.memory_space<hbm>> -> memref<96x32xf32, #tpu.memory_space<hbm>>
        %dma_start3A_26 = arith.constant 0 : i32
        %dma_start3A_27 = tpu.memref_slice %arg4[%add3A_23, %dma_start3A_26] : memref<30720x32xf32, #tpu.memory_space<hbm>> -> memref<96x32xf32, #tpu.memory_space<hbm>>
        tpu.enqueue_dma source(%arg6 : memref<96x32xf32, #tpu.memory_space<vmem>>) target(%dma_start3A_27 : memref<96x32xf32, #tpu.memory_space<hbm>>) target_semaphore(%run_scoped3A : memref<!tpu.dma_semaphore, #tpu.memory_space<semaphore_mem>>)
        %dma_wait3A_28 = arith.constant 0 : i32
        %dma_wait3A_29 = tpu.memref_slice %arg4[%add3A_23, %dma_wait3A_28] : memref<30720x32xf32, #tpu.memory_space<hbm>> -> memref<96x32xf32, #tpu.memory_space<hbm>>
        %dma_wait3A_30 = arith.constant 0 : i32
        %dma_wait3A_31 = tpu.memref_slice %arg4[%add3A_23, %dma_wait3A_30] : memref<30720x32xf32, #tpu.memory_space<hbm>> -> memref<96x32xf32, #tpu.memory_space<hbm>>
        tpu.wait_dma2 semaphore(%run_scoped3A : memref<!tpu.dma_semaphore, #tpu.memory_space<semaphore_mem>>) src(%arg6 : memref<96x32xf32, #tpu.memory_space<vmem>>) dst(%dma_wait3A_31 : memref<96x32xf32, #tpu.memory_space<hbm>>)
        tpu.yield
      }) : () -> ()
    }
    %scan3A_5 = arith.constant 10 : i32
    return
  }
}

module attributes {stable_mosaic.version = 14 : i64} {
  func.func @_ne_body(%arg0: i32, %arg1: memref<256x128xf32, #tpu.memory_space<vmem>>, %arg2: memref<128x128xf32, #tpu.memory_space<vmem>>, %arg3: memref<128x128xf32, #tpu.memory_space<vmem>>, %arg4: memref<128x128xf32, #tpu.memory_space<vmem>>, %arg5: memref<128x128xf32, #tpu.memory_space<vmem>>, %arg6: memref<128x128xf32, #tpu.memory_space<vmem>>, %arg7: memref<256x128xf32, #tpu.memory_space<vmem>>) attributes {dimension_semantics = [#tpu.dimension_semantics<arbitrary>], iteration_bounds = array<i64: 49>, scalar_prefetch = 0 : i64, scratch_operands = 0 : i64, tpu.core_type = #tpu.core_type<tc>, window_params = [{transform_indices = @transform_0, window_bounds = array<i64: 256, 128>}, {pipeline_mode = #tpu.pipeline_mode<synchronous>, transform_indices = @transform_1, window_bounds = array<i64: 128, 128>}, {pipeline_mode = #tpu.pipeline_mode<synchronous>, transform_indices = @transform_2, window_bounds = array<i64: 128, 128>}, {pipeline_mode = #tpu.pipeline_mode<synchronous>, transform_indices = @transform_3, window_bounds = array<i64: 128, 128>}, {pipeline_mode = #tpu.pipeline_mode<synchronous>, transform_indices = @transform_4, window_bounds = array<i64: 128, 128>}, {pipeline_mode = #tpu.pipeline_mode<synchronous>, transform_indices = @transform_5, window_bounds = array<i64: 128, 128>}, {transform_indices = @transform_6, window_bounds = array<i64: 256, 128>}]} {
    %get3A = arith.constant 0 : index
    %get3A_0 = arith.constant 0 : index
    %get3A_1 = vector.load %arg1[%get3A, %get3A_0] : memref<256x128xf32, #tpu.memory_space<vmem>>, vector<256x128xf32>
    %get3A_2 = arith.constant 0 : index
    %get3A_3 = arith.constant 0 : index
    %get3A_4 = vector.load %arg2[%get3A_2, %get3A_3] : memref<128x128xf32, #tpu.memory_space<vmem>>, vector<128x128xf32>
    %dot_general3A = arith.constant dense<0.000000e+00> : vector<256x128xf32>
    %dot_general3A_5 = tpu.matmul %get3A_1, %get3A_4, %dot_general3A {dimension_numbers = #tpu.dot_dimension_numbers<[1], [0], [0], [1], [0, 0, 1, 1], [], []>, transpose_lhs_hint = false} : vector<256x128xf32>, vector<128x128xf32>, vector<256x128xf32> -> vector<256x128xf32>
    %max3A = arith.constant 0.000000e+00 : f32
    %max3A_6 = vector.broadcast %max3A : f32 to vector<256x128xf32>
    %max3A_7 = arith.maximumf %dot_general3A_5, %max3A_6 : vector<256x128xf32>
    %get3A_8 = arith.constant 0 : index
    %get3A_9 = arith.constant 0 : index
    %get3A_10 = vector.load %arg3[%get3A_8, %get3A_9] : memref<128x128xf32, #tpu.memory_space<vmem>>, vector<128x128xf32>
    %dot_general3A_11 = arith.constant dense<0.000000e+00> : vector<256x128xf32>
    %dot_general3A_12 = tpu.matmul %max3A_7, %get3A_10, %dot_general3A_11 {dimension_numbers = #tpu.dot_dimension_numbers<[1], [0], [0], [1], [0, 0, 1, 1], [], []>, transpose_lhs_hint = false} : vector<256x128xf32>, vector<128x128xf32>, vector<256x128xf32> -> vector<256x128xf32>
    %get3A_13 = arith.constant 0 : index
    %get3A_14 = arith.constant 0 : index
    %get3A_15 = vector.load %arg4[%get3A_13, %get3A_14] : memref<128x128xf32, #tpu.memory_space<vmem>>, vector<128x128xf32>
    %dot_general3A_16 = arith.constant dense<0.000000e+00> : vector<256x128xf32>
    %dot_general3A_17 = tpu.matmul %get3A_1, %get3A_15, %dot_general3A_16 {dimension_numbers = #tpu.dot_dimension_numbers<[1], [0], [0], [1], [0, 0, 1, 1], [], []>, transpose_lhs_hint = false} : vector<256x128xf32>, vector<128x128xf32>, vector<256x128xf32> -> vector<256x128xf32>
    %max3A_18 = arith.constant 0.000000e+00 : f32
    %max3A_19 = vector.broadcast %max3A_18 : f32 to vector<256x128xf32>
    %max3A_20 = arith.maximumf %dot_general3A_17, %max3A_19 : vector<256x128xf32>
    %get3A_21 = arith.constant 0 : index
    %get3A_22 = arith.constant 0 : index
    %get3A_23 = vector.load %arg5[%get3A_21, %get3A_22] : memref<128x128xf32, #tpu.memory_space<vmem>>, vector<128x128xf32>
    %dot_general3A_24 = arith.constant dense<0.000000e+00> : vector<256x128xf32>
    %dot_general3A_25 = tpu.matmul %max3A_20, %get3A_23, %dot_general3A_24 {dimension_numbers = #tpu.dot_dimension_numbers<[1], [0], [0], [1], [0, 0, 1, 1], [], []>, transpose_lhs_hint = false} : vector<256x128xf32>, vector<128x128xf32>, vector<256x128xf32> -> vector<256x128xf32>
    %iota3A = tpu.iota {dimensions = array<i32: 0>} : vector<256x128xi32>
    %mul3A = arith.constant 256 : i32
    %mul3A_26 = arith.muli %arg0, %mul3A : i32
    %add3A = vector.broadcast %mul3A_26 : i32 to vector<256x128xi32>
    %add3A_27 = arith.addi %iota3A, %add3A : vector<256x128xi32>
    %lt3A = arith.constant 7500 : i32
    %lt3A_28 = vector.broadcast %lt3A : i32 to vector<256x128xi32>
    %lt3A_29 = arith.cmpi slt, %add3A_27, %lt3A_28 : vector<256x128xi32>
    %select_n3A = arith.select %lt3A_29, %dot_general3A_12, %dot_general3A_25 : vector<256x128xi1>, vector<256x128xf32>
    %iota3A_30 = tpu.iota {dimensions = array<i32: 1>} : vector<256x128xi32>
    %jit3A = arith.constant 32 : i32
    %eq3A = arith.constant 0 : i32
    %eq3A_31 = arith.cmpi eq, %jit3A, %eq3A : i32
    %jit3A_32 = arith.constant 1 : i32
    %select_n3A_33 = arith.select %eq3A_31, %jit3A_32, %jit3A : i32
    %rem3A = vector.broadcast %select_n3A_33 : i32 to vector<256x128xi32>
    %rem3A_34 = arith.remsi %iota3A_30, %rem3A : vector<256x128xi32>
    %ne3A = arith.constant 0 : i32
    %ne3A_35 = vector.broadcast %ne3A : i32 to vector<256x128xi32>
    %ne3A_36 = arith.cmpi ne, %rem3A_34, %ne3A_35 : vector<256x128xi32>
    %lt3A_37 = arith.constant 0 : i32
    %lt3A_38 = vector.broadcast %lt3A_37 : i32 to vector<256x128xi32>
    %lt3A_39 = arith.cmpi slt, %rem3A_34, %lt3A_38 : vector<256x128xi32>
    %lt3A_40 = arith.constant 0 : i32
    %lt3A_41 = arith.cmpi slt, %select_n3A_33, %lt3A_40 : i32
    %ne3A_42 = vector.broadcast %lt3A_41 : i1 to vector<256x128xi1>
    %ne3A_43 = vector.broadcast %ne3A_42 : vector<256x128xi1> to vector<256x128xi1>
    %ne3A_44 = arith.xori %lt3A_39, %ne3A_43 : vector<256x128xi1>
    %and3A = arith.andi %ne3A_44, %ne3A_36 : vector<256x128xi1>
    %add3A_45 = vector.broadcast %select_n3A_33 : i32 to vector<256x128xi32>
    %add3A_46 = arith.addi %rem3A_34, %add3A_45 : vector<256x128xi32>
    %select_n3A_47 = arith.select %and3A, %add3A_46, %rem3A_34 : vector<256x128xi1>, vector<256x128xi32>
    %lt3A_48 = arith.constant 29 : i32
    %lt3A_49 = vector.broadcast %lt3A_48 : i32 to vector<256x128xi32>
    %lt3A_50 = arith.cmpi slt, %select_n3A_47, %lt3A_49 : vector<256x128xi32>
    %jit3A_51 = arith.constant 0.000000e+00 : f32
    %broadcast_in_dim3A = vector.broadcast %jit3A_51 : f32 to vector<256x128xf32>
    %select_n3A_52 = arith.select %lt3A_50, %select_n3A, %broadcast_in_dim3A : vector<256x128xi1>, vector<256x128xf32>
    %get3A_53 = arith.constant 0 : index
    %get3A_54 = arith.constant 0 : index
    %get3A_55 = vector.load %arg6[%get3A_53, %get3A_54] : memref<128x128xf32, #tpu.memory_space<vmem>>, vector<128x128xf32>
    %dot_general3A_56 = arith.constant dense<0.000000e+00> : vector<256x128xf32>
    %dot_general3A_57 = tpu.matmul %get3A_1, %get3A_55, %dot_general3A_56 {dimension_numbers = #tpu.dot_dimension_numbers<[1], [0], [0], [1], [0, 0, 1, 1], [], []>, transpose_lhs_hint = false} : vector<256x128xf32>, vector<128x128xf32>, vector<256x128xf32> -> vector<256x128xf32>
    %add3A_58 = arith.addf %select_n3A_52, %dot_general3A_57 : vector<256x128xf32>
    %swap3A = arith.constant 0 : index
    %swap3A_59 = arith.constant 0 : index
    %swap3A_60 = vector.load %arg7[%swap3A, %swap3A_59] : memref<256x128xf32, #tpu.memory_space<vmem>>, vector<256x128xf32>
    tpu.vector_store %arg7[%swap3A, %swap3A_59], %add3A_58 {strides = array<i32>} : memref<256x128xf32, #tpu.memory_space<vmem>>, vector<256x128xf32>,
    return
  }
  func.func @transform_0(%arg0: i32) -> (i32, i32) {
    %c0_i32 = arith.constant 0 : i32
    %c0_i32_0 = arith.constant 0 : i32
    return %arg0, %c0_i32 : i32, i32
  }
  func.func @transform_1(%arg0: i32) -> (i32, i32) {
    %c0_i32 = arith.constant 0 : i32
    %c0_i32_0 = arith.constant 0 : i32
    %c0_i32_1 = arith.constant 0 : i32
    return %c0_i32, %c0_i32_0 : i32, i32
  }
  func.func @transform_2(%arg0: i32) -> (i32, i32) {
    %c0_i32 = arith.constant 0 : i32
    %c0_i32_0 = arith.constant 0 : i32
    %c0_i32_1 = arith.constant 0 : i32
    return %c0_i32, %c0_i32_0 : i32, i32
  }
  func.func @transform_3(%arg0: i32) -> (i32, i32) {
    %c0_i32 = arith.constant 0 : i32
    %c0_i32_0 = arith.constant 0 : i32
    %c0_i32_1 = arith.constant 0 : i32
    return %c0_i32, %c0_i32_0 : i32, i32
  }
  func.func @transform_4(%arg0: i32) -> (i32, i32) {
    %c0_i32 = arith.constant 0 : i32
    %c0_i32_0 = arith.constant 0 : i32
    %c0_i32_1 = arith.constant 0 : i32
    return %c0_i32, %c0_i32_0 : i32, i32
  }
  func.func @transform_5(%arg0: i32) -> (i32, i32) {
    %c0_i32 = arith.constant 0 : i32
    %c0_i32_0 = arith.constant 0 : i32
    %c0_i32_1 = arith.constant 0 : i32
    return %c0_i32, %c0_i32_0 : i32, i32
  }
  func.func @transform_6(%arg0: i32) -> (i32, i32) {
    %c0_i32 = arith.constant 0 : i32
    %c0_i32_0 = arith.constant 0 : i32
    return %arg0, %c0_i32 : i32, i32
  }
}

module attributes {stable_mosaic.version = 14 : i64} {
  func.func @_p1_body(%arg0: i32, %arg1: memref<256x128xf32, #tpu.memory_space<vmem>>, %arg2: memref<256x128xf32, #tpu.memory_space<vmem>>, %arg3: memref<128x128xf32, #tpu.memory_space<vmem>>, %arg4: memref<128x128xf32, #tpu.memory_space<vmem>>, %arg5: memref<128x128xf32, #tpu.memory_space<vmem>>, %arg6: memref<128x128xf32, #tpu.memory_space<vmem>>, %arg7: memref<128x128xf32, #tpu.memory_space<vmem>>, %arg8: memref<8x128xf32, #tpu.memory_space<vmem>>, %arg9: memref<2x256x128xf32, #tpu.memory_space<vmem>>) attributes {dimension_semantics = [#tpu.dimension_semantics<arbitrary>], iteration_bounds = array<i64: 49>, scalar_prefetch = 0 : i64, scratch_operands = 0 : i64, tpu.core_type = #tpu.core_type<tc>, window_params = [{transform_indices = @transform_0, window_bounds = array<i64: 256, 128>}, {transform_indices = @transform_1, window_bounds = array<i64: 256, 128>}, {pipeline_mode = #tpu.pipeline_mode<synchronous>, transform_indices = @transform_2, window_bounds = array<i64: 128, 128>}, {pipeline_mode = #tpu.pipeline_mode<synchronous>, transform_indices = @transform_3, window_bounds = array<i64: 128, 128>}, {pipeline_mode = #tpu.pipeline_mode<synchronous>, transform_indices = @transform_4, window_bounds = array<i64: 128, 128>}, {pipeline_mode = #tpu.pipeline_mode<synchronous>, transform_indices = @transform_5, window_bounds = array<i64: 128, 128>}, {pipeline_mode = #tpu.pipeline_mode<synchronous>, transform_indices = @transform_6, window_bounds = array<i64: 128, 128>}, {pipeline_mode = #tpu.pipeline_mode<synchronous>, transform_indices = @transform_7, window_bounds = array<i64: 8, 128>}, {transform_indices = @transform_8, window_bounds = array<i64: 2, 256, 128>}]} {
    %get3A = arith.constant 0 : index
    %get3A_0 = arith.constant 0 : index
    %get3A_1 = vector.load %arg1[%get3A, %get3A_0] : memref<256x128xf32, #tpu.memory_space<vmem>>, vector<256x128xf32>
    %get3A_2 = arith.constant 0 : index
    %get3A_3 = arith.constant 0 : index
    %get3A_4 = vector.load %arg2[%get3A_2, %get3A_3] : memref<256x128xf32, #tpu.memory_space<vmem>>, vector<256x128xf32>
    %get3A_5 = arith.constant 0 : index
    %get3A_6 = arith.constant 0 : index
    %get3A_7 = vector.load %arg3[%get3A_5, %get3A_6] : memref<128x128xf32, #tpu.memory_space<vmem>>, vector<128x128xf32>
    %dot_general3A = arith.constant dense<0.000000e+00> : vector<256x128xf32>
    %dot_general3A_8 = tpu.matmul %get3A_1, %get3A_7, %dot_general3A {dimension_numbers = #tpu.dot_dimension_numbers<[1], [0], [0], [1], [0, 0, 1, 1], [], []>, transpose_lhs_hint = false} : vector<256x128xf32>, vector<128x128xf32>, vector<256x128xf32> -> vector<256x128xf32>
    %get3A_9 = arith.constant 0 : index
    %get3A_10 = arith.constant 0 : index
    %get3A_11 = vector.load %arg8[%get3A_9, %get3A_10] : memref<8x128xf32, #tpu.memory_space<vmem>>, vector<1x128xf32>
    %add3A = vector.broadcast %get3A_11 : vector<1x128xf32> to vector<256x128xf32>
    %add3A_12 = arith.addf %dot_general3A_8, %add3A : vector<256x128xf32>
    %logistic3A = arith.negf %add3A_12 : vector<256x128xf32>
    %logistic3A_13 = math.exp %logistic3A : vector<256x128xf32>
    %logistic3A_14 = arith.constant 1.000000e+00 : f32
    %logistic3A_15 = vector.broadcast %logistic3A_14 : f32 to vector<256x128xf32>
    %logistic3A_16 = arith.addf %logistic3A_15, %logistic3A_13 : vector<256x128xf32>
    %logistic3A_17 = arith.divf %logistic3A_15, %logistic3A_16 : vector<256x128xf32>
    %get3A_18 = arith.constant 0 : index
    %get3A_19 = arith.constant 0 : index
    %get3A_20 = vector.load %arg4[%get3A_18, %get3A_19] : memref<128x128xf32, #tpu.memory_space<vmem>>, vector<128x128xf32>
    %dot_general3A_21 = arith.constant dense<0.000000e+00> : vector<256x128xf32>
    %dot_general3A_22 = tpu.matmul %logistic3A_17, %get3A_20, %dot_general3A_21 {dimension_numbers = #tpu.dot_dimension_numbers<[1], [0], [0], [1], [0, 0, 1, 1], [], []>, transpose_lhs_hint = false} : vector<256x128xf32>, vector<128x128xf32>, vector<256x128xf32> -> vector<256x128xf32>
    %get3A_23 = arith.constant 0 : index
    %get3A_24 = arith.constant 0 : index
    %get3A_25 = vector.load %arg5[%get3A_23, %get3A_24] : memref<128x128xf32, #tpu.memory_space<vmem>>, vector<128x128xf32>
    %dot_general3A_26 = arith.constant dense<0.000000e+00> : vector<256x128xf32>
    %dot_general3A_27 = tpu.matmul %get3A_1, %get3A_25, %dot_general3A_26 {dimension_numbers = #tpu.dot_dimension_numbers<[1], [0], [0], [1], [0, 0, 1, 1], [], []>, transpose_lhs_hint = false} : vector<256x128xf32>, vector<128x128xf32>, vector<256x128xf32> -> vector<256x128xf32>
    %mul3A = arith.mulf %dot_general3A_22, %get3A_4 : vector<256x128xf32>
    %add3A_28 = arith.addf %dot_general3A_27, %mul3A : vector<256x128xf32>
    %get3A_29 = arith.constant 0 : index
    %get3A_30 = arith.constant 0 : index
    %get3A_31 = vector.load %arg7[%get3A_29, %get3A_30] : memref<128x128xf32, #tpu.memory_space<vmem>>, vector<128x128xf32>
    %dot_general3A_32 = arith.constant dense<0.000000e+00> : vector<256x128xf32>
    %dot_general3A_33 = tpu.matmul %get3A_1, %get3A_31, %dot_general3A_32 {dimension_numbers = #tpu.dot_dimension_numbers<[1], [0], [0], [1], [0, 0, 1, 1], [], []>, transpose_lhs_hint = false} : vector<256x128xf32>, vector<128x128xf32>, vector<256x128xf32> -> vector<256x128xf32>
    %mul3A_34 = arith.mulf %dot_general3A_33, %get3A_4 : vector<256x128xf32>
    %get3A_35 = arith.constant 0 : index
    %get3A_36 = arith.constant 0 : index
    %get3A_37 = vector.load %arg6[%get3A_35, %get3A_36] : memref<128x128xf32, #tpu.memory_space<vmem>>, vector<128x128xf32>
    %dot_general3A_38 = arith.constant dense<0.000000e+00> : vector<256x128xf32>
    %dot_general3A_39 = tpu.matmul %get3A_1, %get3A_37, %dot_general3A_38 {dimension_numbers = #tpu.dot_dimension_numbers<[1], [0], [0], [1], [0, 0, 1, 1], [], []>, transpose_lhs_hint = false} : vector<256x128xf32>, vector<128x128xf32>, vector<256x128xf32> -> vector<256x128xf32>
    %iota3A = tpu.iota {dimensions = array<i32: 1>} : vector<256x128xi32>
    %jit3A = arith.constant 32 : i32
    %eq3A = arith.constant 0 : i32
    %eq3A_40 = arith.cmpi eq, %jit3A, %eq3A : i32
    %jit3A_41 = arith.constant 1 : i32
    %select_n3A = arith.select %eq3A_40, %jit3A_41, %jit3A : i32
    %rem3A = vector.broadcast %select_n3A : i32 to vector<256x128xi32>
    %rem3A_42 = arith.remsi %iota3A, %rem3A : vector<256x128xi32>
    %ne3A = arith.constant 0 : i32
    %ne3A_43 = vector.broadcast %ne3A : i32 to vector<256x128xi32>
    %ne3A_44 = arith.cmpi ne, %rem3A_42, %ne3A_43 : vector<256x128xi32>
    %lt3A = arith.constant 0 : i32
    %lt3A_45 = vector.broadcast %lt3A : i32 to vector<256x128xi32>
    %lt3A_46 = arith.cmpi slt, %rem3A_42, %lt3A_45 : vector<256x128xi32>
    %lt3A_47 = arith.constant 0 : i32
    %lt3A_48 = arith.cmpi slt, %select_n3A, %lt3A_47 : i32
    %ne3A_49 = vector.broadcast %lt3A_48 : i1 to vector<256x128xi1>
    %ne3A_50 = vector.broadcast %ne3A_49 : vector<256x128xi1> to vector<256x128xi1>
    %ne3A_51 = arith.xori %lt3A_46, %ne3A_50 : vector<256x128xi1>
    %and3A = arith.andi %ne3A_51, %ne3A_44 : vector<256x128xi1>
    %add3A_52 = vector.broadcast %select_n3A : i32 to vector<256x128xi32>
    %add3A_53 = arith.addi %rem3A_42, %add3A_52 : vector<256x128xi32>
    %select_n3A_54 = arith.select %and3A, %add3A_53, %rem3A_42 : vector<256x128xi1>, vector<256x128xi32>
    %eq3A_55 = arith.constant 31 : i32
    %eq3A_56 = vector.broadcast %eq3A_55 : i32 to vector<256x128xi32>
    %eq3A_57 = arith.cmpi eq, %select_n3A_54, %eq3A_56 : vector<256x128xi32>
    %jit3A_58 = arith.constant 0.000000e+00 : f32
    %broadcast_in_dim3A = vector.broadcast %jit3A_58 : f32 to vector<256x128xf32>
    %select_n3A_59 = arith.select %eq3A_57, %mul3A_34, %broadcast_in_dim3A : vector<256x128xi1>, vector<256x128xf32>
    %add3A_60 = arith.addf %dot_general3A_39, %select_n3A_59 : vector<256x128xf32>
    %swap3A = arith.constant 0 : index
    %swap3A_61 = arith.constant 0 : index
    %swap3A_62 = arith.constant 0 : index
    %swap3A_63 = vector.load %arg9[%swap3A, %swap3A_61, %swap3A_62] : memref<2x256x128xf32, #tpu.memory_space<vmem>>, vector<1x256x128xf32>
    %swap3A_64 = vector.shape_cast %swap3A_63 : vector<1x256x128xf32> to vector<256x128xf32>
    %swap3A_65 = vector.shape_cast %add3A_28 : vector<256x128xf32> to vector<1x256x128xf32>
    tpu.vector_store %arg9[%swap3A, %swap3A_61, %swap3A_62], %swap3A_65 {strides = array<i32>} : memref<2x256x128xf32, #tpu.memory_space<vmem>>, vector<1x256x128xf32>,
    %swap3A_66 = arith.constant 1 : index
    %swap3A_67 = arith.constant 0 : index
    %swap3A_68 = arith.constant 0 : index
    %swap3A_69 = vector.load %arg9[%swap3A_66, %swap3A_67, %swap3A_68] : memref<2x256x128xf32, #tpu.memory_space<vmem>>, vector<1x256x128xf32>
    %swap3A_70 = vector.shape_cast %swap3A_69 : vector<1x256x128xf32> to vector<256x128xf32>
    %swap3A_71 = vector.shape_cast %add3A_60 : vector<256x128xf32> to vector<1x256x128xf32>
    tpu.vector_store %arg9[%swap3A_66, %swap3A_67, %swap3A_68], %swap3A_71 {strides = array<i32>} : memref<2x256x128xf32, #tpu.memory_space<vmem>>, vector<1x256x128xf32>,
    return
  }
  func.func @transform_0(%arg0: i32) -> (i32, i32) {
    %c0_i32 = arith.constant 0 : i32
    %c0_i32_0 = arith.constant 0 : i32
    return %arg0, %c0_i32 : i32, i32
  }
  func.func @transform_1(%arg0: i32) -> (i32, i32) {
    %c0_i32 = arith.constant 0 : i32
    %c0_i32_0 = arith.constant 0 : i32
    return %arg0, %c0_i32 : i32, i32
  }
  func.func @transform_2(%arg0: i32) -> (i32, i32) {
    %c0_i32 = arith.constant 0 : i32
    %c0_i32_0 = arith.constant 0 : i32
    %c0_i32_1 = arith.constant 0 : i32
    return %c0_i32, %c0_i32_0 : i32, i32
  }
  func.func @transform_3(%arg0: i32) -> (i32, i32) {
    %c0_i32 = arith.constant 0 : i32
    %c0_i32_0 = arith.constant 0 : i32
    %c0_i32_1 = arith.constant 0 : i32
    return %c0_i32, %c0_i32_0 : i32, i32
  }
  func.func @transform_4(%arg0: i32) -> (i32, i32) {
    %c0_i32 = arith.constant 0 : i32
    %c0_i32_0 = arith.constant 0 : i32
    %c0_i32_1 = arith.constant 0 : i32
    return %c0_i32, %c0_i32_0 : i32, i32
  }
  func.func @transform_5(%arg0: i32) -> (i32, i32) {
    %c0_i32 = arith.constant 0 : i32
    %c0_i32_0 = arith.constant 0 : i32
    %c0_i32_1 = arith.constant 0 : i32
    return %c0_i32, %c0_i32_0 : i32, i32
  }
  func.func @transform_6(%arg0: i32) -> (i32, i32) {
    %c0_i32 = arith.constant 0 : i32
    %c0_i32_0 = arith.constant 0 : i32
    %c0_i32_1 = arith.constant 0 : i32
    return %c0_i32, %c0_i32_0 : i32, i32
  }
  func.func @transform_7(%arg0: i32) -> (i32, i32) {
    %c0_i32 = arith.constant 0 : i32
    %c0_i32_0 = arith.constant 0 : i32
    %c0_i32_1 = arith.constant 0 : i32
    return %c0_i32, %c0_i32_0 : i32, i32
  }
  func.func @transform_8(%arg0: i32) -> (i32, i32, i32) {
    %c0_i32 = arith.constant 0 : i32
    %c0_i32_0 = arith.constant 0 : i32
    %c0_i32_1 = arith.constant 0 : i32
    return %c0_i32, %arg0, %c0_i32_0 : i32, i32, i32
  }
}

module attributes {stable_mosaic.version = 14 : i64} {
  func.func @_ri_body(%arg0: i32, %arg1: memref<2x256x128xf32, #tpu.memory_space<vmem>>, %arg2: memref<256x128xf32, #tpu.memory_space<vmem>>, %arg3: memref<256x128xf32, #tpu.memory_space<vmem>>) attributes {dimension_semantics = [#tpu.dimension_semantics<arbitrary>], iteration_bounds = array<i64: 49>, scalar_prefetch = 0 : i64, scratch_operands = 0 : i64, tpu.core_type = #tpu.core_type<tc>, window_params = [{transform_indices = @transform_0, window_bounds = array<i64: 2, 256, 128>}, {transform_indices = @transform_1, window_bounds = array<i64: 256, 128>}, {transform_indices = @transform_2, window_bounds = array<i64: 256, 128>}]} {
    %get3A = arith.constant 0 : index
    %get3A_0 = arith.constant 0 : index
    %get3A_1 = vector.load %arg2[%get3A, %get3A_0] : memref<256x128xf32, #tpu.memory_space<vmem>>, vector<256x128xf32>
    %get3A_2 = arith.constant 0 : index
    %get3A_3 = arith.constant 0 : index
    %get3A_4 = arith.constant 0 : index
    %get3A_5 = vector.load %arg1[%get3A_2, %get3A_3, %get3A_4] : memref<2x256x128xf32, #tpu.memory_space<vmem>>, vector<1x256x128xf32>
    %get3A_6 = vector.shape_cast %get3A_5 : vector<1x256x128xf32> to vector<256x128xf32>
    %get3A_7 = arith.constant 1 : index
    %get3A_8 = arith.constant 0 : index
    %get3A_9 = arith.constant 0 : index
    %get3A_10 = vector.load %arg1[%get3A_7, %get3A_8, %get3A_9] : memref<2x256x128xf32, #tpu.memory_space<vmem>>, vector<1x256x128xf32>
    %get3A_11 = vector.shape_cast %get3A_10 : vector<1x256x128xf32> to vector<256x128xf32>
    %add3A = arith.addf %get3A_6, %get3A_11 : vector<256x128xf32>
    %max3A = arith.constant 1.000000e+00 : f32
    %max3A_12 = vector.broadcast %max3A : f32 to vector<256x128xf32>
    %max3A_13 = arith.maximumf %add3A, %max3A_12 : vector<256x128xf32>
    %div3A = arith.divf %get3A_1, %max3A_13 : vector<256x128xf32>
    %swap3A = arith.constant 0 : index
    %swap3A_14 = arith.constant 0 : index
    %swap3A_15 = vector.load %arg3[%swap3A, %swap3A_14] : memref<256x128xf32, #tpu.memory_space<vmem>>, vector<256x128xf32>
    tpu.vector_store %arg3[%swap3A, %swap3A_14], %div3A {strides = array<i32>} : memref<256x128xf32, #tpu.memory_space<vmem>>, vector<256x128xf32>,
    return
  }
  func.func @transform_0(%arg0: i32) -> (i32, i32, i32) {
    %c0_i32 = arith.constant 0 : i32
    %c0_i32_0 = arith.constant 0 : i32
    %c0_i32_1 = arith.constant 0 : i32
    return %c0_i32, %arg0, %c0_i32_0 : i32, i32, i32
  }
  func.func @transform_1(%arg0: i32) -> (i32, i32) {
    %c0_i32 = arith.constant 0 : i32
    %c0_i32_0 = arith.constant 0 : i32
    return %arg0, %c0_i32 : i32, i32
  }
  func.func @transform_2(%arg0: i32) -> (i32, i32) {
    %c0_i32 = arith.constant 0 : i32
    %c0_i32_0 = arith.constant 0 : i32
    return %arg0, %c0_i32 : i32, i32
  }
}

module attributes {stable_mosaic.version = 14 : i64} {
  func.func @_qp_body(%arg0: i32, %arg1: memref<2x256x128xf32, #tpu.memory_space<vmem>>, %arg2: memref<256x128xf32, #tpu.memory_space<vmem>>, %arg3: memref<256x128xf32, #tpu.memory_space<vmem>>, %arg4: memref<256x128xf32, #tpu.memory_space<vmem>>, %arg5: memref<128x128xf32, #tpu.memory_space<vmem>>, %arg6: memref<128x128xf32, #tpu.memory_space<vmem>>, %arg7: memref<128x128xf32, #tpu.memory_space<vmem>>, %arg8: memref<128x128xf32, #tpu.memory_space<vmem>>, %arg9: memref<128x128xf32, #tpu.memory_space<vmem>>, %arg10: memref<8x128xf32, #tpu.memory_space<vmem>>, %arg11: memref<8x128xf32, #tpu.memory_space<vmem>>, %arg12: memref<256x128xf32, #tpu.memory_space<vmem>>, %arg13: memref<2x256x128xf32, #tpu.memory_space<vmem>>) attributes {dimension_semantics = [#tpu.dimension_semantics<arbitrary>], iteration_bounds = array<i64: 49>, scalar_prefetch = 0 : i64, scratch_operands = 0 : i64, tpu.core_type = #tpu.core_type<tc>, window_params = [{transform_indices = @transform_0, window_bounds = array<i64: 2, 256, 128>}, {transform_indices = @transform_1, window_bounds = array<i64: 256, 128>}, {transform_indices = @transform_2, window_bounds = array<i64: 256, 128>}, {transform_indices = @transform_3, window_bounds = array<i64: 256, 128>}, {pipeline_mode = #tpu.pipeline_mode<synchronous>, transform_indices = @transform_4, window_bounds = array<i64: 128, 128>}, {pipeline_mode = #tpu.pipeline_mode<synchronous>, transform_indices = @transform_5, window_bounds = array<i64: 128, 128>}, {pipeline_mode = #tpu.pipeline_mode<synchronous>, transform_indices = @transform_6, window_bounds = array<i64: 128, 128>}, {pipeline_mode = #tpu.pipeline_mode<synchronous>, transform_indices = @transform_7, window_bounds = array<i64: 128, 128>}, {pipeline_mode = #tpu.pipeline_mode<synchronous>, transform_indices = @transform_8, window_bounds = array<i64: 128, 128>}, {pipeline_mode = #tpu.pipeline_mode<synchronous>, transform_indices = @transform_9, window_bounds = array<i64: 8, 128>}, {pipeline_mode = #tpu.pipeline_mode<synchronous>, transform_indices = @transform_10, window_bounds = array<i64: 8, 128>}, {transform_indices = @transform_11, window_bounds = array<i64: 256, 128>}, {transform_indices = @transform_12, window_bounds = array<i64: 2, 256, 128>}]} {
    %get3A = arith.constant 0 : index
    %get3A_0 = arith.constant 0 : index
    %get3A_1 = arith.constant 0 : index
    %get3A_2 = vector.load %arg1[%get3A, %get3A_0, %get3A_1] : memref<2x256x128xf32, #tpu.memory_space<vmem>>, vector<1x256x128xf32>
    %get3A_3 = vector.shape_cast %get3A_2 : vector<1x256x128xf32> to vector<256x128xf32>
    %get3A_4 = arith.constant 1 : index
    %get3A_5 = arith.constant 0 : index
    %get3A_6 = arith.constant 0 : index
    %get3A_7 = vector.load %arg1[%get3A_4, %get3A_5, %get3A_6] : memref<2x256x128xf32, #tpu.memory_space<vmem>>, vector<1x256x128xf32>
    %get3A_8 = vector.shape_cast %get3A_7 : vector<1x256x128xf32> to vector<256x128xf32>
    %add3A = arith.addf %get3A_3, %get3A_8 : vector<256x128xf32>
    %get3A_9 = arith.constant 0 : index
    %get3A_10 = arith.constant 0 : index
    %get3A_11 = vector.load %arg2[%get3A_9, %get3A_10] : memref<256x128xf32, #tpu.memory_space<vmem>>, vector<256x128xf32>
    %mul3A = arith.mulf %add3A, %get3A_11 : vector<256x128xf32>
    %get3A_12 = arith.constant 0 : index
    %get3A_13 = arith.constant 0 : index
    %get3A_14 = vector.load %arg11[%get3A_12, %get3A_13] : memref<8x128xf32, #tpu.memory_space<vmem>>, vector<1x128xf32>
    %add3A_15 = vector.broadcast %get3A_14 : vector<1x128xf32> to vector<256x128xf32>
    %add3A_16 = arith.addf %mul3A, %add3A_15 : vector<256x128xf32>
    %get3A_17 = arith.constant 0 : index
    %get3A_18 = arith.constant 0 : index
    %get3A_19 = vector.load %arg3[%get3A_17, %get3A_18] : memref<256x128xf32, #tpu.memory_space<vmem>>, vector<256x128xf32>
    %sub3A = arith.subf %add3A_16, %get3A_19 : vector<256x128xf32>
    %max3A = arith.constant 0.000000e+00 : f32
    %max3A_20 = vector.broadcast %max3A : f32 to vector<256x128xf32>
    %max3A_21 = arith.maximumf %sub3A, %max3A_20 : vector<256x128xf32>
    %get3A_22 = arith.constant 0 : index
    %get3A_23 = arith.constant 0 : index
    %get3A_24 = vector.load %arg4[%get3A_22, %get3A_23] : memref<256x128xf32, #tpu.memory_space<vmem>>, vector<256x128xf32>
    %get3A_25 = arith.constant 0 : index
    %get3A_26 = arith.constant 0 : index
    %get3A_27 = vector.load %arg5[%get3A_25, %get3A_26] : memref<128x128xf32, #tpu.memory_space<vmem>>, vector<128x128xf32>
    %dot_general3A = arith.constant dense<0.000000e+00> : vector<256x128xf32>
    %dot_general3A_28 = tpu.matmul %max3A_21, %get3A_27, %dot_general3A {dimension_numbers = #tpu.dot_dimension_numbers<[1], [0], [0], [1], [0, 0, 1, 1], [], []>, transpose_lhs_hint = false} : vector<256x128xf32>, vector<128x128xf32>, vector<256x128xf32> -> vector<256x128xf32>
    %get3A_29 = arith.constant 0 : index
    %get3A_30 = arith.constant 0 : index
    %get3A_31 = vector.load %arg10[%get3A_29, %get3A_30] : memref<8x128xf32, #tpu.memory_space<vmem>>, vector<1x128xf32>
    %add3A_32 = vector.broadcast %get3A_31 : vector<1x128xf32> to vector<256x128xf32>
    %add3A_33 = arith.addf %dot_general3A_28, %add3A_32 : vector<256x128xf32>
    %logistic3A = arith.negf %add3A_33 : vector<256x128xf32>
    %logistic3A_34 = math.exp %logistic3A : vector<256x128xf32>
    %logistic3A_35 = arith.constant 1.000000e+00 : f32
    %logistic3A_36 = vector.broadcast %logistic3A_35 : f32 to vector<256x128xf32>
    %logistic3A_37 = arith.addf %logistic3A_36, %logistic3A_34 : vector<256x128xf32>
    %logistic3A_38 = arith.divf %logistic3A_36, %logistic3A_37 : vector<256x128xf32>
    %get3A_39 = arith.constant 0 : index
    %get3A_40 = arith.constant 0 : index
    %get3A_41 = vector.load %arg6[%get3A_39, %get3A_40] : memref<128x128xf32, #tpu.memory_space<vmem>>, vector<128x128xf32>
    %dot_general3A_42 = arith.constant dense<0.000000e+00> : vector<256x128xf32>
    %dot_general3A_43 = tpu.matmul %logistic3A_38, %get3A_41, %dot_general3A_42 {dimension_numbers = #tpu.dot_dimension_numbers<[1], [0], [0], [1], [0, 0, 1, 1], [], []>, transpose_lhs_hint = false} : vector<256x128xf32>, vector<128x128xf32>, vector<256x128xf32> -> vector<256x128xf32>
    %get3A_44 = arith.constant 0 : index
    %get3A_45 = arith.constant 0 : index
    %get3A_46 = vector.load %arg7[%get3A_44, %get3A_45] : memref<128x128xf32, #tpu.memory_space<vmem>>, vector<128x128xf32>
    %dot_general3A_47 = arith.constant dense<0.000000e+00> : vector<256x128xf32>
    %dot_general3A_48 = tpu.matmul %max3A_21, %get3A_46, %dot_general3A_47 {dimension_numbers = #tpu.dot_dimension_numbers<[1], [0], [0], [1], [0, 0, 1, 1], [], []>, transpose_lhs_hint = false} : vector<256x128xf32>, vector<128x128xf32>, vector<256x128xf32> -> vector<256x128xf32>
    %mul3A_49 = arith.mulf %dot_general3A_43, %get3A_24 : vector<256x128xf32>
    %add3A_50 = arith.addf %dot_general3A_48, %mul3A_49 : vector<256x128xf32>
    %get3A_51 = arith.constant 0 : index
    %get3A_52 = arith.constant 0 : index
    %get3A_53 = vector.load %arg9[%get3A_51, %get3A_52] : memref<128x128xf32, #tpu.memory_space<vmem>>, vector<128x128xf32>
    %dot_general3A_54 = arith.constant dense<0.000000e+00> : vector<256x128xf32>
    %dot_general3A_55 = tpu.matmul %max3A_21, %get3A_53, %dot_general3A_54 {dimension_numbers = #tpu.dot_dimension_numbers<[1], [0], [0], [1], [0, 0, 1, 1], [], []>, transpose_lhs_hint = false} : vector<256x128xf32>, vector<128x128xf32>, vector<256x128xf32> -> vector<256x128xf32>
    %mul3A_56 = arith.mulf %dot_general3A_55, %get3A_24 : vector<256x128xf32>
    %get3A_57 = arith.constant 0 : index
    %get3A_58 = arith.constant 0 : index
    %get3A_59 = vector.load %arg8[%get3A_57, %get3A_58] : memref<128x128xf32, #tpu.memory_space<vmem>>, vector<128x128xf32>
    %dot_general3A_60 = arith.constant dense<0.000000e+00> : vector<256x128xf32>
    %dot_general3A_61 = tpu.matmul %max3A_21, %get3A_59, %dot_general3A_60 {dimension_numbers = #tpu.dot_dimension_numbers<[1], [0], [0], [1], [0, 0, 1, 1], [], []>, transpose_lhs_hint = false} : vector<256x128xf32>, vector<128x128xf32>, vector<256x128xf32> -> vector<256x128xf32>
    %iota3A = tpu.iota {dimensions = array<i32: 1>} : vector<256x128xi32>
    %jit3A = arith.constant 32 : i32
    %eq3A = arith.constant 0 : i32
    %eq3A_62 = arith.cmpi eq, %jit3A, %eq3A : i32
    %jit3A_63 = arith.constant 1 : i32
    %select_n3A = arith.select %eq3A_62, %jit3A_63, %jit3A : i32
    %rem3A = vector.broadcast %select_n3A : i32 to vector<256x128xi32>
    %rem3A_64 = arith.remsi %iota3A, %rem3A : vector<256x128xi32>
    %ne3A = arith.constant 0 : i32
    %ne3A_65 = vector.broadcast %ne3A : i32 to vector<256x128xi32>
    %ne3A_66 = arith.cmpi ne, %rem3A_64, %ne3A_65 : vector<256x128xi32>
    %lt3A = arith.constant 0 : i32
    %lt3A_67 = vector.broadcast %lt3A : i32 to vector<256x128xi32>
    %lt3A_68 = arith.cmpi slt, %rem3A_64, %lt3A_67 : vector<256x128xi32>
    %lt3A_69 = arith.constant 0 : i32
    %lt3A_70 = arith.cmpi slt, %select_n3A, %lt3A_69 : i32
    %ne3A_71 = vector.broadcast %lt3A_70 : i1 to vector<256x128xi1>
    %ne3A_72 = vector.broadcast %ne3A_71 : vector<256x128xi1> to vector<256x128xi1>
    %ne3A_73 = arith.xori %lt3A_68, %ne3A_72 : vector<256x128xi1>
    %and3A = arith.andi %ne3A_73, %ne3A_66 : vector<256x128xi1>
    %add3A_74 = vector.broadcast %select_n3A : i32 to vector<256x128xi32>
    %add3A_75 = arith.addi %rem3A_64, %add3A_74 : vector<256x128xi32>
    %select_n3A_76 = arith.select %and3A, %add3A_75, %rem3A_64 : vector<256x128xi1>, vector<256x128xi32>
    %eq3A_77 = arith.constant 31 : i32
    %eq3A_78 = vector.broadcast %eq3A_77 : i32 to vector<256x128xi32>
    %eq3A_79 = arith.cmpi eq, %select_n3A_76, %eq3A_78 : vector<256x128xi32>
    %jit3A_80 = arith.constant 0.000000e+00 : f32
    %broadcast_in_dim3A = vector.broadcast %jit3A_80 : f32 to vector<256x128xf32>
    %select_n3A_81 = arith.select %eq3A_79, %mul3A_56, %broadcast_in_dim3A : vector<256x128xi1>, vector<256x128xf32>
    %add3A_82 = arith.addf %dot_general3A_61, %select_n3A_81 : vector<256x128xf32>
    %swap3A = arith.constant 0 : index
    %swap3A_83 = arith.constant 0 : index
    %swap3A_84 = vector.load %arg12[%swap3A, %swap3A_83] : memref<256x128xf32, #tpu.memory_space<vmem>>, vector<256x128xf32>
    tpu.vector_store %arg12[%swap3A, %swap3A_83], %max3A_21 {strides = array<i32>} : memref<256x128xf32, #tpu.memory_space<vmem>>, vector<256x128xf32>,
    %swap3A_85 = arith.constant 0 : index
    %swap3A_86 = arith.constant 0 : index
    %swap3A_87 = arith.constant 0 : index
    %swap3A_88 = vector.load %arg13[%swap3A_85, %swap3A_86, %swap3A_87] : memref<2x256x128xf32, #tpu.memory_space<vmem>>, vector<1x256x128xf32>
    %swap3A_89 = vector.shape_cast %swap3A_88 : vector<1x256x128xf32> to vector<256x128xf32>
    %swap3A_90 = vector.shape_cast %add3A_50 : vector<256x128xf32> to vector<1x256x128xf32>
    tpu.vector_store %arg13[%swap3A_85, %swap3A_86, %swap3A_87], %swap3A_90 {strides = array<i32>} : memref<2x256x128xf32, #tpu.memory_space<vmem>>, vector<1x256x128xf32>,
    %swap3A_91 = arith.constant 1 : index
    %swap3A_92 = arith.constant 0 : index
    %swap3A_93 = arith.constant 0 : index
    %swap3A_94 = vector.load %arg13[%swap3A_91, %swap3A_92, %swap3A_93] : memref<2x256x128xf32, #tpu.memory_space<vmem>>, vector<1x256x128xf32>
    %swap3A_95 = vector.shape_cast %swap3A_94 : vector<1x256x128xf32> to vector<256x128xf32>
    %swap3A_96 = vector.shape_cast %add3A_82 : vector<256x128xf32> to vector<1x256x128xf32>
    tpu.vector_store %arg13[%swap3A_91, %swap3A_92, %swap3A_93], %swap3A_96 {strides = array<i32>} : memref<2x256x128xf32, #tpu.memory_space<vmem>>, vector<1x256x128xf32>,
    return
  }
  func.func @transform_0(%arg0: i32) -> (i32, i32, i32) {
    %c0_i32 = arith.constant 0 : i32
    %c0_i32_0 = arith.constant 0 : i32
    %c0_i32_1 = arith.constant 0 : i32
    return %c0_i32, %arg0, %c0_i32_0 : i32, i32, i32
  }
  func.func @transform_1(%arg0: i32) -> (i32, i32) {
    %c0_i32 = arith.constant 0 : i32
    %c0_i32_0 = arith.constant 0 : i32
    return %arg0, %c0_i32 : i32, i32
  }
  func.func @transform_2(%arg0: i32) -> (i32, i32) {
    %c0_i32 = arith.constant 0 : i32
    %c0_i32_0 = arith.constant 0 : i32
    return %arg0, %c0_i32 : i32, i32
  }
  func.func @transform_3(%arg0: i32) -> (i32, i32) {
    %c0_i32 = arith.constant 0 : i32
    %c0_i32_0 = arith.constant 0 : i32
    return %arg0, %c0_i32 : i32, i32
  }
  func.func @transform_4(%arg0: i32) -> (i32, i32) {
    %c0_i32 = arith.constant 0 : i32
    %c0_i32_0 = arith.constant 0 : i32
    %c0_i32_1 = arith.constant 0 : i32
    return %c0_i32, %c0_i32_0 : i32, i32
  }
  func.func @transform_5(%arg0: i32) -> (i32, i32) {
    %c0_i32 = arith.constant 0 : i32
    %c0_i32_0 = arith.constant 0 : i32
    %c0_i32_1 = arith.constant 0 : i32
    return %c0_i32, %c0_i32_0 : i32, i32
  }
  func.func @transform_6(%arg0: i32) -> (i32, i32) {
    %c0_i32 = arith.constant 0 : i32
    %c0_i32_0 = arith.constant 0 : i32
    %c0_i32_1 = arith.constant 0 : i32
    return %c0_i32, %c0_i32_0 : i32, i32
  }
  func.func @transform_7(%arg0: i32) -> (i32, i32) {
    %c0_i32 = arith.constant 0 : i32
    %c0_i32_0 = arith.constant 0 : i32
    %c0_i32_1 = arith.constant 0 : i32
    return %c0_i32, %c0_i32_0 : i32, i32
  }
  func.func @transform_8(%arg0: i32) -> (i32, i32) {
    %c0_i32 = arith.constant 0 : i32
    %c0_i32_0 = arith.constant 0 : i32
    %c0_i32_1 = arith.constant 0 : i32
    return %c0_i32, %c0_i32_0 : i32, i32
  }
  func.func @transform_9(%arg0: i32) -> (i32, i32) {
    %c0_i32 = arith.constant 0 : i32
    %c0_i32_0 = arith.constant 0 : i32
    %c0_i32_1 = arith.constant 0 : i32
    return %c0_i32, %c0_i32_0 : i32, i32
  }
  func.func @transform_10(%arg0: i32) -> (i32, i32) {
    %c0_i32 = arith.constant 0 : i32
    %c0_i32_0 = arith.constant 0 : i32
    %c0_i32_1 = arith.constant 0 : i32
    return %c0_i32, %c0_i32_0 : i32, i32
  }
  func.func @transform_11(%arg0: i32) -> (i32, i32) {
    %c0_i32 = arith.constant 0 : i32
    %c0_i32_0 = arith.constant 0 : i32
    return %arg0, %c0_i32 : i32, i32
  }
  func.func @transform_12(%arg0: i32) -> (i32, i32, i32) {
    %c0_i32 = arith.constant 0 : i32
    %c0_i32_0 = arith.constant 0 : i32
    %c0_i32_1 = arith.constant 0 : i32
    return %c0_i32, %arg0, %c0_i32_0 : i32, i32, i32
  }
}

module attributes {stable_mosaic.version = 14 : i64} {
  func.func @_f_body(%arg0: i32, %arg1: memref<2x256x128xf32, #tpu.memory_space<vmem>>, %arg2: memref<256x128xf32, #tpu.memory_space<vmem>>, %arg3: memref<256x128xf32, #tpu.memory_space<vmem>>, %arg4: memref<256x128xf32, #tpu.memory_space<vmem>>, %arg5: memref<256x128xf32, #tpu.memory_space<vmem>>, %arg6: memref<256x128xf32, #tpu.memory_space<vmem>>, %arg7: memref<256x128xf32, #tpu.memory_space<vmem>>, %arg8: memref<128x128xf32, #tpu.memory_space<vmem>>, %arg9: memref<128x128xf32, #tpu.memory_space<vmem>>, %arg10: memref<128x128xf32, #tpu.memory_space<vmem>>, %arg11: memref<128x128xf32, #tpu.memory_space<vmem>>, %arg12: memref<128x128xf32, #tpu.memory_space<vmem>>, %arg13: memref<8x128xf32, #tpu.memory_space<vmem>>, %arg14: memref<8x128xf32, #tpu.memory_space<vmem>>, %arg15: memref<128x128xf32, #tpu.memory_space<vmem>>, %arg16: memref<8x128xf32, #tpu.memory_space<vmem>>, %arg17: memref<128x128xf32, #tpu.memory_space<vmem>>, %arg18: memref<8x128xf32, #tpu.memory_space<vmem>>, %arg19: memref<128x128xf32, #tpu.memory_space<vmem>>, %arg20: memref<8x128xf32, #tpu.memory_space<vmem>>, %arg21: memref<256x128xf32, #tpu.memory_space<vmem>>) attributes {dimension_semantics = [#tpu.dimension_semantics<arbitrary>], iteration_bounds = array<i64: 49>, scalar_prefetch = 0 : i64, scratch_operands = 0 : i64, tpu.core_type = #tpu.core_type<tc>, window_params = [{transform_indices = @transform_0, window_bounds = array<i64: 2, 256, 128>}, {transform_indices = @transform_1, window_bounds = array<i64: 256, 128>}, {transform_indices = @transform_2, window_bounds = array<i64: 256, 128>}, {transform_indices = @transform_3, window_bounds = array<i64: 256, 128>}, {transform_indices = @transform_4, window_bounds = array<i64: 256, 128>}, {transform_indices = @transform_5, window_bounds = array<i64: 256, 128>}, {transform_indices = @transform_6, window_bounds = array<i64: 256, 128>}, {pipeline_mode = #tpu.pipeline_mode<synchronous>, transform_indices = @transform_7, window_bounds = array<i64: 128, 128>}, {pipeline_mode = #tpu.pipeline_mode<synchronous>, transform_indices = @transform_8, window_bounds = array<i64: 128, 128>}, {pipeline_mode = #tpu.pipeline_mode<synchronous>, transform_indices = @transform_9, window_bounds = array<i64: 128, 128>}, {pipeline_mode = #tpu.pipeline_mode<synchronous>, transform_indices = @transform_10, window_bounds = array<i64: 128, 128>}, {pipeline_mode = #tpu.pipeline_mode<synchronous>, transform_indices = @transform_11, window_bounds = array<i64: 128, 128>}, {pipeline_mode = #tpu.pipeline_mode<synchronous>, transform_indices = @transform_12, window_bounds = array<i64: 8, 128>}, {pipeline_mode = #tpu.pipeline_mode<synchronous>, transform_indices = @transform_13, window_bounds = array<i64: 8, 128>}, {pipeline_mode = #tpu.pipeline_mode<synchronous>, transform_indices = @transform_14, window_bounds = array<i64: 128, 128>}, {pipeline_mode = #tpu.pipeline_mode<synchronous>, transform_indices = @transform_15, window_bounds = array<i64: 8, 128>}, {pipeline_mode = #tpu.pipeline_mode<synchronous>, transform_indices = @transform_16, window_bounds = array<i64: 128, 128>}, {pipeline_mode = #tpu.pipeline_mode<synchronous>, transform_indices = @transform_17, window_bounds = array<i64: 8, 128>}, {pipeline_mode = #tpu.pipeline_mode<synchronous>, transform_indices = @transform_18, window_bounds = array<i64: 128, 128>}, {pipeline_mode = #tpu.pipeline_mode<synchronous>, transform_indices = @transform_19, window_bounds = array<i64: 8, 128>}, {transform_indices = @transform_20, window_bounds = array<i64: 256, 128>}]} {
    %get3A = arith.constant 0 : index
    %get3A_0 = arith.constant 0 : index
    %get3A_1 = arith.constant 0 : index
    %get3A_2 = vector.load %arg1[%get3A, %get3A_0, %get3A_1] : memref<2x256x128xf32, #tpu.memory_space<vmem>>, vector<1x256x128xf32>
    %get3A_3 = vector.shape_cast %get3A_2 : vector<1x256x128xf32> to vector<256x128xf32>
    %get3A_4 = arith.constant 1 : index
    %get3A_5 = arith.constant 0 : index
    %get3A_6 = arith.constant 0 : index
    %get3A_7 = vector.load %arg1[%get3A_4, %get3A_5, %get3A_6] : memref<2x256x128xf32, #tpu.memory_space<vmem>>, vector<1x256x128xf32>
    %get3A_8 = vector.shape_cast %get3A_7 : vector<1x256x128xf32> to vector<256x128xf32>
    %add3A = arith.addf %get3A_3, %get3A_8 : vector<256x128xf32>
    %get3A_9 = arith.constant 0 : index
    %get3A_10 = arith.constant 0 : index
    %get3A_11 = vector.load %arg2[%get3A_9, %get3A_10] : memref<256x128xf32, #tpu.memory_space<vmem>>, vector<256x128xf32>
    %mul3A = arith.mulf %add3A, %get3A_11 : vector<256x128xf32>
    %get3A_12 = arith.constant 0 : index
    %get3A_13 = arith.constant 0 : index
    %get3A_14 = vector.load %arg13[%get3A_12, %get3A_13] : memref<8x128xf32, #tpu.memory_space<vmem>>, vector<1x128xf32>
    %add3A_15 = vector.broadcast %get3A_14 : vector<1x128xf32> to vector<256x128xf32>
    %add3A_16 = arith.addf %mul3A, %add3A_15 : vector<256x128xf32>
    %get3A_17 = arith.constant 0 : index
    %get3A_18 = arith.constant 0 : index
    %get3A_19 = vector.load %arg3[%get3A_17, %get3A_18] : memref<256x128xf32, #tpu.memory_space<vmem>>, vector<256x128xf32>
    %sub3A = arith.subf %add3A_16, %get3A_19 : vector<256x128xf32>
    %max3A = arith.constant 0.000000e+00 : f32
    %max3A_20 = vector.broadcast %max3A : f32 to vector<256x128xf32>
    %max3A_21 = arith.maximumf %sub3A, %max3A_20 : vector<256x128xf32>
    %get3A_22 = arith.constant 0 : index
    %get3A_23 = arith.constant 0 : index
    %get3A_24 = vector.load %arg4[%get3A_22, %get3A_23] : memref<256x128xf32, #tpu.memory_space<vmem>>, vector<256x128xf32>
    %get3A_25 = arith.constant 0 : index
    %get3A_26 = arith.constant 0 : index
    %get3A_27 = vector.load %arg8[%get3A_25, %get3A_26] : memref<128x128xf32, #tpu.memory_space<vmem>>, vector<128x128xf32>
    %dot_general3A = arith.constant dense<0.000000e+00> : vector<256x128xf32>
    %dot_general3A_28 = tpu.matmul %get3A_24, %get3A_27, %dot_general3A {dimension_numbers = #tpu.dot_dimension_numbers<[1], [0], [0], [1], [0, 0, 1, 1], [], []>, transpose_lhs_hint = false} : vector<256x128xf32>, vector<128x128xf32>, vector<256x128xf32> -> vector<256x128xf32>
    %get3A_29 = arith.constant 0 : index
    %get3A_30 = arith.constant 0 : index
    %get3A_31 = vector.load %arg5[%get3A_29, %get3A_30] : memref<256x128xf32, #tpu.memory_space<vmem>>, vector<256x128xf32>
    %get3A_32 = arith.constant 0 : index
    %get3A_33 = arith.constant 0 : index
    %get3A_34 = vector.load %arg9[%get3A_32, %get3A_33] : memref<128x128xf32, #tpu.memory_space<vmem>>, vector<128x128xf32>
    %dot_general3A_35 = arith.constant dense<0.000000e+00> : vector<256x128xf32>
    %dot_general3A_36 = tpu.matmul %get3A_31, %get3A_34, %dot_general3A_35 {dimension_numbers = #tpu.dot_dimension_numbers<[1], [0], [0], [1], [0, 0, 1, 1], [], []>, transpose_lhs_hint = false} : vector<256x128xf32>, vector<128x128xf32>, vector<256x128xf32> -> vector<256x128xf32>
    %add3A_37 = arith.addf %dot_general3A_28, %dot_general3A_36 : vector<256x128xf32>
    %get3A_38 = arith.constant 0 : index
    %get3A_39 = arith.constant 0 : index
    %get3A_40 = vector.load %arg6[%get3A_38, %get3A_39] : memref<256x128xf32, #tpu.memory_space<vmem>>, vector<256x128xf32>
    %get3A_41 = arith.constant 0 : index
    %get3A_42 = arith.constant 0 : index
    %get3A_43 = vector.load %arg10[%get3A_41, %get3A_42] : memref<128x128xf32, #tpu.memory_space<vmem>>, vector<128x128xf32>
    %dot_general3A_44 = arith.constant dense<0.000000e+00> : vector<256x128xf32>
    %dot_general3A_45 = tpu.matmul %get3A_40, %get3A_43, %dot_general3A_44 {dimension_numbers = #tpu.dot_dimension_numbers<[1], [0], [0], [1], [0, 0, 1, 1], [], []>, transpose_lhs_hint = false} : vector<256x128xf32>, vector<128x128xf32>, vector<256x128xf32> -> vector<256x128xf32>
    %add3A_46 = arith.addf %add3A_37, %dot_general3A_45 : vector<256x128xf32>
    %get3A_47 = arith.constant 0 : index
    %get3A_48 = arith.constant 0 : index
    %get3A_49 = vector.load %arg7[%get3A_47, %get3A_48] : memref<256x128xf32, #tpu.memory_space<vmem>>, vector<256x128xf32>
    %get3A_50 = arith.constant 0 : index
    %get3A_51 = arith.constant 0 : index
    %get3A_52 = vector.load %arg11[%get3A_50, %get3A_51] : memref<128x128xf32, #tpu.memory_space<vmem>>, vector<128x128xf32>
    %dot_general3A_53 = arith.constant dense<0.000000e+00> : vector<256x128xf32>
    %dot_general3A_54 = tpu.matmul %get3A_49, %get3A_52, %dot_general3A_53 {dimension_numbers = #tpu.dot_dimension_numbers<[1], [0], [0], [1], [0, 0, 1, 1], [], []>, transpose_lhs_hint = false} : vector<256x128xf32>, vector<128x128xf32>, vector<256x128xf32> -> vector<256x128xf32>
    %add3A_55 = arith.addf %add3A_46, %dot_general3A_54 : vector<256x128xf32>
    %get3A_56 = arith.constant 0 : index
    %get3A_57 = arith.constant 0 : index
    %get3A_58 = vector.load %arg12[%get3A_56, %get3A_57] : memref<128x128xf32, #tpu.memory_space<vmem>>, vector<128x128xf32>
    %dot_general3A_59 = arith.constant dense<0.000000e+00> : vector<256x128xf32>
    %dot_general3A_60 = tpu.matmul %max3A_21, %get3A_58, %dot_general3A_59 {dimension_numbers = #tpu.dot_dimension_numbers<[1], [0], [0], [1], [0, 0, 1, 1], [], []>, transpose_lhs_hint = false} : vector<256x128xf32>, vector<128x128xf32>, vector<256x128xf32> -> vector<256x128xf32>
    %add3A_61 = arith.addf %add3A_55, %dot_general3A_60 : vector<256x128xf32>
    %get3A_62 = arith.constant 0 : index
    %get3A_63 = arith.constant 0 : index
    %get3A_64 = vector.load %arg14[%get3A_62, %get3A_63] : memref<8x128xf32, #tpu.memory_space<vmem>>, vector<1x128xf32>
    %add3A_65 = vector.broadcast %get3A_64 : vector<1x128xf32> to vector<256x128xf32>
    %add3A_66 = arith.addf %add3A_61, %add3A_65 : vector<256x128xf32>
    %max3A_67 = arith.constant 0.000000e+00 : f32
    %max3A_68 = vector.broadcast %max3A_67 : f32 to vector<256x128xf32>
    %max3A_69 = arith.maximumf %add3A_66, %max3A_68 : vector<256x128xf32>
    %get3A_70 = arith.constant 0 : index
    %get3A_71 = arith.constant 0 : index
    %get3A_72 = vector.load %arg15[%get3A_70, %get3A_71] : memref<128x128xf32, #tpu.memory_space<vmem>>, vector<128x128xf32>
    %dot_general3A_73 = arith.constant dense<0.000000e+00> : vector<256x128xf32>
    %dot_general3A_74 = tpu.matmul %max3A_69, %get3A_72, %dot_general3A_73 {dimension_numbers = #tpu.dot_dimension_numbers<[1], [0], [0], [1], [0, 0, 1, 1], [], []>, transpose_lhs_hint = false} : vector<256x128xf32>, vector<128x128xf32>, vector<256x128xf32> -> vector<256x128xf32>
    %get3A_75 = arith.constant 0 : index
    %get3A_76 = arith.constant 0 : index
    %get3A_77 = vector.load %arg16[%get3A_75, %get3A_76] : memref<8x128xf32, #tpu.memory_space<vmem>>, vector<1x128xf32>
    %add3A_78 = vector.broadcast %get3A_77 : vector<1x128xf32> to vector<256x128xf32>
    %add3A_79 = arith.addf %dot_general3A_74, %add3A_78 : vector<256x128xf32>
    %max3A_80 = arith.constant 0.000000e+00 : f32
    %max3A_81 = vector.broadcast %max3A_80 : f32 to vector<256x128xf32>
    %max3A_82 = arith.maximumf %add3A_79, %max3A_81 : vector<256x128xf32>
    %get3A_83 = arith.constant 0 : index
    %get3A_84 = arith.constant 0 : index
    %get3A_85 = vector.load %arg17[%get3A_83, %get3A_84] : memref<128x128xf32, #tpu.memory_space<vmem>>, vector<128x128xf32>
    %dot_general3A_86 = arith.constant dense<0.000000e+00> : vector<256x128xf32>
    %dot_general3A_87 = tpu.matmul %max3A_82, %get3A_85, %dot_general3A_86 {dimension_numbers = #tpu.dot_dimension_numbers<[1], [0], [0], [1], [0, 0, 1, 1], [], []>, transpose_lhs_hint = false} : vector<256x128xf32>, vector<128x128xf32>, vector<256x128xf32> -> vector<256x128xf32>
    %get3A_88 = arith.constant 0 : index
    %get3A_89 = arith.constant 0 : index
    %get3A_90 = vector.load %arg18[%get3A_88, %get3A_89] : memref<8x128xf32, #tpu.memory_space<vmem>>, vector<1x128xf32>
    %add3A_91 = vector.broadcast %get3A_90 : vector<1x128xf32> to vector<256x128xf32>
    %add3A_92 = arith.addf %dot_general3A_87, %add3A_91 : vector<256x128xf32>
    %max3A_93 = arith.constant 0.000000e+00 : f32
    %max3A_94 = vector.broadcast %max3A_93 : f32 to vector<256x128xf32>
    %max3A_95 = arith.maximumf %add3A_92, %max3A_94 : vector<256x128xf32>
    %get3A_96 = arith.constant 0 : index
    %get3A_97 = arith.constant 0 : index
    %get3A_98 = vector.load %arg19[%get3A_96, %get3A_97] : memref<128x128xf32, #tpu.memory_space<vmem>>, vector<128x128xf32>
    %dot_general3A_99 = arith.constant dense<0.000000e+00> : vector<256x128xf32>
    %dot_general3A_100 = tpu.matmul %max3A_95, %get3A_98, %dot_general3A_99 {dimension_numbers = #tpu.dot_dimension_numbers<[1], [0], [0], [1], [0, 0, 1, 1], [], []>, transpose_lhs_hint = false} : vector<256x128xf32>, vector<128x128xf32>, vector<256x128xf32> -> vector<256x128xf32>
    %get3A_101 = arith.constant 0 : index
    %get3A_102 = arith.constant 0 : index
    %get3A_103 = vector.load %arg20[%get3A_101, %get3A_102] : memref<8x128xf32, #tpu.memory_space<vmem>>, vector<1x128xf32>
    %add3A_104 = vector.broadcast %get3A_103 : vector<1x128xf32> to vector<256x128xf32>
    %add3A_105 = arith.addf %dot_general3A_100, %add3A_104 : vector<256x128xf32>
    %swap3A = arith.constant 0 : index
    %swap3A_106 = arith.constant 0 : index
    %swap3A_107 = vector.load %arg21[%swap3A, %swap3A_106] : memref<256x128xf32, #tpu.memory_space<vmem>>, vector<256x128xf32>
    tpu.vector_store %arg21[%swap3A, %swap3A_106], %add3A_105 {strides = array<i32>} : memref<256x128xf32, #tpu.memory_space<vmem>>, vector<256x128xf32>,
    return
  }
  func.func @transform_0(%arg0: i32) -> (i32, i32, i32) {
    %c0_i32 = arith.constant 0 : i32
    %c0_i32_0 = arith.constant 0 : i32
    %c0_i32_1 = arith.constant 0 : i32
    return %c0_i32, %arg0, %c0_i32_0 : i32, i32, i32
  }
  func.func @transform_1(%arg0: i32) -> (i32, i32) {
    %c0_i32 = arith.constant 0 : i32
    %c0_i32_0 = arith.constant 0 : i32
    return %arg0, %c0_i32 : i32, i32
  }
  func.func @transform_2(%arg0: i32) -> (i32, i32) {
    %c0_i32 = arith.constant 0 : i32
    %c0_i32_0 = arith.constant 0 : i32
    return %arg0, %c0_i32 : i32, i32
  }
  func.func @transform_3(%arg0: i32) -> (i32, i32) {
    %c0_i32 = arith.constant 0 : i32
    %c0_i32_0 = arith.constant 0 : i32
    return %arg0, %c0_i32 : i32, i32
  }
  func.func @transform_4(%arg0: i32) -> (i32, i32) {
    %c0_i32 = arith.constant 0 : i32
    %c0_i32_0 = arith.constant 0 : i32
    return %arg0, %c0_i32 : i32, i32
  }
  func.func @transform_5(%arg0: i32) -> (i32, i32) {
    %c0_i32 = arith.constant 0 : i32
    %c0_i32_0 = arith.constant 0 : i32
    return %arg0, %c0_i32 : i32, i32
  }
  func.func @transform_6(%arg0: i32) -> (i32, i32) {
    %c0_i32 = arith.constant 0 : i32
    %c0_i32_0 = arith.constant 0 : i32
    return %arg0, %c0_i32 : i32, i32
  }
  func.func @transform_7(%arg0: i32) -> (i32, i32) {
    %c0_i32 = arith.constant 0 : i32
    %c0_i32_0 = arith.constant 0 : i32
    %c0_i32_1 = arith.constant 0 : i32
    return %c0_i32, %c0_i32_0 : i32, i32
  }
  func.func @transform_8(%arg0: i32) -> (i32, i32) {
    %c0_i32 = arith.constant 0 : i32
    %c0_i32_0 = arith.constant 0 : i32
    %c0_i32_1 = arith.constant 0 : i32
    return %c0_i32, %c0_i32_0 : i32, i32
  }
  func.func @transform_9(%arg0: i32) -> (i32, i32) {
    %c0_i32 = arith.constant 0 : i32
    %c0_i32_0 = arith.constant 0 : i32
    %c0_i32_1 = arith.constant 0 : i32
    return %c0_i32, %c0_i32_0 : i32, i32
  }
  func.func @transform_10(%arg0: i32) -> (i32, i32) {
    %c0_i32 = arith.constant 0 : i32
    %c0_i32_0 = arith.constant 0 : i32
    %c0_i32_1 = arith.constant 0 : i32
    return %c0_i32, %c0_i32_0 : i32, i32
  }
  func.func @transform_11(%arg0: i32) -> (i32, i32) {
    %c0_i32 = arith.constant 0 : i32
    %c0_i32_0 = arith.constant 0 : i32
    %c0_i32_1 = arith.constant 0 : i32
    return %c0_i32, %c0_i32_0 : i32, i32
  }
  func.func @transform_12(%arg0: i32) -> (i32, i32) {
    %c0_i32 = arith.constant 0 : i32
    %c0_i32_0 = arith.constant 0 : i32
    %c0_i32_1 = arith.constant 0 : i32
    return %c0_i32, %c0_i32_0 : i32, i32
  }
  func.func @transform_13(%arg0: i32) -> (i32, i32) {
    %c0_i32 = arith.constant 0 : i32
    %c0_i32_0 = arith.constant 0 : i32
    %c0_i32_1 = arith.constant 0 : i32
    return %c0_i32, %c0_i32_0 : i32, i32
  }
  func.func @transform_14(%arg0: i32) -> (i32, i32) {
    %c0_i32 = arith.constant 0 : i32
    %c0_i32_0 = arith.constant 0 : i32
    %c0_i32_1 = arith.constant 0 : i32
    return %c0_i32, %c0_i32_0 : i32, i32
  }
  func.func @transform_15(%arg0: i32) -> (i32, i32) {
    %c0_i32 = arith.constant 0 : i32
    %c0_i32_0 = arith.constant 0 : i32
    %c0_i32_1 = arith.constant 0 : i32
    return %c0_i32, %c0_i32_0 : i32, i32
  }
  func.func @transform_16(%arg0: i32) -> (i32, i32) {
    %c0_i32 = arith.constant 0 : i32
    %c0_i32_0 = arith.constant 0 : i32
    %c0_i32_1 = arith.constant 0 : i32
    return %c0_i32, %c0_i32_0 : i32, i32
  }
  func.func @transform_17(%arg0: i32) -> (i32, i32) {
    %c0_i32 = arith.constant 0 : i32
    %c0_i32_0 = arith.constant 0 : i32
    %c0_i32_1 = arith.constant 0 : i32
    return %c0_i32, %c0_i32_0 : i32, i32
  }
  func.func @transform_18(%arg0: i32) -> (i32, i32) {
    %c0_i32 = arith.constant 0 : i32
    %c0_i32_0 = arith.constant 0 : i32
    %c0_i32_1 = arith.constant 0 : i32
    return %c0_i32, %c0_i32_0 : i32, i32
  }
  func.func @transform_19(%arg0: i32) -> (i32, i32) {
    %c0_i32 = arith.constant 0 : i32
    %c0_i32_0 = arith.constant 0 : i32
    %c0_i32_1 = arith.constant 0 : i32
    return %c0_i32, %c0_i32_0 : i32, i32
  }
  func.func @transform_20(%arg0: i32) -> (i32, i32) {
    %c0_i32 = arith.constant 0 : i32
    %c0_i32_0 = arith.constant 0 : i32
    return %arg0, %c0_i32 : i32, i32
  }
}

</mosaic_0001>

<sc_bundles>
// kernel: kernel.16.cloned.1.call-start
scs
__scs_entry_jumppad:
0x0: {  	(pc) =	sbr.rel $0x88, $3  }
0x1: {  	(tag) =	ssettag $0x0;
	lr =	simm.s32 $0x1  }
0x2: {  	[smem:$0x3F6D] =	sst lr;
	_ =	strace $0xD0000000  }
0x3: {  	_ = 	snop  }
0x4: {  	_ = 	snop  }
0x5: {  	_ = 	snop  }
0x6: {  	_ = 	snop  }
0x7: {  	_ = 	snop  }
__scs_overlays_trampoline_lowered:
0x8: {  	[smem:$0x3F7C] =	sst s0  }
0x9: {  	[smem:$0x3F7D] =	sst s1  }
0xa: {  	[smem:$0x3F7E] =	sst s2  }
0xb: {  	[smem:$0x3F7F] =	sst s3  }
0xc: {  	[smem:$0x3F80] =	sst s4  }
0xd: {  	[smem:$0x3F81] =	sst s5  }
0xe: {  	[smem:$0x3F82] =	sst s6  }
0xf: {  	[smem:$0x3F83] =	sst s7  }
0x10: {  	[smem:$0x3F84] =	sst s8  }
0x11: {  	[smem:$0x3F85] =	sst s9;
	s0 =	simm.s32 @!p0 $0x0  }
0x12: {  	s1 =	sld [smem:$0x3F6B];
	s0 =	simm.s32 @p0 $0x1  }
0x13: {  	[smem:$0x3F86] =	sst s0;
	s0 =	simm.s32 @!p1 $0x0  }
0x14: {  	s2 =	sld [smem:$0x3F6A];
	s0 =	simm.s32 @p1 $0x1  }
0x15: {  	[smem:$0x3F87] =	sst s0;
	s0 =	simm.s32 @!p2 $0x0  }
0x16: {  	s3 =	sld [smem:$0x3FDB];
	s0 =	simm.s32 @p2 $0x1  }
0x17: {  	s4 =	simm.s32 $0x1BF5;
	[smem:$0x3F89] =	sst s0  }
0x18: {  	s0 =	sld [smem:$0x3F6C];
	_ =	swait.ge [sflag:s4], $0x0  }
0x19: {  	s7 =	sld [smem:$0x3F6D]  }
0x1a: {  	s8 =	sadd.s32 $0xFFFFE003, lr  }
0x1b: {  	s9 =	sadd.s32 $0xFFFFFEF7, lr;
	s5 =	simm.s32 $0xFFFFFFFF;
	p2 =	slt.u32 s8, $0xFFFFF086  }
0x1c: {  	p1 =	slt.u32 s9, $0xF7A;
	s5 =	simm.s32 @!p2 $0x0  }
0x1d: {  	s5 =	simm.s32 @p1 $0x1;
	p0 =	seq.s32 s7, s2  }
0x1e: {  	s7 =	smul.u32 @!p0 $0xF7A, s2;
	p2 =	seq.s32 @!p0 s5, $0x0  }
0x1f: {  	s9 =	smul.u32 $0xF7A, s1;
	s8 =	simm.s32 @!p0 $0x1BF5;
	p2 =	por !p2, p0  }
0x20: {  	[sflag:s8] =	ssyncset.s32 @!p0 $0xFFFFF086;
	s6 =	sadd.s32 @!p0 s3, s7;
	s7 =	simm.s32 @!p0 $0x108  }
0x21: {  	s3 =	sadd.s32 s3, s9;
	s6 =	sadd.s32 @!p0 $0x88, s6;
	s7 =	simm.s32 @p2 $0x1082  }
0x22: {  	[simem:s7], [sflag:s8] =	dma.local @!p0 [hbm:s6], $0xF7A  }
0x23: {  	s9 =	sor.u32 $0xD0000000, s2;
	s6 =	simm.s32 $0x108;
	_ =	swait.ge @!p0 [sflag:s8], $0x0  }
0x24: {  	s3 =	sadd.s32 $0x88, s3;
	s6 =	simm.s32 @!p1 $0x1082;
	[sflag:s4] =	ssyncset.s32 $0xFFFFF086  }
0x25: {  	[simem:s6], [sflag:s4] =	dma.local [hbm:s3], $0xF7A  }
0x26: {  	[smem:$0x3F6D] =	sst s1;
	(tag) =	ssettag s2;
	_ =	strace s9  }
0x27: {  	s1 =	sld [smem:$0x3F7D]  }
0x28: {  	s2 =	sld [smem:$0x3F7E]  }
0x29: {  	s4 =	sld [smem:$0x3F80]  }
0x2a: {  	p0 =	seq.s32 s5, $0x0;
	s5 =	sld [smem:$0x3F81]  }
0x2b: {  	s6 =	sld [smem:$0x3F82]  }
0x2c: {  	s7 =	sld [smem:$0x3F83]  }
0x2d: {  	s3 =	simm.s32 $0x108;
	s8 =	sld [smem:$0x3F84]  }
0x2e: {  	s3 =	simm.s32 @!p0 $0x1082;
	s9 =	sld [smem:$0x3F85]  }
0x2f: {  	lr =	sadd.s32 s0, s3;
	s0 =	sld [smem:$0x3F7C]  }
0x30: {  	s3 =	sld [smem:$0x3F7F]  }
0x31: {  	[smem:$0x3F88] =	sst s10  }
0x32: {  	s10 =	sld [smem:$0x3F86];
	_ =	sdelay $0x3  }
0x33: {  	p0 =	seq.s32 s10, $0x1;
	s10 =	sld [smem:$0x3F88];
	_ =	sdelay $0x3  }
0x34: {  	[smem:$0x3F88] =	sst s10  }
0x35: {  	s10 =	sld [smem:$0x3F87];
	_ =	sdelay $0x3  }
0x36: {  	p1 =	seq.s32 s10, $0x1;
	s10 =	sld [smem:$0x3F88];
	_ =	sdelay $0x3  }
0x37: {  	[smem:$0x3F88] =	sst s10  }
0x38: {  	s10 =	sld [smem:$0x3F89]  }
0x39: {  	_ = 	snop;
	(pc) =	sbr.ind lr, $3  }
0x3a: {  	_ = 	snop  }
0x3b: {  	_ = 	snop  }
0x3c: {  	p2 =	seq.s32 s10, $0x1;
	s10 =	sld [smem:$0x3F88]  }
0x3d: {  	_ =	shalt  }
0x3e: {  	_ =	shalt  }
0x3f: {  	_ =	shalt  }
0x40: {  	_ =	shalt  }
0x41: {  	_ =	shalt  }
0x42: {  	_ =	shalt  }
0x43: {  	_ =	shalt  }
0x44: {  	_ =	shalt  }
0x45: {  	_ =	shalt  }
0x46: {  	_ =	shalt  }
0x47: {  	_ =	shalt  }
0x48: {  	_ =	shalt  }
0x49: {  	_ =	shalt  }
0x4a: {  	_ =	shalt  }
0x4b: {  	_ =	shalt  }
0x4c: {  	_ =	shalt  }
0x4d: {  	_ =	shalt  }
0x4e: {  	_ =	shalt  }
0x4f: {  	_ =	shalt  }
0x50: {  	_ =	shalt  }
0x51: {  	_ =	shalt  }
0x52: {  	_ =	shalt  }
0x53: {  	_ =	shalt  }
0x54: {  	_ =	shalt  }
0x55: {  	_ =	shalt  }
0x56: {  	_ =	shalt  }
0x57: {  	_ =	shalt  }
0x58: {  	_ =	shalt  }
0x59: {  	_ =	shalt  }
0x5a: {  	_ =	shalt  }
0x5b: {  	_ =	shalt  }
0x5c: {  	_ =	shalt  }
0x5d: {  	_ =	shalt  }
0x5e: {  	_ =	shalt  }
0x5f: {  	_ =	shalt  }
0x60: {  	_ =	shalt  }
0x61: {  	_ =	shalt  }
0x62: {  	_ =	shalt  }
0x63: {  	_ =	shalt  }
0x64: {  	_ =	shalt  }
0x65: {  	_ =	shalt  }
0x66: {  	_ =	shalt  }
0x67: {  	_ =	shalt  }
0x68: {  	_ =	shalt  }
0x69: {  	_ =	shalt  }
0x6a: {  	_ =	shalt  }
0x6b: {  	_ =	shalt  }
0x6c: {  	_ =	shalt  }
0x6d: {  	_ =	shalt  }
0x6e: {  	_ =	shalt  }
0x6f: {  	_ =	shalt  }
0x70: {  	_ =	shalt  }
0x71: {  	_ =	shalt  }
0x72: {  	_ =	shalt  }
0x73: {  	_ =	shalt  }
0x74: {  	_ =	shalt  }
0x75: {  	_ =	shalt  }
0x76: {  	_ =	shalt  }
0x77: {  	_ =	shalt  }
0x78: {  	_ =	shalt  }
0x79: {  	_ =	shalt  }
0x7a: {  	_ =	shalt  }
0x7b: {  	_ =	shalt  }
0x7c: {  	_ =	shalt  }
0x7d: {  	_ =	shalt  }
0x7e: {  	_ =	shalt  }
0x7f: {  	_ =	shalt  }
0x80: {  	_ =	shalt  }
0x81: {  	_ =	shalt  }
0x82: {  	_ =	shalt  }
0x83: {  	_ =	shalt  }
0x84: {  	_ =	shalt  }
0x85: {  	_ =	shalt  }
0x86: {  	_ =	shalt  }
0x87: {  	_ =	shalt  }
.Lfunc_end0:
.L_simem_size_0:
called_computation_lowered:
.L_overlay_start_0:
0x88: {  	s2 =	sld [smem:$0x3FD9]  }
0x89: {  	s3 =	sld [smem:$0x3FFE];
	_ =	sdelay $0x1  }
0x8a: {  	s1 =	srdreg.scid  }
0x8b: {  	s0 =	sand.u32 $0x1, s1  }
0x8c: {  	s17 =	sshll.u32 s0, $0xA;
	s2 =	sadd.s32 s3, s2  }
0x8d: {  	s2 =	sadd.s32 s2, s17  }
0x8e: {  	[smem:$0x3F94] =	sst s2  }
0x8f: {  	_ = 	snop  }
0x90: {  	s18 =	sld [smem:$0x3FD0];
	(tm) =	ssettm $0x1  }
0x91: {  	s19 =	sld [smem:$0x3FFB];
	_ =	sdelay $0x3  }
0x92: {  	_ =	strace s19  }
0x93: {  	s2 =	sld [smem:$0x3FFC];
	_ =	sdelay $0x3  }
0x94: {  	_ =	strace s2  }
0x95: {  	s2 =	sld [smem:$0x3FFD];
	_ =	sdelay $0x3  }
0x96: {  	_ =	strace s2  }
0x97: {  	_ =	strace $0x8FFFFFFF  }
0x98: {  	s20 =	sld [smem:$0x3FDB];
	_ =	sdelay $0x1  }
0x99: {  	s4 =	simm.s32 $_scs_section_size  }
0x9a: {  	s5 =	simm.s32 $_size__tile_overlayer_lowered;
	s6 =	simm.s32 $_tile_overlayer_lowered  }
0x9b: {  	s7 =	simm.s32 $0x1BFF;
	s21 =	sshll.u32 s6, $0x1;
	s4 =	sadd.s32 s4, s20  }
0x9c: {  	s22 =	simm.s32 $0x0;
	s5 =	sshll.u32 s5, $0x1;
	s6 =	sadd.s32 s21, s4  }
0x9d: {  	[timem:s22], [sflag:s7] =	dma.local [hbm:s6], s5  }
0x9e: {  	_ =	swait.ge [sflag:s7], s5  }
0x9f: {  	s5 =	ssub.s32 $0x0, s5;
	[sflag:s7] =	ssyncset.done $0x0  }
0xa0: {  	[sflag:s7] =	ssyncadd.s32 s5;
	_ =	sdelay $0x1  }
0xa1: {  	s23 =	simm.s32 $0x1B8B  }
0xa2: {  	_ =	swait.ge [sflag:s23], $0x1  }
0xa3: {  	[sflag:s23] =	ssyncset.done $0x0  }
0xa4: {  	[sflag:s23] =	ssyncadd.s32 $0xFFFFFFFF  }
0xa5: {  	s5 =	sld [smem:$0x0]  }
0xa6: {  	s6 =	sand.u32 $0xFFFFFFFE, s1  }
0xa7: {  	p0 =	sne.s32 s1, s6  }
0xa8: {  	s6 =	sshll.u32 @p0 s6, $0xE  }
0xa9: {  	s6 =	sadd.s32 @p0 $0x11B8D, s6;
	s7 =	sshll.u32 @p0 s5, $0x11  }
0xaa: {  	s6 =	sor.u32 @p0 s7, s6  }
0xab: {  	[sflag:s6] =	ssyncadd.remote.s32 @p0 $0x1;
	_ =	sdelay $0x1  }
0xac: {  	s6 =	simm.s32 @p0 $0x1B8D  }
0xad: {  	_ =	swait.eq @p0 [sflag:s6], $0x1  }
0xae: {  	[sflag:s6] =	ssyncadd.s32 @p0 $0xFFFFFFFF  }
0xaf: {  	s7 =	sshll.u32 @!p0 s1, $0xE  }
0xb0: {  	s7 =	sor.u32 @!p0 $0x4000, s7;
	s6 =	simm.s32 @!p0 $0x1B8D  }
0xb1: {  	s5 =	sshll.u32 @!p0 s5, $0x11;
	s7 =	sadd.s32 @!p0 $0x11B8D, s7;
	_ =	swait.eq @!p0 [sflag:s6], $0x1  }
0xb2: {  	s5 =	sor.u32 @!p0 s5, s7;
	[sflag:s6] =	ssyncadd.s32 @!p0 $0xFFFFFFFF  }
0xb3: {  	s25 =	simm.s32 $0x1B8E;
	s24 =	sld [smem:$0x3FFE];
	[sflag:s5] =	ssyncadd.remote.s32 @!p0 $0x1  }
0xb4: {  	s26 =	simm.s32 $execute0_lowered;
	[smem:$0x3FD2] =	sst s25  }
0xb5: {  	s6 =	sshll.u32 s26, $0x1;
	_ =	strace $0x80000049;
	[dreg:$0x1] =	wrdreg $0xFFFFFFFF  }
0xb6: {  	s28 =	simm.s32 $_size_execute0_lowered;
	s4 =	sadd.s32 s4, s6;
	[dreg:$0x0] =	wrdreg $0x0  }
0xb7: {  	s6 =	sshll.u32 s28, $0x1;
	[dreg:$0x2] =	wrdreg s4  }
0xb8: {  	[dreg:$0x3] =	wrdreg s6  }
0xb9: {  	[dreg:$0x4] =	wrdreg $0xC0  }
0xba: {  	_ =	task [dreg:s22], $0x5FFFF  }
0xbb: {  	[dreg:$0x1] =	wrdreg $0xFFFFFFFF  }
0xbc: {  	[dreg:$0x0] =	wrdreg $0x60  }
0xbd: {  	[dreg:$0x2] =	wrdreg s24  }
0xbe: {  	[dreg:$0x3] =	wrdreg s18  }
0xbf: {  	[dreg:$0x4] =	wrdreg $0x1E000  }
0xc0: {  	[dreg:$0x5] =	wrdreg $0x9  }
0xc1: {  	_ =	task.clear_ibuf [dreg:s22], $0x6FFFF;
	_ =	strace $0x90000049  }
0xc2: {  	s29 =	simm.s32 $0x9;
	_ =	strace $0x8000004B  }
0xc3: {  	_ =	swait.ge [sflag:s29], $0x1  }
0xc4: {  	[sflag:s29] =	ssyncadd.s32 $0xFFFFFFFF  }
0xc5: {  	_ =	strace $0x9000004B  }
0xc6: {  	_ =	sfence  }
0xc7: {  	s30 =	sld [smem:$0x0];
	_ =	sdelay $0x2  }
0xc8: {  	s31 =	sshll.u32 s1, $0xD;
	s1 =	sshrl.u32 s1, $0x2  }
0xc9: {  	s4 =	sand.u32 $0x4000, s31;
	s1 =	sadd.s32 s1, s30  }
0xca: {  	s0 =	sor.u32 s4, s0;
	s1 =	sshll.u32 s1, $0x11  }
0xcb: {  	s0 =	sor.u32 s1, s0  }
0xcc: {  	s0 =	sadd.s32 $0x8F2B, s0  }
0xcd: {  	[sflag:s0] =	ssyncadd.remote.s32 $0x1  }
0xce: {  	_ =	sfence.sel $0xFFFF  }
0xcf: {  	[dreg:$0x0] =	wrdreg $0xFFFFFFFF;
	(pc) =	sbr.abs _section_cstart, $3  }
0xd0: {  	[dreg:$0x1] =	wrdreg $0xFFFFFFFF  }
0xd1: {  	_ =	task.clear_ibuf [dreg:s22], $0x2FFFF;
	_ =	strace $0x9FFFFFFF  }
0xd2: {  	(tm) =	ssettm $0x7FFFFFFF  }
0xd3: {  	_ =	shalt  }
tec
execute0_lowered:
.L_overlay_start_1:
0x0: {  	(tag) =	ssettag $0x1  }
0x1: {  	s6 =	rddreg [dreg:$0x0]  }
0x2: {  	s2 =	rddreg [dreg:$0x1]  }
0x3: {  	s0 =	srdreg.scid;
	s3 =	rddreg [dreg:$0x2]  }
0x4: {  	s4 =	simm.s32 $0x0;
	s17 =	simm.s32 $0x1;
	s18 =	simm.s32 $0xE00  }
0x5: {  	s19 =	simm.s32 $0x80;
	s5 =	sand.u32 $0x1, s0;
	s0 =	stileid.u32  }
0x6: {  	s20 =	simm.s32 $0x0;
	[smem:$0x7FF] =	sst s4;
	s8 =	smul.u32 $0x18800, s0  }
0x7: {  	s1 =	sshll.u32 s5, $0x4;
	s9 =	smul.u32 $0x188000, s5;
	s5 =	ssub.s32 $0x2, s5  }
0x8: {  	s31 =	sshll.u32 s0, $0x6;
	s1 =	sor.u32 s0, s1;
	s10 =	sshrl.u32 s5, $0x1  }
0x9: {  	s7 =	smul.u32 $0x6200, s1;
	s1 =	rddreg [dreg:$0x3];
	_ =	strace $0x8000004A  }
0xa: {  	s29 =	sadd.s32 s8, s9;
	s30 =	sshrl.u32 s8, $0x3;
	s10 =	ssub.s32 s5, s10  }
0xb: {  	s16 =	sadd.s32 s8, s3;
	s9 =	sadd.s32 s30, s6;
	s7 =	sshrl.u32 s7, $0x3  }
0xc: {  	s8 =	smax.u32 s10, $0x1;
	s15 =	sadd.s32 s7, s6;
	s7 =	sshrl.u32 s29, $0x3  }
0xd: {  	s16 =	sshrl.u32 s16, $0x3;
	s5 =	sadd.s32 $0x9EC00, s9;
	s7 =	sadd.s32 s7, s6  }
0xe: {  	s6 =	sor.u32 $0x1C01, s31;
	s9 =	sadd.s32 $0xA200, s15;
	s10 =	sadd.s32 $0xA3C0, s15  }
0xf: {  	s11 =	sadd.s32 $0xA580, s15;
	s12 =	sadd.s32 $0xA740, s15;
	s13 =	sadd.s32 $0xA900, s15  }
0x10: {  	s14 =	sadd.s32 $0xAAC0, s15;
	s15 =	sadd.s32 $0xAC80, s15;
	s7 =	sadd.s32 $0xCFC00, s7  }
.LBB2_1:
0x11: {  	[spmem:s16], [sflag:s6] =	dma.local [hbm:s5], $0x3100  }
0x12: {  	_ =	swait.ge [sflag:s17], $0x3100  }
0x13: {  	[sflag:s17] =	ssyncset.done $0x0  }
0x14: {  	[sflag:s17] =	ssyncadd.s32 $0xFFFFCF00  }
0x15: {  	[tilespmem:s18], [sflag:$0x1] =	stream.linear.gather [hbm4b:s2+s4], $0x1000, $0x38;
	[tilespmem:$0x1A600] =	vst v63  }
0x16: {  	_ =	swait.ge [sflag:s17], $0x1000  }
0x17: {  	[sflag:s17] =	ssyncset.done $0x0  }
0x18: {  	[sflag:s17] =	ssyncadd.s32 $0xFFFFF000  }
0x19: {  	[bflag:$0x0] =	sbarrier.arrive $0xFFFF  }
0x1a: {  	[tilespmem:s4], [sflag:$0x1] =	stream.linear.gather [hbm4b:s9+s4], $0xE00, $0x38;
	[tilespmem:$0x1A600] =	vst v63  }
0x1b: {  	_ =	swait.ge [sflag:s17], $0xE00  }
0x1c: {  	[sflag:s17] =	ssyncset.done $0x0  }
0x1d: {  	s21 =	simm.s32 $0x0;
	[sflag:s17] =	ssyncadd.s32 $0xFFFFF200  }
0x1e: {  	[spmem:s3] =	stream.indirect.scatter.add.f32 [tilespmem:s18], [sflag:$0x1], $0x20, s21, s19, $0xb8;
	[tilespmem:$0x1A600] =	vst v63  }
0x1f: {  	_ =	swait.ge [sflag:s17], $0x1000  }
0x20: {  	s21 =	simm.s32 $0x200;
	[sflag:s17] =	ssyncset.done $0x0  }
.LBB2_2:
0x21: {  	s22 =	sshra.s32 s21, $0x2;
	[sflag:s17] =	ssyncadd.s32 $0xFFFFF000;
	p0 =	sne.s32 s21, $0x3600  }
0x22: {  	[spmem:s3] =	stream.indirect.scatter.add.f32 [tilespmem:s18], [sflag:$0x1], $0x20, s22, s19, $0xb8;
	[tilespmem:$0x1A600] =	vst v63  }
.Ltmp0:
0x23: {  	_ = 	snop;
	(pc) =	sbr.rel @p0 .LBB2_2-.Ltmp0, $4  }
0x24: {  	_ = 	snop  }
0x25: {  	s21 =	sadd.s32 $0x200, s21  }
0x26: {  	_ =	swait.ge [sflag:s17], $0x1000  }
0x27: {  	[sflag:s17] =	ssyncset.done $0x0  }
0x28: {  	[sflag:s17] =	ssyncadd.s32 $0xFFFFF000;
	s21 =	simm.s32 $0x0  }
0x29: {  	[tilespmem:s21], [sflag:$0x1] =	stream.linear.gather [hbm4b:s10+s21], $0xE00, $0x38;
	[tilespmem:$0x1A600] =	vst v63  }
0x2a: {  	_ =	swait.ge [sflag:s17], $0xE00  }
0x2b: {  	[sflag:s17] =	ssyncset.done $0x0  }
0x2c: {  	s31 =	simm.s32 $0x0;
	[sflag:s17] =	ssyncadd.s32 $0xFFFFF200  }
0x2d: {  	[spmem:s3] =	stream.indirect.scatter.add.f32 [tilespmem:s18], [sflag:$0x1], $0x20, s31, s19, $0xb8;
	[tilespmem:$0x1A600] =	vst v63  }
0x2e: {  	_ =	swait.ge [sflag:s17], $0x1000  }
0x2f: {  	s21 =	simm.s32 $0x200;
	[sflag:s17] =	ssyncset.done $0x0  }
.LBB2_4:
0x30: {  	s22 =	sshra.s32 s21, $0x2;
	[sflag:s17] =	ssyncadd.s32 $0xFFFFF000;
	p0 =	sne.s32 s21, $0x3600  }
0x31: {  	[spmem:s3] =	stream.indirect.scatter.add.f32 [tilespmem:s18], [sflag:$0x1], $0x20, s22, s19, $0xb8;
	[tilespmem:$0x1A600] =	vst v63  }
.Ltmp1:
0x32: {  	_ = 	snop;
	(pc) =	sbr.rel @p0 .LBB2_4-.Ltmp1, $4  }
0x33: {  	_ = 	snop  }
0x34: {  	s21 =	sadd.s32 $0x200, s21  }
0x35: {  	_ =	swait.ge [sflag:s17], $0x1000  }
0x36: {  	[sflag:s17] =	ssyncset.done $0x0  }
0x37: {  	[sflag:s17] =	ssyncadd.s32 $0xFFFFF000;
	s21 =	simm.s32 $0x0  }
0x38: {  	[tilespmem:s21], [sflag:$0x1] =	stream.linear.gather [hbm4b:s11+s21], $0xE00, $0x38;
	[tilespmem:$0x1A600] =	vst v63  }
0x39: {  	_ =	swait.ge [sflag:s17], $0xE00  }
0x3a: {  	[sflag:s17] =	ssyncset.done $0x0  }
0x3b: {  	s31 =	simm.s32 $0x0;
	[sflag:s17] =	ssyncadd.s32 $0xFFFFF200  }
0x3c: {  	[spmem:s3] =	stream.indirect.scatter.add.f32 [tilespmem:s18], [sflag:$0x1], $0x20, s31, s19, $0xb8;
	[tilespmem:$0x1A600] =	vst v63  }
0x3d: {  	_ =	swait.ge [sflag:s17], $0x1000  }
0x3e: {  	s21 =	simm.s32 $0x200;
	[sflag:s17] =	ssyncset.done $0x0  }
.LBB2_6:
0x3f: {  	s22 =	sshra.s32 s21, $0x2;
	[sflag:s17] =	ssyncadd.s32 $0xFFFFF000;
	p0 =	sne.s32 s21, $0x3600  }
0x40: {  	[spmem:s3] =	stream.indirect.scatter.add.f32 [tilespmem:s18], [sflag:$0x1], $0x20, s22, s19, $0xb8;
	[tilespmem:$0x1A600] =	vst v63  }
.Ltmp2:
0x41: {  	_ = 	snop;
	(pc) =	sbr.rel @p0 .LBB2_6-.Ltmp2, $4  }
0x42: {  	_ = 	snop  }
0x43: {  	s21 =	sadd.s32 $0x200, s21  }
0x44: {  	_ =	swait.ge [sflag:s17], $0x1000  }
0x45: {  	[sflag:s17] =	ssyncset.done $0x0  }
0x46: {  	[sflag:s17] =	ssyncadd.s32 $0xFFFFF000;
	s21 =	simm.s32 $0x0  }
0x47: {  	[tilespmem:s21], [sflag:$0x1] =	stream.linear.gather [hbm4b:s12+s21], $0xE00, $0x38;
	[tilespmem:$0x1A600] =	vst v63  }
0x48: {  	_ =	swait.ge [sflag:s17], $0xE00  }
0x49: {  	[sflag:s17] =	ssyncset.done $0x0  }
0x4a: {  	s31 =	simm.s32 $0x0;
	[sflag:s17] =	ssyncadd.s32 $0xFFFFF200  }
0x4b: {  	[spmem:s3] =	stream.indirect.scatter.add.f32 [tilespmem:s18], [sflag:$0x1], $0x20, s31, s19, $0xb8;
	[tilespmem:$0x1A600] =	vst v63  }
0x4c: {  	_ =	swait.ge [sflag:s17], $0x1000  }
0x4d: {  	s21 =	simm.s32 $0x200;
	[sflag:s17] =	ssyncset.done $0x0  }
.LBB2_8:
0x4e: {  	s22 =	sshra.s32 s21, $0x2;
	[sflag:s17] =	ssyncadd.s32 $0xFFFFF000;
	p0 =	sne.s32 s21, $0x3600  }
0x4f: {  	[spmem:s3] =	stream.indirect.scatter.add.f32 [tilespmem:s18], [sflag:$0x1], $0x20, s22, s19, $0xb8;
	[tilespmem:$0x1A600] =	vst v63  }
.Ltmp3:
0x50: {  	_ = 	snop;
	(pc) =	sbr.rel @p0 .LBB2_8-.Ltmp3, $4  }
0x51: {  	_ = 	snop  }
0x52: {  	s21 =	sadd.s32 $0x200, s21  }
0x53: {  	_ =	swait.ge [sflag:s17], $0x1000  }
0x54: {  	[sflag:s17] =	ssyncset.done $0x0  }
0x55: {  	[sflag:s17] =	ssyncadd.s32 $0xFFFFF000;
	s21 =	simm.s32 $0x0  }
0x56: {  	[tilespmem:s21], [sflag:$0x1] =	stream.linear.gather [hbm4b:s13+s21], $0xE00, $0x38;
	[tilespmem:$0x1A600] =	vst v63  }
0x57: {  	_ =	swait.ge [sflag:s17], $0xE00  }
0x58: {  	[sflag:s17] =	ssyncset.done $0x0  }
0x59: {  	s31 =	simm.s32 $0x0;
	[sflag:s17] =	ssyncadd.s32 $0xFFFFF200  }
0x5a: {  	[spmem:s3] =	stream.indirect.scatter.add.f32 [tilespmem:s18], [sflag:$0x1], $0x20, s31, s19, $0xb8;
	[tilespmem:$0x1A600] =	vst v63  }
0x5b: {  	_ =	swait.ge [sflag:s17], $0x1000  }
0x5c: {  	s21 =	simm.s32 $0x200;
	[sflag:s17] =	ssyncset.done $0x0  }
.LBB2_10:
0x5d: {  	s22 =	sshra.s32 s21, $0x2;
	[sflag:s17] =	ssyncadd.s32 $0xFFFFF000;
	p0 =	sne.s32 s21, $0x3600  }
0x5e: {  	[spmem:s3] =	stream.indirect.scatter.add.f32 [tilespmem:s18], [sflag:$0x1], $0x20, s22, s19, $0xb8;
	[tilespmem:$0x1A600] =	vst v63  }
.Ltmp4:
0x5f: {  	_ = 	snop;
	(pc) =	sbr.rel @p0 .LBB2_10-.Ltmp4, $4  }
0x60: {  	_ = 	snop  }
0x61: {  	s21 =	sadd.s32 $0x200, s21  }
0x62: {  	_ =	swait.ge [sflag:s17], $0x1000  }
0x63: {  	[sflag:s17] =	ssyncset.done $0x0  }
0x64: {  	[sflag:s17] =	ssyncadd.s32 $0xFFFFF000;
	s21 =	simm.s32 $0x0  }
0x65: {  	[tilespmem:s21], [sflag:$0x1] =	stream.linear.gather [hbm4b:s14+s21], $0xE00, $0x38;
	[tilespmem:$0x1A600] =	vst v63  }
0x66: {  	_ =	swait.ge [sflag:s17], $0xE00  }
0x67: {  	[sflag:s17] =	ssyncset.done $0x0  }
0x68: {  	s31 =	simm.s32 $0x0;
	[sflag:s17] =	ssyncadd.s32 $0xFFFFF200  }
0x69: {  	[spmem:s3] =	stream.indirect.scatter.add.f32 [tilespmem:s18], [sflag:$0x1], $0x20, s31, s19, $0xb8;
	[tilespmem:$0x1A600] =	vst v63  }
0x6a: {  	_ =	swait.ge [sflag:s17], $0x1000  }
0x6b: {  	s21 =	simm.s32 $0x200;
	[sflag:s17] =	ssyncset.done $0x0  }
.LBB2_12:
0x6c: {  	s22 =	sshra.s32 s21, $0x2;
	[sflag:s17] =	ssyncadd.s32 $0xFFFFF000;
	p0 =	sne.s32 s21, $0x3600  }
0x6d: {  	[spmem:s3] =	stream.indirect.scatter.add.f32 [tilespmem:s18], [sflag:$0x1], $0x20, s22, s19, $0xb8;
	[tilespmem:$0x1A600] =	vst v63  }
.Ltmp5:
0x6e: {  	_ = 	snop;
	(pc) =	sbr.rel @p0 .LBB2_12-.Ltmp5, $4  }
0x6f: {  	_ = 	snop  }
0x70: {  	s21 =	sadd.s32 $0x200, s21  }
0x71: {  	_ =	swait.ge [sflag:s17], $0x1000  }
0x72: {  	[sflag:s17] =	ssyncset.done $0x0  }
0x73: {  	[sflag:s17] =	ssyncadd.s32 $0xFFFFF000;
	s21 =	simm.s32 $0x0  }
0x74: {  	[tilespmem:s21], [sflag:$0x1] =	stream.linear.gather [hbm4b:s15+s21], $0xE00, $0x38;
	[tilespmem:$0x1A600] =	vst v63  }
0x75: {  	_ =	swait.ge [sflag:s17], $0xE00  }
0x76: {  	[sflag:s17] =	ssyncset.done $0x0  }
0x77: {  	s31 =	simm.s32 $0x0;
	[sflag:s17] =	ssyncadd.s32 $0xFFFFF200  }
0x78: {  	[spmem:s3] =	stream.indirect.scatter.add.f32 [tilespmem:s18], [sflag:$0x1], $0x20, s31, s19, $0xb8;
	[tilespmem:$0x1A600] =	vst v63  }
0x79: {  	_ =	swait.ge [sflag:s17], $0x1000  }
0x7a: {  	s21 =	simm.s32 $0x200;
	[sflag:s17] =	ssyncset.done $0x0  }
.LBB2_14:
0x7b: {  	s22 =	sshra.s32 s21, $0x2;
	[sflag:s17] =	ssyncadd.s32 $0xFFFFF000;
	p0 =	sne.s32 s21, $0x3600  }
0x7c: {  	[spmem:s3] =	stream.indirect.scatter.add.f32 [tilespmem:s18], [sflag:$0x1], $0x20, s22, s19, $0xb8;
	[tilespmem:$0x1A600] =	vst v63  }
.Ltmp6:
0x7d: {  	_ = 	snop;
	(pc) =	sbr.rel @p0 .LBB2_14-.Ltmp6, $4  }
0x7e: {  	_ = 	snop  }
0x7f: {  	s21 =	sadd.s32 $0x200, s21  }
0x80: {  	_ =	swait.ge [sflag:s17], $0x1000  }
0x81: {  	[sflag:s17] =	ssyncset.done $0x0  }
0x82: {  	s20 =	sadd.s32 $0x1, s20  }
0x83: {  	[sflag:s17] =	ssyncadd.s32 $0xFFFFF000;
	p0 =	sne.s32 s20, s8  }
.Ltmp7:
0x84: {  	[bflag:$0x0] =	sbarrier.arrive $0xFFFF;
	(pc) =	sbr.rel @p0 .LBB2_1-.Ltmp7, $4  }
0x85: {  	[hbm:s7], [sflag:s6] =	dma.local [spmem:s16], $0x3100  }
0x86: {  	_ =	swait.ge [sflag:s17], $0x3100  }
0x87: {  	[sflag:s17] =	ssyncset.done $0x0  }
0x88: {  	[sflag:s17] =	ssyncadd.s32 $0xFFFFCF00  }
0x89: {  	_ =	sfence.sel $0x180000  }
0x8a: {  	[bflag:$0x0] =	sbarrier.arrive $0xFFFF  }
0x8b: {  	p0 =	sne.s32 s0, $0x0;
	_ =	strace $0x9000004A  }
0x8c: {  	s0 =	sadd.s32 @!p0 $0x100000, s1;
	[bflag:$0x2] =	sbarrier.arrive $0xFFFF  }
0x8d: {  	[sflag:s0] =	ssyncadd.tile.s32 @!p0 $0x1;
	_ =	shalt  }
.Lfunc_end2:
_tile_overlayer_lowered:
.L_overlay_start_2:
0x8e: {  	(tag) =	ssettag $0x2  }
0x8f: {  	s0 =	rddreg [dreg:$0x0];
	s2 =	stileid.u32  }
0x90: {  	s1 =	rddreg [dreg:$0x1];
	p0 =	sne.s32 s2, $0x0  }
0x91: {  	s3 =	rddreg [dreg:$0x2];
	[bflag:$0x3] =	sbarrier.arrive $0xFFFF;
	s2 =	simm.s32 @!p0 $0x1C01  }
0x92: {  	[timem:s3], [sflag:s2] =	dma.local @!p0 [hbm:s0], s1  }
0x93: {  	s0 =	simm.s32 @!p0 $0x1  }
0x94: {  	_ =	swait.ge @!p0 [sflag:s0], s1  }
0x95: {  	s1 =	ssub.s32 @!p0 $0x0, s1;
	[sflag:s0] =	ssyncset.done @!p0 $0x0  }
0x96: {  	[sflag:s0] =	ssyncadd.s32 @!p0 s1  }
0x97: {  	[bflag:$0x3] =	sbarrier.arrive $0xFFFF  }
0x98: {  	_ =	shalt  }

// kernel: kernel.19.cloned.1.call-start
scs
__scs_entry_jumppad:
0x0: {  	(pc) =	sbr.rel $0x88, $3  }
0x1: {  	(tag) =	ssettag $0x0;
	lr =	simm.s32 $0x1  }
0x2: {  	[smem:$0x3F6D] =	sst lr;
	_ =	strace $0xD0000000  }
0x3: {  	_ = 	snop  }
0x4: {  	_ = 	snop  }
0x5: {  	_ = 	snop  }
0x6: {  	_ = 	snop  }
0x7: {  	_ = 	snop  }
__scs_overlays_trampoline_lowered:
0x8: {  	[smem:$0x3F7C] =	sst s0  }
0x9: {  	[smem:$0x3F7D] =	sst s1  }
0xa: {  	[smem:$0x3F7E] =	sst s2  }
0xb: {  	[smem:$0x3F7F] =	sst s3  }
0xc: {  	[smem:$0x3F80] =	sst s4  }
0xd: {  	[smem:$0x3F81] =	sst s5  }
0xe: {  	[smem:$0x3F82] =	sst s6  }
0xf: {  	[smem:$0x3F83] =	sst s7  }
0x10: {  	[smem:$0x3F84] =	sst s8  }
0x11: {  	[smem:$0x3F85] =	sst s9;
	s0 =	simm.s32 @!p0 $0x0  }
0x12: {  	s1 =	sld [smem:$0x3F6B];
	s0 =	simm.s32 @p0 $0x1  }
0x13: {  	[smem:$0x3F86] =	sst s0;
	s0 =	simm.s32 @!p1 $0x0  }
0x14: {  	s2 =	sld [smem:$0x3F6A];
	s0 =	simm.s32 @p1 $0x1  }
0x15: {  	[smem:$0x3F87] =	sst s0;
	s0 =	simm.s32 @!p2 $0x0  }
0x16: {  	s3 =	sld [smem:$0x3FDB];
	s0 =	simm.s32 @p2 $0x1  }
0x17: {  	s4 =	simm.s32 $0x1BF5;
	[smem:$0x3F89] =	sst s0  }
0x18: {  	s0 =	sld [smem:$0x3F6C];
	_ =	swait.ge [sflag:s4], $0x0  }
0x19: {  	s7 =	sld [smem:$0x3F6D]  }
0x1a: {  	s8 =	sadd.s32 $0xFFFFE003, lr  }
0x1b: {  	s9 =	sadd.s32 $0xFFFFFEF7, lr;
	s5 =	simm.s32 $0xFFFFFFFF;
	p2 =	slt.u32 s8, $0xFFFFF086  }
0x1c: {  	p1 =	slt.u32 s9, $0xF7A;
	s5 =	simm.s32 @!p2 $0x0  }
0x1d: {  	s5 =	simm.s32 @p1 $0x1;
	p0 =	seq.s32 s7, s2  }
0x1e: {  	s7 =	smul.u32 @!p0 $0xF7A, s2;
	p2 =	seq.s32 @!p0 s5, $0x0  }
0x1f: {  	s9 =	smul.u32 $0xF7A, s1;
	s8 =	simm.s32 @!p0 $0x1BF5;
	p2 =	por !p2, p0  }
0x20: {  	[sflag:s8] =	ssyncset.s32 @!p0 $0xFFFFF086;
	s6 =	sadd.s32 @!p0 s3, s7;
	s7 =	simm.s32 @!p0 $0x108  }
0x21: {  	s3 =	sadd.s32 s3, s9;
	s6 =	sadd.s32 @!p0 $0x88, s6;
	s7 =	simm.s32 @p2 $0x1082  }
0x22: {  	[simem:s7], [sflag:s8] =	dma.local @!p0 [hbm:s6], $0xF7A  }
0x23: {  	s9 =	sor.u32 $0xD0000000, s2;
	s6 =	simm.s32 $0x108;
	_ =	swait.ge @!p0 [sflag:s8], $0x0  }
0x24: {  	s3 =	sadd.s32 $0x88, s3;
	s6 =	simm.s32 @!p1 $0x1082;
	[sflag:s4] =	ssyncset.s32 $0xFFFFF086  }
0x25: {  	[simem:s6], [sflag:s4] =	dma.local [hbm:s3], $0xF7A  }
0x26: {  	[smem:$0x3F6D] =	sst s1;
	(tag) =	ssettag s2;
	_ =	strace s9  }
0x27: {  	s1 =	sld [smem:$0x3F7D]  }
0x28: {  	s2 =	sld [smem:$0x3F7E]  }
0x29: {  	s4 =	sld [smem:$0x3F80]  }
0x2a: {  	p0 =	seq.s32 s5, $0x0;
	s5 =	sld [smem:$0x3F81]  }
0x2b: {  	s6 =	sld [smem:$0x3F82]  }
0x2c: {  	s7 =	sld [smem:$0x3F83]  }
0x2d: {  	s3 =	simm.s32 $0x108;
	s8 =	sld [smem:$0x3F84]  }
0x2e: {  	s3 =	simm.s32 @!p0 $0x1082;
	s9 =	sld [smem:$0x3F85]  }
0x2f: {  	lr =	sadd.s32 s0, s3;
	s0 =	sld [smem:$0x3F7C]  }
0x30: {  	s3 =	sld [smem:$0x3F7F]  }
0x31: {  	[smem:$0x3F88] =	sst s10  }
0x32: {  	s10 =	sld [smem:$0x3F86];
	_ =	sdelay $0x3  }
0x33: {  	p0 =	seq.s32 s10, $0x1;
	s10 =	sld [smem:$0x3F88];
	_ =	sdelay $0x3  }
0x34: {  	[smem:$0x3F88] =	sst s10  }
0x35: {  	s10 =	sld [smem:$0x3F87];
	_ =	sdelay $0x3  }
0x36: {  	p1 =	seq.s32 s10, $0x1;
	s10 =	sld [smem:$0x3F88];
	_ =	sdelay $0x3  }
0x37: {  	[smem:$0x3F88] =	sst s10  }
0x38: {  	s10 =	sld [smem:$0x3F89]  }
0x39: {  	_ = 	snop;
	(pc) =	sbr.ind lr, $3  }
0x3a: {  	_ = 	snop  }
0x3b: {  	_ = 	snop  }
0x3c: {  	p2 =	seq.s32 s10, $0x1;
	s10 =	sld [smem:$0x3F88]  }
0x3d: {  	_ =	shalt  }
0x3e: {  	_ =	shalt  }
0x3f: {  	_ =	shalt  }
0x40: {  	_ =	shalt  }
0x41: {  	_ =	shalt  }
0x42: {  	_ =	shalt  }
0x43: {  	_ =	shalt  }
0x44: {  	_ =	shalt  }
0x45: {  	_ =	shalt  }
0x46: {  	_ =	shalt  }
0x47: {  	_ =	shalt  }
0x48: {  	_ =	shalt  }
0x49: {  	_ =	shalt  }
0x4a: {  	_ =	shalt  }
0x4b: {  	_ =	shalt  }
0x4c: {  	_ =	shalt  }
0x4d: {  	_ =	shalt  }
0x4e: {  	_ =	shalt  }
0x4f: {  	_ =	shalt  }
0x50: {  	_ =	shalt  }
0x51: {  	_ =	shalt  }
0x52: {  	_ =	shalt  }
0x53: {  	_ =	shalt  }
0x54: {  	_ =	shalt  }
0x55: {  	_ =	shalt  }
0x56: {  	_ =	shalt  }
0x57: {  	_ =	shalt  }
0x58: {  	_ =	shalt  }
0x59: {  	_ =	shalt  }
0x5a: {  	_ =	shalt  }
0x5b: {  	_ =	shalt  }
0x5c: {  	_ =	shalt  }
0x5d: {  	_ =	shalt  }
0x5e: {  	_ =	shalt  }
0x5f: {  	_ =	shalt  }
0x60: {  	_ =	shalt  }
0x61: {  	_ =	shalt  }
0x62: {  	_ =	shalt  }
0x63: {  	_ =	shalt  }
0x64: {  	_ =	shalt  }
0x65: {  	_ =	shalt  }
0x66: {  	_ =	shalt  }
0x67: {  	_ =	shalt  }
0x68: {  	_ =	shalt  }
0x69: {  	_ =	shalt  }
0x6a: {  	_ =	shalt  }
0x6b: {  	_ =	shalt  }
0x6c: {  	_ =	shalt  }
0x6d: {  	_ =	shalt  }
0x6e: {  	_ =	shalt  }
0x6f: {  	_ =	shalt  }
0x70: {  	_ =	shalt  }
0x71: {  	_ =	shalt  }
0x72: {  	_ =	shalt  }
0x73: {  	_ =	shalt  }
0x74: {  	_ =	shalt  }
0x75: {  	_ =	shalt  }
0x76: {  	_ =	shalt  }
0x77: {  	_ =	shalt  }
0x78: {  	_ =	shalt  }
0x79: {  	_ =	shalt  }
0x7a: {  	_ =	shalt  }
0x7b: {  	_ =	shalt  }
0x7c: {  	_ =	shalt  }
0x7d: {  	_ =	shalt  }
0x7e: {  	_ =	shalt  }
0x7f: {  	_ =	shalt  }
0x80: {  	_ =	shalt  }
0x81: {  	_ =	shalt  }
0x82: {  	_ =	shalt  }
0x83: {  	_ =	shalt  }
0x84: {  	_ =	shalt  }
0x85: {  	_ =	shalt  }
0x86: {  	_ =	shalt  }
0x87: {  	_ =	shalt  }
.Lfunc_end0:
.L_simem_size_0:
called_computation.1_lowered:
.L_overlay_start_0:
0x88: {  	s2 =	sld [smem:$0x3FD9]  }
0x89: {  	s3 =	sld [smem:$0x3FFE];
	_ =	sdelay $0x1  }
0x8a: {  	s1 =	srdreg.scid  }
0x8b: {  	s0 =	sand.u32 $0x1, s1  }
0x8c: {  	s16 =	sshll.u32 s0, $0xA;
	s2 =	sadd.s32 s3, s2  }
0x8d: {  	s2 =	sadd.s32 s2, s16  }
0x8e: {  	[smem:$0x3F94] =	sst s2  }
0x8f: {  	_ = 	snop  }
0x90: {  	(tm) =	ssettm $0x1  }
0x91: {  	s17 =	sld [smem:$0x3FFB];
	_ =	sdelay $0x3  }
0x92: {  	_ =	strace s17  }
0x93: {  	s2 =	sld [smem:$0x3FFC];
	_ =	sdelay $0x3  }
0x94: {  	_ =	strace s2  }
0x95: {  	s2 =	sld [smem:$0x3FFD];
	_ =	sdelay $0x3  }
0x96: {  	_ =	strace s2  }
0x97: {  	_ =	strace $0x8FFFFFFF  }
0x98: {  	s18 =	sld [smem:$0x3FDB];
	_ =	sdelay $0x1  }
0x99: {  	s19 =	simm.s32 $_scs_section_size  }
0x9a: {  	s4 =	simm.s32 $_size__tile_overlayer_lowered;
	s5 =	simm.s32 $_tile_overlayer_lowered  }
0x9b: {  	s22 =	simm.s32 $0x1BFF;
	s21 =	sshll.u32 s5, $0x1;
	s2 =	sadd.s32 s19, s18  }
0x9c: {  	s6 =	simm.s32 $0x0;
	s20 =	sshll.u32 s4, $0x1;
	s4 =	sadd.s32 s21, s2  }
0x9d: {  	[timem:s6], [sflag:s22] =	dma.local [hbm:s4], s20  }
0x9e: {  	_ =	swait.ge [sflag:s22], s20  }
0x9f: {  	s3 =	ssub.s32 $0x0, s20;
	[sflag:s22] =	ssyncset.done $0x0  }
0xa0: {  	[sflag:s22] =	ssyncadd.s32 s3;
	_ =	sdelay $0x1  }
0xa1: {  	s23 =	simm.s32 $0x1B8B  }
0xa2: {  	_ =	swait.ge [sflag:s23], $0x1  }
0xa3: {  	[sflag:s23] =	ssyncset.done $0x0  }
0xa4: {  	s25 =	simm.s32 $0x1B8E;
	s24 =	sld [smem:$0x3FFE];
	[sflag:s23] =	ssyncadd.s32 $0xFFFFFFFF  }
0xa5: {  	s26 =	simm.s32 $execute0_lowered;
	[smem:$0x3FD2] =	sst s25  }
0xa6: {  	s4 =	sshll.u32 s26, $0x1;
	_ =	strace $0x80000046;
	[dreg:$0x1] =	wrdreg $0xFFFFFFFF  }
0xa7: {  	s28 =	simm.s32 $_size_execute0_lowered;
	s2 =	sadd.s32 s2, s4;
	[dreg:$0x0] =	wrdreg $0x0  }
0xa8: {  	s4 =	sshll.u32 s28, $0x1;
	[dreg:$0x2] =	wrdreg s2  }
0xa9: {  	[dreg:$0x3] =	wrdreg s4  }
0xaa: {  	[dreg:$0x4] =	wrdreg $0xC0  }
0xab: {  	_ =	task [dreg:s6], $0x5FFFF  }
0xac: {  	[dreg:$0x1] =	wrdreg $0xFFFFFFFF  }
0xad: {  	[dreg:$0x0] =	wrdreg $0x60  }
0xae: {  	[dreg:$0x2] =	wrdreg s24  }
0xaf: {  	[dreg:$0x3] =	wrdreg $0xA  }
0xb0: {  	_ =	task.clear_ibuf [dreg:s6], $0x4FFFF;
	_ =	strace $0x90000046  }
0xb1: {  	s29 =	simm.s32 $0xA;
	_ =	strace $0x80000048  }
0xb2: {  	_ =	swait.ge [sflag:s29], $0x1  }
0xb3: {  	[sflag:s29] =	ssyncadd.s32 $0xFFFFFFFF  }
0xb4: {  	_ =	strace $0x90000048  }
0xb5: {  	_ =	sfence  }
0xb6: {  	s30 =	sld [smem:$0x0];
	_ =	sdelay $0x2  }
0xb7: {  	s31 =	sshll.u32 s1, $0xD;
	s1 =	sshrl.u32 s1, $0x2  }
0xb8: {  	s3 =	sand.u32 $0x4000, s31;
	s1 =	sadd.s32 s1, s30  }
0xb9: {  	s0 =	sor.u32 s3, s0;
	s1 =	sshll.u32 s1, $0x11  }
0xba: {  	s0 =	sor.u32 s1, s0  }
0xbb: {  	s0 =	sadd.s32 $0x8F2B, s0  }
0xbc: {  	[sflag:s0] =	ssyncadd.remote.s32 $0x1  }
0xbd: {  	_ =	sfence.sel $0xFFFF  }
0xbe: {  	[dreg:$0x0] =	wrdreg $0xFFFFFFFF;
	(pc) =	sbr.abs _section_cstart, $3  }
0xbf: {  	[dreg:$0x1] =	wrdreg $0xFFFFFFFF  }
0xc0: {  	_ =	task.clear_ibuf [dreg:s6], $0x2FFFF;
	_ =	strace $0x9FFFFFFF  }
0xc1: {  	(tm) =	ssettm $0x7FFFFFFF  }
tec
execute0_lowered:
.L_overlay_start_1:
0x0: {  	(tag) =	ssettag $0x1  }
0x1: {  	s4 =	rddreg [dreg:$0x0];
	s1 =	srdreg.scid  }
0x2: {  	s0 =	rddreg [dreg:$0x1];
	s2 =	simm.s32 $0x0;
	s10 =	simm.s32 $0x1  }
0x3: {  	s11 =	simm.s32 $0x0;
	s5 =	sand.u32 $0x1, s1;
	s1 =	stileid.u32  }
0x4: {  	[smem:$0x7FF] =	sst s2;
	s3 =	sshll.u32 s5, $0x4;
	s7 =	smul.u32 $0x18800, s5  }
0x5: {  	s5 =	ssub.s32 $0x2, s5;
	s9 =	smul.u32 $0x1880, s1;
	s3 =	sor.u32 s1, s3  }
0x6: {  	_ =	strace $0x80000047;
	s8 =	sshrl.u32 s5, $0x1;
	s6 =	smul.u32 $0x620, s3  }
0x7: {  	s3 =	sadd.s32 $0x3CC00, s4;
	s7 =	sadd.s32 s7, s4;
	s5 =	ssub.s32 s5, s8  }
0x8: {  	s8 =	simm.s32 $0x70;
	s5 =	smax.u32 s5, $0x1;
	s6 =	sshrl.u32 s6, $0x3  }
0x9: {  	s31 =	sadd.s32 s9, s7;
	s7 =	simm.s32 $0x2;
	s6 =	sadd.s32 s6, s4  }
0xa: {  	s9 =	simm.s32 $0x620;
	s4 =	sadd.s32 $0x3B200, s6;
	s6 =	sadd.s32 $0x6DC00, s31  }
.LBB2_1:
0xb: {  	[tilespmem:s2], [sflag:$0x2] =	stream.linear.gather [hbm4b:s4+s2], $0x620, $0x38;
	[tilespmem:$0x1420] =	vst v63  }
0xc: {  	_ =	swait.ge [sflag:s7], $0x620  }
0xd: {  	[sflag:s7] =	ssyncset.done $0x0  }
0xe: {  	s12 =	simm.s32 $0x0;
	[sflag:s7] =	ssyncadd.s32 $0xFFFFF9E0  }
0xf: {  	[tilespmem:s9], [sflag:$0x1] =	stream.indirect.gather [hbm4b:s3+s8], $0x20, s12, s8, $0xb8;
	[tilespmem:$0x1420] =	vst v63  }
0x10: {  	_ =	swait.ge [sflag:s10], $0xE00  }
0x11: {  	[sflag:s10] =	ssyncset.done $0x0  }
0x12: {  	s31 =	sadd.s32 $0x0, s6;
	[sflag:s10] =	ssyncadd.s32 $0xFFFFF200  }
0x13: {  	[hbm4b:s31+s2] =	stream.linear.scatter [tilespmem:s9], [sflag:$0x2], $0xE00, $0x38;
	[tilespmem:$0x1420] =	vst v63  }
0x14: {  	_ =	swait.ge [sflag:s7], $0xE00  }
0x15: {  	s13 =	simm.s32 $0x380;
	s12 =	simm.s32 $0x1C0;
	[sflag:s7] =	ssyncset.done $0x0  }
.LBB2_2:
0x16: {  	s14 =	sshra.s32 s12, $0x2  }
0x17: {  	[sflag:s7] =	ssyncadd.s32 $0xFFFFF200;
	s15 =	smov.u32 s13;
	s16 =	sadd.s32 $0x1C0, s13  }
0x18: {  	[tilespmem:s9], [sflag:$0x1] =	stream.indirect.gather [hbm4b:s3+s8], $0x20, s14, s8, $0xb8;
	[tilespmem:$0x1420] =	vst v63  }
0x19: {  	p0 =	sne.s32 s13, $0x16C0;
	_ =	swait.ge [sflag:s10], $0xE00  }
.Ltmp0:
0x1a: {  	[sflag:s10] =	ssyncset.done $0x0;
	(pc) =	sbr.rel @p0 .LBB2_2-.Ltmp0, $4  }
0x1b: {  	s13 =	sadd.s32 s12, s6;
	s12 =	smov.u32 s15;
	[sflag:s10] =	ssyncadd.s32 $0xFFFFF200  }
0x1c: {  	[hbm4b:s13+s2] =	stream.linear.scatter [tilespmem:s9], [sflag:$0x2], $0xE00, $0x38;
	[tilespmem:$0x1420] =	vst v63  }
0x1d: {  	_ =	swait.ge [sflag:s7], $0xE00  }
0x1e: {  	s13 =	smov.u32 s16;
	[sflag:s7] =	ssyncset.done $0x0  }
0x1f: {  	s13 =	sshra.s32 s12, $0x2;
	[sflag:s7] =	ssyncadd.s32 $0xFFFFF200  }
0x20: {  	[tilespmem:s9], [sflag:$0x1] =	stream.indirect.gather [hbm4b:s3+s8], $0x20, s13, s8, $0xb8;
	[tilespmem:$0x1420] =	vst v63  }
0x21: {  	s11 =	sadd.s32 $0x1, s11;
	_ =	swait.ge [sflag:s10], $0xE00  }
0x22: {  	p0 =	sne.s32 s11, s5;
	[sflag:s10] =	ssyncset.done $0x0  }
.Ltmp1:
0x23: {  	s31 =	sadd.s32 s12, s6;
	[sflag:s10] =	ssyncadd.s32 $0xFFFFF200;
	(pc) =	sbr.rel @p0 .LBB2_1-.Ltmp1, $4  }
0x24: {  	[hbm4b:s31+s2] =	stream.linear.scatter [tilespmem:s9], [sflag:$0x2], $0xE00, $0x38;
	[tilespmem:$0x1420] =	vst v63  }
0x25: {  	_ =	swait.ge [sflag:s7], $0xE00  }
0x26: {  	[sflag:s7] =	ssyncset.done $0x0  }
0x27: {  	[sflag:s7] =	ssyncadd.s32 $0xFFFFF200  }
0x28: {  	_ =	sfence.sel $0x180000  }
0x29: {  	[bflag:$0x0] =	sbarrier.arrive $0xFFFF  }
0x2a: {  	p0 =	sne.s32 s1, $0x0;
	_ =	strace $0x90000047  }
0x2b: {  	s0 =	sadd.s32 @!p0 $0x100000, s0;
	[bflag:$0x2] =	sbarrier.arrive $0xFFFF  }
0x2c: {  	[sflag:s0] =	ssyncadd.tile.s32 @!p0 $0x1;
	_ =	shalt  }
.Lfunc_end2:
_tile_overlayer_lowered:
.L_overlay_start_2:
0x2d: {  	(tag) =	ssettag $0x2  }
0x2e: {  	s0 =	rddreg [dreg:$0x0];
	s2 =	stileid.u32  }
0x2f: {  	s1 =	rddreg [dreg:$0x1];
	p0 =	sne.s32 s2, $0x0  }
0x30: {  	s3 =	rddreg [dreg:$0x2];
	[bflag:$0x3] =	sbarrier.arrive $0xFFFF;
	s2 =	simm.s32 @!p0 $0x1C02  }
0x31: {  	[timem:s3], [sflag:s2] =	dma.local @!p0 [hbm:s0], s1  }
0x32: {  	s0 =	simm.s32 @!p0 $0x2  }
0x33: {  	_ =	swait.ge @!p0 [sflag:s0], s1  }
0x34: {  	s1 =	ssub.s32 @!p0 $0x0, s1;
	[sflag:s0] =	ssyncset.done @!p0 $0x0  }
0x35: {  	[sflag:s0] =	ssyncadd.s32 @!p0 s1  }
0x36: {  	[bflag:$0x3] =	sbarrier.arrive $0xFFFF  }
0x37: {  	_ =	shalt  }

// kernel: kernel.22.cloned.1.call-start
scs
__scs_entry_jumppad:
0x0: {  	(pc) =	sbr.rel $0x88, $3  }
0x1: {  	(tag) =	ssettag $0x0;
	lr =	simm.s32 $0x1  }
0x2: {  	[smem:$0x3F6D] =	sst lr;
	_ =	strace $0xD0000000  }
0x3: {  	_ = 	snop  }
0x4: {  	_ = 	snop  }
0x5: {  	_ = 	snop  }
0x6: {  	_ = 	snop  }
0x7: {  	_ = 	snop  }
__scs_overlays_trampoline_lowered:
0x8: {  	[smem:$0x3F7C] =	sst s0  }
0x9: {  	[smem:$0x3F7D] =	sst s1  }
0xa: {  	[smem:$0x3F7E] =	sst s2  }
0xb: {  	[smem:$0x3F7F] =	sst s3  }
0xc: {  	[smem:$0x3F80] =	sst s4  }
0xd: {  	[smem:$0x3F81] =	sst s5  }
0xe: {  	[smem:$0x3F82] =	sst s6  }
0xf: {  	[smem:$0x3F83] =	sst s7  }
0x10: {  	[smem:$0x3F84] =	sst s8  }
0x11: {  	[smem:$0x3F85] =	sst s9;
	s0 =	simm.s32 @!p0 $0x0  }
0x12: {  	s1 =	sld [smem:$0x3F6B];
	s0 =	simm.s32 @p0 $0x1  }
0x13: {  	[smem:$0x3F86] =	sst s0;
	s0 =	simm.s32 @!p1 $0x0  }
0x14: {  	s2 =	sld [smem:$0x3F6A];
	s0 =	simm.s32 @p1 $0x1  }
0x15: {  	[smem:$0x3F87] =	sst s0;
	s0 =	simm.s32 @!p2 $0x0  }
0x16: {  	s3 =	sld [smem:$0x3FDB];
	s0 =	simm.s32 @p2 $0x1  }
0x17: {  	s4 =	simm.s32 $0x1BF5;
	[smem:$0x3F89] =	sst s0  }
0x18: {  	s0 =	sld [smem:$0x3F6C];
	_ =	swait.ge [sflag:s4], $0x0  }
0x19: {  	s7 =	sld [smem:$0x3F6D]  }
0x1a: {  	s8 =	sadd.s32 $0xFFFFE003, lr  }
0x1b: {  	s9 =	sadd.s32 $0xFFFFFEF7, lr;
	s5 =	simm.s32 $0xFFFFFFFF;
	p2 =	slt.u32 s8, $0xFFFFF086  }
0x1c: {  	p1 =	slt.u32 s9, $0xF7A;
	s5 =	simm.s32 @!p2 $0x0  }
0x1d: {  	s5 =	simm.s32 @p1 $0x1;
	p0 =	seq.s32 s7, s2  }
0x1e: {  	s7 =	smul.u32 @!p0 $0xF7A, s2;
	p2 =	seq.s32 @!p0 s5, $0x0  }
0x1f: {  	s9 =	smul.u32 $0xF7A, s1;
	s8 =	simm.s32 @!p0 $0x1BF5;
	p2 =	por !p2, p0  }
0x20: {  	[sflag:s8] =	ssyncset.s32 @!p0 $0xFFFFF086;
	s6 =	sadd.s32 @!p0 s3, s7;
	s7 =	simm.s32 @!p0 $0x108  }
0x21: {  	s3 =	sadd.s32 s3, s9;
	s6 =	sadd.s32 @!p0 $0x88, s6;
	s7 =	simm.s32 @p2 $0x1082  }
0x22: {  	[simem:s7], [sflag:s8] =	dma.local @!p0 [hbm:s6], $0xF7A  }
0x23: {  	s9 =	sor.u32 $0xD0000000, s2;
	s6 =	simm.s32 $0x108;
	_ =	swait.ge @!p0 [sflag:s8], $0x0  }
0x24: {  	s3 =	sadd.s32 $0x88, s3;
	s6 =	simm.s32 @!p1 $0x1082;
	[sflag:s4] =	ssyncset.s32 $0xFFFFF086  }
0x25: {  	[simem:s6], [sflag:s4] =	dma.local [hbm:s3], $0xF7A  }
0x26: {  	[smem:$0x3F6D] =	sst s1;
	(tag) =	ssettag s2;
	_ =	strace s9  }
0x27: {  	s1 =	sld [smem:$0x3F7D]  }
0x28: {  	s2 =	sld [smem:$0x3F7E]  }
0x29: {  	s4 =	sld [smem:$0x3F80]  }
0x2a: {  	p0 =	seq.s32 s5, $0x0;
	s5 =	sld [smem:$0x3F81]  }
0x2b: {  	s6 =	sld [smem:$0x3F82]  }
0x2c: {  	s7 =	sld [smem:$0x3F83]  }
0x2d: {  	s3 =	simm.s32 $0x108;
	s8 =	sld [smem:$0x3F84]  }
0x2e: {  	s3 =	simm.s32 @!p0 $0x1082;
	s9 =	sld [smem:$0x3F85]  }
0x2f: {  	lr =	sadd.s32 s0, s3;
	s0 =	sld [smem:$0x3F7C]  }
0x30: {  	s3 =	sld [smem:$0x3F7F]  }
0x31: {  	[smem:$0x3F88] =	sst s10  }
0x32: {  	s10 =	sld [smem:$0x3F86];
	_ =	sdelay $0x3  }
0x33: {  	p0 =	seq.s32 s10, $0x1;
	s10 =	sld [smem:$0x3F88];
	_ =	sdelay $0x3  }
0x34: {  	[smem:$0x3F88] =	sst s10  }
0x35: {  	s10 =	sld [smem:$0x3F87];
	_ =	sdelay $0x3  }
0x36: {  	p1 =	seq.s32 s10, $0x1;
	s10 =	sld [smem:$0x3F88];
	_ =	sdelay $0x3  }
0x37: {  	[smem:$0x3F88] =	sst s10  }
0x38: {  	s10 =	sld [smem:$0x3F89]  }
0x39: {  	_ = 	snop;
	(pc) =	sbr.ind lr, $3  }
0x3a: {  	_ = 	snop  }
0x3b: {  	_ = 	snop  }
0x3c: {  	p2 =	seq.s32 s10, $0x1;
	s10 =	sld [smem:$0x3F88]  }
0x3d: {  	_ =	shalt  }
0x3e: {  	_ =	shalt  }
0x3f: {  	_ =	shalt  }
0x40: {  	_ =	shalt  }
0x41: {  	_ =	shalt  }
0x42: {  	_ =	shalt  }
0x43: {  	_ =	shalt  }
0x44: {  	_ =	shalt  }
0x45: {  	_ =	shalt  }
0x46: {  	_ =	shalt  }
0x47: {  	_ =	shalt  }
0x48: {  	_ =	shalt  }
0x49: {  	_ =	shalt  }
0x4a: {  	_ =	shalt  }
0x4b: {  	_ =	shalt  }
0x4c: {  	_ =	shalt  }
0x4d: {  	_ =	shalt  }
0x4e: {  	_ =	shalt  }
0x4f: {  	_ =	shalt  }
0x50: {  	_ =	shalt  }
0x51: {  	_ =	shalt  }
0x52: {  	_ =	shalt  }
0x53: {  	_ =	shalt  }
0x54: {  	_ =	shalt  }
0x55: {  	_ =	shalt  }
0x56: {  	_ =	shalt  }
0x57: {  	_ =	shalt  }
0x58: {  	_ =	shalt  }
0x59: {  	_ =	shalt  }
0x5a: {  	_ =	shalt  }
0x5b: {  	_ =	shalt  }
0x5c: {  	_ =	shalt  }
0x5d: {  	_ =	shalt  }
0x5e: {  	_ =	shalt  }
0x5f: {  	_ =	shalt  }
0x60: {  	_ =	shalt  }
0x61: {  	_ =	shalt  }
0x62: {  	_ =	shalt  }
0x63: {  	_ =	shalt  }
0x64: {  	_ =	shalt  }
0x65: {  	_ =	shalt  }
0x66: {  	_ =	shalt  }
0x67: {  	_ =	shalt  }
0x68: {  	_ =	shalt  }
0x69: {  	_ =	shalt  }
0x6a: {  	_ =	shalt  }
0x6b: {  	_ =	shalt  }
0x6c: {  	_ =	shalt  }
0x6d: {  	_ =	shalt  }
0x6e: {  	_ =	shalt  }
0x6f: {  	_ =	shalt  }
0x70: {  	_ =	shalt  }
0x71: {  	_ =	shalt  }
0x72: {  	_ =	shalt  }
0x73: {  	_ =	shalt  }
0x74: {  	_ =	shalt  }
0x75: {  	_ =	shalt  }
0x76: {  	_ =	shalt  }
0x77: {  	_ =	shalt  }
0x78: {  	_ =	shalt  }
0x79: {  	_ =	shalt  }
0x7a: {  	_ =	shalt  }
0x7b: {  	_ =	shalt  }
0x7c: {  	_ =	shalt  }
0x7d: {  	_ =	shalt  }
0x7e: {  	_ =	shalt  }
0x7f: {  	_ =	shalt  }
0x80: {  	_ =	shalt  }
0x81: {  	_ =	shalt  }
0x82: {  	_ =	shalt  }
0x83: {  	_ =	shalt  }
0x84: {  	_ =	shalt  }
0x85: {  	_ =	shalt  }
0x86: {  	_ =	shalt  }
0x87: {  	_ =	shalt  }
.Lfunc_end0:
.L_simem_size_0:
called_computation.2_lowered:
.L_overlay_start_0:
0x88: {  	s2 =	sld [smem:$0x3FD9]  }
0x89: {  	s3 =	sld [smem:$0x3FFE];
	_ =	sdelay $0x1  }
0x8a: {  	s1 =	srdreg.scid  }
0x8b: {  	s0 =	sand.u32 $0x1, s1  }
0x8c: {  	s17 =	sshll.u32 s0, $0xA;
	s2 =	sadd.s32 s3, s2  }
0x8d: {  	s2 =	sadd.s32 s2, s17  }
0x8e: {  	[smem:$0x3F94] =	sst s2  }
0x8f: {  	_ = 	snop  }
0x90: {  	(tm) =	ssettm $0x1  }
0x91: {  	s18 =	sld [smem:$0x3FFB];
	_ =	sdelay $0x3  }
0x92: {  	_ =	strace s18  }
0x93: {  	s2 =	sld [smem:$0x3FFC];
	_ =	sdelay $0x3  }
0x94: {  	_ =	strace s2  }
0x95: {  	s2 =	sld [smem:$0x3FFD];
	_ =	sdelay $0x3  }
0x96: {  	_ =	strace s2  }
0x97: {  	_ =	strace $0x8FFFFFFF  }
0x98: {  	s19 =	sld [smem:$0x3FDB];
	_ =	sdelay $0x1  }
0x99: {  	s20 =	simm.s32 $_scs_section_size  }
0x9a: {  	s4 =	simm.s32 $_size__tile_overlayer_lowered;
	s5 =	simm.s32 $_tile_overlayer_lowered  }
0x9b: {  	s6 =	simm.s32 $0x1BFF;
	s21 =	sshll.u32 s5, $0x1;
	s3 =	sadd.s32 s20, s19  }
0x9c: {  	s22 =	simm.s32 $0x0;
	s4 =	sshll.u32 s4, $0x1;
	s5 =	sadd.s32 s21, s3  }
0x9d: {  	[timem:s22], [sflag:s6] =	dma.local [hbm:s5], s4  }
0x9e: {  	_ =	swait.ge [sflag:s6], s4  }
0x9f: {  	s4 =	ssub.s32 $0x0, s4;
	[sflag:s6] =	ssyncset.done $0x0  }
0xa0: {  	[sflag:s6] =	ssyncadd.s32 s4;
	_ =	sdelay $0x1  }
0xa1: {  	s23 =	simm.s32 $0x1B8B  }
0xa2: {  	_ =	swait.ge [sflag:s23], $0x1  }
0xa3: {  	[sflag:s23] =	ssyncset.done $0x0  }
0xa4: {  	[sflag:s23] =	ssyncadd.s32 $0xFFFFFFFF  }
0xa5: {  	s4 =	sld [smem:$0x0]  }
0xa6: {  	s5 =	sand.u32 $0xFFFFFFFE, s1  }
0xa7: {  	p0 =	sne.s32 s1, s5  }
0xa8: {  	s5 =	sshll.u32 @p0 s5, $0xE  }
0xa9: {  	s5 =	sadd.s32 @p0 $0x11B8D, s5;
	s6 =	sshll.u32 @p0 s4, $0x11  }
0xaa: {  	s5 =	sor.u32 @p0 s6, s5  }
0xab: {  	[sflag:s5] =	ssyncadd.remote.s32 @p0 $0x1;
	_ =	sdelay $0x1  }
0xac: {  	s5 =	simm.s32 @p0 $0x1B8D  }
0xad: {  	_ =	swait.eq @p0 [sflag:s5], $0x1  }
0xae: {  	[sflag:s5] =	ssyncadd.s32 @p0 $0xFFFFFFFF  }
0xaf: {  	s6 =	sshll.u32 @!p0 s1, $0xE  }
0xb0: {  	s6 =	sor.u32 @!p0 $0x4000, s6;
	s5 =	simm.s32 @!p0 $0x1B8D  }
0xb1: {  	s4 =	sshll.u32 @!p0 s4, $0x11;
	s6 =	sadd.s32 @!p0 $0x11B8D, s6;
	_ =	swait.eq @!p0 [sflag:s5], $0x1  }
0xb2: {  	s4 =	sor.u32 @!p0 s4, s6;
	[sflag:s5] =	ssyncadd.s32 @!p0 $0xFFFFFFFF  }
0xb3: {  	s25 =	simm.s32 $0x1B8E;
	s24 =	sld [smem:$0x3FFE];
	[sflag:s4] =	ssyncadd.remote.s32 @!p0 $0x1  }
0xb4: {  	s26 =	simm.s32 $execute0_lowered;
	[smem:$0x3FD2] =	sst s25  }
0xb5: {  	s5 =	sshll.u32 s26, $0x1;
	_ =	strace $0x8000004C;
	[dreg:$0x1] =	wrdreg $0xFFFFFFFF  }
0xb6: {  	s28 =	simm.s32 $_size_execute0_lowered;
	s3 =	sadd.s32 s3, s5;
	[dreg:$0x0] =	wrdreg $0x0  }
0xb7: {  	s5 =	sshll.u32 s28, $0x1;
	[dreg:$0x2] =	wrdreg s3  }
0xb8: {  	[dreg:$0x3] =	wrdreg s5  }
0xb9: {  	[dreg:$0x4] =	wrdreg $0xC0  }
0xba: {  	_ =	task [dreg:s22], $0x5FFFF  }
0xbb: {  	[dreg:$0x1] =	wrdreg $0xFFFFFFFF  }
0xbc: {  	[dreg:$0x0] =	wrdreg $0x60  }
0xbd: {  	[dreg:$0x2] =	wrdreg s24  }
0xbe: {  	[dreg:$0x3] =	wrdreg $0x5C000  }
0xbf: {  	[dreg:$0x4] =	wrdreg $0xA  }
0xc0: {  	_ =	task.clear_ibuf [dreg:s22], $0x5FFFF;
	_ =	strace $0x9000004C  }
0xc1: {  	s29 =	simm.s32 $0xA;
	_ =	strace $0x8000004E  }
0xc2: {  	_ =	swait.ge [sflag:s29], $0x1  }
0xc3: {  	[sflag:s29] =	ssyncadd.s32 $0xFFFFFFFF  }
0xc4: {  	_ =	strace $0x9000004E  }
0xc5: {  	_ =	sfence  }
0xc6: {  	s30 =	sld [smem:$0x0];
	_ =	sdelay $0x2  }
0xc7: {  	s31 =	sshll.u32 s1, $0xD;
	s1 =	sshrl.u32 s1, $0x2  }
0xc8: {  	s4 =	sand.u32 $0x4000, s31;
	s1 =	sadd.s32 s1, s30  }
0xc9: {  	s0 =	sor.u32 s4, s0;
	s1 =	sshll.u32 s1, $0x11  }
0xca: {  	s0 =	sor.u32 s1, s0  }
0xcb: {  	s0 =	sadd.s32 $0x8F2B, s0  }
0xcc: {  	[sflag:s0] =	ssyncadd.remote.s32 $0x1  }
0xcd: {  	_ =	sfence.sel $0xFFFF  }
0xce: {  	[dreg:$0x0] =	wrdreg $0xFFFFFFFF;
	(pc) =	sbr.abs _section_cstart, $3  }
0xcf: {  	[dreg:$0x1] =	wrdreg $0xFFFFFFFF  }
0xd0: {  	_ =	task.clear_ibuf [dreg:s22], $0x2FFFF;
	_ =	strace $0x9FFFFFFF  }
0xd1: {  	(tm) =	ssettm $0x7FFFFFFF  }
tec
execute0_lowered:
.L_overlay_start_1:
0x0: {  	(tag) =	ssettag $0x1  }
0x1: {  	s7 =	rddreg [dreg:$0x0]  }
0x2: {  	s2 =	rddreg [dreg:$0x1]  }
0x3: {  	s0 =	rddreg [dreg:$0x2];
	s3 =	simm.s32 $0x0  }
0x4: {  	s1 =	stileid.u32;
	s4 =	srdreg.scid;
	s15 =	simm.s32 $0x80  }
0x5: {  	s16 =	simm.s32 $0x1C00;
	s17 =	simm.s32 $0x2C00;
	s18 =	simm.s32 $0x3C00  }
0x6: {  	s19 =	simm.s32 $0x4C00;
	s20 =	simm.s32 $0x1;
	s21 =	simm.s32 $0x2  }
0x7: {  	s22 =	simm.s32 $0x3;
	s23 =	simm.s32 $0x4;
	[smem:$0x7FF] =	sst s3  }
0x8: {  	s8 =	smul.u32 $0x18800, s1;
	s9 =	sand.u32 $0x1, s4;
	s4 =	sadd.s32 $0x223A00, s7  }
0x9: {  	s5 =	sadd.s32 $0x22A00, s7;
	s6 =	sadd.s32 $0xA200, s7;
	s13 =	sshll.u32 s1, $0x6  }
0xa: {  	_ =	strace $0x8000004D;
	s10 =	smul.u32 $0x188000, s9;
	s12 =	ssub.s32 $0x2, s9  }
0xb: {  	s9 =	sshll.u32 s9, $0x4;
	s11 =	sshrl.u32 s8, $0x3;
	s31 =	sshrl.u32 s12, $0x1  }
0xc: {  	s9 =	sor.u32 s1, s9;
	s14 =	sadd.s32 s8, s2;
	s10 =	sadd.s32 s8, s10  }
0xd: {  	s11 =	sadd.s32 s11, s7;
	s12 =	ssub.s32 s12, s31;
	s8 =	sor.u32 $0x1C05, s13  }
0xe: {  	s9 =	smul.u32 $0x6200, s9;
	s13 =	simm.s32 $0x5;
	s10 =	sshrl.u32 s10, $0x3  }
0xf: {  	s10 =	sadd.s32 s10, s7;
	s7 =	sadd.s32 $0x9EC00, s11;
	s11 =	smax.u32 s12, $0x1  }
0x10: {  	s12 =	sshrl.u32 s14, $0x3;
	s14 =	simm.s32 $0xE00;
	s10 =	sadd.s32 $0x285A00, s10  }
.LBB2_1:
0x11: {  	[spmem:s12], [sflag:s8] =	dma.local [hbm:s7], $0x3100  }
0x12: {  	_ =	swait.ge [sflag:s13], $0x3100  }
0x13: {  	[sflag:s13] =	ssyncset.done $0x0  }
0x14: {  	[sflag:s13] =	ssyncadd.s32 $0xFFFFCF00  }
0x15: {  	s24 =	simm.s32 $0x0;
	[bflag:$0x0] =	sbarrier.arrive $0xFFFF  }
.LBB2_2:
0x16: {  	s25 =	smul.u32 $0xE00, s24;
	_ =	sdelay $0x1  }
0x17: {  	s25 =	sadd.s32 s9, s25  }
0x18: {  	s25 =	sshrl.u32 s25, $0x3  }
0x19: {  	s28 =	simm.s32 $0x0;
	s26 =	sadd.s32 s5, s25  }
0x1a: {  	[tilespmem:s28], [sflag:$0x5] =	stream.linear.gather [hbm4b:s26+s28], $0xE00, $0x38;
	[tilespmem:$0x1E400] =	vst v63  }
0x1b: {  	_ =	swait.ge [sflag:s13], $0xE00  }
0x1c: {  	[sflag:s13] =	ssyncset.done $0x0  }
0x1d: {  	s25 =	sadd.s32 s6, s25;
	[sflag:s13] =	ssyncadd.s32 $0xFFFFF200  }
0x1e: {  	[tilespmem:s14], [sflag:$0x5] =	stream.linear.gather [hbm4b:s25+s28], $0xE00, $0x38;
	[tilespmem:$0x1E400] =	vst v63  }
0x1f: {  	_ =	swait.ge [sflag:s13], $0xE00  }
0x20: {  	[sflag:s13] =	ssyncset.done $0x0  }
0x21: {  	s26 =	simm.s32 $0x0;
	[sflag:s13] =	ssyncadd.s32 $0xFFFFF200  }
0x22: {  	[tilespmem:s16], [sflag:$0x1] =	stream.indirect.gather [hbm4b:s4+s15], $0x20, s26, s15, $0xb8;
	[tilespmem:$0x1E400] =	vst v63  }
0x23: {  	s28 =	simm.s32 $0x80  }
0x24: {  	[tilespmem:s17], [sflag:$0x2] =	stream.indirect.gather [hbm4b:s4+s15], $0x20, s28, s15, $0xb8;
	[tilespmem:$0x1E400] =	vst v63  }
0x25: {  	s30 =	simm.s32 $0x100  }
0x26: {  	[tilespmem:s18], [sflag:$0x3] =	stream.indirect.gather [hbm4b:s4+s15], $0x20, s30, s15, $0xb8;
	[tilespmem:$0x1E400] =	vst v63  }
0x27: {  	s31 =	simm.s32 $0x180  }
0x28: {  	[tilespmem:s19], [sflag:$0x4] =	stream.indirect.gather [hbm4b:s4+s15], $0x20, s31, s15, $0xb8;
	[tilespmem:$0x1E400] =	vst v63  }
0x29: {  	_ =	swait.ge [sflag:s20], $0x1000  }
0x2a: {  	[sflag:s20] =	ssyncset.done $0x0  }
0x2b: {  	s26 =	simm.s32 $0xE00;
	[sflag:s20] =	ssyncadd.s32 $0xFFFFF000  }
0x2c: {  	[spmem:s2] =	stream.indirect.scatter.add.f32 [tilespmem:s16], [sflag:$0x5], $0x20, s26, s15, $0xb8;
	[tilespmem:$0x1E400] =	vst v63  }
0x2d: {  	_ =	swait.ge [sflag:s13], $0x1000  }
0x2e: {  	[sflag:s13] =	ssyncset.done $0x0  }
0x2f: {  	[sflag:s13] =	ssyncadd.s32 $0xFFFFF000  }
0x30: {  	_ =	swait.ge [sflag:s21], $0x1000  }
0x31: {  	[sflag:s21] =	ssyncset.done $0x0  }
0x32: {  	s28 =	simm.s32 $0xE80;
	[sflag:s21] =	ssyncadd.s32 $0xFFFFF000  }
0x33: {  	[spmem:s2] =	stream.indirect.scatter.add.f32 [tilespmem:s17], [sflag:$0x5], $0x20, s28, s15, $0xb8;
	[tilespmem:$0x1E400] =	vst v63  }
0x34: {  	_ =	swait.ge [sflag:s13], $0x1000  }
0x35: {  	[sflag:s13] =	ssyncset.done $0x0  }
0x36: {  	[sflag:s13] =	ssyncadd.s32 $0xFFFFF000  }
0x37: {  	_ =	swait.ge [sflag:s22], $0x1000  }
0x38: {  	[sflag:s22] =	ssyncset.done $0x0  }
0x39: {  	s30 =	simm.s32 $0xF00;
	[sflag:s22] =	ssyncadd.s32 $0xFFFFF000  }
0x3a: {  	[spmem:s2] =	stream.indirect.scatter.add.f32 [tilespmem:s18], [sflag:$0x5], $0x20, s30, s15, $0xb8;
	[tilespmem:$0x1E400] =	vst v63  }
0x3b: {  	_ =	swait.ge [sflag:s13], $0x1000  }
0x3c: {  	[sflag:s13] =	ssyncset.done $0x0  }
0x3d: {  	[sflag:s13] =	ssyncadd.s32 $0xFFFFF000  }
0x3e: {  	_ =	swait.ge [sflag:s23], $0x1000  }
0x3f: {  	[sflag:s23] =	ssyncset.done $0x0  }
0x40: {  	s31 =	simm.s32 $0xF80;
	[sflag:s23] =	ssyncadd.s32 $0xFFFFF000  }
0x41: {  	[spmem:s2] =	stream.indirect.scatter.add.f32 [tilespmem:s19], [sflag:$0x5], $0x20, s31, s15, $0xb8;
	[tilespmem:$0x1E400] =	vst v63  }
0x42: {  	_ =	swait.ge [sflag:s13], $0x1000  }
0x43: {  	s29 =	simm.s32 $0x1000;
	s25 =	simm.s32 $0x800;
	[sflag:s13] =	ssyncset.done $0x0  }
.LBB2_3:
0x44: {  	s28 =	sshra.s32 s25, $0x2  }
0x45: {  	[sflag:s13] =	ssyncadd.s32 $0xFFFFF000;
	s25 =	smov.u32 s29;
	s26 =	sadd.s32 $0x800, s29  }
0x46: {  	[tilespmem:s16], [sflag:$0x1] =	stream.indirect.gather [hbm4b:s4+s15], $0x20, s28, s15, $0xb8;
	[tilespmem:$0x1E400] =	vst v63  }
0x47: {  	p0 =	sne.s32 s29, $0x3000;
	s29 =	sadd.s32 $0x80, s28  }
0x48: {  	[tilespmem:s17], [sflag:$0x2] =	stream.indirect.gather [hbm4b:s4+s15], $0x20, s29, s15, $0xb8;
	[tilespmem:$0x1E400] =	vst v63  }
0x49: {  	s29 =	sadd.s32 $0x100, s28  }
0x4a: {  	[tilespmem:s18], [sflag:$0x3] =	stream.indirect.gather [hbm4b:s4+s15], $0x20, s29, s15, $0xb8;
	[tilespmem:$0x1E400] =	vst v63  }
0x4b: {  	s29 =	sadd.s32 $0x180, s28  }
0x4c: {  	[tilespmem:s19], [sflag:$0x4] =	stream.indirect.gather [hbm4b:s4+s15], $0x20, s29, s15, $0xb8;
	[tilespmem:$0x1E400] =	vst v63  }
0x4d: {  	_ =	swait.ge [sflag:s20], $0x1000  }
0x4e: {  	[sflag:s20] =	ssyncset.done $0x0  }
0x4f: {  	s29 =	sadd.s32 $0xE00, s28;
	[sflag:s20] =	ssyncadd.s32 $0xFFFFF000  }
0x50: {  	[spmem:s2] =	stream.indirect.scatter.add.f32 [tilespmem:s16], [sflag:$0x5], $0x20, s29, s15, $0xb8;
	[tilespmem:$0x1E400] =	vst v63  }
0x51: {  	_ =	swait.ge [sflag:s13], $0x1000  }
0x52: {  	[sflag:s13] =	ssyncset.done $0x0  }
0x53: {  	[sflag:s13] =	ssyncadd.s32 $0xFFFFF000  }
0x54: {  	_ =	swait.ge [sflag:s21], $0x1000  }
0x55: {  	[sflag:s21] =	ssyncset.done $0x0  }
0x56: {  	s29 =	sadd.s32 $0xE80, s28;
	[sflag:s21] =	ssyncadd.s32 $0xFFFFF000  }
0x57: {  	[spmem:s2] =	stream.indirect.scatter.add.f32 [tilespmem:s17], [sflag:$0x5], $0x20, s29, s15, $0xb8;
	[tilespmem:$0x1E400] =	vst v63  }
0x58: {  	_ =	swait.ge [sflag:s13], $0x1000  }
0x59: {  	[sflag:s13] =	ssyncset.done $0x0  }
0x5a: {  	[sflag:s13] =	ssyncadd.s32 $0xFFFFF000  }
0x5b: {  	_ =	swait.ge [sflag:s22], $0x1000  }
0x5c: {  	[sflag:s22] =	ssyncset.done $0x0  }
0x5d: {  	s29 =	sadd.s32 $0xF00, s28;
	[sflag:s22] =	ssyncadd.s32 $0xFFFFF000  }
0x5e: {  	[spmem:s2] =	stream.indirect.scatter.add.f32 [tilespmem:s18], [sflag:$0x5], $0x20, s29, s15, $0xb8;
	[tilespmem:$0x1E400] =	vst v63  }
0x5f: {  	_ =	swait.ge [sflag:s13], $0x1000  }
0x60: {  	[sflag:s13] =	ssyncset.done $0x0  }
0x61: {  	[sflag:s13] =	ssyncadd.s32 $0xFFFFF000  }
0x62: {  	_ =	swait.ge [sflag:s23], $0x1000  }
.Ltmp0:
0x63: {  	[sflag:s23] =	ssyncset.done $0x0;
	(pc) =	sbr.rel @p0 .LBB2_3-.Ltmp0, $4  }
0x64: {  	s28 =	sadd.s32 $0xF80, s28;
	[sflag:s23] =	ssyncadd.s32 $0xFFFFF000  }
0x65: {  	[spmem:s2] =	stream.indirect.scatter.add.f32 [tilespmem:s19], [sflag:$0x5], $0x20, s28, s15, $0xb8;
	[tilespmem:$0x1E400] =	vst v63  }
0x66: {  	_ =	swait.ge [sflag:s13], $0x1000  }
0x67: {  	s29 =	smov.u32 s26;
	[sflag:s13] =	ssyncset.done $0x0  }
0x68: {  	s25 =	sshra.s32 s25, $0x2;
	[sflag:s13] =	ssyncadd.s32 $0xFFFFF000  }
0x69: {  	[tilespmem:s16], [sflag:$0x1] =	stream.indirect.gather [hbm4b:s4+s15], $0x20, s25, s15, $0xb8;
	[tilespmem:$0x1E400] =	vst v63  }
0x6a: {  	s26 =	sadd.s32 $0x80, s25  }
0x6b: {  	[tilespmem:s17], [sflag:$0x2] =	stream.indirect.gather [hbm4b:s4+s15], $0x20, s26, s15, $0xb8;
	[tilespmem:$0x1E400] =	vst v63  }
0x6c: {  	s31 =	sadd.s32 $0x100, s25  }
0x6d: {  	[tilespmem:s18], [sflag:$0x3] =	stream.indirect.gather [hbm4b:s4+s15], $0x20, s31, s15, $0xb8;
	[tilespmem:$0x1E400] =	vst v63  }
0x6e: {  	s28 =	sadd.s32 $0x180, s25  }
0x6f: {  	[tilespmem:s19], [sflag:$0x4] =	stream.indirect.gather [hbm4b:s4+s15], $0x20, s28, s15, $0xb8;
	[tilespmem:$0x1E400] =	vst v63  }
0x70: {  	_ =	swait.ge [sflag:s20], $0x1000  }
0x71: {  	[sflag:s20] =	ssyncset.done $0x0  }
0x72: {  	s29 =	sadd.s32 $0xE00, s25;
	[sflag:s20] =	ssyncadd.s32 $0xFFFFF000  }
0x73: {  	[spmem:s2] =	stream.indirect.scatter.add.f32 [tilespmem:s16], [sflag:$0x5], $0x20, s29, s15, $0xb8;
	[tilespmem:$0x1E400] =	vst v63  }
0x74: {  	_ =	swait.ge [sflag:s13], $0x1000  }
0x75: {  	[sflag:s13] =	ssyncset.done $0x0  }
0x76: {  	[sflag:s13] =	ssyncadd.s32 $0xFFFFF000  }
0x77: {  	_ =	swait.ge [sflag:s21], $0x1000  }
0x78: {  	[sflag:s21] =	ssyncset.done $0x0  }
0x79: {  	s30 =	sadd.s32 $0xE80, s25;
	[sflag:s21] =	ssyncadd.s32 $0xFFFFF000  }
0x7a: {  	[spmem:s2] =	stream.indirect.scatter.add.f32 [tilespmem:s17], [sflag:$0x5], $0x20, s30, s15, $0xb8;
	[tilespmem:$0x1E400] =	vst v63  }
0x7b: {  	_ =	swait.ge [sflag:s13], $0x1000  }
0x7c: {  	[sflag:s13] =	ssyncset.done $0x0  }
0x7d: {  	[sflag:s13] =	ssyncadd.s32 $0xFFFFF000  }
0x7e: {  	_ =	swait.ge [sflag:s22], $0x1000  }
0x7f: {  	[sflag:s22] =	ssyncset.done $0x0  }
0x80: {  	s31 =	sadd.s32 $0xF00, s25;
	[sflag:s22] =	ssyncadd.s32 $0xFFFFF000  }
0x81: {  	[spmem:s2] =	stream.indirect.scatter.add.f32 [tilespmem:s18], [sflag:$0x5], $0x20, s31, s15, $0xb8;
	[tilespmem:$0x1E400] =	vst v63  }
0x82: {  	_ =	swait.ge [sflag:s13], $0x1000  }
0x83: {  	[sflag:s13] =	ssyncset.done $0x0  }
0x84: {  	[sflag:s13] =	ssyncadd.s32 $0xFFFFF000  }
0x85: {  	s24 =	sadd.s32 $0x1, s24;
	_ =	swait.ge [sflag:s23], $0x1000  }
0x86: {  	p0 =	sne.s32 s24, $0x7;
	[sflag:s23] =	ssyncset.done $0x0  }
.Ltmp1:
0x87: {  	s25 =	sadd.s32 $0xF80, s25;
	[sflag:s23] =	ssyncadd.s32 $0xFFFFF000;
	(pc) =	sbr.rel @p0 .LBB2_2-.Ltmp1, $4  }
0x88: {  	[spmem:s2] =	stream.indirect.scatter.add.f32 [tilespmem:s19], [sflag:$0x5], $0x20, s25, s15, $0xb8;
	[tilespmem:$0x1E400] =	vst v63  }
0x89: {  	_ =	swait.ge [sflag:s13], $0x1000  }
0x8a: {  	[sflag:s13] =	ssyncset.done $0x0  }
0x8b: {  	[sflag:s13] =	ssyncadd.s32 $0xFFFFF000  }
0x8c: {  	s3 =	sadd.s32 $0x1, s3  }
0x8d: {  	p0 =	sne.s32 s3, s11  }
.Ltmp2:
0x8e: {  	[bflag:$0x0] =	sbarrier.arrive $0xFFFF;
	(pc) =	sbr.rel @p0 .LBB2_1-.Ltmp2, $4  }
0x8f: {  	[hbm:s10], [sflag:s8] =	dma.local [spmem:s12], $0x3100  }
0x90: {  	_ =	swait.ge [sflag:s13], $0x3100  }
0x91: {  	[sflag:s13] =	ssyncset.done $0x0  }
0x92: {  	[sflag:s13] =	ssyncadd.s32 $0xFFFFCF00  }
0x93: {  	_ =	sfence.sel $0x180000  }
0x94: {  	[bflag:$0x0] =	sbarrier.arrive $0xFFFF  }
0x95: {  	p0 =	sne.s32 s1, $0x0;
	_ =	strace $0x9000004D  }
0x96: {  	s0 =	sadd.s32 @!p0 $0x100000, s0;
	[bflag:$0x2] =	sbarrier.arrive $0xFFFF  }
0x97: {  	[sflag:s0] =	ssyncadd.tile.s32 @!p0 $0x1;
	_ =	shalt  }
.Lfunc_end2:
_tile_overlayer_lowered:
.L_overlay_start_2:
0x98: {  	(tag) =	ssettag $0x2  }
0x99: {  	s0 =	rddreg [dreg:$0x0];
	s2 =	stileid.u32  }
0x9a: {  	s1 =	rddreg [dreg:$0x1];
	p0 =	sne.s32 s2, $0x0  }
0x9b: {  	s3 =	rddreg [dreg:$0x2];
	[bflag:$0x3] =	sbarrier.arrive $0xFFFF;
	s2 =	simm.s32 @!p0 $0x1C05  }
0x9c: {  	[timem:s3], [sflag:s2] =	dma.local @!p0 [hbm:s0], s1  }
0x9d: {  	s0 =	simm.s32 @!p0 $0x5  }
0x9e: {  	_ =	swait.ge @!p0 [sflag:s0], s1  }
0x9f: {  	s1 =	ssub.s32 @!p0 $0x0, s1;
	[sflag:s0] =	ssyncset.done @!p0 $0x0  }
0xa0: {  	[sflag:s0] =	ssyncadd.s32 @!p0 s1  }
0xa1: {  	[bflag:$0x3] =	sbarrier.arrive $0xFFFF  }
0xa2: {  	_ =	shalt  }

// kernel: kernel.25.cloned.1.call-start
scs
__scs_entry_jumppad:
0x0: {  	(pc) =	sbr.rel $0x88, $3  }
0x1: {  	(tag) =	ssettag $0x0;
	lr =	simm.s32 $0x1  }
0x2: {  	[smem:$0x3F6D] =	sst lr;
	_ =	strace $0xD0000000  }
0x3: {  	_ = 	snop  }
0x4: {  	_ = 	snop  }
0x5: {  	_ = 	snop  }
0x6: {  	_ = 	snop  }
0x7: {  	_ = 	snop  }
__scs_overlays_trampoline_lowered:
0x8: {  	[smem:$0x3F7C] =	sst s0  }
0x9: {  	[smem:$0x3F7D] =	sst s1  }
0xa: {  	[smem:$0x3F7E] =	sst s2  }
0xb: {  	[smem:$0x3F7F] =	sst s3  }
0xc: {  	[smem:$0x3F80] =	sst s4  }
0xd: {  	[smem:$0x3F81] =	sst s5  }
0xe: {  	[smem:$0x3F82] =	sst s6  }
0xf: {  	[smem:$0x3F83] =	sst s7  }
0x10: {  	[smem:$0x3F84] =	sst s8  }
0x11: {  	[smem:$0x3F85] =	sst s9;
	s0 =	simm.s32 @!p0 $0x0  }
0x12: {  	s1 =	sld [smem:$0x3F6B];
	s0 =	simm.s32 @p0 $0x1  }
0x13: {  	[smem:$0x3F86] =	sst s0;
	s0 =	simm.s32 @!p1 $0x0  }
0x14: {  	s2 =	sld [smem:$0x3F6A];
	s0 =	simm.s32 @p1 $0x1  }
0x15: {  	[smem:$0x3F87] =	sst s0;
	s0 =	simm.s32 @!p2 $0x0  }
0x16: {  	s3 =	sld [smem:$0x3FDB];
	s0 =	simm.s32 @p2 $0x1  }
0x17: {  	s4 =	simm.s32 $0x1BF5;
	[smem:$0x3F89] =	sst s0  }
0x18: {  	s0 =	sld [smem:$0x3F6C];
	_ =	swait.ge [sflag:s4], $0x0  }
0x19: {  	s7 =	sld [smem:$0x3F6D]  }
0x1a: {  	s8 =	sadd.s32 $0xFFFFE003, lr  }
0x1b: {  	s9 =	sadd.s32 $0xFFFFFEF7, lr;
	s5 =	simm.s32 $0xFFFFFFFF;
	p2 =	slt.u32 s8, $0xFFFFF086  }
0x1c: {  	p1 =	slt.u32 s9, $0xF7A;
	s5 =	simm.s32 @!p2 $0x0  }
0x1d: {  	s5 =	simm.s32 @p1 $0x1;
	p0 =	seq.s32 s7, s2  }
0x1e: {  	s7 =	smul.u32 @!p0 $0xF7A, s2;
	p2 =	seq.s32 @!p0 s5, $0x0  }
0x1f: {  	s9 =	smul.u32 $0xF7A, s1;
	s8 =	simm.s32 @!p0 $0x1BF5;
	p2 =	por !p2, p0  }
0x20: {  	[sflag:s8] =	ssyncset.s32 @!p0 $0xFFFFF086;
	s6 =	sadd.s32 @!p0 s3, s7;
	s7 =	simm.s32 @!p0 $0x108  }
0x21: {  	s3 =	sadd.s32 s3, s9;
	s6 =	sadd.s32 @!p0 $0x88, s6;
	s7 =	simm.s32 @p2 $0x1082  }
0x22: {  	[simem:s7], [sflag:s8] =	dma.local @!p0 [hbm:s6], $0xF7A  }
0x23: {  	s9 =	sor.u32 $0xD0000000, s2;
	s6 =	simm.s32 $0x108;
	_ =	swait.ge @!p0 [sflag:s8], $0x0  }
0x24: {  	s3 =	sadd.s32 $0x88, s3;
	s6 =	simm.s32 @!p1 $0x1082;
	[sflag:s4] =	ssyncset.s32 $0xFFFFF086  }
0x25: {  	[simem:s6], [sflag:s4] =	dma.local [hbm:s3], $0xF7A  }
0x26: {  	[smem:$0x3F6D] =	sst s1;
	(tag) =	ssettag s2;
	_ =	strace s9  }
0x27: {  	s1 =	sld [smem:$0x3F7D]  }
0x28: {  	s2 =	sld [smem:$0x3F7E]  }
0x29: {  	s4 =	sld [smem:$0x3F80]  }
0x2a: {  	p0 =	seq.s32 s5, $0x0;
	s5 =	sld [smem:$0x3F81]  }
0x2b: {  	s6 =	sld [smem:$0x3F82]  }
0x2c: {  	s7 =	sld [smem:$0x3F83]  }
0x2d: {  	s3 =	simm.s32 $0x108;
	s8 =	sld [smem:$0x3F84]  }
0x2e: {  	s3 =	simm.s32 @!p0 $0x1082;
	s9 =	sld [smem:$0x3F85]  }
0x2f: {  	lr =	sadd.s32 s0, s3;
	s0 =	sld [smem:$0x3F7C]  }
0x30: {  	s3 =	sld [smem:$0x3F7F]  }
0x31: {  	[smem:$0x3F88] =	sst s10  }
0x32: {  	s10 =	sld [smem:$0x3F86];
	_ =	sdelay $0x3  }
0x33: {  	p0 =	seq.s32 s10, $0x1;
	s10 =	sld [smem:$0x3F88];
	_ =	sdelay $0x3  }
0x34: {  	[smem:$0x3F88] =	sst s10  }
0x35: {  	s10 =	sld [smem:$0x3F87];
	_ =	sdelay $0x3  }
0x36: {  	p1 =	seq.s32 s10, $0x1;
	s10 =	sld [smem:$0x3F88];
	_ =	sdelay $0x3  }
0x37: {  	[smem:$0x3F88] =	sst s10  }
0x38: {  	s10 =	sld [smem:$0x3F89]  }
0x39: {  	_ = 	snop;
	(pc) =	sbr.ind lr, $3  }
0x3a: {  	_ = 	snop  }
0x3b: {  	_ = 	snop  }
0x3c: {  	p2 =	seq.s32 s10, $0x1;
	s10 =	sld [smem:$0x3F88]  }
0x3d: {  	_ =	shalt  }
0x3e: {  	_ =	shalt  }
0x3f: {  	_ =	shalt  }
0x40: {  	_ =	shalt  }
0x41: {  	_ =	shalt  }
0x42: {  	_ =	shalt  }
0x43: {  	_ =	shalt  }
0x44: {  	_ =	shalt  }
0x45: {  	_ =	shalt  }
0x46: {  	_ =	shalt  }
0x47: {  	_ =	shalt  }
0x48: {  	_ =	shalt  }
0x49: {  	_ =	shalt  }
0x4a: {  	_ =	shalt  }
0x4b: {  	_ =	shalt  }
0x4c: {  	_ =	shalt  }
0x4d: {  	_ =	shalt  }
0x4e: {  	_ =	shalt  }
0x4f: {  	_ =	shalt  }
0x50: {  	_ =	shalt  }
0x51: {  	_ =	shalt  }
0x52: {  	_ =	shalt  }
0x53: {  	_ =	shalt  }
0x54: {  	_ =	shalt  }
0x55: {  	_ =	shalt  }
0x56: {  	_ =	shalt  }
0x57: {  	_ =	shalt  }
0x58: {  	_ =	shalt  }
0x59: {  	_ =	shalt  }
0x5a: {  	_ =	shalt  }
0x5b: {  	_ =	shalt  }
0x5c: {  	_ =	shalt  }
0x5d: {  	_ =	shalt  }
0x5e: {  	_ =	shalt  }
0x5f: {  	_ =	shalt  }
0x60: {  	_ =	shalt  }
0x61: {  	_ =	shalt  }
0x62: {  	_ =	shalt  }
0x63: {  	_ =	shalt  }
0x64: {  	_ =	shalt  }
0x65: {  	_ =	shalt  }
0x66: {  	_ =	shalt  }
0x67: {  	_ =	shalt  }
0x68: {  	_ =	shalt  }
0x69: {  	_ =	shalt  }
0x6a: {  	_ =	shalt  }
0x6b: {  	_ =	shalt  }
0x6c: {  	_ =	shalt  }
0x6d: {  	_ =	shalt  }
0x6e: {  	_ =	shalt  }
0x6f: {  	_ =	shalt  }
0x70: {  	_ =	shalt  }
0x71: {  	_ =	shalt  }
0x72: {  	_ =	shalt  }
0x73: {  	_ =	shalt  }
0x74: {  	_ =	shalt  }
0x75: {  	_ =	shalt  }
0x76: {  	_ =	shalt  }
0x77: {  	_ =	shalt  }
0x78: {  	_ =	shalt  }
0x79: {  	_ =	shalt  }
0x7a: {  	_ =	shalt  }
0x7b: {  	_ =	shalt  }
0x7c: {  	_ =	shalt  }
0x7d: {  	_ =	shalt  }
0x7e: {  	_ =	shalt  }
0x7f: {  	_ =	shalt  }
0x80: {  	_ =	shalt  }
0x81: {  	_ =	shalt  }
0x82: {  	_ =	shalt  }
0x83: {  	_ =	shalt  }
0x84: {  	_ =	shalt  }
0x85: {  	_ =	shalt  }
0x86: {  	_ =	shalt  }
0x87: {  	_ =	shalt  }
.Lfunc_end0:
.L_simem_size_0:
called_computation.3_lowered:
.L_overlay_start_0:
0x88: {  	s2 =	sld [smem:$0x3FD9]  }
0x89: {  	s3 =	sld [smem:$0x3FFE];
	_ =	sdelay $0x1  }
0x8a: {  	s1 =	srdreg.scid  }
0x8b: {  	s0 =	sand.u32 $0x1, s1  }
0x8c: {  	s16 =	sshll.u32 s0, $0xA;
	s2 =	sadd.s32 s3, s2  }
0x8d: {  	s2 =	sadd.s32 s2, s16  }
0x8e: {  	[smem:$0x3F94] =	sst s2  }
0x8f: {  	_ = 	snop  }
0x90: {  	(tm) =	ssettm $0x1  }
0x91: {  	s17 =	sld [smem:$0x3FFB];
	_ =	sdelay $0x3  }
0x92: {  	_ =	strace s17  }
0x93: {  	s2 =	sld [smem:$0x3FFC];
	_ =	sdelay $0x3  }
0x94: {  	_ =	strace s2  }
0x95: {  	s2 =	sld [smem:$0x3FFD];
	_ =	sdelay $0x3  }
0x96: {  	_ =	strace s2  }
0x97: {  	_ =	strace $0x8FFFFFFF  }
0x98: {  	s18 =	sld [smem:$0x3FDB];
	_ =	sdelay $0x1  }
0x99: {  	s19 =	simm.s32 $_scs_section_size  }
0x9a: {  	s4 =	simm.s32 $_size__tile_overlayer_lowered;
	s5 =	simm.s32 $_tile_overlayer_lowered  }
0x9b: {  	s22 =	simm.s32 $0x1BFF;
	s21 =	sshll.u32 s5, $0x1;
	s2 =	sadd.s32 s19, s18  }
0x9c: {  	s6 =	simm.s32 $0x0;
	s20 =	sshll.u32 s4, $0x1;
	s4 =	sadd.s32 s21, s2  }
0x9d: {  	[timem:s6], [sflag:s22] =	dma.local [hbm:s4], s20  }
0x9e: {  	_ =	swait.ge [sflag:s22], s20  }
0x9f: {  	s3 =	ssub.s32 $0x0, s20;
	[sflag:s22] =	ssyncset.done $0x0  }
0xa0: {  	[sflag:s22] =	ssyncadd.s32 s3;
	_ =	sdelay $0x1  }
0xa1: {  	s23 =	simm.s32 $0x1B8B  }
0xa2: {  	_ =	swait.ge [sflag:s23], $0x1  }
0xa3: {  	[sflag:s23] =	ssyncset.done $0x0  }
0xa4: {  	s25 =	simm.s32 $0x1B8E;
	s24 =	sld [smem:$0x3FFE];
	[sflag:s23] =	ssyncadd.s32 $0xFFFFFFFF  }
0xa5: {  	s26 =	simm.s32 $execute0_lowered;
	[smem:$0x3FD2] =	sst s25  }
0xa6: {  	s4 =	sshll.u32 s26, $0x1;
	_ =	strace $0x8000004F;
	[dreg:$0x1] =	wrdreg $0xFFFFFFFF  }
0xa7: {  	s28 =	simm.s32 $_size_execute0_lowered;
	s2 =	sadd.s32 s2, s4;
	[dreg:$0x0] =	wrdreg $0x0  }
0xa8: {  	s4 =	sshll.u32 s28, $0x1;
	[dreg:$0x2] =	wrdreg s2  }
0xa9: {  	[dreg:$0x3] =	wrdreg s4  }
0xaa: {  	[dreg:$0x4] =	wrdreg $0xC0  }
0xab: {  	_ =	task [dreg:s6], $0x5FFFF  }
0xac: {  	[dreg:$0x1] =	wrdreg $0xFFFFFFFF  }
0xad: {  	[dreg:$0x0] =	wrdreg $0x60  }
0xae: {  	[dreg:$0x2] =	wrdreg s24  }
0xaf: {  	[dreg:$0x3] =	wrdreg $0x5C000  }
0xb0: {  	[dreg:$0x4] =	wrdreg $0x9  }
0xb1: {  	_ =	task.clear_ibuf [dreg:s6], $0x5FFFF;
	_ =	strace $0x9000004F  }
0xb2: {  	s29 =	simm.s32 $0x9;
	_ =	strace $0x80000051  }
0xb3: {  	_ =	swait.ge [sflag:s29], $0x1  }
0xb4: {  	[sflag:s29] =	ssyncadd.s32 $0xFFFFFFFF  }
0xb5: {  	_ =	strace $0x90000051  }
0xb6: {  	_ =	sfence  }
0xb7: {  	s30 =	sld [smem:$0x0];
	_ =	sdelay $0x2  }
0xb8: {  	s31 =	sshll.u32 s1, $0xD;
	s1 =	sshrl.u32 s1, $0x2  }
0xb9: {  	s3 =	sand.u32 $0x4000, s31;
	s1 =	sadd.s32 s1, s30  }
0xba: {  	s0 =	sor.u32 s3, s0;
	s1 =	sshll.u32 s1, $0x11  }
0xbb: {  	s0 =	sor.u32 s1, s0  }
0xbc: {  	s0 =	sadd.s32 $0x8F2B, s0  }
0xbd: {  	[sflag:s0] =	ssyncadd.remote.s32 $0x1  }
0xbe: {  	_ =	sfence.sel $0xFFFF  }
0xbf: {  	[dreg:$0x0] =	wrdreg $0xFFFFFFFF;
	(pc) =	sbr.abs _section_cstart, $3  }
0xc0: {  	[dreg:$0x1] =	wrdreg $0xFFFFFFFF  }
0xc1: {  	_ =	task.clear_ibuf [dreg:s6], $0x2FFFF;
	_ =	strace $0x9FFFFFFF  }
0xc2: {  	(tm) =	ssettm $0x7FFFFFFF  }
0xc3: {  	_ =	shalt  }
tec
execute0_lowered:
.L_overlay_start_1:
0x0: {  	(tag) =	ssettag $0x1  }
0x1: {  	s7 =	rddreg [dreg:$0x0]  }
0x2: {  	s2 =	rddreg [dreg:$0x1]  }
0x3: {  	s0 =	rddreg [dreg:$0x2];
	s1 =	stileid.u32  }
0x4: {  	s4 =	srdreg.scid;
	s3 =	simm.s32 $0x0;
	s15 =	simm.s32 $0x80  }
0x5: {  	s16 =	simm.s32 $0x1C00;
	s17 =	simm.s32 $0x2C00;
	s18 =	simm.s32 $0x3C00  }
0x6: {  	s19 =	simm.s32 $0x4C00;
	s20 =	simm.s32 $0x1;
	s21 =	simm.s32 $0x2  }
0x7: {  	s22 =	simm.s32 $0x3;
	s23 =	simm.s32 $0x4;
	s8 =	smul.u32 $0x18800, s1  }
0x8: {  	s9 =	sand.u32 $0x1, s4;
	[smem:$0x7FF] =	sst s3;
	s4 =	sadd.s32 $0xCFC00, s7  }
0x9: {  	s5 =	sadd.s32 $0x22A00, s7;
	s6 =	sadd.s32 $0xA200, s7;
	s13 =	sshll.u32 s1, $0x6  }
0xa: {  	s10 =	smul.u32 $0x188000, s9;
	_ =	strace $0x80000050;
	s12 =	ssub.s32 $0x2, s9  }
0xb: {  	s9 =	sshll.u32 s9, $0x4;
	s11 =	sshrl.u32 s8, $0x3;
	s31 =	sshrl.u32 s12, $0x1  }
0xc: {  	s9 =	sor.u32 s1, s9;
	s14 =	sadd.s32 s8, s2;
	s10 =	sadd.s32 s8, s10  }
0xd: {  	s11 =	sadd.s32 s11, s7;
	s12 =	ssub.s32 s12, s31;
	s8 =	sor.u32 $0x1C05, s13  }
0xe: {  	s9 =	smul.u32 $0x6200, s9;
	s13 =	simm.s32 $0x5;
	s10 =	sshrl.u32 s10, $0x3  }
0xf: {  	s10 =	sadd.s32 s10, s7;
	s7 =	sadd.s32 $0x9EC00, s11;
	s11 =	smax.u32 s12, $0x1  }
0x10: {  	s12 =	sshrl.u32 s14, $0x3;
	s14 =	simm.s32 $0xE00;
	s10 =	sadd.s32 $0x162C00, s10  }
.LBB2_1:
0x11: {  	[spmem:s12], [sflag:s8] =	dma.local [hbm:s7], $0x3100  }
0x12: {  	_ =	swait.ge [sflag:s13], $0x3100  }
0x13: {  	[sflag:s13] =	ssyncset.done $0x0  }
0x14: {  	[sflag:s13] =	ssyncadd.s32 $0xFFFFCF00  }
0x15: {  	s24 =	simm.s32 $0x0;
	[bflag:$0x0] =	sbarrier.arrive $0xFFFF  }
.LBB2_2:
0x16: {  	s25 =	smul.u32 $0xE00, s24;
	_ =	sdelay $0x1  }
0x17: {  	s25 =	sadd.s32 s9, s25  }
0x18: {  	s25 =	sshrl.u32 s25, $0x3  }
0x19: {  	s28 =	simm.s32 $0x0;
	s26 =	sadd.s32 s5, s25  }
0x1a: {  	[tilespmem:s28], [sflag:$0x5] =	stream.linear.gather [hbm4b:s26+s28], $0xE00, $0x38;
	[tilespmem:$0x1E400] =	vst v63  }
0x1b: {  	_ =	swait.ge [sflag:s13], $0xE00  }
0x1c: {  	[sflag:s13] =	ssyncset.done $0x0  }
0x1d: {  	s25 =	sadd.s32 s6, s25;
	[sflag:s13] =	ssyncadd.s32 $0xFFFFF200  }
0x1e: {  	[tilespmem:s14], [sflag:$0x5] =	stream.linear.gather [hbm4b:s25+s28], $0xE00, $0x38;
	[tilespmem:$0x1E400] =	vst v63  }
0x1f: {  	_ =	swait.ge [sflag:s13], $0xE00  }
0x20: {  	[sflag:s13] =	ssyncset.done $0x0  }
0x21: {  	s26 =	simm.s32 $0x0;
	[sflag:s13] =	ssyncadd.s32 $0xFFFFF200  }
0x22: {  	[tilespmem:s16], [sflag:$0x1] =	stream.indirect.gather [hbm4b:s4+s15], $0x20, s26, s15, $0xb8;
	[tilespmem:$0x1E400] =	vst v63  }
0x23: {  	s28 =	simm.s32 $0x80  }
0x24: {  	[tilespmem:s17], [sflag:$0x2] =	stream.indirect.gather [hbm4b:s4+s15], $0x20, s28, s15, $0xb8;
	[tilespmem:$0x1E400] =	vst v63  }
0x25: {  	s30 =	simm.s32 $0x100  }
0x26: {  	[tilespmem:s18], [sflag:$0x3] =	stream.indirect.gather [hbm4b:s4+s15], $0x20, s30, s15, $0xb8;
	[tilespmem:$0x1E400] =	vst v63  }
0x27: {  	s31 =	simm.s32 $0x180  }
0x28: {  	[tilespmem:s19], [sflag:$0x4] =	stream.indirect.gather [hbm4b:s4+s15], $0x20, s31, s15, $0xb8;
	[tilespmem:$0x1E400] =	vst v63  }
0x29: {  	_ =	swait.ge [sflag:s20], $0x1000  }
0x2a: {  	[sflag:s20] =	ssyncset.done $0x0  }
0x2b: {  	s26 =	simm.s32 $0xE00;
	[sflag:s20] =	ssyncadd.s32 $0xFFFFF000  }
0x2c: {  	[spmem:s2] =	stream.indirect.scatter.add.f32 [tilespmem:s16], [sflag:$0x5], $0x20, s26, s15, $0xb8;
	[tilespmem:$0x1E400] =	vst v63  }
0x2d: {  	_ =	swait.ge [sflag:s13], $0x1000  }
0x2e: {  	[sflag:s13] =	ssyncset.done $0x0  }
0x2f: {  	[sflag:s13] =	ssyncadd.s32 $0xFFFFF000  }
0x30: {  	_ =	swait.ge [sflag:s21], $0x1000  }
0x31: {  	[sflag:s21] =	ssyncset.done $0x0  }
0x32: {  	s28 =	simm.s32 $0xE80;
	[sflag:s21] =	ssyncadd.s32 $0xFFFFF000  }
0x33: {  	[spmem:s2] =	stream.indirect.scatter.add.f32 [tilespmem:s17], [sflag:$0x5], $0x20, s28, s15, $0xb8;
	[tilespmem:$0x1E400] =	vst v63  }
0x34: {  	_ =	swait.ge [sflag:s13], $0x1000  }
0x35: {  	[sflag:s13] =	ssyncset.done $0x0  }
0x36: {  	[sflag:s13] =	ssyncadd.s32 $0xFFFFF000  }
0x37: {  	_ =	swait.ge [sflag:s22], $0x1000  }
0x38: {  	[sflag:s22] =	ssyncset.done $0x0  }
0x39: {  	s30 =	simm.s32 $0xF00;
	[sflag:s22] =	ssyncadd.s32 $0xFFFFF000  }
0x3a: {  	[spmem:s2] =	stream.indirect.scatter.add.f32 [tilespmem:s18], [sflag:$0x5], $0x20, s30, s15, $0xb8;
	[tilespmem:$0x1E400] =	vst v63  }
0x3b: {  	_ =	swait.ge [sflag:s13], $0x1000  }
0x3c: {  	[sflag:s13] =	ssyncset.done $0x0  }
0x3d: {  	[sflag:s13] =	ssyncadd.s32 $0xFFFFF000  }
0x3e: {  	_ =	swait.ge [sflag:s23], $0x1000  }
0x3f: {  	[sflag:s23] =	ssyncset.done $0x0  }
0x40: {  	s31 =	simm.s32 $0xF80;
	[sflag:s23] =	ssyncadd.s32 $0xFFFFF000  }
0x41: {  	[spmem:s2] =	stream.indirect.scatter.add.f32 [tilespmem:s19], [sflag:$0x5], $0x20, s31, s15, $0xb8;
	[tilespmem:$0x1E400] =	vst v63  }
0x42: {  	_ =	swait.ge [sflag:s13], $0x1000  }
0x43: {  	s29 =	simm.s32 $0x1000;
	s25 =	simm.s32 $0x800;
	[sflag:s13] =	ssyncset.done $0x0  }
.LBB2_3:
0x44: {  	s28 =	sshra.s32 s25, $0x2  }
0x45: {  	[sflag:s13] =	ssyncadd.s32 $0xFFFFF000;
	s25 =	smov.u32 s29;
	s26 =	sadd.s32 $0x800, s29  }
0x46: {  	[tilespmem:s16], [sflag:$0x1] =	stream.indirect.gather [hbm4b:s4+s15], $0x20, s28, s15, $0xb8;
	[tilespmem:$0x1E400] =	vst v63  }
0x47: {  	p0 =	sne.s32 s29, $0x3000;
	s29 =	sadd.s32 $0x80, s28  }
0x48: {  	[tilespmem:s17], [sflag:$0x2] =	stream.indirect.gather [hbm4b:s4+s15], $0x20, s29, s15, $0xb8;
	[tilespmem:$0x1E400] =	vst v63  }
0x49: {  	s29 =	sadd.s32 $0x100, s28  }
0x4a: {  	[tilespmem:s18], [sflag:$0x3] =	stream.indirect.gather [hbm4b:s4+s15], $0x20, s29, s15, $0xb8;
	[tilespmem:$0x1E400] =	vst v63  }
0x4b: {  	s29 =	sadd.s32 $0x180, s28  }
0x4c: {  	[tilespmem:s19], [sflag:$0x4] =	stream.indirect.gather [hbm4b:s4+s15], $0x20, s29, s15, $0xb8;
	[tilespmem:$0x1E400] =	vst v63  }
0x4d: {  	_ =	swait.ge [sflag:s20], $0x1000  }
0x4e: {  	[sflag:s20] =	ssyncset.done $0x0  }
0x4f: {  	s29 =	sadd.s32 $0xE00, s28;
	[sflag:s20] =	ssyncadd.s32 $0xFFFFF000  }
0x50: {  	[spmem:s2] =	stream.indirect.scatter.add.f32 [tilespmem:s16], [sflag:$0x5], $0x20, s29, s15, $0xb8;
	[tilespmem:$0x1E400] =	vst v63  }
0x51: {  	_ =	swait.ge [sflag:s13], $0x1000  }
0x52: {  	[sflag:s13] =	ssyncset.done $0x0  }
0x53: {  	[sflag:s13] =	ssyncadd.s32 $0xFFFFF000  }
0x54: {  	_ =	swait.ge [sflag:s21], $0x1000  }
0x55: {  	[sflag:s21] =	ssyncset.done $0x0  }
0x56: {  	s29 =	sadd.s32 $0xE80, s28;
	[sflag:s21] =	ssyncadd.s32 $0xFFFFF000  }
0x57: {  	[spmem:s2] =	stream.indirect.scatter.add.f32 [tilespmem:s17], [sflag:$0x5], $0x20, s29, s15, $0xb8;
	[tilespmem:$0x1E400] =	vst v63  }
0x58: {  	_ =	swait.ge [sflag:s13], $0x1000  }
0x59: {  	[sflag:s13] =	ssyncset.done $0x0  }
0x5a: {  	[sflag:s13] =	ssyncadd.s32 $0xFFFFF000  }
0x5b: {  	_ =	swait.ge [sflag:s22], $0x1000  }
0x5c: {  	[sflag:s22] =	ssyncset.done $0x0  }
0x5d: {  	s29 =	sadd.s32 $0xF00, s28;
	[sflag:s22] =	ssyncadd.s32 $0xFFFFF000  }
0x5e: {  	[spmem:s2] =	stream.indirect.scatter.add.f32 [tilespmem:s18], [sflag:$0x5], $0x20, s29, s15, $0xb8;
	[tilespmem:$0x1E400] =	vst v63  }
0x5f: {  	_ =	swait.ge [sflag:s13], $0x1000  }
0x60: {  	[sflag:s13] =	ssyncset.done $0x0  }
0x61: {  	[sflag:s13] =	ssyncadd.s32 $0xFFFFF000  }
0x62: {  	_ =	swait.ge [sflag:s23], $0x1000  }
.Ltmp0:
0x63: {  	[sflag:s23] =	ssyncset.done $0x0;
	(pc) =	sbr.rel @p0 .LBB2_3-.Ltmp0, $4  }
0x64: {  	s28 =	sadd.s32 $0xF80, s28;
	[sflag:s23] =	ssyncadd.s32 $0xFFFFF000  }
0x65: {  	[spmem:s2] =	stream.indirect.scatter.add.f32 [tilespmem:s19], [sflag:$0x5], $0x20, s28, s15, $0xb8;
	[tilespmem:$0x1E400] =	vst v63  }
0x66: {  	_ =	swait.ge [sflag:s13], $0x1000  }
0x67: {  	s29 =	smov.u32 s26;
	[sflag:s13] =	ssyncset.done $0x0  }
0x68: {  	s25 =	sshra.s32 s25, $0x2;
	[sflag:s13] =	ssyncadd.s32 $0xFFFFF000  }
0x69: {  	[tilespmem:s16], [sflag:$0x1] =	stream.indirect.gather [hbm4b:s4+s15], $0x20, s25, s15, $0xb8;
	[tilespmem:$0x1E400] =	vst v63  }
0x6a: {  	s26 =	sadd.s32 $0x80, s25  }
0x6b: {  	[tilespmem:s17], [sflag:$0x2] =	stream.indirect.gather [hbm4b:s4+s15], $0x20, s26, s15, $0xb8;
	[tilespmem:$0x1E400] =	vst v63  }
0x6c: {  	s31 =	sadd.s32 $0x100, s25  }
0x6d: {  	[tilespmem:s18], [sflag:$0x3] =	stream.indirect.gather [hbm4b:s4+s15], $0x20, s31, s15, $0xb8;
	[tilespmem:$0x1E400] =	vst v63  }
0x6e: {  	s28 =	sadd.s32 $0x180, s25  }
0x6f: {  	[tilespmem:s19], [sflag:$0x4] =	stream.indirect.gather [hbm4b:s4+s15], $0x20, s28, s15, $0xb8;
	[tilespmem:$0x1E400] =	vst v63  }
0x70: {  	_ =	swait.ge [sflag:s20], $0x1000  }
0x71: {  	[sflag:s20] =	ssyncset.done $0x0  }
0x72: {  	s29 =	sadd.s32 $0xE00, s25;
	[sflag:s20] =	ssyncadd.s32 $0xFFFFF000  }
0x73: {  	[spmem:s2] =	stream.indirect.scatter.add.f32 [tilespmem:s16], [sflag:$0x5], $0x20, s29, s15, $0xb8;
	[tilespmem:$0x1E400] =	vst v63  }
0x74: {  	_ =	swait.ge [sflag:s13], $0x1000  }
0x75: {  	[sflag:s13] =	ssyncset.done $0x0  }
0x76: {  	[sflag:s13] =	ssyncadd.s32 $0xFFFFF000  }
0x77: {  	_ =	swait.ge [sflag:s21], $0x1000  }
0x78: {  	[sflag:s21] =	ssyncset.done $0x0  }
0x79: {  	s30 =	sadd.s32 $0xE80, s25;
	[sflag:s21] =	ssyncadd.s32 $0xFFFFF000  }
0x7a: {  	[spmem:s2] =	stream.indirect.scatter.add.f32 [tilespmem:s17], [sflag:$0x5], $0x20, s30, s15, $0xb8;
	[tilespmem:$0x1E400] =	vst v63  }
0x7b: {  	_ =	swait.ge [sflag:s13], $0x1000  }
0x7c: {  	[sflag:s13] =	ssyncset.done $0x0  }
0x7d: {  	[sflag:s13] =	ssyncadd.s32 $0xFFFFF000  }
0x7e: {  	_ =	swait.ge [sflag:s22], $0x1000  }
0x7f: {  	[sflag:s22] =	ssyncset.done $0x0  }
0x80: {  	s31 =	sadd.s32 $0xF00, s25;
	[sflag:s22] =	ssyncadd.s32 $0xFFFFF000  }
0x81: {  	[spmem:s2] =	stream.indirect.scatter.add.f32 [tilespmem:s18], [sflag:$0x5], $0x20, s31, s15, $0xb8;
	[tilespmem:$0x1E400] =	vst v63  }
0x82: {  	_ =	swait.ge [sflag:s13], $0x1000  }
0x83: {  	[sflag:s13] =	ssyncset.done $0x0  }
0x84: {  	[sflag:s13] =	ssyncadd.s32 $0xFFFFF000  }
0x85: {  	s24 =	sadd.s32 $0x1, s24;
	_ =	swait.ge [sflag:s23], $0x1000  }
0x86: {  	p0 =	sne.s32 s24, $0x7;
	[sflag:s23] =	ssyncset.done $0x0  }
.Ltmp1:
0x87: {  	s25 =	sadd.s32 $0xF80, s25;
	[sflag:s23] =	ssyncadd.s32 $0xFFFFF000;
	(pc) =	sbr.rel @p0 .LBB2_2-.Ltmp1, $4  }
0x88: {  	[spmem:s2] =	stream.indirect.scatter.add.f32 [tilespmem:s19], [sflag:$0x5], $0x20, s25, s15, $0xb8;
	[tilespmem:$0x1E400] =	vst v63  }
0x89: {  	_ =	swait.ge [sflag:s13], $0x1000  }
0x8a: {  	[sflag:s13] =	ssyncset.done $0x0  }
0x8b: {  	[sflag:s13] =	ssyncadd.s32 $0xFFFFF000  }
0x8c: {  	s3 =	sadd.s32 $0x1, s3  }
0x8d: {  	p0 =	sne.s32 s3, s11  }
.Ltmp2:
0x8e: {  	[bflag:$0x0] =	sbarrier.arrive $0xFFFF;
	(pc) =	sbr.rel @p0 .LBB2_1-.Ltmp2, $4  }
0x8f: {  	[hbm:s10], [sflag:s8] =	dma.local [spmem:s12], $0x3100  }
0x90: {  	_ =	swait.ge [sflag:s13], $0x3100  }
0x91: {  	[sflag:s13] =	ssyncset.done $0x0  }
0x92: {  	[sflag:s13] =	ssyncadd.s32 $0xFFFFCF00  }
0x93: {  	_ =	sfence.sel $0x180000  }
0x94: {  	[bflag:$0x0] =	sbarrier.arrive $0xFFFF  }
0x95: {  	p0 =	sne.s32 s1, $0x0;
	_ =	strace $0x90000050  }
0x96: {  	s0 =	sadd.s32 @!p0 $0x100000, s0;
	[bflag:$0x2] =	sbarrier.arrive $0xFFFF  }
0x97: {  	[sflag:s0] =	ssyncadd.tile.s32 @!p0 $0x1;
	_ =	shalt  }
.Lfunc_end2:
_tile_overlayer_lowered:
.L_overlay_start_2:
0x98: {  	(tag) =	ssettag $0x2  }
0x99: {  	s0 =	rddreg [dreg:$0x0];
	s2 =	stileid.u32  }
0x9a: {  	s1 =	rddreg [dreg:$0x1];
	p0 =	sne.s32 s2, $0x0  }
0x9b: {  	s3 =	rddreg [dreg:$0x2];
	[bflag:$0x3] =	sbarrier.arrive $0xFFFF;
	s2 =	simm.s32 @!p0 $0x1C05  }
0x9c: {  	[timem:s3], [sflag:s2] =	dma.local @!p0 [hbm:s0], s1  }
0x9d: {  	s0 =	simm.s32 @!p0 $0x5  }
0x9e: {  	_ =	swait.ge @!p0 [sflag:s0], s1  }
0x9f: {  	s1 =	ssub.s32 @!p0 $0x0, s1;
	[sflag:s0] =	ssyncset.done @!p0 $0x0  }
0xa0: {  	[sflag:s0] =	ssyncadd.s32 @!p0 s1  }
0xa1: {  	[bflag:$0x3] =	sbarrier.arrive $0xFFFF  }
0xa2: {  	_ =	shalt  }

// kernel: kernel.28.cloned.1.call-start
scs
__scs_entry_jumppad:
0x0: {  	(pc) =	sbr.rel $0x88, $3  }
0x1: {  	(tag) =	ssettag $0x0;
	lr =	simm.s32 $0x1  }
0x2: {  	[smem:$0x3F6D] =	sst lr;
	_ =	strace $0xD0000000  }
0x3: {  	_ = 	snop  }
0x4: {  	_ = 	snop  }
0x5: {  	_ = 	snop  }
0x6: {  	_ = 	snop  }
0x7: {  	_ = 	snop  }
__scs_overlays_trampoline_lowered:
0x8: {  	[smem:$0x3F7C] =	sst s0  }
0x9: {  	[smem:$0x3F7D] =	sst s1  }
0xa: {  	[smem:$0x3F7E] =	sst s2  }
0xb: {  	[smem:$0x3F7F] =	sst s3  }
0xc: {  	[smem:$0x3F80] =	sst s4  }
0xd: {  	[smem:$0x3F81] =	sst s5  }
0xe: {  	[smem:$0x3F82] =	sst s6  }
0xf: {  	[smem:$0x3F83] =	sst s7  }
0x10: {  	[smem:$0x3F84] =	sst s8  }
0x11: {  	[smem:$0x3F85] =	sst s9;
	s0 =	simm.s32 @!p0 $0x0  }
0x12: {  	s1 =	sld [smem:$0x3F6B];
	s0 =	simm.s32 @p0 $0x1  }
0x13: {  	[smem:$0x3F86] =	sst s0;
	s0 =	simm.s32 @!p1 $0x0  }
0x14: {  	s2 =	sld [smem:$0x3F6A];
	s0 =	simm.s32 @p1 $0x1  }
0x15: {  	[smem:$0x3F87] =	sst s0;
	s0 =	simm.s32 @!p2 $0x0  }
0x16: {  	s3 =	sld [smem:$0x3FDB];
	s0 =	simm.s32 @p2 $0x1  }
0x17: {  	s4 =	simm.s32 $0x1BF5;
	[smem:$0x3F89] =	sst s0  }
0x18: {  	s0 =	sld [smem:$0x3F6C];
	_ =	swait.ge [sflag:s4], $0x0  }
0x19: {  	s7 =	sld [smem:$0x3F6D]  }
0x1a: {  	s8 =	sadd.s32 $0xFFFFE003, lr  }
0x1b: {  	s9 =	sadd.s32 $0xFFFFFEF7, lr;
	s5 =	simm.s32 $0xFFFFFFFF;
	p2 =	slt.u32 s8, $0xFFFFF086  }
0x1c: {  	p1 =	slt.u32 s9, $0xF7A;
	s5 =	simm.s32 @!p2 $0x0  }
0x1d: {  	s5 =	simm.s32 @p1 $0x1;
	p0 =	seq.s32 s7, s2  }
0x1e: {  	s7 =	smul.u32 @!p0 $0xF7A, s2;
	p2 =	seq.s32 @!p0 s5, $0x0  }
0x1f: {  	s9 =	smul.u32 $0xF7A, s1;
	s8 =	simm.s32 @!p0 $0x1BF5;
	p2 =	por !p2, p0  }
0x20: {  	[sflag:s8] =	ssyncset.s32 @!p0 $0xFFFFF086;
	s6 =	sadd.s32 @!p0 s3, s7;
	s7 =	simm.s32 @!p0 $0x108  }
0x21: {  	s3 =	sadd.s32 s3, s9;
	s6 =	sadd.s32 @!p0 $0x88, s6;
	s7 =	simm.s32 @p2 $0x1082  }
0x22: {  	[simem:s7], [sflag:s8] =	dma.local @!p0 [hbm:s6], $0xF7A  }
0x23: {  	s9 =	sor.u32 $0xD0000000, s2;
	s6 =	simm.s32 $0x108;
	_ =	swait.ge @!p0 [sflag:s8], $0x0  }
0x24: {  	s3 =	sadd.s32 $0x88, s3;
	s6 =	simm.s32 @!p1 $0x1082;
	[sflag:s4] =	ssyncset.s32 $0xFFFFF086  }
0x25: {  	[simem:s6], [sflag:s4] =	dma.local [hbm:s3], $0xF7A  }
0x26: {  	[smem:$0x3F6D] =	sst s1;
	(tag) =	ssettag s2;
	_ =	strace s9  }
0x27: {  	s1 =	sld [smem:$0x3F7D]  }
0x28: {  	s2 =	sld [smem:$0x3F7E]  }
0x29: {  	s4 =	sld [smem:$0x3F80]  }
0x2a: {  	p0 =	seq.s32 s5, $0x0;
	s5 =	sld [smem:$0x3F81]  }
0x2b: {  	s6 =	sld [smem:$0x3F82]  }
0x2c: {  	s7 =	sld [smem:$0x3F83]  }
0x2d: {  	s3 =	simm.s32 $0x108;
	s8 =	sld [smem:$0x3F84]  }
0x2e: {  	s3 =	simm.s32 @!p0 $0x1082;
	s9 =	sld [smem:$0x3F85]  }
0x2f: {  	lr =	sadd.s32 s0, s3;
	s0 =	sld [smem:$0x3F7C]  }
0x30: {  	s3 =	sld [smem:$0x3F7F]  }
0x31: {  	[smem:$0x3F88] =	sst s10  }
0x32: {  	s10 =	sld [smem:$0x3F86];
	_ =	sdelay $0x3  }
0x33: {  	p0 =	seq.s32 s10, $0x1;
	s10 =	sld [smem:$0x3F88];
	_ =	sdelay $0x3  }
0x34: {  	[smem:$0x3F88] =	sst s10  }
0x35: {  	s10 =	sld [smem:$0x3F87];
	_ =	sdelay $0x3  }
0x36: {  	p1 =	seq.s32 s10, $0x1;
	s10 =	sld [smem:$0x3F88];
	_ =	sdelay $0x3  }
0x37: {  	[smem:$0x3F88] =	sst s10  }
0x38: {  	s10 =	sld [smem:$0x3F89]  }
0x39: {  	_ = 	snop;
	(pc) =	sbr.ind lr, $3  }
0x3a: {  	_ = 	snop  }
0x3b: {  	_ = 	snop  }
0x3c: {  	p2 =	seq.s32 s10, $0x1;
	s10 =	sld [smem:$0x3F88]  }
0x3d: {  	_ =	shalt  }
0x3e: {  	_ =	shalt  }
0x3f: {  	_ =	shalt  }
0x40: {  	_ =	shalt  }
0x41: {  	_ =	shalt  }
0x42: {  	_ =	shalt  }
0x43: {  	_ =	shalt  }
0x44: {  	_ =	shalt  }
0x45: {  	_ =	shalt  }
0x46: {  	_ =	shalt  }
0x47: {  	_ =	shalt  }
0x48: {  	_ =	shalt  }
0x49: {  	_ =	shalt  }
0x4a: {  	_ =	shalt  }
0x4b: {  	_ =	shalt  }
0x4c: {  	_ =	shalt  }
0x4d: {  	_ =	shalt  }
0x4e: {  	_ =	shalt  }
0x4f: {  	_ =	shalt  }
0x50: {  	_ =	shalt  }
0x51: {  	_ =	shalt  }
0x52: {  	_ =	shalt  }
0x53: {  	_ =	shalt  }
0x54: {  	_ =	shalt  }
0x55: {  	_ =	shalt  }
0x56: {  	_ =	shalt  }
0x57: {  	_ =	shalt  }
0x58: {  	_ =	shalt  }
0x59: {  	_ =	shalt  }
0x5a: {  	_ =	shalt  }
0x5b: {  	_ =	shalt  }
0x5c: {  	_ =	shalt  }
0x5d: {  	_ =	shalt  }
0x5e: {  	_ =	shalt  }
0x5f: {  	_ =	shalt  }
0x60: {  	_ =	shalt  }
0x61: {  	_ =	shalt  }
0x62: {  	_ =	shalt  }
0x63: {  	_ =	shalt  }
0x64: {  	_ =	shalt  }
0x65: {  	_ =	shalt  }
0x66: {  	_ =	shalt  }
0x67: {  	_ =	shalt  }
0x68: {  	_ =	shalt  }
0x69: {  	_ =	shalt  }
0x6a: {  	_ =	shalt  }
0x6b: {  	_ =	shalt  }
0x6c: {  	_ =	shalt  }
0x6d: {  	_ =	shalt  }
0x6e: {  	_ =	shalt  }
0x6f: {  	_ =	shalt  }
0x70: {  	_ =	shalt  }
0x71: {  	_ =	shalt  }
0x72: {  	_ =	shalt  }
0x73: {  	_ =	shalt  }
0x74: {  	_ =	shalt  }
0x75: {  	_ =	shalt  }
0x76: {  	_ =	shalt  }
0x77: {  	_ =	shalt  }
0x78: {  	_ =	shalt  }
0x79: {  	_ =	shalt  }
0x7a: {  	_ =	shalt  }
0x7b: {  	_ =	shalt  }
0x7c: {  	_ =	shalt  }
0x7d: {  	_ =	shalt  }
0x7e: {  	_ =	shalt  }
0x7f: {  	_ =	shalt  }
0x80: {  	_ =	shalt  }
0x81: {  	_ =	shalt  }
0x82: {  	_ =	shalt  }
0x83: {  	_ =	shalt  }
0x84: {  	_ =	shalt  }
0x85: {  	_ =	shalt  }
0x86: {  	_ =	shalt  }
0x87: {  	_ =	shalt  }
.Lfunc_end0:
.L_simem_size_0:
called_computation.4_lowered:
.L_overlay_start_0:
0x88: {  	s2 =	sld [smem:$0x3FD9]  }
0x89: {  	s3 =	sld [smem:$0x3FFE];
	_ =	sdelay $0x1  }
0x8a: {  	s1 =	srdreg.scid  }
0x8b: {  	s0 =	sand.u32 $0x1, s1  }
0x8c: {  	s16 =	sshll.u32 s0, $0xA;
	s2 =	sadd.s32 s3, s2  }
0x8d: {  	s2 =	sadd.s32 s2, s16  }
0x8e: {  	[smem:$0x3F94] =	sst s2  }
0x8f: {  	_ = 	snop  }
0x90: {  	(tm) =	ssettm $0x1  }
0x91: {  	s17 =	sld [smem:$0x3FFB];
	_ =	sdelay $0x3  }
0x92: {  	_ =	strace s17  }
0x93: {  	s2 =	sld [smem:$0x3FFC];
	_ =	sdelay $0x3  }
0x94: {  	_ =	strace s2  }
0x95: {  	s2 =	sld [smem:$0x3FFD];
	_ =	sdelay $0x3  }
0x96: {  	_ =	strace s2  }
0x97: {  	_ =	strace $0x8FFFFFFF  }
0x98: {  	s18 =	sld [smem:$0x3FDB];
	_ =	sdelay $0x1  }
0x99: {  	s19 =	simm.s32 $_scs_section_size  }
0x9a: {  	s4 =	simm.s32 $_size__tile_overlayer_lowered;
	s5 =	simm.s32 $_tile_overlayer_lowered  }
0x9b: {  	s22 =	simm.s32 $0x1BFF;
	s21 =	sshll.u32 s5, $0x1;
	s2 =	sadd.s32 s19, s18  }
0x9c: {  	s6 =	simm.s32 $0x0;
	s20 =	sshll.u32 s4, $0x1;
	s4 =	sadd.s32 s21, s2  }
0x9d: {  	[timem:s6], [sflag:s22] =	dma.local [hbm:s4], s20  }
0x9e: {  	_ =	swait.ge [sflag:s22], s20  }
0x9f: {  	s3 =	ssub.s32 $0x0, s20;
	[sflag:s22] =	ssyncset.done $0x0  }
0xa0: {  	[sflag:s22] =	ssyncadd.s32 s3;
	_ =	sdelay $0x1  }
0xa1: {  	s23 =	simm.s32 $0x1B8B  }
0xa2: {  	_ =	swait.ge [sflag:s23], $0x1  }
0xa3: {  	[sflag:s23] =	ssyncset.done $0x0  }
0xa4: {  	s25 =	simm.s32 $0x1B8E;
	s24 =	sld [smem:$0x3FFE];
	[sflag:s23] =	ssyncadd.s32 $0xFFFFFFFF  }
0xa5: {  	s26 =	simm.s32 $execute0_lowered;
	[smem:$0x3FD2] =	sst s25  }
0xa6: {  	s4 =	sshll.u32 s26, $0x1;
	_ =	strace $0x80000052;
	[dreg:$0x1] =	wrdreg $0xFFFFFFFF  }
0xa7: {  	s28 =	simm.s32 $_size_execute0_lowered;
	s2 =	sadd.s32 s2, s4;
	[dreg:$0x0] =	wrdreg $0x0  }
0xa8: {  	s4 =	sshll.u32 s28, $0x1;
	[dreg:$0x2] =	wrdreg s2  }
0xa9: {  	[dreg:$0x3] =	wrdreg s4  }
0xaa: {  	[dreg:$0x4] =	wrdreg $0xC0  }
0xab: {  	_ =	task [dreg:s6], $0x5FFFF  }
0xac: {  	[dreg:$0x1] =	wrdreg $0xFFFFFFFF  }
0xad: {  	[dreg:$0x0] =	wrdreg $0x60  }
0xae: {  	[dreg:$0x2] =	wrdreg s24  }
0xaf: {  	[dreg:$0x3] =	wrdreg $0x5C000  }
0xb0: {  	[dreg:$0x4] =	wrdreg $0x9  }
0xb1: {  	_ =	task.clear_ibuf [dreg:s6], $0x5FFFF;
	_ =	strace $0x90000052  }
0xb2: {  	s29 =	simm.s32 $0x9;
	_ =	strace $0x80000054  }
0xb3: {  	_ =	swait.ge [sflag:s29], $0x1  }
0xb4: {  	[sflag:s29] =	ssyncadd.s32 $0xFFFFFFFF  }
0xb5: {  	_ =	strace $0x90000054  }
0xb6: {  	_ =	sfence  }
0xb7: {  	s30 =	sld [smem:$0x0];
	_ =	sdelay $0x2  }
0xb8: {  	s31 =	sshll.u32 s1, $0xD;
	s1 =	sshrl.u32 s1, $0x2  }
0xb9: {  	s3 =	sand.u32 $0x4000, s31;
	s1 =	sadd.s32 s1, s30  }
0xba: {  	s0 =	sor.u32 s3, s0;
	s1 =	sshll.u32 s1, $0x11  }
0xbb: {  	s0 =	sor.u32 s1, s0  }
0xbc: {  	s0 =	sadd.s32 $0x8F2B, s0  }
0xbd: {  	[sflag:s0] =	ssyncadd.remote.s32 $0x1  }
0xbe: {  	_ =	sfence.sel $0xFFFF  }
0xbf: {  	[dreg:$0x0] =	wrdreg $0xFFFFFFFF;
	(pc) =	sbr.abs _section_cstart, $3  }
0xc0: {  	[dreg:$0x1] =	wrdreg $0xFFFFFFFF  }
0xc1: {  	_ =	task.clear_ibuf [dreg:s6], $0x2FFFF;
	_ =	strace $0x9FFFFFFF  }
0xc2: {  	(tm) =	ssettm $0x7FFFFFFF  }
0xc3: {  	_ =	shalt  }
tec
execute0_lowered:
.L_overlay_start_1:
0x0: {  	(tag) =	ssettag $0x1  }
0x1: {  	s7 =	rddreg [dreg:$0x0]  }
0x2: {  	s2 =	rddreg [dreg:$0x1]  }
0x3: {  	s0 =	rddreg [dreg:$0x2];
	s1 =	stileid.u32  }
0x4: {  	s4 =	srdreg.scid;
	s3 =	simm.s32 $0x0;
	s15 =	simm.s32 $0x80  }
0x5: {  	s16 =	simm.s32 $0x1C00;
	s17 =	simm.s32 $0x2C00;
	s18 =	simm.s32 $0x3C00  }
0x6: {  	s19 =	simm.s32 $0x4C00;
	s20 =	simm.s32 $0x1;
	s21 =	simm.s32 $0x2  }
0x7: {  	s22 =	simm.s32 $0x3;
	s23 =	simm.s32 $0x4;
	s8 =	smul.u32 $0x18800, s1  }
0x8: {  	s9 =	sand.u32 $0x1, s4;
	[smem:$0x7FF] =	sst s3;
	s4 =	sadd.s32 $0xCFC00, s7  }
0x9: {  	s5 =	sadd.s32 $0x22A00, s7;
	s6 =	sadd.s32 $0xA200, s7;
	s13 =	sshll.u32 s1, $0x6  }
0xa: {  	s10 =	smul.u32 $0x188000, s9;
	_ =	strace $0x80000053;
	s12 =	ssub.s32 $0x2, s9  }
0xb: {  	s9 =	sshll.u32 s9, $0x4;
	s11 =	sshrl.u32 s8, $0x3;
	s31 =	sshrl.u32 s12, $0x1  }
0xc: {  	s9 =	sor.u32 s1, s9;
	s14 =	sadd.s32 s8, s2;
	s10 =	sadd.s32 s8, s10  }
0xd: {  	s11 =	sadd.s32 s11, s7;
	s12 =	ssub.s32 s12, s31;
	s8 =	sor.u32 $0x1C05, s13  }
0xe: {  	s9 =	smul.u32 $0x6200, s9;
	s13 =	simm.s32 $0x5;
	s10 =	sshrl.u32 s10, $0x3  }
0xf: {  	s10 =	sadd.s32 s10, s7;
	s7 =	sadd.s32 $0x9EC00, s11;
	s11 =	smax.u32 s12, $0x1  }
0x10: {  	s12 =	sshrl.u32 s14, $0x3;
	s14 =	simm.s32 $0xE00;
	s10 =	sadd.s32 $0x193C00, s10  }
.LBB2_1:
0x11: {  	[spmem:s12], [sflag:s8] =	dma.local [hbm:s7], $0x3100  }
0x12: {  	_ =	swait.ge [sflag:s13], $0x3100  }
0x13: {  	[sflag:s13] =	ssyncset.done $0x0  }
0x14: {  	[sflag:s13] =	ssyncadd.s32 $0xFFFFCF00  }
0x15: {  	s24 =	simm.s32 $0x0;
	[bflag:$0x0] =	sbarrier.arrive $0xFFFF  }
.LBB2_2:
0x16: {  	s25 =	smul.u32 $0xE00, s24;
	_ =	sdelay $0x1  }
0x17: {  	s25 =	sadd.s32 s9, s25  }
0x18: {  	s25 =	sshrl.u32 s25, $0x3  }
0x19: {  	s28 =	simm.s32 $0x0;
	s26 =	sadd.s32 s5, s25  }
0x1a: {  	[tilespmem:s28], [sflag:$0x5] =	stream.linear.gather [hbm4b:s26+s28], $0xE00, $0x38;
	[tilespmem:$0x1E400] =	vst v63  }
0x1b: {  	_ =	swait.ge [sflag:s13], $0xE00  }
0x1c: {  	[sflag:s13] =	ssyncset.done $0x0  }
0x1d: {  	s25 =	sadd.s32 s6, s25;
	[sflag:s13] =	ssyncadd.s32 $0xFFFFF200  }
0x1e: {  	[tilespmem:s14], [sflag:$0x5] =	stream.linear.gather [hbm4b:s25+s28], $0xE00, $0x38;
	[tilespmem:$0x1E400] =	vst v63  }
0x1f: {  	_ =	swait.ge [sflag:s13], $0xE00  }
0x20: {  	[sflag:s13] =	ssyncset.done $0x0  }
0x21: {  	s26 =	simm.s32 $0x0;
	[sflag:s13] =	ssyncadd.s32 $0xFFFFF200  }
0x22: {  	[tilespmem:s16], [sflag:$0x1] =	stream.indirect.gather [hbm4b:s4+s15], $0x20, s26, s15, $0xb8;
	[tilespmem:$0x1E400] =	vst v63  }
0x23: {  	s28 =	simm.s32 $0x80  }
0x24: {  	[tilespmem:s17], [sflag:$0x2] =	stream.indirect.gather [hbm4b:s4+s15], $0x20, s28, s15, $0xb8;
	[tilespmem:$0x1E400] =	vst v63  }
0x25: {  	s30 =	simm.s32 $0x100  }
0x26: {  	[tilespmem:s18], [sflag:$0x3] =	stream.indirect.gather [hbm4b:s4+s15], $0x20, s30, s15, $0xb8;
	[tilespmem:$0x1E400] =	vst v63  }
0x27: {  	s31 =	simm.s32 $0x180  }
0x28: {  	[tilespmem:s19], [sflag:$0x4] =	stream.indirect.gather [hbm4b:s4+s15], $0x20, s31, s15, $0xb8;
	[tilespmem:$0x1E400] =	vst v63  }
0x29: {  	_ =	swait.ge [sflag:s20], $0x1000  }
0x2a: {  	[sflag:s20] =	ssyncset.done $0x0  }
0x2b: {  	s26 =	simm.s32 $0xE00;
	[sflag:s20] =	ssyncadd.s32 $0xFFFFF000  }
0x2c: {  	[spmem:s2] =	stream.indirect.scatter.add.f32 [tilespmem:s16], [sflag:$0x5], $0x20, s26, s15, $0xb8;
	[tilespmem:$0x1E400] =	vst v63  }
0x2d: {  	_ =	swait.ge [sflag:s13], $0x1000  }
0x2e: {  	[sflag:s13] =	ssyncset.done $0x0  }
0x2f: {  	[sflag:s13] =	ssyncadd.s32 $0xFFFFF000  }
0x30: {  	_ =	swait.ge [sflag:s21], $0x1000  }
0x31: {  	[sflag:s21] =	ssyncset.done $0x0  }
0x32: {  	s28 =	simm.s32 $0xE80;
	[sflag:s21] =	ssyncadd.s32 $0xFFFFF000  }
0x33: {  	[spmem:s2] =	stream.indirect.scatter.add.f32 [tilespmem:s17], [sflag:$0x5], $0x20, s28, s15, $0xb8;
	[tilespmem:$0x1E400] =	vst v63  }
0x34: {  	_ =	swait.ge [sflag:s13], $0x1000  }
0x35: {  	[sflag:s13] =	ssyncset.done $0x0  }
0x36: {  	[sflag:s13] =	ssyncadd.s32 $0xFFFFF000  }
0x37: {  	_ =	swait.ge [sflag:s22], $0x1000  }
0x38: {  	[sflag:s22] =	ssyncset.done $0x0  }
0x39: {  	s30 =	simm.s32 $0xF00;
	[sflag:s22] =	ssyncadd.s32 $0xFFFFF000  }
0x3a: {  	[spmem:s2] =	stream.indirect.scatter.add.f32 [tilespmem:s18], [sflag:$0x5], $0x20, s30, s15, $0xb8;
	[tilespmem:$0x1E400] =	vst v63  }
0x3b: {  	_ =	swait.ge [sflag:s13], $0x1000  }
0x3c: {  	[sflag:s13] =	ssyncset.done $0x0  }
0x3d: {  	[sflag:s13] =	ssyncadd.s32 $0xFFFFF000  }
0x3e: {  	_ =	swait.ge [sflag:s23], $0x1000  }
0x3f: {  	[sflag:s23] =	ssyncset.done $0x0  }
0x40: {  	s31 =	simm.s32 $0xF80;
	[sflag:s23] =	ssyncadd.s32 $0xFFFFF000  }
0x41: {  	[spmem:s2] =	stream.indirect.scatter.add.f32 [tilespmem:s19], [sflag:$0x5], $0x20, s31, s15, $0xb8;
	[tilespmem:$0x1E400] =	vst v63  }
0x42: {  	_ =	swait.ge [sflag:s13], $0x1000  }
0x43: {  	s29 =	simm.s32 $0x1000;
	s25 =	simm.s32 $0x800;
	[sflag:s13] =	ssyncset.done $0x0  }
.LBB2_3:
0x44: {  	s28 =	sshra.s32 s25, $0x2  }
0x45: {  	[sflag:s13] =	ssyncadd.s32 $0xFFFFF000;
	s25 =	smov.u32 s29;
	s26 =	sadd.s32 $0x800, s29  }
0x46: {  	[tilespmem:s16], [sflag:$0x1] =	stream.indirect.gather [hbm4b:s4+s15], $0x20, s28, s15, $0xb8;
	[tilespmem:$0x1E400] =	vst v63  }
0x47: {  	p0 =	sne.s32 s29, $0x3000;
	s29 =	sadd.s32 $0x80, s28  }
0x48: {  	[tilespmem:s17], [sflag:$0x2] =	stream.indirect.gather [hbm4b:s4+s15], $0x20, s29, s15, $0xb8;
	[tilespmem:$0x1E400] =	vst v63  }
0x49: {  	s29 =	sadd.s32 $0x100, s28  }
0x4a: {  	[tilespmem:s18], [sflag:$0x3] =	stream.indirect.gather [hbm4b:s4+s15], $0x20, s29, s15, $0xb8;
	[tilespmem:$0x1E400] =	vst v63  }
0x4b: {  	s29 =	sadd.s32 $0x180, s28  }
0x4c: {  	[tilespmem:s19], [sflag:$0x4] =	stream.indirect.gather [hbm4b:s4+s15], $0x20, s29, s15, $0xb8;
	[tilespmem:$0x1E400] =	vst v63  }
0x4d: {  	_ =	swait.ge [sflag:s20], $0x1000  }
0x4e: {  	[sflag:s20] =	ssyncset.done $0x0  }
0x4f: {  	s29 =	sadd.s32 $0xE00, s28;
	[sflag:s20] =	ssyncadd.s32 $0xFFFFF000  }
0x50: {  	[spmem:s2] =	stream.indirect.scatter.add.f32 [tilespmem:s16], [sflag:$0x5], $0x20, s29, s15, $0xb8;
	[tilespmem:$0x1E400] =	vst v63  }
0x51: {  	_ =	swait.ge [sflag:s13], $0x1000  }
0x52: {  	[sflag:s13] =	ssyncset.done $0x0  }
0x53: {  	[sflag:s13] =	ssyncadd.s32 $0xFFFFF000  }
0x54: {  	_ =	swait.ge [sflag:s21], $0x1000  }
0x55: {  	[sflag:s21] =	ssyncset.done $0x0  }
0x56: {  	s29 =	sadd.s32 $0xE80, s28;
	[sflag:s21] =	ssyncadd.s32 $0xFFFFF000  }
0x57: {  	[spmem:s2] =	stream.indirect.scatter.add.f32 [tilespmem:s17], [sflag:$0x5], $0x20, s29, s15, $0xb8;
	[tilespmem:$0x1E400] =	vst v63  }
0x58: {  	_ =	swait.ge [sflag:s13], $0x1000  }
0x59: {  	[sflag:s13] =	ssyncset.done $0x0  }
0x5a: {  	[sflag:s13] =	ssyncadd.s32 $0xFFFFF000  }
0x5b: {  	_ =	swait.ge [sflag:s22], $0x1000  }
0x5c: {  	[sflag:s22] =	ssyncset.done $0x0  }
0x5d: {  	s29 =	sadd.s32 $0xF00, s28;
	[sflag:s22] =	ssyncadd.s32 $0xFFFFF000  }
0x5e: {  	[spmem:s2] =	stream.indirect.scatter.add.f32 [tilespmem:s18], [sflag:$0x5], $0x20, s29, s15, $0xb8;
	[tilespmem:$0x1E400] =	vst v63  }
0x5f: {  	_ =	swait.ge [sflag:s13], $0x1000  }
0x60: {  	[sflag:s13] =	ssyncset.done $0x0  }
0x61: {  	[sflag:s13] =	ssyncadd.s32 $0xFFFFF000  }
0x62: {  	_ =	swait.ge [sflag:s23], $0x1000  }
.Ltmp0:
0x63: {  	[sflag:s23] =	ssyncset.done $0x0;
	(pc) =	sbr.rel @p0 .LBB2_3-.Ltmp0, $4  }
0x64: {  	s28 =	sadd.s32 $0xF80, s28;
	[sflag:s23] =	ssyncadd.s32 $0xFFFFF000  }
0x65: {  	[spmem:s2] =	stream.indirect.scatter.add.f32 [tilespmem:s19], [sflag:$0x5], $0x20, s28, s15, $0xb8;
	[tilespmem:$0x1E400] =	vst v63  }
0x66: {  	_ =	swait.ge [sflag:s13], $0x1000  }
0x67: {  	s29 =	smov.u32 s26;
	[sflag:s13] =	ssyncset.done $0x0  }
0x68: {  	s25 =	sshra.s32 s25, $0x2;
	[sflag:s13] =	ssyncadd.s32 $0xFFFFF000  }
0x69: {  	[tilespmem:s16], [sflag:$0x1] =	stream.indirect.gather [hbm4b:s4+s15], $0x20, s25, s15, $0xb8;
	[tilespmem:$0x1E400] =	vst v63  }
0x6a: {  	s26 =	sadd.s32 $0x80, s25  }
0x6b: {  	[tilespmem:s17], [sflag:$0x2] =	stream.indirect.gather [hbm4b:s4+s15], $0x20, s26, s15, $0xb8;
	[tilespmem:$0x1E400] =	vst v63  }
0x6c: {  	s31 =	sadd.s32 $0x100, s25  }
0x6d: {  	[tilespmem:s18], [sflag:$0x3] =	stream.indirect.gather [hbm4b:s4+s15], $0x20, s31, s15, $0xb8;
	[tilespmem:$0x1E400] =	vst v63  }
0x6e: {  	s28 =	sadd.s32 $0x180, s25  }
0x6f: {  	[tilespmem:s19], [sflag:$0x4] =	stream.indirect.gather [hbm4b:s4+s15], $0x20, s28, s15, $0xb8;
	[tilespmem:$0x1E400] =	vst v63  }
0x70: {  	_ =	swait.ge [sflag:s20], $0x1000  }
0x71: {  	[sflag:s20] =	ssyncset.done $0x0  }
0x72: {  	s29 =	sadd.s32 $0xE00, s25;
	[sflag:s20] =	ssyncadd.s32 $0xFFFFF000  }
0x73: {  	[spmem:s2] =	stream.indirect.scatter.add.f32 [tilespmem:s16], [sflag:$0x5], $0x20, s29, s15, $0xb8;
	[tilespmem:$0x1E400] =	vst v63  }
0x74: {  	_ =	swait.ge [sflag:s13], $0x1000  }
0x75: {  	[sflag:s13] =	ssyncset.done $0x0  }
0x76: {  	[sflag:s13] =	ssyncadd.s32 $0xFFFFF000  }
0x77: {  	_ =	swait.ge [sflag:s21], $0x1000  }
0x78: {  	[sflag:s21] =	ssyncset.done $0x0  }
0x79: {  	s30 =	sadd.s32 $0xE80, s25;
	[sflag:s21] =	ssyncadd.s32 $0xFFFFF000  }
0x7a: {  	[spmem:s2] =	stream.indirect.scatter.add.f32 [tilespmem:s17], [sflag:$0x5], $0x20, s30, s15, $0xb8;
	[tilespmem:$0x1E400] =	vst v63  }
0x7b: {  	_ =	swait.ge [sflag:s13], $0x1000  }
0x7c: {  	[sflag:s13] =	ssyncset.done $0x0  }
0x7d: {  	[sflag:s13] =	ssyncadd.s32 $0xFFFFF000  }
0x7e: {  	_ =	swait.ge [sflag:s22], $0x1000  }
0x7f: {  	[sflag:s22] =	ssyncset.done $0x0  }
0x80: {  	s31 =	sadd.s32 $0xF00, s25;
	[sflag:s22] =	ssyncadd.s32 $0xFFFFF000  }
0x81: {  	[spmem:s2] =	stream.indirect.scatter.add.f32 [tilespmem:s18], [sflag:$0x5], $0x20, s31, s15, $0xb8;
	[tilespmem:$0x1E400] =	vst v63  }
0x82: {  	_ =	swait.ge [sflag:s13], $0x1000  }
0x83: {  	[sflag:s13] =	ssyncset.done $0x0  }
0x84: {  	[sflag:s13] =	ssyncadd.s32 $0xFFFFF000  }
0x85: {  	s24 =	sadd.s32 $0x1, s24;
	_ =	swait.ge [sflag:s23], $0x1000  }
0x86: {  	p0 =	sne.s32 s24, $0x7;
	[sflag:s23] =	ssyncset.done $0x0  }
.Ltmp1:
0x87: {  	s25 =	sadd.s32 $0xF80, s25;
	[sflag:s23] =	ssyncadd.s32 $0xFFFFF000;
	(pc) =	sbr.rel @p0 .LBB2_2-.Ltmp1, $4  }
0x88: {  	[spmem:s2] =	stream.indirect.scatter.add.f32 [tilespmem:s19], [sflag:$0x5], $0x20, s25, s15, $0xb8;
	[tilespmem:$0x1E400] =	vst v63  }
0x89: {  	_ =	swait.ge [sflag:s13], $0x1000  }
0x8a: {  	[sflag:s13] =	ssyncset.done $0x0  }
0x8b: {  	[sflag:s13] =	ssyncadd.s32 $0xFFFFF000  }
0x8c: {  	s3 =	sadd.s32 $0x1, s3  }
0x8d: {  	p0 =	sne.s32 s3, s11  }
.Ltmp2:
0x8e: {  	[bflag:$0x0] =	sbarrier.arrive $0xFFFF;
	(pc) =	sbr.rel @p0 .LBB2_1-.Ltmp2, $4  }
0x8f: {  	[hbm:s10], [sflag:s8] =	dma.local [spmem:s12], $0x3100  }
0x90: {  	_ =	swait.ge [sflag:s13], $0x3100  }
0x91: {  	[sflag:s13] =	ssyncset.done $0x0  }
0x92: {  	[sflag:s13] =	ssyncadd.s32 $0xFFFFCF00  }
0x93: {  	_ =	sfence.sel $0x180000  }
0x94: {  	[bflag:$0x0] =	sbarrier.arrive $0xFFFF  }
0x95: {  	p0 =	sne.s32 s1, $0x0;
	_ =	strace $0x90000053  }
0x96: {  	s0 =	sadd.s32 @!p0 $0x100000, s0;
	[bflag:$0x2] =	sbarrier.arrive $0xFFFF  }
0x97: {  	[sflag:s0] =	ssyncadd.tile.s32 @!p0 $0x1;
	_ =	shalt  }
.Lfunc_end2:
_tile_overlayer_lowered:
.L_overlay_start_2:
0x98: {  	(tag) =	ssettag $0x2  }
0x99: {  	s0 =	rddreg [dreg:$0x0];
	s2 =	stileid.u32  }
0x9a: {  	s1 =	rddreg [dreg:$0x1];
	p0 =	sne.s32 s2, $0x0  }
0x9b: {  	s3 =	rddreg [dreg:$0x2];
	[bflag:$0x3] =	sbarrier.arrive $0xFFFF;
	s2 =	simm.s32 @!p0 $0x1C05  }
0x9c: {  	[timem:s3], [sflag:s2] =	dma.local @!p0 [hbm:s0], s1  }
0x9d: {  	s0 =	simm.s32 @!p0 $0x5  }
0x9e: {  	_ =	swait.ge @!p0 [sflag:s0], s1  }
0x9f: {  	s1 =	ssub.s32 @!p0 $0x0, s1;
	[sflag:s0] =	ssyncset.done @!p0 $0x0  }
0xa0: {  	[sflag:s0] =	ssyncadd.s32 @!p0 s1  }
0xa1: {  	[bflag:$0x3] =	sbarrier.arrive $0xFFFF  }
0xa2: {  	_ =	shalt  }

// kernel: kernel.31.cloned.1.call-start
scs
__scs_entry_jumppad:
0x0: {  	(pc) =	sbr.rel $0x88, $3  }
0x1: {  	(tag) =	ssettag $0x0;
	lr =	simm.s32 $0x1  }
0x2: {  	[smem:$0x3F6D] =	sst lr;
	_ =	strace $0xD0000000  }
0x3: {  	_ = 	snop  }
0x4: {  	_ = 	snop  }
0x5: {  	_ = 	snop  }
0x6: {  	_ = 	snop  }
0x7: {  	_ = 	snop  }
__scs_overlays_trampoline_lowered:
0x8: {  	[smem:$0x3F7C] =	sst s0  }
0x9: {  	[smem:$0x3F7D] =	sst s1  }
0xa: {  	[smem:$0x3F7E] =	sst s2  }
0xb: {  	[smem:$0x3F7F] =	sst s3  }
0xc: {  	[smem:$0x3F80] =	sst s4  }
0xd: {  	[smem:$0x3F81] =	sst s5  }
0xe: {  	[smem:$0x3F82] =	sst s6  }
0xf: {  	[smem:$0x3F83] =	sst s7  }
0x10: {  	[smem:$0x3F84] =	sst s8  }
0x11: {  	[smem:$0x3F85] =	sst s9;
	s0 =	simm.s32 @!p0 $0x0  }
0x12: {  	s1 =	sld [smem:$0x3F6B];
	s0 =	simm.s32 @p0 $0x1  }
0x13: {  	[smem:$0x3F86] =	sst s0;
	s0 =	simm.s32 @!p1 $0x0  }
0x14: {  	s2 =	sld [smem:$0x3F6A];
	s0 =	simm.s32 @p1 $0x1  }
0x15: {  	[smem:$0x3F87] =	sst s0;
	s0 =	simm.s32 @!p2 $0x0  }
0x16: {  	s3 =	sld [smem:$0x3FDB];
	s0 =	simm.s32 @p2 $0x1  }
0x17: {  	s4 =	simm.s32 $0x1BF5;
	[smem:$0x3F89] =	sst s0  }
0x18: {  	s0 =	sld [smem:$0x3F6C];
	_ =	swait.ge [sflag:s4], $0x0  }
0x19: {  	s7 =	sld [smem:$0x3F6D]  }
0x1a: {  	s8 =	sadd.s32 $0xFFFFE003, lr  }
0x1b: {  	s9 =	sadd.s32 $0xFFFFFEF7, lr;
	s5 =	simm.s32 $0xFFFFFFFF;
	p2 =	slt.u32 s8, $0xFFFFF086  }
0x1c: {  	p1 =	slt.u32 s9, $0xF7A;
	s5 =	simm.s32 @!p2 $0x0  }
0x1d: {  	s5 =	simm.s32 @p1 $0x1;
	p0 =	seq.s32 s7, s2  }
0x1e: {  	s7 =	smul.u32 @!p0 $0xF7A, s2;
	p2 =	seq.s32 @!p0 s5, $0x0  }
0x1f: {  	s9 =	smul.u32 $0xF7A, s1;
	s8 =	simm.s32 @!p0 $0x1BF5;
	p2 =	por !p2, p0  }
0x20: {  	[sflag:s8] =	ssyncset.s32 @!p0 $0xFFFFF086;
	s6 =	sadd.s32 @!p0 s3, s7;
	s7 =	simm.s32 @!p0 $0x108  }
0x21: {  	s3 =	sadd.s32 s3, s9;
	s6 =	sadd.s32 @!p0 $0x88, s6;
	s7 =	simm.s32 @p2 $0x1082  }
0x22: {  	[simem:s7], [sflag:s8] =	dma.local @!p0 [hbm:s6], $0xF7A  }
0x23: {  	s9 =	sor.u32 $0xD0000000, s2;
	s6 =	simm.s32 $0x108;
	_ =	swait.ge @!p0 [sflag:s8], $0x0  }
0x24: {  	s3 =	sadd.s32 $0x88, s3;
	s6 =	simm.s32 @!p1 $0x1082;
	[sflag:s4] =	ssyncset.s32 $0xFFFFF086  }
0x25: {  	[simem:s6], [sflag:s4] =	dma.local [hbm:s3], $0xF7A  }
0x26: {  	[smem:$0x3F6D] =	sst s1;
	(tag) =	ssettag s2;
	_ =	strace s9  }
0x27: {  	s1 =	sld [smem:$0x3F7D]  }
0x28: {  	s2 =	sld [smem:$0x3F7E]  }
0x29: {  	s4 =	sld [smem:$0x3F80]  }
0x2a: {  	p0 =	seq.s32 s5, $0x0;
	s5 =	sld [smem:$0x3F81]  }
0x2b: {  	s6 =	sld [smem:$0x3F82]  }
0x2c: {  	s7 =	sld [smem:$0x3F83]  }
0x2d: {  	s3 =	simm.s32 $0x108;
	s8 =	sld [smem:$0x3F84]  }
0x2e: {  	s3 =	simm.s32 @!p0 $0x1082;
	s9 =	sld [smem:$0x3F85]  }
0x2f: {  	lr =	sadd.s32 s0, s3;
	s0 =	sld [smem:$0x3F7C]  }
0x30: {  	s3 =	sld [smem:$0x3F7F]  }
0x31: {  	[smem:$0x3F88] =	sst s10  }
0x32: {  	s10 =	sld [smem:$0x3F86];
	_ =	sdelay $0x3  }
0x33: {  	p0 =	seq.s32 s10, $0x1;
	s10 =	sld [smem:$0x3F88];
	_ =	sdelay $0x3  }
0x34: {  	[smem:$0x3F88] =	sst s10  }
0x35: {  	s10 =	sld [smem:$0x3F87];
	_ =	sdelay $0x3  }
0x36: {  	p1 =	seq.s32 s10, $0x1;
	s10 =	sld [smem:$0x3F88];
	_ =	sdelay $0x3  }
0x37: {  	[smem:$0x3F88] =	sst s10  }
0x38: {  	s10 =	sld [smem:$0x3F89]  }
0x39: {  	_ = 	snop;
	(pc) =	sbr.ind lr, $3  }
0x3a: {  	_ = 	snop  }
0x3b: {  	_ = 	snop  }
0x3c: {  	p2 =	seq.s32 s10, $0x1;
	s10 =	sld [smem:$0x3F88]  }
0x3d: {  	_ =	shalt  }
0x3e: {  	_ =	shalt  }
0x3f: {  	_ =	shalt  }
0x40: {  	_ =	shalt  }
0x41: {  	_ =	shalt  }
0x42: {  	_ =	shalt  }
0x43: {  	_ =	shalt  }
0x44: {  	_ =	shalt  }
0x45: {  	_ =	shalt  }
0x46: {  	_ =	shalt  }
0x47: {  	_ =	shalt  }
0x48: {  	_ =	shalt  }
0x49: {  	_ =	shalt  }
0x4a: {  	_ =	shalt  }
0x4b: {  	_ =	shalt  }
0x4c: {  	_ =	shalt  }
0x4d: {  	_ =	shalt  }
0x4e: {  	_ =	shalt  }
0x4f: {  	_ =	shalt  }
0x50: {  	_ =	shalt  }
0x51: {  	_ =	shalt  }
0x52: {  	_ =	shalt  }
0x53: {  	_ =	shalt  }
0x54: {  	_ =	shalt  }
0x55: {  	_ =	shalt  }
0x56: {  	_ =	shalt  }
0x57: {  	_ =	shalt  }
0x58: {  	_ =	shalt  }
0x59: {  	_ =	shalt  }
0x5a: {  	_ =	shalt  }
0x5b: {  	_ =	shalt  }
0x5c: {  	_ =	shalt  }
0x5d: {  	_ =	shalt  }
0x5e: {  	_ =	shalt  }
0x5f: {  	_ =	shalt  }
0x60: {  	_ =	shalt  }
0x61: {  	_ =	shalt  }
0x62: {  	_ =	shalt  }
0x63: {  	_ =	shalt  }
0x64: {  	_ =	shalt  }
0x65: {  	_ =	shalt  }
0x66: {  	_ =	shalt  }
0x67: {  	_ =	shalt  }
0x68: {  	_ =	shalt  }
0x69: {  	_ =	shalt  }
0x6a: {  	_ =	shalt  }
0x6b: {  	_ =	shalt  }
0x6c: {  	_ =	shalt  }
0x6d: {  	_ =	shalt  }
0x6e: {  	_ =	shalt  }
0x6f: {  	_ =	shalt  }
0x70: {  	_ =	shalt  }
0x71: {  	_ =	shalt  }
0x72: {  	_ =	shalt  }
0x73: {  	_ =	shalt  }
0x74: {  	_ =	shalt  }
0x75: {  	_ =	shalt  }
0x76: {  	_ =	shalt  }
0x77: {  	_ =	shalt  }
0x78: {  	_ =	shalt  }
0x79: {  	_ =	shalt  }
0x7a: {  	_ =	shalt  }
0x7b: {  	_ =	shalt  }
0x7c: {  	_ =	shalt  }
0x7d: {  	_ =	shalt  }
0x7e: {  	_ =	shalt  }
0x7f: {  	_ =	shalt  }
0x80: {  	_ =	shalt  }
0x81: {  	_ =	shalt  }
0x82: {  	_ =	shalt  }
0x83: {  	_ =	shalt  }
0x84: {  	_ =	shalt  }
0x85: {  	_ =	shalt  }
0x86: {  	_ =	shalt  }
0x87: {  	_ =	shalt  }
.Lfunc_end0:
.L_simem_size_0:
called_computation.5_lowered:
.L_overlay_start_0:
0x88: {  	s2 =	sld [smem:$0x3FD9]  }
0x89: {  	s3 =	sld [smem:$0x3FFE];
	_ =	sdelay $0x1  }
0x8a: {  	s1 =	srdreg.scid  }
0x8b: {  	s0 =	sand.u32 $0x1, s1  }
0x8c: {  	s16 =	sshll.u32 s0, $0xA;
	s2 =	sadd.s32 s3, s2  }
0x8d: {  	s2 =	sadd.s32 s2, s16  }
0x8e: {  	[smem:$0x3F94] =	sst s2  }
0x8f: {  	_ = 	snop  }
0x90: {  	(tm) =	ssettm $0x1  }
0x91: {  	s17 =	sld [smem:$0x3FFB];
	_ =	sdelay $0x3  }
0x92: {  	_ =	strace s17  }
0x93: {  	s2 =	sld [smem:$0x3FFC];
	_ =	sdelay $0x3  }
0x94: {  	_ =	strace s2  }
0x95: {  	s2 =	sld [smem:$0x3FFD];
	_ =	sdelay $0x3  }
0x96: {  	_ =	strace s2  }
0x97: {  	_ =	strace $0x8FFFFFFF  }
0x98: {  	s18 =	sld [smem:$0x3FDB];
	_ =	sdelay $0x1  }
0x99: {  	s19 =	simm.s32 $_scs_section_size  }
0x9a: {  	s4 =	simm.s32 $_size__tile_overlayer_lowered;
	s5 =	simm.s32 $_tile_overlayer_lowered  }
0x9b: {  	s22 =	simm.s32 $0x1BFF;
	s21 =	sshll.u32 s5, $0x1;
	s2 =	sadd.s32 s19, s18  }
0x9c: {  	s6 =	simm.s32 $0x0;
	s20 =	sshll.u32 s4, $0x1;
	s4 =	sadd.s32 s21, s2  }
0x9d: {  	[timem:s6], [sflag:s22] =	dma.local [hbm:s4], s20  }
0x9e: {  	_ =	swait.ge [sflag:s22], s20  }
0x9f: {  	s3 =	ssub.s32 $0x0, s20;
	[sflag:s22] =	ssyncset.done $0x0  }
0xa0: {  	[sflag:s22] =	ssyncadd.s32 s3;
	_ =	sdelay $0x1  }
0xa1: {  	s23 =	simm.s32 $0x1B8B  }
0xa2: {  	_ =	swait.ge [sflag:s23], $0x1  }
0xa3: {  	[sflag:s23] =	ssyncset.done $0x0  }
0xa4: {  	s25 =	simm.s32 $0x1B8E;
	s24 =	sld [smem:$0x3FFE];
	[sflag:s23] =	ssyncadd.s32 $0xFFFFFFFF  }
0xa5: {  	s26 =	simm.s32 $execute0_lowered;
	[smem:$0x3FD2] =	sst s25  }
0xa6: {  	s4 =	sshll.u32 s26, $0x1;
	_ =	strace $0x80000055;
	[dreg:$0x1] =	wrdreg $0xFFFFFFFF  }
0xa7: {  	s28 =	simm.s32 $_size_execute0_lowered;
	s2 =	sadd.s32 s2, s4;
	[dreg:$0x0] =	wrdreg $0x0  }
0xa8: {  	s4 =	sshll.u32 s28, $0x1;
	[dreg:$0x2] =	wrdreg s2  }
0xa9: {  	[dreg:$0x3] =	wrdreg s4  }
0xaa: {  	[dreg:$0x4] =	wrdreg $0xC0  }
0xab: {  	_ =	task [dreg:s6], $0x5FFFF  }
0xac: {  	[dreg:$0x1] =	wrdreg $0xFFFFFFFF  }
0xad: {  	[dreg:$0x0] =	wrdreg $0x60  }
0xae: {  	[dreg:$0x2] =	wrdreg s24  }
0xaf: {  	[dreg:$0x3] =	wrdreg $0x5C000  }
0xb0: {  	[dreg:$0x4] =	wrdreg $0x9  }
0xb1: {  	_ =	task.clear_ibuf [dreg:s6], $0x5FFFF;
	_ =	strace $0x90000055  }
0xb2: {  	s29 =	simm.s32 $0x9;
	_ =	strace $0x80000057  }
0xb3: {  	_ =	swait.ge [sflag:s29], $0x1  }
0xb4: {  	[sflag:s29] =	ssyncadd.s32 $0xFFFFFFFF  }
0xb5: {  	_ =	strace $0x90000057  }
0xb6: {  	_ =	sfence  }
0xb7: {  	s30 =	sld [smem:$0x0];
	_ =	sdelay $0x2  }
0xb8: {  	s31 =	sshll.u32 s1, $0xD;
	s1 =	sshrl.u32 s1, $0x2  }
0xb9: {  	s3 =	sand.u32 $0x4000, s31;
	s1 =	sadd.s32 s1, s30  }
0xba: {  	s0 =	sor.u32 s3, s0;
	s1 =	sshll.u32 s1, $0x11  }
0xbb: {  	s0 =	sor.u32 s1, s0  }
0xbc: {  	s0 =	sadd.s32 $0x8F2B, s0  }
0xbd: {  	[sflag:s0] =	ssyncadd.remote.s32 $0x1  }
0xbe: {  	_ =	sfence.sel $0xFFFF  }
0xbf: {  	[dreg:$0x0] =	wrdreg $0xFFFFFFFF;
	(pc) =	sbr.abs _section_cstart, $3  }
0xc0: {  	[dreg:$0x1] =	wrdreg $0xFFFFFFFF  }
0xc1: {  	_ =	task.clear_ibuf [dreg:s6], $0x2FFFF;
	_ =	strace $0x9FFFFFFF  }
0xc2: {  	(tm) =	ssettm $0x7FFFFFFF  }
0xc3: {  	_ =	shalt  }
tec
execute0_lowered:
.L_overlay_start_1:
0x0: {  	(tag) =	ssettag $0x1  }
0x1: {  	s7 =	rddreg [dreg:$0x0]  }
0x2: {  	s2 =	rddreg [dreg:$0x1]  }
0x3: {  	s0 =	rddreg [dreg:$0x2];
	s1 =	stileid.u32  }
0x4: {  	s4 =	srdreg.scid;
	s3 =	simm.s32 $0x0;
	s15 =	simm.s32 $0x80  }
0x5: {  	s16 =	simm.s32 $0x1C00;
	s17 =	simm.s32 $0x2C00;
	s18 =	simm.s32 $0x3C00  }
0x6: {  	s19 =	simm.s32 $0x4C00;
	s20 =	simm.s32 $0x1;
	s21 =	simm.s32 $0x2  }
0x7: {  	s22 =	simm.s32 $0x3;
	s23 =	simm.s32 $0x4;
	s8 =	smul.u32 $0x18800, s1  }
0x8: {  	s9 =	sand.u32 $0x1, s4;
	[smem:$0x7FF] =	sst s3;
	s4 =	sadd.s32 $0xCFC00, s7  }
0x9: {  	s5 =	sadd.s32 $0x22A00, s7;
	s6 =	sadd.s32 $0xA200, s7;
	s13 =	sshll.u32 s1, $0x6  }
0xa: {  	s10 =	smul.u32 $0x188000, s9;
	_ =	strace $0x80000056;
	s12 =	ssub.s32 $0x2, s9  }
0xb: {  	s9 =	sshll.u32 s9, $0x4;
	s11 =	sshrl.u32 s8, $0x3;
	s31 =	sshrl.u32 s12, $0x1  }
0xc: {  	s9 =	sor.u32 s1, s9;
	s14 =	sadd.s32 s8, s2;
	s10 =	sadd.s32 s8, s10  }
0xd: {  	s11 =	sadd.s32 s11, s7;
	s12 =	ssub.s32 s12, s31;
	s8 =	sor.u32 $0x1C05, s13  }
0xe: {  	s9 =	smul.u32 $0x6200, s9;
	s13 =	simm.s32 $0x5;
	s10 =	sshrl.u32 s10, $0x3  }
0xf: {  	s10 =	sadd.s32 s10, s7;
	s7 =	sadd.s32 $0x9EC00, s11;
	s11 =	smax.u32 s12, $0x1  }
0x10: {  	s12 =	sshrl.u32 s14, $0x3;
	s14 =	simm.s32 $0xE00;
	s10 =	sadd.s32 $0x193C00, s10  }
.LBB2_1:
0x11: {  	[spmem:s12], [sflag:s8] =	dma.local [hbm:s7], $0x3100  }
0x12: {  	_ =	swait.ge [sflag:s13], $0x3100  }
0x13: {  	[sflag:s13] =	ssyncset.done $0x0  }
0x14: {  	[sflag:s13] =	ssyncadd.s32 $0xFFFFCF00  }
0x15: {  	s24 =	simm.s32 $0x0;
	[bflag:$0x0] =	sbarrier.arrive $0xFFFF  }
.LBB2_2:
0x16: {  	s25 =	smul.u32 $0xE00, s24;
	_ =	sdelay $0x1  }
0x17: {  	s25 =	sadd.s32 s9, s25  }
0x18: {  	s25 =	sshrl.u32 s25, $0x3  }
0x19: {  	s28 =	simm.s32 $0x0;
	s26 =	sadd.s32 s5, s25  }
0x1a: {  	[tilespmem:s28], [sflag:$0x5] =	stream.linear.gather [hbm4b:s26+s28], $0xE00, $0x38;
	[tilespmem:$0x1E400] =	vst v63  }
0x1b: {  	_ =	swait.ge [sflag:s13], $0xE00  }
0x1c: {  	[sflag:s13] =	ssyncset.done $0x0  }
0x1d: {  	s25 =	sadd.s32 s6, s25;
	[sflag:s13] =	ssyncadd.s32 $0xFFFFF200  }
0x1e: {  	[tilespmem:s14], [sflag:$0x5] =	stream.linear.gather [hbm4b:s25+s28], $0xE00, $0x38;
	[tilespmem:$0x1E400] =	vst v63  }
0x1f: {  	_ =	swait.ge [sflag:s13], $0xE00  }
0x20: {  	[sflag:s13] =	ssyncset.done $0x0  }
0x21: {  	s26 =	simm.s32 $0x0;
	[sflag:s13] =	ssyncadd.s32 $0xFFFFF200  }
0x22: {  	[tilespmem:s16], [sflag:$0x1] =	stream.indirect.gather [hbm4b:s4+s15], $0x20, s26, s15, $0xb8;
	[tilespmem:$0x1E400] =	vst v63  }
0x23: {  	s28 =	simm.s32 $0x80  }
0x24: {  	[tilespmem:s17], [sflag:$0x2] =	stream.indirect.gather [hbm4b:s4+s15], $0x20, s28, s15, $0xb8;
	[tilespmem:$0x1E400] =	vst v63  }
0x25: {  	s30 =	simm.s32 $0x100  }
0x26: {  	[tilespmem:s18], [sflag:$0x3] =	stream.indirect.gather [hbm4b:s4+s15], $0x20, s30, s15, $0xb8;
	[tilespmem:$0x1E400] =	vst v63  }
0x27: {  	s31 =	simm.s32 $0x180  }
0x28: {  	[tilespmem:s19], [sflag:$0x4] =	stream.indirect.gather [hbm4b:s4+s15], $0x20, s31, s15, $0xb8;
	[tilespmem:$0x1E400] =	vst v63  }
0x29: {  	_ =	swait.ge [sflag:s20], $0x1000  }
0x2a: {  	[sflag:s20] =	ssyncset.done $0x0  }
0x2b: {  	s26 =	simm.s32 $0xE00;
	[sflag:s20] =	ssyncadd.s32 $0xFFFFF000  }
0x2c: {  	[spmem:s2] =	stream.indirect.scatter.add.f32 [tilespmem:s16], [sflag:$0x5], $0x20, s26, s15, $0xb8;
	[tilespmem:$0x1E400] =	vst v63  }
0x2d: {  	_ =	swait.ge [sflag:s13], $0x1000  }
0x2e: {  	[sflag:s13] =	ssyncset.done $0x0  }
0x2f: {  	[sflag:s13] =	ssyncadd.s32 $0xFFFFF000  }
0x30: {  	_ =	swait.ge [sflag:s21], $0x1000  }
0x31: {  	[sflag:s21] =	ssyncset.done $0x0  }
0x32: {  	s28 =	simm.s32 $0xE80;
	[sflag:s21] =	ssyncadd.s32 $0xFFFFF000  }
0x33: {  	[spmem:s2] =	stream.indirect.scatter.add.f32 [tilespmem:s17], [sflag:$0x5], $0x20, s28, s15, $0xb8;
	[tilespmem:$0x1E400] =	vst v63  }
0x34: {  	_ =	swait.ge [sflag:s13], $0x1000  }
0x35: {  	[sflag:s13] =	ssyncset.done $0x0  }
0x36: {  	[sflag:s13] =	ssyncadd.s32 $0xFFFFF000  }
0x37: {  	_ =	swait.ge [sflag:s22], $0x1000  }
0x38: {  	[sflag:s22] =	ssyncset.done $0x0  }
0x39: {  	s30 =	simm.s32 $0xF00;
	[sflag:s22] =	ssyncadd.s32 $0xFFFFF000  }
0x3a: {  	[spmem:s2] =	stream.indirect.scatter.add.f32 [tilespmem:s18], [sflag:$0x5], $0x20, s30, s15, $0xb8;
	[tilespmem:$0x1E400] =	vst v63  }
0x3b: {  	_ =	swait.ge [sflag:s13], $0x1000  }
0x3c: {  	[sflag:s13] =	ssyncset.done $0x0  }
0x3d: {  	[sflag:s13] =	ssyncadd.s32 $0xFFFFF000  }
0x3e: {  	_ =	swait.ge [sflag:s23], $0x1000  }
0x3f: {  	[sflag:s23] =	ssyncset.done $0x0  }
0x40: {  	s31 =	simm.s32 $0xF80;
	[sflag:s23] =	ssyncadd.s32 $0xFFFFF000  }
0x41: {  	[spmem:s2] =	stream.indirect.scatter.add.f32 [tilespmem:s19], [sflag:$0x5], $0x20, s31, s15, $0xb8;
	[tilespmem:$0x1E400] =	vst v63  }
0x42: {  	_ =	swait.ge [sflag:s13], $0x1000  }
0x43: {  	s29 =	simm.s32 $0x1000;
	s25 =	simm.s32 $0x800;
	[sflag:s13] =	ssyncset.done $0x0  }
.LBB2_3:
0x44: {  	s28 =	sshra.s32 s25, $0x2  }
0x45: {  	[sflag:s13] =	ssyncadd.s32 $0xFFFFF000;
	s25 =	smov.u32 s29;
	s26 =	sadd.s32 $0x800, s29  }
0x46: {  	[tilespmem:s16], [sflag:$0x1] =	stream.indirect.gather [hbm4b:s4+s15], $0x20, s28, s15, $0xb8;
	[tilespmem:$0x1E400] =	vst v63  }
0x47: {  	p0 =	sne.s32 s29, $0x3000;
	s29 =	sadd.s32 $0x80, s28  }
0x48: {  	[tilespmem:s17], [sflag:$0x2] =	stream.indirect.gather [hbm4b:s4+s15], $0x20, s29, s15, $0xb8;
	[tilespmem:$0x1E400] =	vst v63  }
0x49: {  	s29 =	sadd.s32 $0x100, s28  }
0x4a: {  	[tilespmem:s18], [sflag:$0x3] =	stream.indirect.gather [hbm4b:s4+s15], $0x20, s29, s15, $0xb8;
	[tilespmem:$0x1E400] =	vst v63  }
0x4b: {  	s29 =	sadd.s32 $0x180, s28  }
0x4c: {  	[tilespmem:s19], [sflag:$0x4] =	stream.indirect.gather [hbm4b:s4+s15], $0x20, s29, s15, $0xb8;
	[tilespmem:$0x1E400] =	vst v63  }
0x4d: {  	_ =	swait.ge [sflag:s20], $0x1000  }
0x4e: {  	[sflag:s20] =	ssyncset.done $0x0  }
0x4f: {  	s29 =	sadd.s32 $0xE00, s28;
	[sflag:s20] =	ssyncadd.s32 $0xFFFFF000  }
0x50: {  	[spmem:s2] =	stream.indirect.scatter.add.f32 [tilespmem:s16], [sflag:$0x5], $0x20, s29, s15, $0xb8;
	[tilespmem:$0x1E400] =	vst v63  }
0x51: {  	_ =	swait.ge [sflag:s13], $0x1000  }
0x52: {  	[sflag:s13] =	ssyncset.done $0x0  }
0x53: {  	[sflag:s13] =	ssyncadd.s32 $0xFFFFF000  }
0x54: {  	_ =	swait.ge [sflag:s21], $0x1000  }
0x55: {  	[sflag:s21] =	ssyncset.done $0x0  }
0x56: {  	s29 =	sadd.s32 $0xE80, s28;
	[sflag:s21] =	ssyncadd.s32 $0xFFFFF000  }
0x57: {  	[spmem:s2] =	stream.indirect.scatter.add.f32 [tilespmem:s17], [sflag:$0x5], $0x20, s29, s15, $0xb8;
	[tilespmem:$0x1E400] =	vst v63  }
0x58: {  	_ =	swait.ge [sflag:s13], $0x1000  }
0x59: {  	[sflag:s13] =	ssyncset.done $0x0  }
0x5a: {  	[sflag:s13] =	ssyncadd.s32 $0xFFFFF000  }
0x5b: {  	_ =	swait.ge [sflag:s22], $0x1000  }
0x5c: {  	[sflag:s22] =	ssyncset.done $0x0  }
0x5d: {  	s29 =	sadd.s32 $0xF00, s28;
	[sflag:s22] =	ssyncadd.s32 $0xFFFFF000  }
0x5e: {  	[spmem:s2] =	stream.indirect.scatter.add.f32 [tilespmem:s18], [sflag:$0x5], $0x20, s29, s15, $0xb8;
	[tilespmem:$0x1E400] =	vst v63  }
0x5f: {  	_ =	swait.ge [sflag:s13], $0x1000  }
0x60: {  	[sflag:s13] =	ssyncset.done $0x0  }
0x61: {  	[sflag:s13] =	ssyncadd.s32 $0xFFFFF000  }
0x62: {  	_ =	swait.ge [sflag:s23], $0x1000  }
.Ltmp0:
0x63: {  	[sflag:s23] =	ssyncset.done $0x0;
	(pc) =	sbr.rel @p0 .LBB2_3-.Ltmp0, $4  }
0x64: {  	s28 =	sadd.s32 $0xF80, s28;
	[sflag:s23] =	ssyncadd.s32 $0xFFFFF000  }
0x65: {  	[spmem:s2] =	stream.indirect.scatter.add.f32 [tilespmem:s19], [sflag:$0x5], $0x20, s28, s15, $0xb8;
	[tilespmem:$0x1E400] =	vst v63  }
0x66: {  	_ =	swait.ge [sflag:s13], $0x1000  }
0x67: {  	s29 =	smov.u32 s26;
	[sflag:s13] =	ssyncset.done $0x0  }
0x68: {  	s25 =	sshra.s32 s25, $0x2;
	[sflag:s13] =	ssyncadd.s32 $0xFFFFF000  }
0x69: {  	[tilespmem:s16], [sflag:$0x1] =	stream.indirect.gather [hbm4b:s4+s15], $0x20, s25, s15, $0xb8;
	[tilespmem:$0x1E400] =	vst v63  }
0x6a: {  	s26 =	sadd.s32 $0x80, s25  }
0x6b: {  	[tilespmem:s17], [sflag:$0x2] =	stream.indirect.gather [hbm4b:s4+s15], $0x20, s26, s15, $0xb8;
	[tilespmem:$0x1E400] =	vst v63  }
0x6c: {  	s31 =	sadd.s32 $0x100, s25  }
0x6d: {  	[tilespmem:s18], [sflag:$0x3] =	stream.indirect.gather [hbm4b:s4+s15], $0x20, s31, s15, $0xb8;
	[tilespmem:$0x1E400] =	vst v63  }
0x6e: {  	s28 =	sadd.s32 $0x180, s25  }
0x6f: {  	[tilespmem:s19], [sflag:$0x4] =	stream.indirect.gather [hbm4b:s4+s15], $0x20, s28, s15, $0xb8;
	[tilespmem:$0x1E400] =	vst v63  }
0x70: {  	_ =	swait.ge [sflag:s20], $0x1000  }
0x71: {  	[sflag:s20] =	ssyncset.done $0x0  }
0x72: {  	s29 =	sadd.s32 $0xE00, s25;
	[sflag:s20] =	ssyncadd.s32 $0xFFFFF000  }
0x73: {  	[spmem:s2] =	stream.indirect.scatter.add.f32 [tilespmem:s16], [sflag:$0x5], $0x20, s29, s15, $0xb8;
	[tilespmem:$0x1E400] =	vst v63  }
0x74: {  	_ =	swait.ge [sflag:s13], $0x1000  }
0x75: {  	[sflag:s13] =	ssyncset.done $0x0  }
0x76: {  	[sflag:s13] =	ssyncadd.s32 $0xFFFFF000  }
0x77: {  	_ =	swait.ge [sflag:s21], $0x1000  }
0x78: {  	[sflag:s21] =	ssyncset.done $0x0  }
0x79: {  	s30 =	sadd.s32 $0xE80, s25;
	[sflag:s21] =	ssyncadd.s32 $0xFFFFF000  }
0x7a: {  	[spmem:s2] =	stream.indirect.scatter.add.f32 [tilespmem:s17], [sflag:$0x5], $0x20, s30, s15, $0xb8;
	[tilespmem:$0x1E400] =	vst v63  }
0x7b: {  	_ =	swait.ge [sflag:s13], $0x1000  }
0x7c: {  	[sflag:s13] =	ssyncset.done $0x0  }
0x7d: {  	[sflag:s13] =	ssyncadd.s32 $0xFFFFF000  }
0x7e: {  	_ =	swait.ge [sflag:s22], $0x1000  }
0x7f: {  	[sflag:s22] =	ssyncset.done $0x0  }
0x80: {  	s31 =	sadd.s32 $0xF00, s25;
	[sflag:s22] =	ssyncadd.s32 $0xFFFFF000  }
0x81: {  	[spmem:s2] =	stream.indirect.scatter.add.f32 [tilespmem:s18], [sflag:$0x5], $0x20, s31, s15, $0xb8;
	[tilespmem:$0x1E400] =	vst v63  }
0x82: {  	_ =	swait.ge [sflag:s13], $0x1000  }
0x83: {  	[sflag:s13] =	ssyncset.done $0x0  }
0x84: {  	[sflag:s13] =	ssyncadd.s32 $0xFFFFF000  }
0x85: {  	s24 =	sadd.s32 $0x1, s24;
	_ =	swait.ge [sflag:s23], $0x1000  }
0x86: {  	p0 =	sne.s32 s24, $0x7;
	[sflag:s23] =	ssyncset.done $0x0  }
.Ltmp1:
0x87: {  	s25 =	sadd.s32 $0xF80, s25;
	[sflag:s23] =	ssyncadd.s32 $0xFFFFF000;
	(pc) =	sbr.rel @p0 .LBB2_2-.Ltmp1, $4  }
0x88: {  	[spmem:s2] =	stream.indirect.scatter.add.f32 [tilespmem:s19], [sflag:$0x5], $0x20, s25, s15, $0xb8;
	[tilespmem:$0x1E400] =	vst v63  }
0x89: {  	_ =	swait.ge [sflag:s13], $0x1000  }
0x8a: {  	[sflag:s13] =	ssyncset.done $0x0  }
0x8b: {  	[sflag:s13] =	ssyncadd.s32 $0xFFFFF000  }
0x8c: {  	s3 =	sadd.s32 $0x1, s3  }
0x8d: {  	p0 =	sne.s32 s3, s11  }
.Ltmp2:
0x8e: {  	[bflag:$0x0] =	sbarrier.arrive $0xFFFF;
	(pc) =	sbr.rel @p0 .LBB2_1-.Ltmp2, $4  }
0x8f: {  	[hbm:s10], [sflag:s8] =	dma.local [spmem:s12], $0x3100  }
0x90: {  	_ =	swait.ge [sflag:s13], $0x3100  }
0x91: {  	[sflag:s13] =	ssyncset.done $0x0  }
0x92: {  	[sflag:s13] =	ssyncadd.s32 $0xFFFFCF00  }
0x93: {  	_ =	sfence.sel $0x180000  }
0x94: {  	[bflag:$0x0] =	sbarrier.arrive $0xFFFF  }
0x95: {  	p0 =	sne.s32 s1, $0x0;
	_ =	strace $0x90000056  }
0x96: {  	s0 =	sadd.s32 @!p0 $0x100000, s0;
	[bflag:$0x2] =	sbarrier.arrive $0xFFFF  }
0x97: {  	[sflag:s0] =	ssyncadd.tile.s32 @!p0 $0x1;
	_ =	shalt  }
.Lfunc_end2:
_tile_overlayer_lowered:
.L_overlay_start_2:
0x98: {  	(tag) =	ssettag $0x2  }
0x99: {  	s0 =	rddreg [dreg:$0x0];
	s2 =	stileid.u32  }
0x9a: {  	s1 =	rddreg [dreg:$0x1];
	p0 =	sne.s32 s2, $0x0  }
0x9b: {  	s3 =	rddreg [dreg:$0x2];
	[bflag:$0x3] =	sbarrier.arrive $0xFFFF;
	s2 =	simm.s32 @!p0 $0x1C05  }
0x9c: {  	[timem:s3], [sflag:s2] =	dma.local @!p0 [hbm:s0], s1  }
0x9d: {  	s0 =	simm.s32 @!p0 $0x5  }
0x9e: {  	_ =	swait.ge @!p0 [sflag:s0], s1  }
0x9f: {  	s1 =	ssub.s32 @!p0 $0x0, s1;
	[sflag:s0] =	ssyncset.done @!p0 $0x0  }
0xa0: {  	[sflag:s0] =	ssyncadd.s32 @!p0 s1  }
0xa1: {  	[bflag:$0x3] =	sbarrier.arrive $0xFFFF  }
0xa2: {  	_ =	shalt  }

// kernel: kernel.34.cloned.1.call-start
scs
__scs_entry_jumppad:
0x0: {  	(pc) =	sbr.rel $0x88, $3  }
0x1: {  	(tag) =	ssettag $0x0;
	lr =	simm.s32 $0x1  }
0x2: {  	[smem:$0x3F6D] =	sst lr;
	_ =	strace $0xD0000000  }
0x3: {  	_ = 	snop  }
0x4: {  	_ = 	snop  }
0x5: {  	_ = 	snop  }
0x6: {  	_ = 	snop  }
0x7: {  	_ = 	snop  }
__scs_overlays_trampoline_lowered:
0x8: {  	[smem:$0x3F7C] =	sst s0  }
0x9: {  	[smem:$0x3F7D] =	sst s1  }
0xa: {  	[smem:$0x3F7E] =	sst s2  }
0xb: {  	[smem:$0x3F7F] =	sst s3  }
0xc: {  	[smem:$0x3F80] =	sst s4  }
0xd: {  	[smem:$0x3F81] =	sst s5  }
0xe: {  	[smem:$0x3F82] =	sst s6  }
0xf: {  	[smem:$0x3F83] =	sst s7  }
0x10: {  	[smem:$0x3F84] =	sst s8  }
0x11: {  	[smem:$0x3F85] =	sst s9;
	s0 =	simm.s32 @!p0 $0x0  }
0x12: {  	s1 =	sld [smem:$0x3F6B];
	s0 =	simm.s32 @p0 $0x1  }
0x13: {  	[smem:$0x3F86] =	sst s0;
	s0 =	simm.s32 @!p1 $0x0  }
0x14: {  	s2 =	sld [smem:$0x3F6A];
	s0 =	simm.s32 @p1 $0x1  }
0x15: {  	[smem:$0x3F87] =	sst s0;
	s0 =	simm.s32 @!p2 $0x0  }
0x16: {  	s3 =	sld [smem:$0x3FDB];
	s0 =	simm.s32 @p2 $0x1  }
0x17: {  	s4 =	simm.s32 $0x1BF5;
	[smem:$0x3F89] =	sst s0  }
0x18: {  	s0 =	sld [smem:$0x3F6C];
	_ =	swait.ge [sflag:s4], $0x0  }
0x19: {  	s7 =	sld [smem:$0x3F6D]  }
0x1a: {  	s8 =	sadd.s32 $0xFFFFE003, lr  }
0x1b: {  	s9 =	sadd.s32 $0xFFFFFEF7, lr;
	s5 =	simm.s32 $0xFFFFFFFF;
	p2 =	slt.u32 s8, $0xFFFFF086  }
0x1c: {  	p1 =	slt.u32 s9, $0xF7A;
	s5 =	simm.s32 @!p2 $0x0  }
0x1d: {  	s5 =	simm.s32 @p1 $0x1;
	p0 =	seq.s32 s7, s2  }
0x1e: {  	s7 =	smul.u32 @!p0 $0xF7A, s2;
	p2 =	seq.s32 @!p0 s5, $0x0  }
0x1f: {  	s9 =	smul.u32 $0xF7A, s1;
	s8 =	simm.s32 @!p0 $0x1BF5;
	p2 =	por !p2, p0  }
0x20: {  	[sflag:s8] =	ssyncset.s32 @!p0 $0xFFFFF086;
	s6 =	sadd.s32 @!p0 s3, s7;
	s7 =	simm.s32 @!p0 $0x108  }
0x21: {  	s3 =	sadd.s32 s3, s9;
	s6 =	sadd.s32 @!p0 $0x88, s6;
	s7 =	simm.s32 @p2 $0x1082  }
0x22: {  	[simem:s7], [sflag:s8] =	dma.local @!p0 [hbm:s6], $0xF7A  }
0x23: {  	s9 =	sor.u32 $0xD0000000, s2;
	s6 =	simm.s32 $0x108;
	_ =	swait.ge @!p0 [sflag:s8], $0x0  }
0x24: {  	s3 =	sadd.s32 $0x88, s3;
	s6 =	simm.s32 @!p1 $0x1082;
	[sflag:s4] =	ssyncset.s32 $0xFFFFF086  }
0x25: {  	[simem:s6], [sflag:s4] =	dma.local [hbm:s3], $0xF7A  }
0x26: {  	[smem:$0x3F6D] =	sst s1;
	(tag) =	ssettag s2;
	_ =	strace s9  }
0x27: {  	s1 =	sld [smem:$0x3F7D]  }
0x28: {  	s2 =	sld [smem:$0x3F7E]  }
0x29: {  	s4 =	sld [smem:$0x3F80]  }
0x2a: {  	p0 =	seq.s32 s5, $0x0;
	s5 =	sld [smem:$0x3F81]  }
0x2b: {  	s6 =	sld [smem:$0x3F82]  }
0x2c: {  	s7 =	sld [smem:$0x3F83]  }
0x2d: {  	s3 =	simm.s32 $0x108;
	s8 =	sld [smem:$0x3F84]  }
0x2e: {  	s3 =	simm.s32 @!p0 $0x1082;
	s9 =	sld [smem:$0x3F85]  }
0x2f: {  	lr =	sadd.s32 s0, s3;
	s0 =	sld [smem:$0x3F7C]  }
0x30: {  	s3 =	sld [smem:$0x3F7F]  }
0x31: {  	[smem:$0x3F88] =	sst s10  }
0x32: {  	s10 =	sld [smem:$0x3F86];
	_ =	sdelay $0x3  }
0x33: {  	p0 =	seq.s32 s10, $0x1;
	s10 =	sld [smem:$0x3F88];
	_ =	sdelay $0x3  }
0x34: {  	[smem:$0x3F88] =	sst s10  }
0x35: {  	s10 =	sld [smem:$0x3F87];
	_ =	sdelay $0x3  }
0x36: {  	p1 =	seq.s32 s10, $0x1;
	s10 =	sld [smem:$0x3F88];
	_ =	sdelay $0x3  }
0x37: {  	[smem:$0x3F88] =	sst s10  }
0x38: {  	s10 =	sld [smem:$0x3F89]  }
0x39: {  	_ = 	snop;
	(pc) =	sbr.ind lr, $3  }
0x3a: {  	_ = 	snop  }
0x3b: {  	_ = 	snop  }
0x3c: {  	p2 =	seq.s32 s10, $0x1;
	s10 =	sld [smem:$0x3F88]  }
0x3d: {  	_ =	shalt  }
0x3e: {  	_ =	shalt  }
0x3f: {  	_ =	shalt  }
0x40: {  	_ =	shalt  }
0x41: {  	_ =	shalt  }
0x42: {  	_ =	shalt  }
0x43: {  	_ =	shalt  }
0x44: {  	_ =	shalt  }
0x45: {  	_ =	shalt  }
0x46: {  	_ =	shalt  }
0x47: {  	_ =	shalt  }
0x48: {  	_ =	shalt  }
0x49: {  	_ =	shalt  }
0x4a: {  	_ =	shalt  }
0x4b: {  	_ =	shalt  }
0x4c: {  	_ =	shalt  }
0x4d: {  	_ =	shalt  }
0x4e: {  	_ =	shalt  }
0x4f: {  	_ =	shalt  }
0x50: {  	_ =	shalt  }
0x51: {  	_ =	shalt  }
0x52: {  	_ =	shalt  }
0x53: {  	_ =	shalt  }
0x54: {  	_ =	shalt  }
0x55: {  	_ =	shalt  }
0x56: {  	_ =	shalt  }
0x57: {  	_ =	shalt  }
0x58: {  	_ =	shalt  }
0x59: {  	_ =	shalt  }
0x5a: {  	_ =	shalt  }
0x5b: {  	_ =	shalt  }
0x5c: {  	_ =	shalt  }
0x5d: {  	_ =	shalt  }
0x5e: {  	_ =	shalt  }
0x5f: {  	_ =	shalt  }
0x60: {  	_ =	shalt  }
0x61: {  	_ =	shalt  }
0x62: {  	_ =	shalt  }
0x63: {  	_ =	shalt  }
0x64: {  	_ =	shalt  }
0x65: {  	_ =	shalt  }
0x66: {  	_ =	shalt  }
0x67: {  	_ =	shalt  }
0x68: {  	_ =	shalt  }
0x69: {  	_ =	shalt  }
0x6a: {  	_ =	shalt  }
0x6b: {  	_ =	shalt  }
0x6c: {  	_ =	shalt  }
0x6d: {  	_ =	shalt  }
0x6e: {  	_ =	shalt  }
0x6f: {  	_ =	shalt  }
0x70: {  	_ =	shalt  }
0x71: {  	_ =	shalt  }
0x72: {  	_ =	shalt  }
0x73: {  	_ =	shalt  }
0x74: {  	_ =	shalt  }
0x75: {  	_ =	shalt  }
0x76: {  	_ =	shalt  }
0x77: {  	_ =	shalt  }
0x78: {  	_ =	shalt  }
0x79: {  	_ =	shalt  }
0x7a: {  	_ =	shalt  }
0x7b: {  	_ =	shalt  }
0x7c: {  	_ =	shalt  }
0x7d: {  	_ =	shalt  }
0x7e: {  	_ =	shalt  }
0x7f: {  	_ =	shalt  }
0x80: {  	_ =	shalt  }
0x81: {  	_ =	shalt  }
0x82: {  	_ =	shalt  }
0x83: {  	_ =	shalt  }
0x84: {  	_ =	shalt  }
0x85: {  	_ =	shalt  }
0x86: {  	_ =	shalt  }
0x87: {  	_ =	shalt  }
.Lfunc_end0:
.L_simem_size_0:
called_computation.6_lowered:
.L_overlay_start_0:
0x88: {  	s2 =	sld [smem:$0x3FD9]  }
0x89: {  	s3 =	sld [smem:$0x3FFE];
	_ =	sdelay $0x1  }
0x8a: {  	s1 =	srdreg.scid  }
0x8b: {  	s0 =	sand.u32 $0x1, s1  }
0x8c: {  	s17 =	sshll.u32 s0, $0xA;
	s2 =	sadd.s32 s3, s2  }
0x8d: {  	s2 =	sadd.s32 s2, s17  }
0x8e: {  	[smem:$0x3F94] =	sst s2  }
0x8f: {  	_ = 	snop  }
0x90: {  	s2 =	sld [smem:$0x3FD0];
	(tm) =	ssettm $0x1  }
0x91: {  	s18 =	sld [smem:$0x3FFB];
	_ =	sdelay $0x3  }
0x92: {  	_ =	strace s18  }
0x93: {  	s3 =	sld [smem:$0x3FFC];
	_ =	sdelay $0x3  }
0x94: {  	_ =	strace s3  }
0x95: {  	s3 =	sld [smem:$0x3FFD];
	_ =	sdelay $0x3  }
0x96: {  	_ =	strace s3  }
0x97: {  	_ =	strace $0x8FFFFFFF  }
0x98: {  	s19 =	sld [smem:$0x3FDB];
	_ =	sdelay $0x1  }
0x99: {  	s4 =	simm.s32 $_scs_section_size  }
0x9a: {  	s5 =	simm.s32 $_size__tile_overlayer_lowered;
	s6 =	simm.s32 $_tile_overlayer_lowered  }
0x9b: {  	s22 =	simm.s32 $0x1BFF;
	s21 =	sshll.u32 s6, $0x1;
	s3 =	sadd.s32 s4, s19  }
0x9c: {  	s7 =	simm.s32 $0x0;
	s20 =	sshll.u32 s5, $0x1;
	s5 =	sadd.s32 s21, s3  }
0x9d: {  	[timem:s7], [sflag:s22] =	dma.local [hbm:s5], s20  }
0x9e: {  	_ =	swait.ge [sflag:s22], s20  }
0x9f: {  	s4 =	ssub.s32 $0x0, s20;
	[sflag:s22] =	ssyncset.done $0x0  }
0xa0: {  	[sflag:s22] =	ssyncadd.s32 s4;
	_ =	sdelay $0x1  }
0xa1: {  	s23 =	simm.s32 $0x1B8B  }
0xa2: {  	_ =	swait.ge [sflag:s23], $0x1  }
0xa3: {  	[sflag:s23] =	ssyncset.done $0x0  }
0xa4: {  	s25 =	simm.s32 $0x1B8E;
	s24 =	sld [smem:$0x3FFE];
	[sflag:s23] =	ssyncadd.s32 $0xFFFFFFFF  }
0xa5: {  	s26 =	simm.s32 $execute0_lowered;
	[smem:$0x3FD2] =	sst s25  }
0xa6: {  	s5 =	sshll.u32 s26, $0x1;
	_ =	strace $0x80000058;
	[dreg:$0x1] =	wrdreg $0xFFFFFFFF  }
0xa7: {  	s28 =	simm.s32 $_size_execute0_lowered;
	s3 =	sadd.s32 s3, s5;
	[dreg:$0x0] =	wrdreg $0x0  }
0xa8: {  	s5 =	sshll.u32 s28, $0x1;
	[dreg:$0x2] =	wrdreg s3  }
0xa9: {  	[dreg:$0x3] =	wrdreg s5  }
0xaa: {  	[dreg:$0x4] =	wrdreg $0xC0  }
0xab: {  	_ =	task [dreg:s7], $0x5FFFF  }
0xac: {  	[dreg:$0x1] =	wrdreg $0xFFFFFFFF  }
0xad: {  	[dreg:$0x0] =	wrdreg $0x60  }
0xae: {  	[dreg:$0x2] =	wrdreg s24  }
0xaf: {  	[dreg:$0x3] =	wrdreg s2  }
0xb0: {  	[dreg:$0x4] =	wrdreg $0x9  }
0xb1: {  	_ =	task.clear_ibuf [dreg:s7], $0x5FFFF;
	_ =	strace $0x90000058  }
0xb2: {  	s29 =	simm.s32 $0x9;
	_ =	strace $0x8000005A  }
0xb3: {  	_ =	swait.ge [sflag:s29], $0x1  }
0xb4: {  	[sflag:s29] =	ssyncadd.s32 $0xFFFFFFFF  }
0xb5: {  	_ =	strace $0x9000005A  }
0xb6: {  	_ =	sfence  }
0xb7: {  	s30 =	sld [smem:$0x0];
	_ =	sdelay $0x2  }
0xb8: {  	s31 =	sshll.u32 s1, $0xD;
	s1 =	sshrl.u32 s1, $0x2  }
0xb9: {  	s3 =	sand.u32 $0x4000, s31;
	s1 =	sadd.s32 s1, s30  }
0xba: {  	s0 =	sor.u32 s3, s0;
	s1 =	sshll.u32 s1, $0x11  }
0xbb: {  	s0 =	sor.u32 s1, s0  }
0xbc: {  	s0 =	sadd.s32 $0x8F2B, s0  }
0xbd: {  	[sflag:s0] =	ssyncadd.remote.s32 $0x1  }
0xbe: {  	_ =	sfence.sel $0xFFFF  }
0xbf: {  	[dreg:$0x0] =	wrdreg $0xFFFFFFFF;
	(pc) =	sbr.abs _section_cstart, $3  }
0xc0: {  	[dreg:$0x1] =	wrdreg $0xFFFFFFFF  }
0xc1: {  	_ =	task.clear_ibuf [dreg:s7], $0x2FFFF;
	_ =	strace $0x9FFFFFFF  }
0xc2: {  	(tm) =	ssettm $0x7FFFFFFF  }
0xc3: {  	_ =	shalt  }
tec
execute0_lowered:
.L_overlay_start_1:
0x0: {  	(tag) =	ssettag $0x1  }
0x1: {  	s0 =	srdreg.scid  }
0x2: {  	s25 =	sand.u32 $0x1, s0  }
0x3: {  	s9 =	rddreg [dreg:$0x0];
	s0 =	stileid.u32;
	s1 =	sshll.u32 s25, $0x4  }
0x4: {  	s3 =	rddreg [dreg:$0x1];
	s2 =	simm.s32 $0x0;
	s6 =	sor.u32 s0, s1  }
0x5: {  	[smem:$0x7FF] =	sst s2;
	s4 =	smul.u32 $0x78, s6  }
0x6: {  	s1 =	rddreg [dreg:$0x2]  }
0x7: {  	_ =	strace $0x80000059;
	s4 =	sadd.s32 s3, s4;
	s3 =	simm.s32 $0x2  }
0x8: {  	[tilespmem:s2], [sflag:$0x2] =	stream.linear.gather [hbm4b:s4+s2], $0x3C0, $0x38;
	[tilespmem:$0xFC0] =	vst v63  }
0x9: {  	s7 =	simm.s32 $0x3C0;
	_ =	swait.ge [sflag:s3], $0x3C0  }
0xa: {  	s8 =	simm.s32 $0x1;
	s5 =	sadd.s32 $0x9A00, s9;
	[sflag:s3] =	ssyncset.done $0x0  }
0xb: {  	s10 =	smul.u32 $0xF00, s6;
	s6 =	simm.s32 $0x60;
	[sflag:s3] =	ssyncadd.s32 $0xFFFFFC40  }
0xc: {  	[tilespmem:s7], [sflag:$0x1] =	stream.indirect.gather [hbm4b:s5+s6], $0x20, s2, s6, $0xb8;
	[tilespmem:$0xFC0] =	vst v63  }
0xd: {  	_ =	swait.ge [sflag:s8], $0xC00  }
0xe: {  	s26 =	sadd.s32 s10, s9;
	[sflag:s8] =	ssyncset.done $0x0  }
0xf: {  	s9 =	sadd.s32 $0x3AA00, s26;
	[sflag:s8] =	ssyncadd.s32 $0xFFFFF400  }
0x10: {  	[hbm4b:s9+s2] =	stream.linear.scatter [tilespmem:s7], [sflag:$0x2], $0xC00, $0x38;
	[tilespmem:$0xFC0] =	vst v63  }
0x11: {  	_ =	swait.ge [sflag:s3], $0xC00  }
0x12: {  	[sflag:s3] =	ssyncset.done $0x0  }
0x13: {  	[sflag:s3] =	ssyncadd.s32 $0xFFFFF400  }
0x14: {  	[tilespmem:s7], [sflag:$0x1] =	stream.indirect.gather [hbm4b:s5+s6], $0x20, s6, s6, $0xb8;
	[tilespmem:$0xFC0] =	vst v63  }
0x15: {  	_ =	swait.ge [sflag:s8], $0xC00  }
0x16: {  	[sflag:s8] =	ssyncset.done $0x0  }
0x17: {  	s10 =	sadd.s32 $0x3AB80, s26;
	[sflag:s8] =	ssyncadd.s32 $0xFFFFF400  }
0x18: {  	[hbm4b:s10+s2] =	stream.linear.scatter [tilespmem:s7], [sflag:$0x2], $0xC00, $0x38;
	[tilespmem:$0xFC0] =	vst v63  }
0x19: {  	_ =	swait.ge [sflag:s3], $0xC00  }
0x1a: {  	[sflag:s3] =	ssyncset.done $0x0  }
0x1b: {  	s11 =	simm.s32 $0xC0;
	[sflag:s3] =	ssyncadd.s32 $0xFFFFF400  }
0x1c: {  	[tilespmem:s7], [sflag:$0x1] =	stream.indirect.gather [hbm4b:s5+s6], $0x20, s11, s6, $0xb8;
	[tilespmem:$0xFC0] =	vst v63  }
0x1d: {  	_ =	swait.ge [sflag:s8], $0xC00  }
0x1e: {  	[sflag:s8] =	ssyncset.done $0x0  }
0x1f: {  	s12 =	sadd.s32 $0x3AD00, s26;
	[sflag:s8] =	ssyncadd.s32 $0xFFFFF400  }
0x20: {  	[hbm4b:s12+s2] =	stream.linear.scatter [tilespmem:s7], [sflag:$0x2], $0xC00, $0x38;
	[tilespmem:$0xFC0] =	vst v63  }
0x21: {  	_ =	swait.ge [sflag:s3], $0xC00  }
0x22: {  	[sflag:s3] =	ssyncset.done $0x0  }
0x23: {  	s13 =	simm.s32 $0x120;
	[sflag:s3] =	ssyncadd.s32 $0xFFFFF400  }
0x24: {  	[tilespmem:s7], [sflag:$0x1] =	stream.indirect.gather [hbm4b:s5+s6], $0x20, s13, s6, $0xb8;
	[tilespmem:$0xFC0] =	vst v63  }
0x25: {  	_ =	swait.ge [sflag:s8], $0xC00  }
0x26: {  	[sflag:s8] =	ssyncset.done $0x0  }
0x27: {  	s14 =	sadd.s32 $0x3AE80, s26;
	[sflag:s8] =	ssyncadd.s32 $0xFFFFF400  }
0x28: {  	[hbm4b:s14+s2] =	stream.linear.scatter [tilespmem:s7], [sflag:$0x2], $0xC00, $0x38;
	[tilespmem:$0xFC0] =	vst v63  }
0x29: {  	_ =	swait.ge [sflag:s3], $0xC00  }
0x2a: {  	[sflag:s3] =	ssyncset.done $0x0  }
0x2b: {  	s15 =	simm.s32 $0x180;
	[sflag:s3] =	ssyncadd.s32 $0xFFFFF400  }
0x2c: {  	[tilespmem:s7], [sflag:$0x1] =	stream.indirect.gather [hbm4b:s5+s6], $0x20, s15, s6, $0xb8;
	[tilespmem:$0xFC0] =	vst v63  }
0x2d: {  	_ =	swait.ge [sflag:s8], $0xC00  }
0x2e: {  	[sflag:s8] =	ssyncset.done $0x0  }
0x2f: {  	s16 =	sadd.s32 $0x3B000, s26;
	[sflag:s8] =	ssyncadd.s32 $0xFFFFF400  }
0x30: {  	[hbm4b:s16+s2] =	stream.linear.scatter [tilespmem:s7], [sflag:$0x2], $0xC00, $0x38;
	[tilespmem:$0xFC0] =	vst v63  }
0x31: {  	_ =	swait.ge [sflag:s3], $0xC00  }
0x32: {  	[sflag:s3] =	ssyncset.done $0x0  }
0x33: {  	s17 =	simm.s32 $0x1E0;
	[sflag:s3] =	ssyncadd.s32 $0xFFFFF400  }
0x34: {  	[tilespmem:s7], [sflag:$0x1] =	stream.indirect.gather [hbm4b:s5+s6], $0x20, s17, s6, $0xb8;
	[tilespmem:$0xFC0] =	vst v63  }
0x35: {  	_ =	swait.ge [sflag:s8], $0xC00  }
0x36: {  	[sflag:s8] =	ssyncset.done $0x0  }
0x37: {  	s18 =	sadd.s32 $0x3B180, s26;
	[sflag:s8] =	ssyncadd.s32 $0xFFFFF400  }
0x38: {  	[hbm4b:s18+s2] =	stream.linear.scatter [tilespmem:s7], [sflag:$0x2], $0xC00, $0x38;
	[tilespmem:$0xFC0] =	vst v63  }
0x39: {  	_ =	swait.ge [sflag:s3], $0xC00  }
0x3a: {  	[sflag:s3] =	ssyncset.done $0x0  }
0x3b: {  	s19 =	simm.s32 $0x240;
	[sflag:s3] =	ssyncadd.s32 $0xFFFFF400  }
0x3c: {  	[tilespmem:s7], [sflag:$0x1] =	stream.indirect.gather [hbm4b:s5+s6], $0x20, s19, s6, $0xb8;
	[tilespmem:$0xFC0] =	vst v63  }
0x3d: {  	_ =	swait.ge [sflag:s8], $0xC00  }
0x3e: {  	[sflag:s8] =	ssyncset.done $0x0  }
0x3f: {  	s20 =	sadd.s32 $0x3B300, s26;
	[sflag:s8] =	ssyncadd.s32 $0xFFFFF400  }
0x40: {  	[hbm4b:s20+s2] =	stream.linear.scatter [tilespmem:s7], [sflag:$0x2], $0xC00, $0x38;
	[tilespmem:$0xFC0] =	vst v63  }
0x41: {  	_ =	swait.ge [sflag:s3], $0xC00  }
0x42: {  	[sflag:s3] =	ssyncset.done $0x0  }
0x43: {  	s21 =	simm.s32 $0x2A0;
	[sflag:s3] =	ssyncadd.s32 $0xFFFFF400  }
0x44: {  	[tilespmem:s7], [sflag:$0x1] =	stream.indirect.gather [hbm4b:s5+s6], $0x20, s21, s6, $0xb8;
	[tilespmem:$0xFC0] =	vst v63  }
0x45: {  	_ =	swait.ge [sflag:s8], $0xC00  }
0x46: {  	[sflag:s8] =	ssyncset.done $0x0  }
0x47: {  	s22 =	sadd.s32 $0x3B480, s26;
	[sflag:s8] =	ssyncadd.s32 $0xFFFFF400  }
0x48: {  	[hbm4b:s22+s2] =	stream.linear.scatter [tilespmem:s7], [sflag:$0x2], $0xC00, $0x38;
	[tilespmem:$0xFC0] =	vst v63  }
0x49: {  	_ =	swait.ge [sflag:s3], $0xC00  }
0x4a: {  	[sflag:s3] =	ssyncset.done $0x0  }
0x4b: {  	s23 =	simm.s32 $0x300;
	[sflag:s3] =	ssyncadd.s32 $0xFFFFF400  }
0x4c: {  	[tilespmem:s7], [sflag:$0x1] =	stream.indirect.gather [hbm4b:s5+s6], $0x20, s23, s6, $0xb8;
	[tilespmem:$0xFC0] =	vst v63  }
0x4d: {  	_ =	swait.ge [sflag:s8], $0xC00  }
0x4e: {  	[sflag:s8] =	ssyncset.done $0x0  }
0x4f: {  	s28 =	ssub.s32 $0x2, s25;
	s24 =	sadd.s32 $0x3B600, s26;
	[sflag:s8] =	ssyncadd.s32 $0xFFFFF400  }
0x50: {  	[hbm4b:s24+s2] =	stream.linear.scatter [tilespmem:s7], [sflag:$0x2], $0xC00, $0x38;
	[tilespmem:$0xFC0] =	vst v63  }
0x51: {  	s29 =	sshrl.u32 s28, $0x1;
	_ =	swait.ge [sflag:s3], $0xC00  }
0x52: {  	s28 =	ssub.s32 s28, s29;
	[sflag:s3] =	ssyncset.done $0x0  }
0x53: {  	s25 =	simm.s32 $0x360;
	s28 =	smax.u32 s28, $0x1;
	[sflag:s3] =	ssyncadd.s32 $0xFFFFF400  }
0x54: {  	[tilespmem:s7], [sflag:$0x1] =	stream.indirect.gather [hbm4b:s5+s6], $0x20, s25, s6, $0xb8;
	[tilespmem:$0xFC0] =	vst v63  }
0x55: {  	p0 =	sne.s32 s28, $0x1;
	_ =	swait.ge [sflag:s8], $0xC00  }
.Ltmp0:
0x56: {  	[sflag:s8] =	ssyncset.done $0x0;
	(pc) =	sbr.rel @!p0 .LBB2_2-.Ltmp0, $4  }
0x57: {  	s26 =	sadd.s32 $0x3B780, s26;
	[sflag:s8] =	ssyncadd.s32 $0xFFFFF400  }
0x58: {  	[hbm4b:s26+s2] =	stream.linear.scatter [tilespmem:s7], [sflag:$0x2], $0xC00, $0x38;
	[tilespmem:$0xFC0] =	vst v63  }
0x59: {  	_ =	swait.ge [sflag:s3], $0xC00  }
0x5a: {  	s28 =	sadd.s32 $0xFFFFFFFF, s28;
	[sflag:s3] =	ssyncset.done $0x0  }
.LBB2_1:
0x5b: {  	p0 =	sne.s32 s28, $0x1;
	s28 =	sadd.s32 $0xFFFFFFFF, s28;
	[sflag:s3] =	ssyncadd.s32 $0xFFFFF400  }
0x5c: {  	[tilespmem:s2], [sflag:$0x2] =	stream.linear.gather [hbm4b:s4+s2], $0x3C0, $0x38;
	[tilespmem:$0xFC0] =	vst v63  }
0x5d: {  	_ =	swait.ge [sflag:s3], $0x3C0  }
0x5e: {  	[sflag:s3] =	ssyncset.done $0x0  }
0x5f: {  	[sflag:s3] =	ssyncadd.s32 $0xFFFFFC40  }
0x60: {  	[tilespmem:s7], [sflag:$0x1] =	stream.indirect.gather [hbm4b:s5+s6], $0x20, s2, s6, $0xb8;
	[tilespmem:$0xFC0] =	vst v63  }
0x61: {  	_ =	swait.ge [sflag:s8], $0xC00  }
0x62: {  	[sflag:s8] =	ssyncset.done $0x0  }
0x63: {  	[sflag:s8] =	ssyncadd.s32 $0xFFFFF400  }
0x64: {  	[hbm4b:s9+s2] =	stream.linear.scatter [tilespmem:s7], [sflag:$0x2], $0xC00, $0x38;
	[tilespmem:$0xFC0] =	vst v63  }
0x65: {  	_ =	swait.ge [sflag:s3], $0xC00  }
0x66: {  	[sflag:s3] =	ssyncset.done $0x0  }
0x67: {  	[sflag:s3] =	ssyncadd.s32 $0xFFFFF400  }
0x68: {  	[tilespmem:s7], [sflag:$0x1] =	stream.indirect.gather [hbm4b:s5+s6], $0x20, s6, s6, $0xb8;
	[tilespmem:$0xFC0] =	vst v63  }
0x69: {  	_ =	swait.ge [sflag:s8], $0xC00  }
0x6a: {  	[sflag:s8] =	ssyncset.done $0x0  }
0x6b: {  	[sflag:s8] =	ssyncadd.s32 $0xFFFFF400  }
0x6c: {  	[hbm4b:s10+s2] =	stream.linear.scatter [tilespmem:s7], [sflag:$0x2], $0xC00, $0x38;
	[tilespmem:$0xFC0] =	vst v63  }
0x6d: {  	_ =	swait.ge [sflag:s3], $0xC00  }
0x6e: {  	[sflag:s3] =	ssyncset.done $0x0  }
0x6f: {  	[sflag:s3] =	ssyncadd.s32 $0xFFFFF400  }
0x70: {  	[tilespmem:s7], [sflag:$0x1] =	stream.indirect.gather [hbm4b:s5+s6], $0x20, s11, s6, $0xb8;
	[tilespmem:$0xFC0] =	vst v63  }
0x71: {  	_ =	swait.ge [sflag:s8], $0xC00  }
0x72: {  	[sflag:s8] =	ssyncset.done $0x0  }
0x73: {  	[sflag:s8] =	ssyncadd.s32 $0xFFFFF400  }
0x74: {  	[hbm4b:s12+s2] =	stream.linear.scatter [tilespmem:s7], [sflag:$0x2], $0xC00, $0x38;
	[tilespmem:$0xFC0] =	vst v63  }
0x75: {  	_ =	swait.ge [sflag:s3], $0xC00  }
0x76: {  	[sflag:s3] =	ssyncset.done $0x0  }
0x77: {  	[sflag:s3] =	ssyncadd.s32 $0xFFFFF400  }
0x78: {  	[tilespmem:s7], [sflag:$0x1] =	stream.indirect.gather [hbm4b:s5+s6], $0x20, s13, s6, $0xb8;
	[tilespmem:$0xFC0] =	vst v63  }
0x79: {  	_ =	swait.ge [sflag:s8], $0xC00  }
0x7a: {  	[sflag:s8] =	ssyncset.done $0x0  }
0x7b: {  	[sflag:s8] =	ssyncadd.s32 $0xFFFFF400  }
0x7c: {  	[hbm4b:s14+s2] =	stream.linear.scatter [tilespmem:s7], [sflag:$0x2], $0xC00, $0x38;
	[tilespmem:$0xFC0] =	vst v63  }
0x7d: {  	_ =	swait.ge [sflag:s3], $0xC00  }
0x7e: {  	[sflag:s3] =	ssyncset.done $0x0  }
0x7f: {  	[sflag:s3] =	ssyncadd.s32 $0xFFFFF400  }
0x80: {  	[tilespmem:s7], [sflag:$0x1] =	stream.indirect.gather [hbm4b:s5+s6], $0x20, s15, s6, $0xb8;
	[tilespmem:$0xFC0] =	vst v63  }
0x81: {  	_ =	swait.ge [sflag:s8], $0xC00  }
0x82: {  	[sflag:s8] =	ssyncset.done $0x0  }
0x83: {  	[sflag:s8] =	ssyncadd.s32 $0xFFFFF400  }
0x84: {  	[hbm4b:s16+s2] =	stream.linear.scatter [tilespmem:s7], [sflag:$0x2], $0xC00, $0x38;
	[tilespmem:$0xFC0] =	vst v63  }
0x85: {  	_ =	swait.ge [sflag:s3], $0xC00  }
0x86: {  	[sflag:s3] =	ssyncset.done $0x0  }
0x87: {  	[sflag:s3] =	ssyncadd.s32 $0xFFFFF400  }
0x88: {  	[tilespmem:s7], [sflag:$0x1] =	stream.indirect.gather [hbm4b:s5+s6], $0x20, s17, s6, $0xb8;
	[tilespmem:$0xFC0] =	vst v63  }
0x89: {  	_ =	swait.ge [sflag:s8], $0xC00  }
0x8a: {  	[sflag:s8] =	ssyncset.done $0x0  }
0x8b: {  	[sflag:s8] =	ssyncadd.s32 $0xFFFFF400  }
0x8c: {  	[hbm4b:s18+s2] =	stream.linear.scatter [tilespmem:s7], [sflag:$0x2], $0xC00, $0x38;
	[tilespmem:$0xFC0] =	vst v63  }
0x8d: {  	_ =	swait.ge [sflag:s3], $0xC00  }
0x8e: {  	[sflag:s3] =	ssyncset.done $0x0  }
0x8f: {  	[sflag:s3] =	ssyncadd.s32 $0xFFFFF400  }
0x90: {  	[tilespmem:s7], [sflag:$0x1] =	stream.indirect.gather [hbm4b:s5+s6], $0x20, s19, s6, $0xb8;
	[tilespmem:$0xFC0] =	vst v63  }
0x91: {  	_ =	swait.ge [sflag:s8], $0xC00  }
0x92: {  	[sflag:s8] =	ssyncset.done $0x0  }
0x93: {  	[sflag:s8] =	ssyncadd.s32 $0xFFFFF400  }
0x94: {  	[hbm4b:s20+s2] =	stream.linear.scatter [tilespmem:s7], [sflag:$0x2], $0xC00, $0x38;
	[tilespmem:$0xFC0] =	vst v63  }
0x95: {  	_ =	swait.ge [sflag:s3], $0xC00  }
0x96: {  	[sflag:s3] =	ssyncset.done $0x0  }
0x97: {  	[sflag:s3] =	ssyncadd.s32 $0xFFFFF400  }
0x98: {  	[tilespmem:s7], [sflag:$0x1] =	stream.indirect.gather [hbm4b:s5+s6], $0x20, s21, s6, $0xb8;
	[tilespmem:$0xFC0] =	vst v63  }
0x99: {  	_ =	swait.ge [sflag:s8], $0xC00  }
0x9a: {  	[sflag:s8] =	ssyncset.done $0x0  }
0x9b: {  	[sflag:s8] =	ssyncadd.s32 $0xFFFFF400  }
0x9c: {  	[hbm4b:s22+s2] =	stream.linear.scatter [tilespmem:s7], [sflag:$0x2], $0xC00, $0x38;
	[tilespmem:$0xFC0] =	vst v63  }
0x9d: {  	_ =	swait.ge [sflag:s3], $0xC00  }
0x9e: {  	[sflag:s3] =	ssyncset.done $0x0  }
0x9f: {  	[sflag:s3] =	ssyncadd.s32 $0xFFFFF400  }
0xa0: {  	[tilespmem:s7], [sflag:$0x1] =	stream.indirect.gather [hbm4b:s5+s6], $0x20, s23, s6, $0xb8;
	[tilespmem:$0xFC0] =	vst v63  }
0xa1: {  	_ =	swait.ge [sflag:s8], $0xC00  }
0xa2: {  	[sflag:s8] =	ssyncset.done $0x0  }
0xa3: {  	[sflag:s8] =	ssyncadd.s32 $0xFFFFF400  }
0xa4: {  	[hbm4b:s24+s2] =	stream.linear.scatter [tilespmem:s7], [sflag:$0x2], $0xC00, $0x38;
	[tilespmem:$0xFC0] =	vst v63  }
0xa5: {  	_ =	swait.ge [sflag:s3], $0xC00  }
0xa6: {  	[sflag:s3] =	ssyncset.done $0x0  }
0xa7: {  	[sflag:s3] =	ssyncadd.s32 $0xFFFFF400  }
0xa8: {  	[tilespmem:s7], [sflag:$0x1] =	stream.indirect.gather [hbm4b:s5+s6], $0x20, s25, s6, $0xb8;
	[tilespmem:$0xFC0] =	vst v63  }
0xa9: {  	_ =	swait.ge [sflag:s8], $0xC00  }
.Ltmp1:
0xaa: {  	[sflag:s8] =	ssyncset.done $0x0;
	(pc) =	sbr.rel @p0 .LBB2_1-.Ltmp1, $4  }
0xab: {  	[sflag:s8] =	ssyncadd.s32 $0xFFFFF400  }
0xac: {  	[hbm4b:s26+s2] =	stream.linear.scatter [tilespmem:s7], [sflag:$0x2], $0xC00, $0x38;
	[tilespmem:$0xFC0] =	vst v63  }
0xad: {  	_ =	swait.ge [sflag:s3], $0xC00  }
0xae: {  	[sflag:s3] =	ssyncset.done $0x0  }
.LBB2_2:
0xaf: {  	[sflag:s3] =	ssyncadd.s32 $0xFFFFF400  }
0xb0: {  	_ =	sfence.sel $0x180000  }
0xb1: {  	[bflag:$0x0] =	sbarrier.arrive $0xFFFF  }
0xb2: {  	p0 =	sne.s32 s0, $0x0;
	_ =	strace $0x90000059  }
0xb3: {  	s0 =	sadd.s32 @!p0 $0x100000, s1;
	[bflag:$0x2] =	sbarrier.arrive $0xFFFF  }
0xb4: {  	[sflag:s0] =	ssyncadd.tile.s32 @!p0 $0x1;
	_ =	shalt  }
.Lfunc_end2:
_tile_overlayer_lowered:
.L_overlay_start_2:
0xb5: {  	(tag) =	ssettag $0x2  }
0xb6: {  	s0 =	rddreg [dreg:$0x0];
	s2 =	stileid.u32  }
0xb7: {  	s1 =	rddreg [dreg:$0x1];
	p0 =	sne.s32 s2, $0x0  }
0xb8: {  	s3 =	rddreg [dreg:$0x2];
	[bflag:$0x3] =	sbarrier.arrive $0xFFFF;
	s2 =	simm.s32 @!p0 $0x1C02  }
0xb9: {  	[timem:s3], [sflag:s2] =	dma.local @!p0 [hbm:s0], s1  }
0xba: {  	s0 =	simm.s32 @!p0 $0x2  }
0xbb: {  	_ =	swait.ge @!p0 [sflag:s0], s1  }
0xbc: {  	s1 =	ssub.s32 @!p0 $0x0, s1;
	[sflag:s0] =	ssyncset.done @!p0 $0x0  }
0xbd: {  	[sflag:s0] =	ssyncadd.s32 @!p0 s1  }
0xbe: {  	[bflag:$0x3] =	sbarrier.arrive $0xFFFF  }
0xbf: {  	_ =	shalt  }

</sc_bundles>
